<compile_context>
chip_gen: v7x
topology: tpu7x:2x2x1
jax: 0.10.2.dev20260603
libtpu: 0.0.44.dev20260713+nightly
codegen_flags: <defaults>
</compile_context>

<pallas_src>
import functools

import numpy as np
import jax
import jax.numpy as jnp
from jax import lax
from jax.experimental import pallas as pl
from jax.experimental.pallas import tpu as pltpu
from jax.experimental.pallas import tpu_sc as plsc

_N = 8388608
_NQ = 5
_L = 16
_NW = 32
_PER_W = _N // _NW
_CHUNK = 16384
_NCHUNK = _PER_W // _CHUNK
_KBITS = 14
_NB = 1 << _KBITS
_SH = 32 - _KBITS
_U = 8
_ZU = 8


def _hist_body(t_hbm, p_hbm, cnt_out, sum_out, cnt_v, sum_v,
               tb0, tb1, pb0, pb1, st0, st1, sp0, sp1):
  wid = lax.axis_index("s") * 2 + lax.axis_index("c")
  base = wid * _PER_W

  zi = jnp.zeros((_L,), jnp.int32)
  zf = jnp.zeros((_L,), jnp.float32)
  ones16 = jnp.ones((_L,), jnp.int32)

  def _zero(i, c):
    for j in range(_ZU):
      off = i * (_L * _ZU) + j * _L
      cnt_v[pl.ds(off, _L)] = zi
      sum_v[pl.ds(off, _L)] = zf
    return c

  lax.fori_loop(0, _NB // (_L * _ZU), _zero, 0)

  tbufs = (tb0, tb1)
  pbufs = (pb0, pb1)
  tsems = (st0, st1)
  psems = (sp0, sp1)
  pend_t = pltpu.async_copy(t_hbm.at[pl.ds(base, _CHUNK)], tb0, st0)
  pend_p = pltpu.async_copy(p_hbm.at[pl.ds(base, _CHUNK)], pb0, sp0)
  for k in range(_NCHUNK):
    tb = tbufs[k % 2]
    pb = pbufs[k % 2]
    nxt_t = nxt_p = None
    if k + 1 < _NCHUNK:
      off = base + (k + 1) * _CHUNK
      nxt_t = pltpu.async_copy(t_hbm.at[pl.ds(off, _CHUNK)],
                               tbufs[(k + 1) % 2], tsems[(k + 1) % 2])
      nxt_p = pltpu.async_copy(p_hbm.at[pl.ds(off, _CHUNK)],
                               pbufs[(k + 1) % 2], psems[(k + 1) % 2])
    pend_t.wait()
    pend_p.wait()

    def _body(i, c):
      ts = []
      ps = []
      for j in range(_U):
        off = i * (_L * _U) + j * _L
        ts.append(tb[pl.ds(off, _L)])
        ps.append(pb[pl.ds(off, _L)])
      idxs = []
      sqs = []
      for t, p in zip(ts, ps):
        d = p - t
        sqs.append(d * d)
        b = lax.bitcast_convert_type(t, jnp.int32)
        m = lax.shift_right_arithmetic(b, 31)
        u = b ^ (m | jnp.int32(-2147483648))
        idxs.append(lax.shift_right_logical(u, _SH))
      for idx in idxs:
        plsc.addupdate_scatter(cnt_v, (idx,), ones16)
      for idx, sq in zip(idxs, sqs):
        plsc.addupdate_scatter(sum_v, (idx,), sq)
      return c

    lax.fori_loop(0, _CHUNK // (_L * _U), _body, 0)
    pend_t = nxt_t
    pend_p = nxt_p

  pltpu.sync_copy(cnt_v, cnt_out.at[wid])
  pltpu.sync_copy(sum_v, sum_out.at[wid])


@functools.cache
def _sc_hist():
  return pl.kernel(
      _hist_body,
      out_type=(jax.ShapeDtypeStruct((_NW, _NB), jnp.int32),
                jax.ShapeDtypeStruct((_NW, _NB), jnp.float32)),
      mesh=plsc.VectorSubcoreMesh(core_axis_name="c", subcore_axis_name="s"),
      compiler_params=pltpu.CompilerParams(needs_layout_passes=False),
      scratch_types=[
          pltpu.VMEM((_NB,), jnp.int32),
          pltpu.VMEM((_NB,), jnp.float32),
          pltpu.VMEM((_CHUNK,), jnp.float32),
          pltpu.VMEM((_CHUNK,), jnp.float32),
          pltpu.VMEM((_CHUNK,), jnp.float32),
          pltpu.VMEM((_CHUNK,), jnp.float32),
          pltpu.SemaphoreType.DMA,
          pltpu.SemaphoreType.DMA,
          pltpu.SemaphoreType.DMA,
          pltpu.SemaphoreType.DMA,
      ],
  )


_MROWS = _NB // 128

_qs_np = np.linspace(0.0, 1.0, _NQ + 1).astype(np.float32)
_pos_np = (_qs_np * np.float32(_N - 1)).astype(np.float32)
_kf_np = np.floor(_pos_np)
_frac_np = _pos_np - _kf_np
_RANKS = tuple(
    int(np.where(_frac_np[i] > 0, _kf_np[i] + 1, _kf_np[i]))
    for i in range(1, _NQ))
_CBINS = (_RANKS[0], _RANKS[1] - _RANKS[0], _RANKS[2] - _RANKS[1],
          _RANKS[3] - _RANKS[2], _N - 1 - _RANKS[3])


def _finish_body(qw_ref, cnt_ref, sum_ref, out_ref):
  f32 = jnp.float32
  hc = jnp.sum(cnt_ref[...].astype(f32), axis=0)
  hs = jnp.sum(sum_ref[...], axis=0)

  e = (lax.broadcasted_iota(jnp.int32, (_MROWS, _MROWS), 1)
       < lax.broadcasted_iota(jnp.int32, (_MROWS, _MROWS), 0)).astype(f32)
  l = (lax.broadcasted_iota(jnp.int32, (128, 128), 0)
       <= lax.broadcasted_iota(jnp.int32, (128, 128), 1)).astype(f32)
  rowpart = lax.dot(e, hc, preferred_element_type=f32)
  rowtot = jnp.sum(rowpart, axis=1, keepdims=True)
  pc = rowtot + lax.dot(hc, l, preferred_element_type=f32)

  flat = (lax.broadcasted_iota(jnp.int32, (_MROWS, 128), 0) * 128
          + lax.broadcasted_iota(jnp.int32, (_MROWS, 128), 1)).astype(f32)

  def split_at(rank_f):
    b = jnp.sum(jnp.where(pc <= rank_f, 1.0, 0.0))
    below = flat < b
    at = flat == b
    nbx = jnp.sum(jnp.where(below, hc, 0.0))
    sbx = jnp.sum(jnp.where(below, hs, 0.0))
    hb = jnp.sum(jnp.where(at, hc, 0.0))
    sb = jnp.sum(jnp.where(at, hs, 0.0))
    return sbx + sb * (rank_f - nbx) / jnp.maximum(hb, 1.0)

  s_below = [split_at(f32(r)) for r in _RANKS]

  btop = jnp.sum(jnp.where(pc <= f32(_N - 1), 1.0, 0.0))
  att = flat == btop
  ntop = jnp.sum(jnp.where(att, hc, 0.0))
  s_topmean = jnp.sum(jnp.where(att, hs, 0.0)) / jnp.maximum(ntop, 1.0)
  total_s = jnp.sum(hs)

  s_bins = [s_below[0], s_below[1] - s_below[0], s_below[2] - s_below[1],
            s_below[3] - s_below[2], total_s - s_below[3] - s_topmean]
  loss = f32(0.0)
  for i in range(_NQ):
    loss = loss + qw_ref[i] * (s_bins[i] / f32(_CBINS[i]))
  out_ref[...] = jnp.full((1, 1), 1.0, f32) * loss


def _tc_finish(qw, cnt, sm):
  return pl.pallas_call(
      _finish_body,
      in_specs=[
          pl.BlockSpec(memory_space=pltpu.SMEM),
          pl.BlockSpec(memory_space=pltpu.VMEM),
          pl.BlockSpec(memory_space=pltpu.VMEM),
      ],
      out_shape=jax.ShapeDtypeStruct((1, 1), jnp.float32),
  )(qw, cnt.reshape(_NW, _MROWS, 128), sm.reshape(_NW, _MROWS, 128))


def kernel(predictions, targets, quantile_weights):
  cnt, sm = _sc_hist()(targets, predictions)
  out = _tc_finish(quantile_weights, cnt, sm)
  return out[0, 0]

# --- scband reference (transcript-rebuilt; emitter-appended) ---
"""Pipeline reference for scband-quantile-balanced-mseloss-11905649344983 (READ-ONLY COPY).

The authoritative reference and input builder live on the scoring server;
editing this copy changes nothing except your own understanding.
"""

import jax, jax.numpy as jnp
import numpy as np

NUM_QUANTILES = 5
N = 8388608

def setup_inputs(seed: int = 0) -> dict:
    key = jax.random.key(seed)
    k1, k2 = jax.random.split(key)
    predictions = jax.random.normal(k1, (N,), dtype=jnp.float32)
    targets = jax.random.normal(k2, (N,), dtype=jnp.float32)
    quantile_weights = jnp.ones((NUM_QUANTILES,), dtype=jnp.float32) / NUM_QUANTILES
    return {"predictions": predictions, "targets": targets, "quantile_weights": quantile_weights}

def reference(predictions, targets, quantile_weights):
    qs = jnp.linspace(0.0, 1.0, NUM_QUANTILES + 1)
    quantiles = jnp.quantile(targets, qs)
    sq_err = (predictions - targets) ** 2
    total_loss = jnp.asarray(0.0, dtype=jnp.float32)
    for i in range(NUM_QUANTILES):
        mask = (targets >= quantiles[i]) & (targets < quantiles[i + 1])
        cnt = jnp.sum(mask)
        bin_mean = jnp.sum(jnp.where(mask, sq_err, 0.0)) / jnp.maximum(cnt, 1).astype(jnp.float32)
        total_loss = total_loss + jnp.where(cnt > 0, quantile_weights[i] * bin_mean, 0.0)
    return total_loss

if __name__ == "__main__":
    import jax
    _d = setup_inputs()
    print(jax.jit(kernel)(*tuple(_d.values())))

</pallas_src>

<mosaic_0001>
#map = affine_map<(d0, d1) -> (0)>
#map1 = affine_map<(d0, d1) -> (0, 0)>
module attributes {stable_mosaic.version = 14 : i64} {
  func.func @_hist_body(%arg0: i32, %arg1: i32, %arg2: memref<8388608xf32, #tpu.memory_space<hbm>>, %arg3: memref<8388608xf32, #tpu.memory_space<hbm>>, %arg4: memref<32x16384xi32, #tpu.memory_space<hbm>>, %arg5: memref<32x16384xf32, #tpu.memory_space<hbm>>, %arg6: memref<16384xi32, #tpu.memory_space<vmem>>, %arg7: memref<16384xf32, #tpu.memory_space<vmem>>, %arg8: memref<16384xf32, #tpu.memory_space<vmem>>, %arg9: memref<16384xf32, #tpu.memory_space<vmem>>, %arg10: memref<16384xf32, #tpu.memory_space<vmem>>, %arg11: memref<16384xf32, #tpu.memory_space<vmem>>, %arg12: memref<!tpu.dma_semaphore, #tpu.memory_space<semaphore_mem>>, %arg13: memref<!tpu.dma_semaphore, #tpu.memory_space<semaphore_mem>>, %arg14: memref<!tpu.dma_semaphore, #tpu.memory_space<semaphore_mem>>, %arg15: memref<!tpu.dma_semaphore, #tpu.memory_space<semaphore_mem>>) attributes {dimension_semantics = [#tpu.dimension_semantics<core_parallel>, #tpu.dimension_semantics<subcore_parallel>], iteration_bounds = array<i64: 2, 16>, scalar_prefetch = 0 : i64, scratch_operands = 10 : i64, tpu.core_type = #tpu.core_type<sc_vector_subcore>, window_params = [{transform_indices = #map}, {transform_indices = #map}, {transform_indices = #map1}, {transform_indices = #map1}]} {
    %mul3A = arith.constant 2 : i32
    %mul3A_0 = arith.muli %arg1, %mul3A : i32
    %add3A = arith.addi %mul3A_0, %arg0 : i32
    %mul3A_1 = arith.constant 262144 : i32
    %mul3A_2 = arith.muli %add3A, %mul3A_1 : i32
    %broadcast_in_dim3A = arith.constant 0 : i32
    %broadcast_in_dim3A_3 = vector.broadcast %broadcast_in_dim3A : i32 to vector<16xi32>
    %broadcast_in_dim3A_4 = arith.constant 0.000000e+00 : f32
    %broadcast_in_dim3A_5 = vector.broadcast %broadcast_in_dim3A_4 : f32 to vector<16xf32>
    %broadcast_in_dim3A_6 = arith.constant 1 : i32
    %broadcast_in_dim3A_7 = vector.broadcast %broadcast_in_dim3A_6 : i32 to vector<16xi32>
    %scan3A = arith.constant 0 : i32
    %scan3A_8 = arith.constant 0 : i32
    %scan3A_9 = arith.constant 128 : i32
    %scan3A_10 = arith.addi %scan3A_8, %scan3A_9 : i32
    %scan3A_11 = arith.constant 1 : i32
    scf.for %scan3A_265 = %scan3A_8 to %scan3A_10 step %scan3A_11  : i32 {
      %mul3A_266 = arith.constant 128 : i32
      %mul3A_267 = arith.muli %scan3A_265, %mul3A_266 : i32
      %add3A_268 = arith.constant 0 : i32
      %add3A_269 = arith.addi %mul3A_267, %add3A_268 : i32
      %swap3A = arith.index_cast %add3A_269 : i32 to index
      %swap3A_270 = tpu.vector_load %arg6[%swap3A] {strides = array<i32>} : memref<16384xi32, #tpu.memory_space<vmem>>, vector<16xi32>,
      tpu.vector_store %arg6[%swap3A], %broadcast_in_dim3A_3 {strides = array<i32>} : memref<16384xi32, #tpu.memory_space<vmem>>, vector<16xi32>,
      %swap3A_271 = arith.index_cast %add3A_269 : i32 to index
      %swap3A_272 = tpu.vector_load %arg7[%swap3A_271] {strides = array<i32>} : memref<16384xf32, #tpu.memory_space<vmem>>, vector<16xf32>,
      tpu.vector_store %arg7[%swap3A_271], %broadcast_in_dim3A_5 {strides = array<i32>} : memref<16384xf32, #tpu.memory_space<vmem>>, vector<16xf32>,
      %mul3A_273 = arith.constant 128 : i32
      %mul3A_274 = arith.muli %scan3A_265, %mul3A_273 : i32
      %add3A_275 = arith.constant 16 : i32
      %add3A_276 = arith.addi %mul3A_274, %add3A_275 : i32
      %swap3A_277 = arith.index_cast %add3A_276 : i32 to index
      %swap3A_278 = tpu.vector_load %arg6[%swap3A_277] {strides = array<i32>} : memref<16384xi32, #tpu.memory_space<vmem>>, vector<16xi32>,
      tpu.vector_store %arg6[%swap3A_277], %broadcast_in_dim3A_3 {strides = array<i32>} : memref<16384xi32, #tpu.memory_space<vmem>>, vector<16xi32>,
      %swap3A_279 = arith.index_cast %add3A_276 : i32 to index
      %swap3A_280 = tpu.vector_load %arg7[%swap3A_279] {strides = array<i32>} : memref<16384xf32, #tpu.memory_space<vmem>>, vector<16xf32>,
      tpu.vector_store %arg7[%swap3A_279], %broadcast_in_dim3A_5 {strides = array<i32>} : memref<16384xf32, #tpu.memory_space<vmem>>, vector<16xf32>,
      %mul3A_281 = arith.constant 128 : i32
      %mul3A_282 = arith.muli %scan3A_265, %mul3A_281 : i32
      %add3A_283 = arith.constant 32 : i32
      %add3A_284 = arith.addi %mul3A_282, %add3A_283 : i32
      %swap3A_285 = arith.index_cast %add3A_284 : i32 to index
      %swap3A_286 = tpu.vector_load %arg6[%swap3A_285] {strides = array<i32>} : memref<16384xi32, #tpu.memory_space<vmem>>, vector<16xi32>,
      tpu.vector_store %arg6[%swap3A_285], %broadcast_in_dim3A_3 {strides = array<i32>} : memref<16384xi32, #tpu.memory_space<vmem>>, vector<16xi32>,
      %swap3A_287 = arith.index_cast %add3A_284 : i32 to index
      %swap3A_288 = tpu.vector_load %arg7[%swap3A_287] {strides = array<i32>} : memref<16384xf32, #tpu.memory_space<vmem>>, vector<16xf32>,
      tpu.vector_store %arg7[%swap3A_287], %broadcast_in_dim3A_5 {strides = array<i32>} : memref<16384xf32, #tpu.memory_space<vmem>>, vector<16xf32>,
      %mul3A_289 = arith.constant 128 : i32
      %mul3A_290 = arith.muli %scan3A_265, %mul3A_289 : i32
      %add3A_291 = arith.constant 48 : i32
      %add3A_292 = arith.addi %mul3A_290, %add3A_291 : i32
      %swap3A_293 = arith.index_cast %add3A_292 : i32 to index
      %swap3A_294 = tpu.vector_load %arg6[%swap3A_293] {strides = array<i32>} : memref<16384xi32, #tpu.memory_space<vmem>>, vector<16xi32>,
      tpu.vector_store %arg6[%swap3A_293], %broadcast_in_dim3A_3 {strides = array<i32>} : memref<16384xi32, #tpu.memory_space<vmem>>, vector<16xi32>,
      %swap3A_295 = arith.index_cast %add3A_292 : i32 to index
      %swap3A_296 = tpu.vector_load %arg7[%swap3A_295] {strides = array<i32>} : memref<16384xf32, #tpu.memory_space<vmem>>, vector<16xf32>,
      tpu.vector_store %arg7[%swap3A_295], %broadcast_in_dim3A_5 {strides = array<i32>} : memref<16384xf32, #tpu.memory_space<vmem>>, vector<16xf32>,
      %mul3A_297 = arith.constant 128 : i32
      %mul3A_298 = arith.muli %scan3A_265, %mul3A_297 : i32
      %add3A_299 = arith.constant 64 : i32
      %add3A_300 = arith.addi %mul3A_298, %add3A_299 : i32
      %swap3A_301 = arith.index_cast %add3A_300 : i32 to index
      %swap3A_302 = tpu.vector_load %arg6[%swap3A_301] {strides = array<i32>} : memref<16384xi32, #tpu.memory_space<vmem>>, vector<16xi32>,
      tpu.vector_store %arg6[%swap3A_301], %broadcast_in_dim3A_3 {strides = array<i32>} : memref<16384xi32, #tpu.memory_space<vmem>>, vector<16xi32>,
      %swap3A_303 = arith.index_cast %add3A_300 : i32 to index
      %swap3A_304 = tpu.vector_load %arg7[%swap3A_303] {strides = array<i32>} : memref<16384xf32, #tpu.memory_space<vmem>>, vector<16xf32>,
      tpu.vector_store %arg7[%swap3A_303], %broadcast_in_dim3A_5 {strides = array<i32>} : memref<16384xf32, #tpu.memory_space<vmem>>, vector<16xf32>,
      %mul3A_305 = arith.constant 128 : i32
      %mul3A_306 = arith.muli %scan3A_265, %mul3A_305 : i32
      %add3A_307 = arith.constant 80 : i32
      %add3A_308 = arith.addi %mul3A_306, %add3A_307 : i32
      %swap3A_309 = arith.index_cast %add3A_308 : i32 to index
      %swap3A_310 = tpu.vector_load %arg6[%swap3A_309] {strides = array<i32>} : memref<16384xi32, #tpu.memory_space<vmem>>, vector<16xi32>,
      tpu.vector_store %arg6[%swap3A_309], %broadcast_in_dim3A_3 {strides = array<i32>} : memref<16384xi32, #tpu.memory_space<vmem>>, vector<16xi32>,
      %swap3A_311 = arith.index_cast %add3A_308 : i32 to index
      %swap3A_312 = tpu.vector_load %arg7[%swap3A_311] {strides = array<i32>} : memref<16384xf32, #tpu.memory_space<vmem>>, vector<16xf32>,
      tpu.vector_store %arg7[%swap3A_311], %broadcast_in_dim3A_5 {strides = array<i32>} : memref<16384xf32, #tpu.memory_space<vmem>>, vector<16xf32>,
      %mul3A_313 = arith.constant 128 : i32
      %mul3A_314 = arith.muli %scan3A_265, %mul3A_313 : i32
      %add3A_315 = arith.constant 96 : i32
      %add3A_316 = arith.addi %mul3A_314, %add3A_315 : i32
      %swap3A_317 = arith.index_cast %add3A_316 : i32 to index
      %swap3A_318 = tpu.vector_load %arg6[%swap3A_317] {strides = array<i32>} : memref<16384xi32, #tpu.memory_space<vmem>>, vector<16xi32>,
      tpu.vector_store %arg6[%swap3A_317], %broadcast_in_dim3A_3 {strides = array<i32>} : memref<16384xi32, #tpu.memory_space<vmem>>, vector<16xi32>,
      %swap3A_319 = arith.index_cast %add3A_316 : i32 to index
      %swap3A_320 = tpu.vector_load %arg7[%swap3A_319] {strides = array<i32>} : memref<16384xf32, #tpu.memory_space<vmem>>, vector<16xf32>,
      tpu.vector_store %arg7[%swap3A_319], %broadcast_in_dim3A_5 {strides = array<i32>} : memref<16384xf32, #tpu.memory_space<vmem>>, vector<16xf32>,
      %mul3A_321 = arith.constant 128 : i32
      %mul3A_322 = arith.muli %scan3A_265, %mul3A_321 : i32
      %add3A_323 = arith.constant 112 : i32
      %add3A_324 = arith.addi %mul3A_322, %add3A_323 : i32
      %swap3A_325 = arith.index_cast %add3A_324 : i32 to index
      %swap3A_326 = tpu.vector_load %arg6[%swap3A_325] {strides = array<i32>} : memref<16384xi32, #tpu.memory_space<vmem>>, vector<16xi32>,
      tpu.vector_store %arg6[%swap3A_325], %broadcast_in_dim3A_3 {strides = array<i32>} : memref<16384xi32, #tpu.memory_space<vmem>>, vector<16xi32>,
      %swap3A_327 = arith.index_cast %add3A_324 : i32 to index
      %swap3A_328 = tpu.vector_load %arg7[%swap3A_327] {strides = array<i32>} : memref<16384xf32, #tpu.memory_space<vmem>>, vector<16xf32>,
      tpu.vector_store %arg7[%swap3A_327], %broadcast_in_dim3A_5 {strides = array<i32>} : memref<16384xf32, #tpu.memory_space<vmem>>, vector<16xf32>,
    }
    %scan3A_12 = arith.constant 128 : i32
    %dma_start3A = tpu.memref_slice %arg2[%mul3A_2] : memref<8388608xf32, #tpu.memory_space<hbm>> -> memref<16384xf32, #tpu.memory_space<hbm>>
    %dma_start3A_13 = tpu.memref_slice %arg2[%mul3A_2] : memref<8388608xf32, #tpu.memory_space<hbm>> -> memref<16384xf32, #tpu.memory_space<hbm>>
    tpu.enqueue_dma source(%dma_start3A_13 : memref<16384xf32, #tpu.memory_space<hbm>>) target(%arg8 : memref<16384xf32, #tpu.memory_space<vmem>>) target_semaphore(%arg12 : memref<!tpu.dma_semaphore, #tpu.memory_space<semaphore_mem>>)
    %dma_start3A_14 = tpu.memref_slice %arg3[%mul3A_2] : memref<8388608xf32, #tpu.memory_space<hbm>> -> memref<16384xf32, #tpu.memory_space<hbm>>
    %dma_start3A_15 = tpu.memref_slice %arg3[%mul3A_2] : memref<8388608xf32, #tpu.memory_space<hbm>> -> memref<16384xf32, #tpu.memory_space<hbm>>
    tpu.enqueue_dma source(%dma_start3A_15 : memref<16384xf32, #tpu.memory_space<hbm>>) target(%arg10 : memref<16384xf32, #tpu.memory_space<vmem>>) target_semaphore(%arg14 : memref<!tpu.dma_semaphore, #tpu.memory_space<semaphore_mem>>)
    %add3A_16 = arith.constant 16384 : i32
    %add3A_17 = arith.addi %mul3A_2, %add3A_16 : i32
    %dma_start3A_18 = tpu.memref_slice %arg2[%add3A_17] : memref<8388608xf32, #tpu.memory_space<hbm>> -> memref<16384xf32, #tpu.memory_space<hbm>>
    %dma_start3A_19 = tpu.memref_slice %arg2[%add3A_17] : memref<8388608xf32, #tpu.memory_space<hbm>> -> memref<16384xf32, #tpu.memory_space<hbm>>
    tpu.enqueue_dma source(%dma_start3A_19 : memref<16384xf32, #tpu.memory_space<hbm>>) target(%arg9 : memref<16384xf32, #tpu.memory_space<vmem>>) target_semaphore(%arg13 : memref<!tpu.dma_semaphore, #tpu.memory_space<semaphore_mem>>)
    %dma_start3A_20 = tpu.memref_slice %arg3[%add3A_17] : memref<8388608xf32, #tpu.memory_space<hbm>> -> memref<16384xf32, #tpu.memory_space<hbm>>
    %dma_start3A_21 = tpu.memref_slice %arg3[%add3A_17] : memref<8388608xf32, #tpu.memory_space<hbm>> -> memref<16384xf32, #tpu.memory_space<hbm>>
    tpu.enqueue_dma source(%dma_start3A_21 : memref<16384xf32, #tpu.memory_space<hbm>>) target(%arg11 : memref<16384xf32, #tpu.memory_space<vmem>>) target_semaphore(%arg15 : memref<!tpu.dma_semaphore, #tpu.memory_space<semaphore_mem>>)
    %dma_wait3A = tpu.memref_slice %arg2[%mul3A_2] : memref<8388608xf32, #tpu.memory_space<hbm>> -> memref<16384xf32, #tpu.memory_space<hbm>>
    %dma_wait3A_22 = tpu.memref_slice %arg2[%mul3A_2] : memref<8388608xf32, #tpu.memory_space<hbm>> -> memref<16384xf32, #tpu.memory_space<hbm>>
    tpu.wait_dma2 semaphore(%arg12 : memref<!tpu.dma_semaphore, #tpu.memory_space<semaphore_mem>>) src(%dma_wait3A_22 : memref<16384xf32, #tpu.memory_space<hbm>>) dst(%arg8 : memref<16384xf32, #tpu.memory_space<vmem>>)
    %dma_wait3A_23 = tpu.memref_slice %arg3[%mul3A_2] : memref<8388608xf32, #tpu.memory_space<hbm>> -> memref<16384xf32, #tpu.memory_space<hbm>>
    %dma_wait3A_24 = tpu.memref_slice %arg3[%mul3A_2] : memref<8388608xf32, #tpu.memory_space<hbm>> -> memref<16384xf32, #tpu.memory_space<hbm>>
    tpu.wait_dma2 semaphore(%arg14 : memref<!tpu.dma_semaphore, #tpu.memory_space<semaphore_mem>>) src(%dma_wait3A_24 : memref<16384xf32, #tpu.memory_space<hbm>>) dst(%arg10 : memref<16384xf32, #tpu.memory_space<vmem>>)
    %scan3A_25 = arith.constant 0 : i32
    %scan3A_26 = arith.constant 0 : i32
    %scan3A_27 = arith.constant 128 : i32
    %scan3A_28 = arith.addi %scan3A_26, %scan3A_27 : i32
    %scan3A_29 = arith.constant 1 : i32
    scf.for %scan3A_265 = %scan3A_26 to %scan3A_28 step %scan3A_29  : i32 {
      %mul3A_266 = arith.constant 128 : i32
      %mul3A_267 = arith.muli %scan3A_265, %mul3A_266 : i32
      %add3A_268 = arith.constant 0 : i32
      %add3A_269 = arith.addi %mul3A_267, %add3A_268 : i32
      %get3A = arith.index_cast %add3A_269 : i32 to index
      %get3A_270 = tpu.vector_load %arg8[%get3A] {strides = array<i32>} : memref<16384xf32, #tpu.memory_space<vmem>>, vector<16xf32>,
      %get3A_271 = arith.index_cast %add3A_269 : i32 to index
      %get3A_272 = tpu.vector_load %arg10[%get3A_271] {strides = array<i32>} : memref<16384xf32, #tpu.memory_space<vmem>>, vector<16xf32>,
      %mul3A_273 = arith.constant 128 : i32
      %mul3A_274 = arith.muli %scan3A_265, %mul3A_273 : i32
      %add3A_275 = arith.constant 16 : i32
      %add3A_276 = arith.addi %mul3A_274, %add3A_275 : i32
      %get3A_277 = arith.index_cast %add3A_276 : i32 to index
      %get3A_278 = tpu.vector_load %arg8[%get3A_277] {strides = array<i32>} : memref<16384xf32, #tpu.memory_space<vmem>>, vector<16xf32>,
      %get3A_279 = arith.index_cast %add3A_276 : i32 to index
      %get3A_280 = tpu.vector_load %arg10[%get3A_279] {strides = array<i32>} : memref<16384xf32, #tpu.memory_space<vmem>>, vector<16xf32>,
      %mul3A_281 = arith.constant 128 : i32
      %mul3A_282 = arith.muli %scan3A_265, %mul3A_281 : i32
      %add3A_283 = arith.constant 32 : i32
      %add3A_284 = arith.addi %mul3A_282, %add3A_283 : i32
      %get3A_285 = arith.index_cast %add3A_284 : i32 to index
      %get3A_286 = tpu.vector_load %arg8[%get3A_285] {strides = array<i32>} : memref<16384xf32, #tpu.memory_space<vmem>>, vector<16xf32>,
      %get3A_287 = arith.index_cast %add3A_284 : i32 to index
      %get3A_288 = tpu.vector_load %arg10[%get3A_287] {strides = array<i32>} : memref<16384xf32, #tpu.memory_space<vmem>>, vector<16xf32>,
      %mul3A_289 = arith.constant 128 : i32
      %mul3A_290 = arith.muli %scan3A_265, %mul3A_289 : i32
      %add3A_291 = arith.constant 48 : i32
      %add3A_292 = arith.addi %mul3A_290, %add3A_291 : i32
      %get3A_293 = arith.index_cast %add3A_292 : i32 to index
      %get3A_294 = tpu.vector_load %arg8[%get3A_293] {strides = array<i32>} : memref<16384xf32, #tpu.memory_space<vmem>>, vector<16xf32>,
      %get3A_295 = arith.index_cast %add3A_292 : i32 to index
      %get3A_296 = tpu.vector_load %arg10[%get3A_295] {strides = array<i32>} : memref<16384xf32, #tpu.memory_space<vmem>>, vector<16xf32>,
      %mul3A_297 = arith.constant 128 : i32
      %mul3A_298 = arith.muli %scan3A_265, %mul3A_297 : i32
      %add3A_299 = arith.constant 64 : i32
      %add3A_300 = arith.addi %mul3A_298, %add3A_299 : i32
      %get3A_301 = arith.index_cast %add3A_300 : i32 to index
      %get3A_302 = tpu.vector_load %arg8[%get3A_301] {strides = array<i32>} : memref<16384xf32, #tpu.memory_space<vmem>>, vector<16xf32>,
      %get3A_303 = arith.index_cast %add3A_300 : i32 to index
      %get3A_304 = tpu.vector_load %arg10[%get3A_303] {strides = array<i32>} : memref<16384xf32, #tpu.memory_space<vmem>>, vector<16xf32>,
      %mul3A_305 = arith.constant 128 : i32
      %mul3A_306 = arith.muli %scan3A_265, %mul3A_305 : i32
      %add3A_307 = arith.constant 80 : i32
      %add3A_308 = arith.addi %mul3A_306, %add3A_307 : i32
      %get3A_309 = arith.index_cast %add3A_308 : i32 to index
      %get3A_310 = tpu.vector_load %arg8[%get3A_309] {strides = array<i32>} : memref<16384xf32, #tpu.memory_space<vmem>>, vector<16xf32>,
      %get3A_311 = arith.index_cast %add3A_308 : i32 to index
      %get3A_312 = tpu.vector_load %arg10[%get3A_311] {strides = array<i32>} : memref<16384xf32, #tpu.memory_space<vmem>>, vector<16xf32>,
      %mul3A_313 = arith.constant 128 : i32
      %mul3A_314 = arith.muli %scan3A_265, %mul3A_313 : i32
      %add3A_315 = arith.constant 96 : i32
      %add3A_316 = arith.addi %mul3A_314, %add3A_315 : i32
      %get3A_317 = arith.index_cast %add3A_316 : i32 to index
      %get3A_318 = tpu.vector_load %arg8[%get3A_317] {strides = array<i32>} : memref<16384xf32, #tpu.memory_space<vmem>>, vector<16xf32>,
      %get3A_319 = arith.index_cast %add3A_316 : i32 to index
      %get3A_320 = tpu.vector_load %arg10[%get3A_319] {strides = array<i32>} : memref<16384xf32, #tpu.memory_space<vmem>>, vector<16xf32>,
      %mul3A_321 = arith.constant 128 : i32
      %mul3A_322 = arith.muli %scan3A_265, %mul3A_321 : i32
      %add3A_323 = arith.constant 112 : i32
      %add3A_324 = arith.addi %mul3A_322, %add3A_323 : i32
      %get3A_325 = arith.index_cast %add3A_324 : i32 to index
      %get3A_326 = tpu.vector_load %arg8[%get3A_325] {strides = array<i32>} : memref<16384xf32, #tpu.memory_space<vmem>>, vector<16xf32>,
      %get3A_327 = arith.index_cast %add3A_324 : i32 to index
      %get3A_328 = tpu.vector_load %arg10[%get3A_327] {strides = array<i32>} : memref<16384xf32, #tpu.memory_space<vmem>>, vector<16xf32>,
      %sub3A = arith.subf %get3A_272, %get3A_270 : vector<16xf32>
      %mul3A_329 = arith.mulf %sub3A, %sub3A : vector<16xf32>
      %bitcast_convert_type3A = tpu.bitcast %get3A_270 : vector<16xf32> -> vector<16xi32>
      %shift_right_arithmetic3A = arith.constant 31 : i32
      %shift_right_arithmetic3A_330 = vector.broadcast %shift_right_arithmetic3A : i32 to vector<16xi32>
      %shift_right_arithmetic3A_331 = arith.shrsi %bitcast_convert_type3A, %shift_right_arithmetic3A_330 : vector<16xi32>
      %or3A = arith.constant -2147483648 : i32
      %or3A_332 = vector.broadcast %or3A : i32 to vector<16xi32>
      %or3A_333 = arith.ori %shift_right_arithmetic3A_331, %or3A_332 : vector<16xi32>
      %xor3A = arith.xori %bitcast_convert_type3A, %or3A_333 : vector<16xi32>
      %shift_right_logical3A = arith.constant 18 : i32
      %shift_right_logical3A_334 = vector.broadcast %shift_right_logical3A : i32 to vector<16xi32>
      %shift_right_logical3A_335 = arith.shrui %xor3A, %shift_right_logical3A_334 : vector<16xi32>
      %sub3A_336 = arith.subf %get3A_280, %get3A_278 : vector<16xf32>
      %mul3A_337 = arith.mulf %sub3A_336, %sub3A_336 : vector<16xf32>
      %bitcast_convert_type3A_338 = tpu.bitcast %get3A_278 : vector<16xf32> -> vector<16xi32>
      %shift_right_arithmetic3A_339 = arith.constant 31 : i32
      %shift_right_arithmetic3A_340 = vector.broadcast %shift_right_arithmetic3A_339 : i32 to vector<16xi32>
      %shift_right_arithmetic3A_341 = arith.shrsi %bitcast_convert_type3A_338, %shift_right_arithmetic3A_340 : vector<16xi32>
      %or3A_342 = arith.constant -2147483648 : i32
      %or3A_343 = vector.broadcast %or3A_342 : i32 to vector<16xi32>
      %or3A_344 = arith.ori %shift_right_arithmetic3A_341, %or3A_343 : vector<16xi32>
      %xor3A_345 = arith.xori %bitcast_convert_type3A_338, %or3A_344 : vector<16xi32>
      %shift_right_logical3A_346 = arith.constant 18 : i32
      %shift_right_logical3A_347 = vector.broadcast %shift_right_logical3A_346 : i32 to vector<16xi32>
      %shift_right_logical3A_348 = arith.shrui %xor3A_345, %shift_right_logical3A_347 : vector<16xi32>
      %sub3A_349 = arith.subf %get3A_288, %get3A_286 : vector<16xf32>
      %mul3A_350 = arith.mulf %sub3A_349, %sub3A_349 : vector<16xf32>
      %bitcast_convert_type3A_351 = tpu.bitcast %get3A_286 : vector<16xf32> -> vector<16xi32>
      %shift_right_arithmetic3A_352 = arith.constant 31 : i32
      %shift_right_arithmetic3A_353 = vector.broadcast %shift_right_arithmetic3A_352 : i32 to vector<16xi32>
      %shift_right_arithmetic3A_354 = arith.shrsi %bitcast_convert_type3A_351, %shift_right_arithmetic3A_353 : vector<16xi32>
      %or3A_355 = arith.constant -2147483648 : i32
      %or3A_356 = vector.broadcast %or3A_355 : i32 to vector<16xi32>
      %or3A_357 = arith.ori %shift_right_arithmetic3A_354, %or3A_356 : vector<16xi32>
      %xor3A_358 = arith.xori %bitcast_convert_type3A_351, %or3A_357 : vector<16xi32>
      %shift_right_logical3A_359 = arith.constant 18 : i32
      %shift_right_logical3A_360 = vector.broadcast %shift_right_logical3A_359 : i32 to vector<16xi32>
      %shift_right_logical3A_361 = arith.shrui %xor3A_358, %shift_right_logical3A_360 : vector<16xi32>
      %sub3A_362 = arith.subf %get3A_296, %get3A_294 : vector<16xf32>
      %mul3A_363 = arith.mulf %sub3A_362, %sub3A_362 : vector<16xf32>
      %bitcast_convert_type3A_364 = tpu.bitcast %get3A_294 : vector<16xf32> -> vector<16xi32>
      %shift_right_arithmetic3A_365 = arith.constant 31 : i32
      %shift_right_arithmetic3A_366 = vector.broadcast %shift_right_arithmetic3A_365 : i32 to vector<16xi32>
      %shift_right_arithmetic3A_367 = arith.shrsi %bitcast_convert_type3A_364, %shift_right_arithmetic3A_366 : vector<16xi32>
      %or3A_368 = arith.constant -2147483648 : i32
      %or3A_369 = vector.broadcast %or3A_368 : i32 to vector<16xi32>
      %or3A_370 = arith.ori %shift_right_arithmetic3A_367, %or3A_369 : vector<16xi32>
      %xor3A_371 = arith.xori %bitcast_convert_type3A_364, %or3A_370 : vector<16xi32>
      %shift_right_logical3A_372 = arith.constant 18 : i32
      %shift_right_logical3A_373 = vector.broadcast %shift_right_logical3A_372 : i32 to vector<16xi32>
      %shift_right_logical3A_374 = arith.shrui %xor3A_371, %shift_right_logical3A_373 : vector<16xi32>
      %sub3A_375 = arith.subf %get3A_304, %get3A_302 : vector<16xf32>
      %mul3A_376 = arith.mulf %sub3A_375, %sub3A_375 : vector<16xf32>
      %bitcast_convert_type3A_377 = tpu.bitcast %get3A_302 : vector<16xf32> -> vector<16xi32>
      %shift_right_arithmetic3A_378 = arith.constant 31 : i32
      %shift_right_arithmetic3A_379 = vector.broadcast %shift_right_arithmetic3A_378 : i32 to vector<16xi32>
      %shift_right_arithmetic3A_380 = arith.shrsi %bitcast_convert_type3A_377, %shift_right_arithmetic3A_379 : vector<16xi32>
      %or3A_381 = arith.constant -2147483648 : i32
      %or3A_382 = vector.broadcast %or3A_381 : i32 to vector<16xi32>
      %or3A_383 = arith.ori %shift_right_arithmetic3A_380, %or3A_382 : vector<16xi32>
      %xor3A_384 = arith.xori %bitcast_convert_type3A_377, %or3A_383 : vector<16xi32>
      %shift_right_logical3A_385 = arith.constant 18 : i32
      %shift_right_logical3A_386 = vector.broadcast %shift_right_logical3A_385 : i32 to vector<16xi32>
      %shift_right_logical3A_387 = arith.shrui %xor3A_384, %shift_right_logical3A_386 : vector<16xi32>
      %sub3A_388 = arith.subf %get3A_312, %get3A_310 : vector<16xf32>
      %mul3A_389 = arith.mulf %sub3A_388, %sub3A_388 : vector<16xf32>
      %bitcast_convert_type3A_390 = tpu.bitcast %get3A_310 : vector<16xf32> -> vector<16xi32>
      %shift_right_arithmetic3A_391 = arith.constant 31 : i32
      %shift_right_arithmetic3A_392 = vector.broadcast %shift_right_arithmetic3A_391 : i32 to vector<16xi32>
      %shift_right_arithmetic3A_393 = arith.shrsi %bitcast_convert_type3A_390, %shift_right_arithmetic3A_392 : vector<16xi32>
      %or3A_394 = arith.constant -2147483648 : i32
      %or3A_395 = vector.broadcast %or3A_394 : i32 to vector<16xi32>
      %or3A_396 = arith.ori %shift_right_arithmetic3A_393, %or3A_395 : vector<16xi32>
      %xor3A_397 = arith.xori %bitcast_convert_type3A_390, %or3A_396 : vector<16xi32>
      %shift_right_logical3A_398 = arith.constant 18 : i32
      %shift_right_logical3A_399 = vector.broadcast %shift_right_logical3A_398 : i32 to vector<16xi32>
      %shift_right_logical3A_400 = arith.shrui %xor3A_397, %shift_right_logical3A_399 : vector<16xi32>
      %sub3A_401 = arith.subf %get3A_320, %get3A_318 : vector<16xf32>
      %mul3A_402 = arith.mulf %sub3A_401, %sub3A_401 : vector<16xf32>
      %bitcast_convert_type3A_403 = tpu.bitcast %get3A_318 : vector<16xf32> -> vector<16xi32>
      %shift_right_arithmetic3A_404 = arith.constant 31 : i32
      %shift_right_arithmetic3A_405 = vector.broadcast %shift_right_arithmetic3A_404 : i32 to vector<16xi32>
      %shift_right_arithmetic3A_406 = arith.shrsi %bitcast_convert_type3A_403, %shift_right_arithmetic3A_405 : vector<16xi32>
      %or3A_407 = arith.constant -2147483648 : i32
      %or3A_408 = vector.broadcast %or3A_407 : i32 to vector<16xi32>
      %or3A_409 = arith.ori %shift_right_arithmetic3A_406, %or3A_408 : vector<16xi32>
      %xor3A_410 = arith.xori %bitcast_convert_type3A_403, %or3A_409 : vector<16xi32>
      %shift_right_logical3A_411 = arith.constant 18 : i32
      %shift_right_logical3A_412 = vector.broadcast %shift_right_logical3A_411 : i32 to vector<16xi32>
      %shift_right_logical3A_413 = arith.shrui %xor3A_410, %shift_right_logical3A_412 : vector<16xi32>
      %sub3A_414 = arith.subf %get3A_328, %get3A_326 : vector<16xf32>
      %mul3A_415 = arith.mulf %sub3A_414, %sub3A_414 : vector<16xf32>
      %bitcast_convert_type3A_416 = tpu.bitcast %get3A_326 : vector<16xf32> -> vector<16xi32>
      %shift_right_arithmetic3A_417 = arith.constant 31 : i32
      %shift_right_arithmetic3A_418 = vector.broadcast %shift_right_arithmetic3A_417 : i32 to vector<16xi32>
      %shift_right_arithmetic3A_419 = arith.shrsi %bitcast_convert_type3A_416, %shift_right_arithmetic3A_418 : vector<16xi32>
      %or3A_420 = arith.constant -2147483648 : i32
      %or3A_421 = vector.broadcast %or3A_420 : i32 to vector<16xi32>
      %or3A_422 = arith.ori %shift_right_arithmetic3A_419, %or3A_421 : vector<16xi32>
      %xor3A_423 = arith.xori %bitcast_convert_type3A_416, %or3A_422 : vector<16xi32>
      %shift_right_logical3A_424 = arith.constant 18 : i32
      %shift_right_logical3A_425 = vector.broadcast %shift_right_logical3A_424 : i32 to vector<16xi32>
      %shift_right_logical3A_426 = arith.shrui %xor3A_423, %shift_right_logical3A_425 : vector<16xi32>
      tpu.vector_store_idx %arg6[%shift_right_logical3A_335], %broadcast_in_dim3A_7 {add = true} : memref<16384xi32, #tpu.memory_space<vmem>>[vector<16xi32>], vector<16xi32>,
      tpu.vector_store_idx %arg6[%shift_right_logical3A_348], %broadcast_in_dim3A_7 {add = true} : memref<16384xi32, #tpu.memory_space<vmem>>[vector<16xi32>], vector<16xi32>,
      tpu.vector_store_idx %arg6[%shift_right_logical3A_361], %broadcast_in_dim3A_7 {add = true} : memref<16384xi32, #tpu.memory_space<vmem>>[vector<16xi32>], vector<16xi32>,
      tpu.vector_store_idx %arg6[%shift_right_logical3A_374], %broadcast_in_dim3A_7 {add = true} : memref<16384xi32, #tpu.memory_space<vmem>>[vector<16xi32>], vector<16xi32>,
      tpu.vector_store_idx %arg6[%shift_right_logical3A_387], %broadcast_in_dim3A_7 {add = true} : memref<16384xi32, #tpu.memory_space<vmem>>[vector<16xi32>], vector<16xi32>,
      tpu.vector_store_idx %arg6[%shift_right_logical3A_400], %broadcast_in_dim3A_7 {add = true} : memref<16384xi32, #tpu.memory_space<vmem>>[vector<16xi32>], vector<16xi32>,
      tpu.vector_store_idx %arg6[%shift_right_logical3A_413], %broadcast_in_dim3A_7 {add = true} : memref<16384xi32, #tpu.memory_space<vmem>>[vector<16xi32>], vector<16xi32>,
      tpu.vector_store_idx %arg6[%shift_right_logical3A_426], %broadcast_in_dim3A_7 {add = true} : memref<16384xi32, #tpu.memory_space<vmem>>[vector<16xi32>], vector<16xi32>,
      tpu.vector_store_idx %arg7[%shift_right_logical3A_335], %mul3A_329 {add = true} : memref<16384xf32, #tpu.memory_space<vmem>>[vector<16xi32>], vector<16xf32>,
      tpu.vector_store_idx %arg7[%shift_right_logical3A_348], %mul3A_337 {add = true} : memref<16384xf32, #tpu.memory_space<vmem>>[vector<16xi32>], vector<16xf32>,
      tpu.vector_store_idx %arg7[%shift_right_logical3A_361], %mul3A_350 {add = true} : memref<16384xf32, #tpu.memory_space<vmem>>[vector<16xi32>], vector<16xf32>,
      tpu.vector_store_idx %arg7[%shift_right_logical3A_374], %mul3A_363 {add = true} : memref<16384xf32, #tpu.memory_space<vmem>>[vector<16xi32>], vector<16xf32>,
      tpu.vector_store_idx %arg7[%shift_right_logical3A_387], %mul3A_376 {add = true} : memref<16384xf32, #tpu.memory_space<vmem>>[vector<16xi32>], vector<16xf32>,
      tpu.vector_store_idx %arg7[%shift_right_logical3A_400], %mul3A_389 {add = true} : memref<16384xf32, #tpu.memory_space<vmem>>[vector<16xi32>], vector<16xf32>,
      tpu.vector_store_idx %arg7[%shift_right_logical3A_413], %mul3A_402 {add = true} : memref<16384xf32, #tpu.memory_space<vmem>>[vector<16xi32>], vector<16xf32>,
      tpu.vector_store_idx %arg7[%shift_right_logical3A_426], %mul3A_415 {add = true} : memref<16384xf32, #tpu.memory_space<vmem>>[vector<16xi32>], vector<16xf32>,
    }
    %scan3A_30 = arith.constant 128 : i32
    %add3A_31 = arith.constant 32768 : i32
    %add3A_32 = arith.addi %mul3A_2, %add3A_31 : i32
    %dma_start3A_33 = tpu.memref_slice %arg2[%add3A_32] : memref<8388608xf32, #tpu.memory_space<hbm>> -> memref<16384xf32, #tpu.memory_space<hbm>>
    %dma_start3A_34 = tpu.memref_slice %arg2[%add3A_32] : memref<8388608xf32, #tpu.memory_space<hbm>> -> memref<16384xf32, #tpu.memory_space<hbm>>
    tpu.enqueue_dma source(%dma_start3A_34 : memref<16384xf32, #tpu.memory_space<hbm>>) target(%arg8 : memref<16384xf32, #tpu.memory_space<vmem>>) target_semaphore(%arg12 : memref<!tpu.dma_semaphore, #tpu.memory_space<semaphore_mem>>)
    %dma_start3A_35 = tpu.memref_slice %arg3[%add3A_32] : memref<8388608xf32, #tpu.memory_space<hbm>> -> memref<16384xf32, #tpu.memory_space<hbm>>
    %dma_start3A_36 = tpu.memref_slice %arg3[%add3A_32] : memref<8388608xf32, #tpu.memory_space<hbm>> -> memref<16384xf32, #tpu.memory_space<hbm>>
    tpu.enqueue_dma source(%dma_start3A_36 : memref<16384xf32, #tpu.memory_space<hbm>>) target(%arg10 : memref<16384xf32, #tpu.memory_space<vmem>>) target_semaphore(%arg14 : memref<!tpu.dma_semaphore, #tpu.memory_space<semaphore_mem>>)
    %dma_wait3A_37 = tpu.memref_slice %arg2[%add3A_17] : memref<8388608xf32, #tpu.memory_space<hbm>> -> memref<16384xf32, #tpu.memory_space<hbm>>
    %dma_wait3A_38 = tpu.memref_slice %arg2[%add3A_17] : memref<8388608xf32, #tpu.memory_space<hbm>> -> memref<16384xf32, #tpu.memory_space<hbm>>
    tpu.wait_dma2 semaphore(%arg13 : memref<!tpu.dma_semaphore, #tpu.memory_space<semaphore_mem>>) src(%dma_wait3A_38 : memref<16384xf32, #tpu.memory_space<hbm>>) dst(%arg9 : memref<16384xf32, #tpu.memory_space<vmem>>)
    %dma_wait3A_39 = tpu.memref_slice %arg3[%add3A_17] : memref<8388608xf32, #tpu.memory_space<hbm>> -> memref<16384xf32, #tpu.memory_space<hbm>>
    %dma_wait3A_40 = tpu.memref_slice %arg3[%add3A_17] : memref<8388608xf32, #tpu.memory_space<hbm>> -> memref<16384xf32, #tpu.memory_space<hbm>>
    tpu.wait_dma2 semaphore(%arg15 : memref<!tpu.dma_semaphore, #tpu.memory_space<semaphore_mem>>) src(%dma_wait3A_40 : memref<16384xf32, #tpu.memory_space<hbm>>) dst(%arg11 : memref<16384xf32, #tpu.memory_space<vmem>>)
    %scan3A_41 = arith.constant 0 : i32
    %scan3A_42 = arith.constant 0 : i32
    %scan3A_43 = arith.constant 128 : i32
    %scan3A_44 = arith.addi %scan3A_42, %scan3A_43 : i32
    %scan3A_45 = arith.constant 1 : i32
    scf.for %scan3A_265 = %scan3A_42 to %scan3A_44 step %scan3A_45  : i32 {
      %mul3A_266 = arith.constant 128 : i32
      %mul3A_267 = arith.muli %scan3A_265, %mul3A_266 : i32
      %add3A_268 = arith.constant 0 : i32
      %add3A_269 = arith.addi %mul3A_267, %add3A_268 : i32
      %get3A = arith.index_cast %add3A_269 : i32 to index
      %get3A_270 = tpu.vector_load %arg9[%get3A] {strides = array<i32>} : memref<16384xf32, #tpu.memory_space<vmem>>, vector<16xf32>,
      %get3A_271 = arith.index_cast %add3A_269 : i32 to index
      %get3A_272 = tpu.vector_load %arg11[%get3A_271] {strides = array<i32>} : memref<16384xf32, #tpu.memory_space<vmem>>, vector<16xf32>,
      %mul3A_273 = arith.constant 128 : i32
      %mul3A_274 = arith.muli %scan3A_265, %mul3A_273 : i32
      %add3A_275 = arith.constant 16 : i32
      %add3A_276 = arith.addi %mul3A_274, %add3A_275 : i32
      %get3A_277 = arith.index_cast %add3A_276 : i32 to index
      %get3A_278 = tpu.vector_load %arg9[%get3A_277] {strides = array<i32>} : memref<16384xf32, #tpu.memory_space<vmem>>, vector<16xf32>,
      %get3A_279 = arith.index_cast %add3A_276 : i32 to index
      %get3A_280 = tpu.vector_load %arg11[%get3A_279] {strides = array<i32>} : memref<16384xf32, #tpu.memory_space<vmem>>, vector<16xf32>,
      %mul3A_281 = arith.constant 128 : i32
      %mul3A_282 = arith.muli %scan3A_265, %mul3A_281 : i32
      %add3A_283 = arith.constant 32 : i32
      %add3A_284 = arith.addi %mul3A_282, %add3A_283 : i32
      %get3A_285 = arith.index_cast %add3A_284 : i32 to index
      %get3A_286 = tpu.vector_load %arg9[%get3A_285] {strides = array<i32>} : memref<16384xf32, #tpu.memory_space<vmem>>, vector<16xf32>,
      %get3A_287 = arith.index_cast %add3A_284 : i32 to index
      %get3A_288 = tpu.vector_load %arg11[%get3A_287] {strides = array<i32>} : memref<16384xf32, #tpu.memory_space<vmem>>, vector<16xf32>,
      %mul3A_289 = arith.constant 128 : i32
      %mul3A_290 = arith.muli %scan3A_265, %mul3A_289 : i32
      %add3A_291 = arith.constant 48 : i32
      %add3A_292 = arith.addi %mul3A_290, %add3A_291 : i32
      %get3A_293 = arith.index_cast %add3A_292 : i32 to index
      %get3A_294 = tpu.vector_load %arg9[%get3A_293] {strides = array<i32>} : memref<16384xf32, #tpu.memory_space<vmem>>, vector<16xf32>,
      %get3A_295 = arith.index_cast %add3A_292 : i32 to index
      %get3A_296 = tpu.vector_load %arg11[%get3A_295] {strides = array<i32>} : memref<16384xf32, #tpu.memory_space<vmem>>, vector<16xf32>,
      %mul3A_297 = arith.constant 128 : i32
      %mul3A_298 = arith.muli %scan3A_265, %mul3A_297 : i32
      %add3A_299 = arith.constant 64 : i32
      %add3A_300 = arith.addi %mul3A_298, %add3A_299 : i32
      %get3A_301 = arith.index_cast %add3A_300 : i32 to index
      %get3A_302 = tpu.vector_load %arg9[%get3A_301] {strides = array<i32>} : memref<16384xf32, #tpu.memory_space<vmem>>, vector<16xf32>,
      %get3A_303 = arith.index_cast %add3A_300 : i32 to index
      %get3A_304 = tpu.vector_load %arg11[%get3A_303] {strides = array<i32>} : memref<16384xf32, #tpu.memory_space<vmem>>, vector<16xf32>,
      %mul3A_305 = arith.constant 128 : i32
      %mul3A_306 = arith.muli %scan3A_265, %mul3A_305 : i32
      %add3A_307 = arith.constant 80 : i32
      %add3A_308 = arith.addi %mul3A_306, %add3A_307 : i32
      %get3A_309 = arith.index_cast %add3A_308 : i32 to index
      %get3A_310 = tpu.vector_load %arg9[%get3A_309] {strides = array<i32>} : memref<16384xf32, #tpu.memory_space<vmem>>, vector<16xf32>,
      %get3A_311 = arith.index_cast %add3A_308 : i32 to index
      %get3A_312 = tpu.vector_load %arg11[%get3A_311] {strides = array<i32>} : memref<16384xf32, #tpu.memory_space<vmem>>, vector<16xf32>,
      %mul3A_313 = arith.constant 128 : i32
      %mul3A_314 = arith.muli %scan3A_265, %mul3A_313 : i32
      %add3A_315 = arith.constant 96 : i32
      %add3A_316 = arith.addi %mul3A_314, %add3A_315 : i32
      %get3A_317 = arith.index_cast %add3A_316 : i32 to index
      %get3A_318 = tpu.vector_load %arg9[%get3A_317] {strides = array<i32>} : memref<16384xf32, #tpu.memory_space<vmem>>, vector<16xf32>,
      %get3A_319 = arith.index_cast %add3A_316 : i32 to index
      %get3A_320 = tpu.vector_load %arg11[%get3A_319] {strides = array<i32>} : memref<16384xf32, #tpu.memory_space<vmem>>, vector<16xf32>,
      %mul3A_321 = arith.constant 128 : i32
      %mul3A_322 = arith.muli %scan3A_265, %mul3A_321 : i32
      %add3A_323 = arith.constant 112 : i32
      %add3A_324 = arith.addi %mul3A_322, %add3A_323 : i32
      %get3A_325 = arith.index_cast %add3A_324 : i32 to index
      %get3A_326 = tpu.vector_load %arg9[%get3A_325] {strides = array<i32>} : memref<16384xf32, #tpu.memory_space<vmem>>, vector<16xf32>,
      %get3A_327 = arith.index_cast %add3A_324 : i32 to index
      %get3A_328 = tpu.vector_load %arg11[%get3A_327] {strides = array<i32>} : memref<16384xf32, #tpu.memory_space<vmem>>, vector<16xf32>,
      %sub3A = arith.subf %get3A_272, %get3A_270 : vector<16xf32>
      %mul3A_329 = arith.mulf %sub3A, %sub3A : vector<16xf32>
      %bitcast_convert_type3A = tpu.bitcast %get3A_270 : vector<16xf32> -> vector<16xi32>
      %shift_right_arithmetic3A = arith.constant 31 : i32
      %shift_right_arithmetic3A_330 = vector.broadcast %shift_right_arithmetic3A : i32 to vector<16xi32>
      %shift_right_arithmetic3A_331 = arith.shrsi %bitcast_convert_type3A, %shift_right_arithmetic3A_330 : vector<16xi32>
      %or3A = arith.constant -2147483648 : i32
      %or3A_332 = vector.broadcast %or3A : i32 to vector<16xi32>
      %or3A_333 = arith.ori %shift_right_arithmetic3A_331, %or3A_332 : vector<16xi32>
      %xor3A = arith.xori %bitcast_convert_type3A, %or3A_333 : vector<16xi32>
      %shift_right_logical3A = arith.constant 18 : i32
      %shift_right_logical3A_334 = vector.broadcast %shift_right_logical3A : i32 to vector<16xi32>
      %shift_right_logical3A_335 = arith.shrui %xor3A, %shift_right_logical3A_334 : vector<16xi32>
      %sub3A_336 = arith.subf %get3A_280, %get3A_278 : vector<16xf32>
      %mul3A_337 = arith.mulf %sub3A_336, %sub3A_336 : vector<16xf32>
      %bitcast_convert_type3A_338 = tpu.bitcast %get3A_278 : vector<16xf32> -> vector<16xi32>
      %shift_right_arithmetic3A_339 = arith.constant 31 : i32
      %shift_right_arithmetic3A_340 = vector.broadcast %shift_right_arithmetic3A_339 : i32 to vector<16xi32>
      %shift_right_arithmetic3A_341 = arith.shrsi %bitcast_convert_type3A_338, %shift_right_arithmetic3A_340 : vector<16xi32>
      %or3A_342 = arith.constant -2147483648 : i32
      %or3A_343 = vector.broadcast %or3A_342 : i32 to vector<16xi32>
      %or3A_344 = arith.ori %shift_right_arithmetic3A_341, %or3A_343 : vector<16xi32>
      %xor3A_345 = arith.xori %bitcast_convert_type3A_338, %or3A_344 : vector<16xi32>
      %shift_right_logical3A_346 = arith.constant 18 : i32
      %shift_right_logical3A_347 = vector.broadcast %shift_right_logical3A_346 : i32 to vector<16xi32>
      %shift_right_logical3A_348 = arith.shrui %xor3A_345, %shift_right_logical3A_347 : vector<16xi32>
      %sub3A_349 = arith.subf %get3A_288, %get3A_286 : vector<16xf32>
      %mul3A_350 = arith.mulf %sub3A_349, %sub3A_349 : vector<16xf32>
      %bitcast_convert_type3A_351 = tpu.bitcast %get3A_286 : vector<16xf32> -> vector<16xi32>
      %shift_right_arithmetic3A_352 = arith.constant 31 : i32
      %shift_right_arithmetic3A_353 = vector.broadcast %shift_right_arithmetic3A_352 : i32 to vector<16xi32>
      %shift_right_arithmetic3A_354 = arith.shrsi %bitcast_convert_type3A_351, %shift_right_arithmetic3A_353 : vector<16xi32>
      %or3A_355 = arith.constant -2147483648 : i32
      %or3A_356 = vector.broadcast %or3A_355 : i32 to vector<16xi32>
      %or3A_357 = arith.ori %shift_right_arithmetic3A_354, %or3A_356 : vector<16xi32>
      %xor3A_358 = arith.xori %bitcast_convert_type3A_351, %or3A_357 : vector<16xi32>
      %shift_right_logical3A_359 = arith.constant 18 : i32
      %shift_right_logical3A_360 = vector.broadcast %shift_right_logical3A_359 : i32 to vector<16xi32>
      %shift_right_logical3A_361 = arith.shrui %xor3A_358, %shift_right_logical3A_360 : vector<16xi32>
      %sub3A_362 = arith.subf %get3A_296, %get3A_294 : vector<16xf32>
      %mul3A_363 = arith.mulf %sub3A_362, %sub3A_362 : vector<16xf32>
      %bitcast_convert_type3A_364 = tpu.bitcast %get3A_294 : vector<16xf32> -> vector<16xi32>
      %shift_right_arithmetic3A_365 = arith.constant 31 : i32
      %shift_right_arithmetic3A_366 = vector.broadcast %shift_right_arithmetic3A_365 : i32 to vector<16xi32>
      %shift_right_arithmetic3A_367 = arith.shrsi %bitcast_convert_type3A_364, %shift_right_arithmetic3A_366 : vector<16xi32>
      %or3A_368 = arith.constant -2147483648 : i32
      %or3A_369 = vector.broadcast %or3A_368 : i32 to vector<16xi32>
      %or3A_370 = arith.ori %shift_right_arithmetic3A_367, %or3A_369 : vector<16xi32>
      %xor3A_371 = arith.xori %bitcast_convert_type3A_364, %or3A_370 : vector<16xi32>
      %shift_right_logical3A_372 = arith.constant 18 : i32
      %shift_right_logical3A_373 = vector.broadcast %shift_right_logical3A_372 : i32 to vector<16xi32>
      %shift_right_logical3A_374 = arith.shrui %xor3A_371, %shift_right_logical3A_373 : vector<16xi32>
      %sub3A_375 = arith.subf %get3A_304, %get3A_302 : vector<16xf32>
      %mul3A_376 = arith.mulf %sub3A_375, %sub3A_375 : vector<16xf32>
      %bitcast_convert_type3A_377 = tpu.bitcast %get3A_302 : vector<16xf32> -> vector<16xi32>
      %shift_right_arithmetic3A_378 = arith.constant 31 : i32
      %shift_right_arithmetic3A_379 = vector.broadcast %shift_right_arithmetic3A_378 : i32 to vector<16xi32>
      %shift_right_arithmetic3A_380 = arith.shrsi %bitcast_convert_type3A_377, %shift_right_arithmetic3A_379 : vector<16xi32>
      %or3A_381 = arith.constant -2147483648 : i32
      %or3A_382 = vector.broadcast %or3A_381 : i32 to vector<16xi32>
      %or3A_383 = arith.ori %shift_right_arithmetic3A_380, %or3A_382 : vector<16xi32>
      %xor3A_384 = arith.xori %bitcast_convert_type3A_377, %or3A_383 : vector<16xi32>
      %shift_right_logical3A_385 = arith.constant 18 : i32
      %shift_right_logical3A_386 = vector.broadcast %shift_right_logical3A_385 : i32 to vector<16xi32>
      %shift_right_logical3A_387 = arith.shrui %xor3A_384, %shift_right_logical3A_386 : vector<16xi32>
      %sub3A_388 = arith.subf %get3A_312, %get3A_310 : vector<16xf32>
      %mul3A_389 = arith.mulf %sub3A_388, %sub3A_388 : vector<16xf32>
      %bitcast_convert_type3A_390 = tpu.bitcast %get3A_310 : vector<16xf32> -> vector<16xi32>
      %shift_right_arithmetic3A_391 = arith.constant 31 : i32
      %shift_right_arithmetic3A_392 = vector.broadcast %shift_right_arithmetic3A_391 : i32 to vector<16xi32>
      %shift_right_arithmetic3A_393 = arith.shrsi %bitcast_convert_type3A_390, %shift_right_arithmetic3A_392 : vector<16xi32>
      %or3A_394 = arith.constant -2147483648 : i32
      %or3A_395 = vector.broadcast %or3A_394 : i32 to vector<16xi32>
      %or3A_396 = arith.ori %shift_right_arithmetic3A_393, %or3A_395 : vector<16xi32>
      %xor3A_397 = arith.xori %bitcast_convert_type3A_390, %or3A_396 : vector<16xi32>
      %shift_right_logical3A_398 = arith.constant 18 : i32
      %shift_right_logical3A_399 = vector.broadcast %shift_right_logical3A_398 : i32 to vector<16xi32>
      %shift_right_logical3A_400 = arith.shrui %xor3A_397, %shift_right_logical3A_399 : vector<16xi32>
      %sub3A_401 = arith.subf %get3A_320, %get3A_318 : vector<16xf32>
      %mul3A_402 = arith.mulf %sub3A_401, %sub3A_401 : vector<16xf32>
      %bitcast_convert_type3A_403 = tpu.bitcast %get3A_318 : vector<16xf32> -> vector<16xi32>
      %shift_right_arithmetic3A_404 = arith.constant 31 : i32
      %shift_right_arithmetic3A_405 = vector.broadcast %shift_right_arithmetic3A_404 : i32 to vector<16xi32>
      %shift_right_arithmetic3A_406 = arith.shrsi %bitcast_convert_type3A_403, %shift_right_arithmetic3A_405 : vector<16xi32>
      %or3A_407 = arith.constant -2147483648 : i32
      %or3A_408 = vector.broadcast %or3A_407 : i32 to vector<16xi32>
      %or3A_409 = arith.ori %shift_right_arithmetic3A_406, %or3A_408 : vector<16xi32>
      %xor3A_410 = arith.xori %bitcast_convert_type3A_403, %or3A_409 : vector<16xi32>
      %shift_right_logical3A_411 = arith.constant 18 : i32
      %shift_right_logical3A_412 = vector.broadcast %shift_right_logical3A_411 : i32 to vector<16xi32>
      %shift_right_logical3A_413 = arith.shrui %xor3A_410, %shift_right_logical3A_412 : vector<16xi32>
      %sub3A_414 = arith.subf %get3A_328, %get3A_326 : vector<16xf32>
      %mul3A_415 = arith.mulf %sub3A_414, %sub3A_414 : vector<16xf32>
      %bitcast_convert_type3A_416 = tpu.bitcast %get3A_326 : vector<16xf32> -> vector<16xi32>
      %shift_right_arithmetic3A_417 = arith.constant 31 : i32
      %shift_right_arithmetic3A_418 = vector.broadcast %shift_right_arithmetic3A_417 : i32 to vector<16xi32>
      %shift_right_arithmetic3A_419 = arith.shrsi %bitcast_convert_type3A_416, %shift_right_arithmetic3A_418 : vector<16xi32>
      %or3A_420 = arith.constant -2147483648 : i32
      %or3A_421 = vector.broadcast %or3A_420 : i32 to vector<16xi32>
      %or3A_422 = arith.ori %shift_right_arithmetic3A_419, %or3A_421 : vector<16xi32>
      %xor3A_423 = arith.xori %bitcast_convert_type3A_416, %or3A_422 : vector<16xi32>
      %shift_right_logical3A_424 = arith.constant 18 : i32
      %shift_right_logical3A_425 = vector.broadcast %shift_right_logical3A_424 : i32 to vector<16xi32>
      %shift_right_logical3A_426 = arith.shrui %xor3A_423, %shift_right_logical3A_425 : vector<16xi32>
      tpu.vector_store_idx %arg6[%shift_right_logical3A_335], %broadcast_in_dim3A_7 {add = true} : memref<16384xi32, #tpu.memory_space<vmem>>[vector<16xi32>], vector<16xi32>,
      tpu.vector_store_idx %arg6[%shift_right_logical3A_348], %broadcast_in_dim3A_7 {add = true} : memref<16384xi32, #tpu.memory_space<vmem>>[vector<16xi32>], vector<16xi32>,
      tpu.vector_store_idx %arg6[%shift_right_logical3A_361], %broadcast_in_dim3A_7 {add = true} : memref<16384xi32, #tpu.memory_space<vmem>>[vector<16xi32>], vector<16xi32>,
      tpu.vector_store_idx %arg6[%shift_right_logical3A_374], %broadcast_in_dim3A_7 {add = true} : memref<16384xi32, #tpu.memory_space<vmem>>[vector<16xi32>], vector<16xi32>,
      tpu.vector_store_idx %arg6[%shift_right_logical3A_387], %broadcast_in_dim3A_7 {add = true} : memref<16384xi32, #tpu.memory_space<vmem>>[vector<16xi32>], vector<16xi32>,
      tpu.vector_store_idx %arg6[%shift_right_logical3A_400], %broadcast_in_dim3A_7 {add = true} : memref<16384xi32, #tpu.memory_space<vmem>>[vector<16xi32>], vector<16xi32>,
      tpu.vector_store_idx %arg6[%shift_right_logical3A_413], %broadcast_in_dim3A_7 {add = true} : memref<16384xi32, #tpu.memory_space<vmem>>[vector<16xi32>], vector<16xi32>,
      tpu.vector_store_idx %arg6[%shift_right_logical3A_426], %broadcast_in_dim3A_7 {add = true} : memref<16384xi32, #tpu.memory_space<vmem>>[vector<16xi32>], vector<16xi32>,
      tpu.vector_store_idx %arg7[%shift_right_logical3A_335], %mul3A_329 {add = true} : memref<16384xf32, #tpu.memory_space<vmem>>[vector<16xi32>], vector<16xf32>,
      tpu.vector_store_idx %arg7[%shift_right_logical3A_348], %mul3A_337 {add = true} : memref<16384xf32, #tpu.memory_space<vmem>>[vector<16xi32>], vector<16xf32>,
      tpu.vector_store_idx %arg7[%shift_right_logical3A_361], %mul3A_350 {add = true} : memref<16384xf32, #tpu.memory_space<vmem>>[vector<16xi32>], vector<16xf32>,
      tpu.vector_store_idx %arg7[%shift_right_logical3A_374], %mul3A_363 {add = true} : memref<16384xf32, #tpu.memory_space<vmem>>[vector<16xi32>], vector<16xf32>,
      tpu.vector_store_idx %arg7[%shift_right_logical3A_387], %mul3A_376 {add = true} : memref<16384xf32, #tpu.memory_space<vmem>>[vector<16xi32>], vector<16xf32>,
      tpu.vector_store_idx %arg7[%shift_right_logical3A_400], %mul3A_389 {add = true} : memref<16384xf32, #tpu.memory_space<vmem>>[vector<16xi32>], vector<16xf32>,
      tpu.vector_store_idx %arg7[%shift_right_logical3A_413], %mul3A_402 {add = true} : memref<16384xf32, #tpu.memory_space<vmem>>[vector<16xi32>], vector<16xf32>,
      tpu.vector_store_idx %arg7[%shift_right_logical3A_426], %mul3A_415 {add = true} : memref<16384xf32, #tpu.memory_space<vmem>>[vector<16xi32>], vector<16xf32>,
    }
    %scan3A_46 = arith.constant 128 : i32
    %add3A_47 = arith.constant 49152 : i32
    %add3A_48 = arith.addi %mul3A_2, %add3A_47 : i32
    %dma_start3A_49 = tpu.memref_slice %arg2[%add3A_48] : memref<8388608xf32, #tpu.memory_space<hbm>> -> memref<16384xf32, #tpu.memory_space<hbm>>
    %dma_start3A_50 = tpu.memref_slice %arg2[%add3A_48] : memref<8388608xf32, #tpu.memory_space<hbm>> -> memref<16384xf32, #tpu.memory_space<hbm>>
    tpu.enqueue_dma source(%dma_start3A_50 : memref<16384xf32, #tpu.memory_space<hbm>>) target(%arg9 : memref<16384xf32, #tpu.memory_space<vmem>>) target_semaphore(%arg13 : memref<!tpu.dma_semaphore, #tpu.memory_space<semaphore_mem>>)
    %dma_start3A_51 = tpu.memref_slice %arg3[%add3A_48] : memref<8388608xf32, #tpu.memory_space<hbm>> -> memref<16384xf32, #tpu.memory_space<hbm>>
    %dma_start3A_52 = tpu.memref_slice %arg3[%add3A_48] : memref<8388608xf32, #tpu.memory_space<hbm>> -> memref<16384xf32, #tpu.memory_space<hbm>>
    tpu.enqueue_dma source(%dma_start3A_52 : memref<16384xf32, #tpu.memory_space<hbm>>) target(%arg11 : memref<16384xf32, #tpu.memory_space<vmem>>) target_semaphore(%arg15 : memref<!tpu.dma_semaphore, #tpu.memory_space<semaphore_mem>>)
    %dma_wait3A_53 = tpu.memref_slice %arg2[%add3A_32] : memref<8388608xf32, #tpu.memory_space<hbm>> -> memref<16384xf32, #tpu.memory_space<hbm>>
    %dma_wait3A_54 = tpu.memref_slice %arg2[%add3A_32] : memref<8388608xf32, #tpu.memory_space<hbm>> -> memref<16384xf32, #tpu.memory_space<hbm>>
    tpu.wait_dma2 semaphore(%arg12 : memref<!tpu.dma_semaphore, #tpu.memory_space<semaphore_mem>>) src(%dma_wait3A_54 : memref<16384xf32, #tpu.memory_space<hbm>>) dst(%arg8 : memref<16384xf32, #tpu.memory_space<vmem>>)
    %dma_wait3A_55 = tpu.memref_slice %arg3[%add3A_32] : memref<8388608xf32, #tpu.memory_space<hbm>> -> memref<16384xf32, #tpu.memory_space<hbm>>
    %dma_wait3A_56 = tpu.memref_slice %arg3[%add3A_32] : memref<8388608xf32, #tpu.memory_space<hbm>> -> memref<16384xf32, #tpu.memory_space<hbm>>
    tpu.wait_dma2 semaphore(%arg14 : memref<!tpu.dma_semaphore, #tpu.memory_space<semaphore_mem>>) src(%dma_wait3A_56 : memref<16384xf32, #tpu.memory_space<hbm>>) dst(%arg10 : memref<16384xf32, #tpu.memory_space<vmem>>)
    %scan3A_57 = arith.constant 0 : i32
    %scan3A_58 = arith.constant 0 : i32
    %scan3A_59 = arith.constant 128 : i32
    %scan3A_60 = arith.addi %scan3A_58, %scan3A_59 : i32
    %scan3A_61 = arith.constant 1 : i32
    scf.for %scan3A_265 = %scan3A_58 to %scan3A_60 step %scan3A_61  : i32 {
      %mul3A_266 = arith.constant 128 : i32
      %mul3A_267 = arith.muli %scan3A_265, %mul3A_266 : i32
      %add3A_268 = arith.constant 0 : i32
      %add3A_269 = arith.addi %mul3A_267, %add3A_268 : i32
      %get3A = arith.index_cast %add3A_269 : i32 to index
      %get3A_270 = tpu.vector_load %arg8[%get3A] {strides = array<i32>} : memref<16384xf32, #tpu.memory_space<vmem>>, vector<16xf32>,
      %get3A_271 = arith.index_cast %add3A_269 : i32 to index
      %get3A_272 = tpu.vector_load %arg10[%get3A_271] {strides = array<i32>} : memref<16384xf32, #tpu.memory_space<vmem>>, vector<16xf32>,
      %mul3A_273 = arith.constant 128 : i32
      %mul3A_274 = arith.muli %scan3A_265, %mul3A_273 : i32
      %add3A_275 = arith.constant 16 : i32
      %add3A_276 = arith.addi %mul3A_274, %add3A_275 : i32
      %get3A_277 = arith.index_cast %add3A_276 : i32 to index
      %get3A_278 = tpu.vector_load %arg8[%get3A_277] {strides = array<i32>} : memref<16384xf32, #tpu.memory_space<vmem>>, vector<16xf32>,
      %get3A_279 = arith.index_cast %add3A_276 : i32 to index
      %get3A_280 = tpu.vector_load %arg10[%get3A_279] {strides = array<i32>} : memref<16384xf32, #tpu.memory_space<vmem>>, vector<16xf32>,
      %mul3A_281 = arith.constant 128 : i32
      %mul3A_282 = arith.muli %scan3A_265, %mul3A_281 : i32
      %add3A_283 = arith.constant 32 : i32
      %add3A_284 = arith.addi %mul3A_282, %add3A_283 : i32
      %get3A_285 = arith.index_cast %add3A_284 : i32 to index
      %get3A_286 = tpu.vector_load %arg8[%get3A_285] {strides = array<i32>} : memref<16384xf32, #tpu.memory_space<vmem>>, vector<16xf32>,
      %get3A_287 = arith.index_cast %add3A_284 : i32 to index
      %get3A_288 = tpu.vector_load %arg10[%get3A_287] {strides = array<i32>} : memref<16384xf32, #tpu.memory_space<vmem>>, vector<16xf32>,
      %mul3A_289 = arith.constant 128 : i32
      %mul3A_290 = arith.muli %scan3A_265, %mul3A_289 : i32
      %add3A_291 = arith.constant 48 : i32
      %add3A_292 = arith.addi %mul3A_290, %add3A_291 : i32
      %get3A_293 = arith.index_cast %add3A_292 : i32 to index
      %get3A_294 = tpu.vector_load %arg8[%get3A_293] {strides = array<i32>} : memref<16384xf32, #tpu.memory_space<vmem>>, vector<16xf32>,
      %get3A_295 = arith.index_cast %add3A_292 : i32 to index
      %get3A_296 = tpu.vector_load %arg10[%get3A_295] {strides = array<i32>} : memref<16384xf32, #tpu.memory_space<vmem>>, vector<16xf32>,
      %mul3A_297 = arith.constant 128 : i32
      %mul3A_298 = arith.muli %scan3A_265, %mul3A_297 : i32
      %add3A_299 = arith.constant 64 : i32
      %add3A_300 = arith.addi %mul3A_298, %add3A_299 : i32
      %get3A_301 = arith.index_cast %add3A_300 : i32 to index
      %get3A_302 = tpu.vector_load %arg8[%get3A_301] {strides = array<i32>} : memref<16384xf32, #tpu.memory_space<vmem>>, vector<16xf32>,
      %get3A_303 = arith.index_cast %add3A_300 : i32 to index
      %get3A_304 = tpu.vector_load %arg10[%get3A_303] {strides = array<i32>} : memref<16384xf32, #tpu.memory_space<vmem>>, vector<16xf32>,
      %mul3A_305 = arith.constant 128 : i32
      %mul3A_306 = arith.muli %scan3A_265, %mul3A_305 : i32
      %add3A_307 = arith.constant 80 : i32
      %add3A_308 = arith.addi %mul3A_306, %add3A_307 : i32
      %get3A_309 = arith.index_cast %add3A_308 : i32 to index
      %get3A_310 = tpu.vector_load %arg8[%get3A_309] {strides = array<i32>} : memref<16384xf32, #tpu.memory_space<vmem>>, vector<16xf32>,
      %get3A_311 = arith.index_cast %add3A_308 : i32 to index
      %get3A_312 = tpu.vector_load %arg10[%get3A_311] {strides = array<i32>} : memref<16384xf32, #tpu.memory_space<vmem>>, vector<16xf32>,
      %mul3A_313 = arith.constant 128 : i32
      %mul3A_314 = arith.muli %scan3A_265, %mul3A_313 : i32
      %add3A_315 = arith.constant 96 : i32
      %add3A_316 = arith.addi %mul3A_314, %add3A_315 : i32
      %get3A_317 = arith.index_cast %add3A_316 : i32 to index
      %get3A_318 = tpu.vector_load %arg8[%get3A_317] {strides = array<i32>} : memref<16384xf32, #tpu.memory_space<vmem>>, vector<16xf32>,
      %get3A_319 = arith.index_cast %add3A_316 : i32 to index
      %get3A_320 = tpu.vector_load %arg10[%get3A_319] {strides = array<i32>} : memref<16384xf32, #tpu.memory_space<vmem>>, vector<16xf32>,
      %mul3A_321 = arith.constant 128 : i32
      %mul3A_322 = arith.muli %scan3A_265, %mul3A_321 : i32
      %add3A_323 = arith.constant 112 : i32
      %add3A_324 = arith.addi %mul3A_322, %add3A_323 : i32
      %get3A_325 = arith.index_cast %add3A_324 : i32 to index
      %get3A_326 = tpu.vector_load %arg8[%get3A_325] {strides = array<i32>} : memref<16384xf32, #tpu.memory_space<vmem>>, vector<16xf32>,
      %get3A_327 = arith.index_cast %add3A_324 : i32 to index
      %get3A_328 = tpu.vector_load %arg10[%get3A_327] {strides = array<i32>} : memref<16384xf32, #tpu.memory_space<vmem>>, vector<16xf32>,
      %sub3A = arith.subf %get3A_272, %get3A_270 : vector<16xf32>
      %mul3A_329 = arith.mulf %sub3A, %sub3A : vector<16xf32>
      %bitcast_convert_type3A = tpu.bitcast %get3A_270 : vector<16xf32> -> vector<16xi32>
      %shift_right_arithmetic3A = arith.constant 31 : i32
      %shift_right_arithmetic3A_330 = vector.broadcast %shift_right_arithmetic3A : i32 to vector<16xi32>
      %shift_right_arithmetic3A_331 = arith.shrsi %bitcast_convert_type3A, %shift_right_arithmetic3A_330 : vector<16xi32>
      %or3A = arith.constant -2147483648 : i32
      %or3A_332 = vector.broadcast %or3A : i32 to vector<16xi32>
      %or3A_333 = arith.ori %shift_right_arithmetic3A_331, %or3A_332 : vector<16xi32>
      %xor3A = arith.xori %bitcast_convert_type3A, %or3A_333 : vector<16xi32>
      %shift_right_logical3A = arith.constant 18 : i32
      %shift_right_logical3A_334 = vector.broadcast %shift_right_logical3A : i32 to vector<16xi32>
      %shift_right_logical3A_335 = arith.shrui %xor3A, %shift_right_logical3A_334 : vector<16xi32>
      %sub3A_336 = arith.subf %get3A_280, %get3A_278 : vector<16xf32>
      %mul3A_337 = arith.mulf %sub3A_336, %sub3A_336 : vector<16xf32>
      %bitcast_convert_type3A_338 = tpu.bitcast %get3A_278 : vector<16xf32> -> vector<16xi32>
      %shift_right_arithmetic3A_339 = arith.constant 31 : i32
      %shift_right_arithmetic3A_340 = vector.broadcast %shift_right_arithmetic3A_339 : i32 to vector<16xi32>
      %shift_right_arithmetic3A_341 = arith.shrsi %bitcast_convert_type3A_338, %shift_right_arithmetic3A_340 : vector<16xi32>
      %or3A_342 = arith.constant -2147483648 : i32
      %or3A_343 = vector.broadcast %or3A_342 : i32 to vector<16xi32>
      %or3A_344 = arith.ori %shift_right_arithmetic3A_341, %or3A_343 : vector<16xi32>
      %xor3A_345 = arith.xori %bitcast_convert_type3A_338, %or3A_344 : vector<16xi32>
      %shift_right_logical3A_346 = arith.constant 18 : i32
      %shift_right_logical3A_347 = vector.broadcast %shift_right_logical3A_346 : i32 to vector<16xi32>
      %shift_right_logical3A_348 = arith.shrui %xor3A_345, %shift_right_logical3A_347 : vector<16xi32>
      %sub3A_349 = arith.subf %get3A_288, %get3A_286 : vector<16xf32>
      %mul3A_350 = arith.mulf %sub3A_349, %sub3A_349 : vector<16xf32>
      %bitcast_convert_type3A_351 = tpu.bitcast %get3A_286 : vector<16xf32> -> vector<16xi32>
      %shift_right_arithmetic3A_352 = arith.constant 31 : i32
      %shift_right_arithmetic3A_353 = vector.broadcast %shift_right_arithmetic3A_352 : i32 to vector<16xi32>
      %shift_right_arithmetic3A_354 = arith.shrsi %bitcast_convert_type3A_351, %shift_right_arithmetic3A_353 : vector<16xi32>
      %or3A_355 = arith.constant -2147483648 : i32
      %or3A_356 = vector.broadcast %or3A_355 : i32 to vector<16xi32>
      %or3A_357 = arith.ori %shift_right_arithmetic3A_354, %or3A_356 : vector<16xi32>
      %xor3A_358 = arith.xori %bitcast_convert_type3A_351, %or3A_357 : vector<16xi32>
      %shift_right_logical3A_359 = arith.constant 18 : i32
      %shift_right_logical3A_360 = vector.broadcast %shift_right_logical3A_359 : i32 to vector<16xi32>
      %shift_right_logical3A_361 = arith.shrui %xor3A_358, %shift_right_logical3A_360 : vector<16xi32>
      %sub3A_362 = arith.subf %get3A_296, %get3A_294 : vector<16xf32>
      %mul3A_363 = arith.mulf %sub3A_362, %sub3A_362 : vector<16xf32>
      %bitcast_convert_type3A_364 = tpu.bitcast %get3A_294 : vector<16xf32> -> vector<16xi32>
      %shift_right_arithmetic3A_365 = arith.constant 31 : i32
      %shift_right_arithmetic3A_366 = vector.broadcast %shift_right_arithmetic3A_365 : i32 to vector<16xi32>
      %shift_right_arithmetic3A_367 = arith.shrsi %bitcast_convert_type3A_364, %shift_right_arithmetic3A_366 : vector<16xi32>
      %or3A_368 = arith.constant -2147483648 : i32
      %or3A_369 = vector.broadcast %or3A_368 : i32 to vector<16xi32>
      %or3A_370 = arith.ori %shift_right_arithmetic3A_367, %or3A_369 : vector<16xi32>
      %xor3A_371 = arith.xori %bitcast_convert_type3A_364, %or3A_370 : vector<16xi32>
      %shift_right_logical3A_372 = arith.constant 18 : i32
      %shift_right_logical3A_373 = vector.broadcast %shift_right_logical3A_372 : i32 to vector<16xi32>
      %shift_right_logical3A_374 = arith.shrui %xor3A_371, %shift_right_logical3A_373 : vector<16xi32>
      %sub3A_375 = arith.subf %get3A_304, %get3A_302 : vector<16xf32>
      %mul3A_376 = arith.mulf %sub3A_375, %sub3A_375 : vector<16xf32>
      %bitcast_convert_type3A_377 = tpu.bitcast %get3A_302 : vector<16xf32> -> vector<16xi32>
      %shift_right_arithmetic3A_378 = arith.constant 31 : i32
      %shift_right_arithmetic3A_379 = vector.broadcast %shift_right_arithmetic3A_378 : i32 to vector<16xi32>
      %shift_right_arithmetic3A_380 = arith.shrsi %bitcast_convert_type3A_377, %shift_right_arithmetic3A_379 : vector<16xi32>
      %or3A_381 = arith.constant -2147483648 : i32
      %or3A_382 = vector.broadcast %or3A_381 : i32 to vector<16xi32>
      %or3A_383 = arith.ori %shift_right_arithmetic3A_380, %or3A_382 : vector<16xi32>
      %xor3A_384 = arith.xori %bitcast_convert_type3A_377, %or3A_383 : vector<16xi32>
      %shift_right_logical3A_385 = arith.constant 18 : i32
      %shift_right_logical3A_386 = vector.broadcast %shift_right_logical3A_385 : i32 to vector<16xi32>
      %shift_right_logical3A_387 = arith.shrui %xor3A_384, %shift_right_logical3A_386 : vector<16xi32>
      %sub3A_388 = arith.subf %get3A_312, %get3A_310 : vector<16xf32>
      %mul3A_389 = arith.mulf %sub3A_388, %sub3A_388 : vector<16xf32>
      %bitcast_convert_type3A_390 = tpu.bitcast %get3A_310 : vector<16xf32> -> vector<16xi32>
      %shift_right_arithmetic3A_391 = arith.constant 31 : i32
      %shift_right_arithmetic3A_392 = vector.broadcast %shift_right_arithmetic3A_391 : i32 to vector<16xi32>
      %shift_right_arithmetic3A_393 = arith.shrsi %bitcast_convert_type3A_390, %shift_right_arithmetic3A_392 : vector<16xi32>
      %or3A_394 = arith.constant -2147483648 : i32
      %or3A_395 = vector.broadcast %or3A_394 : i32 to vector<16xi32>
      %or3A_396 = arith.ori %shift_right_arithmetic3A_393, %or3A_395 : vector<16xi32>
      %xor3A_397 = arith.xori %bitcast_convert_type3A_390, %or3A_396 : vector<16xi32>
      %shift_right_logical3A_398 = arith.constant 18 : i32
      %shift_right_logical3A_399 = vector.broadcast %shift_right_logical3A_398 : i32 to vector<16xi32>
      %shift_right_logical3A_400 = arith.shrui %xor3A_397, %shift_right_logical3A_399 : vector<16xi32>
      %sub3A_401 = arith.subf %get3A_320, %get3A_318 : vector<16xf32>
      %mul3A_402 = arith.mulf %sub3A_401, %sub3A_401 : vector<16xf32>
      %bitcast_convert_type3A_403 = tpu.bitcast %get3A_318 : vector<16xf32> -> vector<16xi32>
      %shift_right_arithmetic3A_404 = arith.constant 31 : i32
      %shift_right_arithmetic3A_405 = vector.broadcast %shift_right_arithmetic3A_404 : i32 to vector<16xi32>
      %shift_right_arithmetic3A_406 = arith.shrsi %bitcast_convert_type3A_403, %shift_right_arithmetic3A_405 : vector<16xi32>
      %or3A_407 = arith.constant -2147483648 : i32
      %or3A_408 = vector.broadcast %or3A_407 : i32 to vector<16xi32>
      %or3A_409 = arith.ori %shift_right_arithmetic3A_406, %or3A_408 : vector<16xi32>
      %xor3A_410 = arith.xori %bitcast_convert_type3A_403, %or3A_409 : vector<16xi32>
      %shift_right_logical3A_411 = arith.constant 18 : i32
      %shift_right_logical3A_412 = vector.broadcast %shift_right_logical3A_411 : i32 to vector<16xi32>
      %shift_right_logical3A_413 = arith.shrui %xor3A_410, %shift_right_logical3A_412 : vector<16xi32>
      %sub3A_414 = arith.subf %get3A_328, %get3A_326 : vector<16xf32>
      %mul3A_415 = arith.mulf %sub3A_414, %sub3A_414 : vector<16xf32>
      %bitcast_convert_type3A_416 = tpu.bitcast %get3A_326 : vector<16xf32> -> vector<16xi32>
      %shift_right_arithmetic3A_417 = arith.constant 31 : i32
      %shift_right_arithmetic3A_418 = vector.broadcast %shift_right_arithmetic3A_417 : i32 to vector<16xi32>
      %shift_right_arithmetic3A_419 = arith.shrsi %bitcast_convert_type3A_416, %shift_right_arithmetic3A_418 : vector<16xi32>
      %or3A_420 = arith.constant -2147483648 : i32
      %or3A_421 = vector.broadcast %or3A_420 : i32 to vector<16xi32>
      %or3A_422 = arith.ori %shift_right_arithmetic3A_419, %or3A_421 : vector<16xi32>
      %xor3A_423 = arith.xori %bitcast_convert_type3A_416, %or3A_422 : vector<16xi32>
      %shift_right_logical3A_424 = arith.constant 18 : i32
      %shift_right_logical3A_425 = vector.broadcast %shift_right_logical3A_424 : i32 to vector<16xi32>
      %shift_right_logical3A_426 = arith.shrui %xor3A_423, %shift_right_logical3A_425 : vector<16xi32>
      tpu.vector_store_idx %arg6[%shift_right_logical3A_335], %broadcast_in_dim3A_7 {add = true} : memref<16384xi32, #tpu.memory_space<vmem>>[vector<16xi32>], vector<16xi32>,
      tpu.vector_store_idx %arg6[%shift_right_logical3A_348], %broadcast_in_dim3A_7 {add = true} : memref<16384xi32, #tpu.memory_space<vmem>>[vector<16xi32>], vector<16xi32>,
      tpu.vector_store_idx %arg6[%shift_right_logical3A_361], %broadcast_in_dim3A_7 {add = true} : memref<16384xi32, #tpu.memory_space<vmem>>[vector<16xi32>], vector<16xi32>,
      tpu.vector_store_idx %arg6[%shift_right_logical3A_374], %broadcast_in_dim3A_7 {add = true} : memref<16384xi32, #tpu.memory_space<vmem>>[vector<16xi32>], vector<16xi32>,
      tpu.vector_store_idx %arg6[%shift_right_logical3A_387], %broadcast_in_dim3A_7 {add = true} : memref<16384xi32, #tpu.memory_space<vmem>>[vector<16xi32>], vector<16xi32>,
      tpu.vector_store_idx %arg6[%shift_right_logical3A_400], %broadcast_in_dim3A_7 {add = true} : memref<16384xi32, #tpu.memory_space<vmem>>[vector<16xi32>], vector<16xi32>,
      tpu.vector_store_idx %arg6[%shift_right_logical3A_413], %broadcast_in_dim3A_7 {add = true} : memref<16384xi32, #tpu.memory_space<vmem>>[vector<16xi32>], vector<16xi32>,
      tpu.vector_store_idx %arg6[%shift_right_logical3A_426], %broadcast_in_dim3A_7 {add = true} : memref<16384xi32, #tpu.memory_space<vmem>>[vector<16xi32>], vector<16xi32>,
      tpu.vector_store_idx %arg7[%shift_right_logical3A_335], %mul3A_329 {add = true} : memref<16384xf32, #tpu.memory_space<vmem>>[vector<16xi32>], vector<16xf32>,
      tpu.vector_store_idx %arg7[%shift_right_logical3A_348], %mul3A_337 {add = true} : memref<16384xf32, #tpu.memory_space<vmem>>[vector<16xi32>], vector<16xf32>,
      tpu.vector_store_idx %arg7[%shift_right_logical3A_361], %mul3A_350 {add = true} : memref<16384xf32, #tpu.memory_space<vmem>>[vector<16xi32>], vector<16xf32>,
      tpu.vector_store_idx %arg7[%shift_right_logical3A_374], %mul3A_363 {add = true} : memref<16384xf32, #tpu.memory_space<vmem>>[vector<16xi32>], vector<16xf32>,
      tpu.vector_store_idx %arg7[%shift_right_logical3A_387], %mul3A_376 {add = true} : memref<16384xf32, #tpu.memory_space<vmem>>[vector<16xi32>], vector<16xf32>,
      tpu.vector_store_idx %arg7[%shift_right_logical3A_400], %mul3A_389 {add = true} : memref<16384xf32, #tpu.memory_space<vmem>>[vector<16xi32>], vector<16xf32>,
      tpu.vector_store_idx %arg7[%shift_right_logical3A_413], %mul3A_402 {add = true} : memref<16384xf32, #tpu.memory_space<vmem>>[vector<16xi32>], vector<16xf32>,
      tpu.vector_store_idx %arg7[%shift_right_logical3A_426], %mul3A_415 {add = true} : memref<16384xf32, #tpu.memory_space<vmem>>[vector<16xi32>], vector<16xf32>,
    }
    %scan3A_62 = arith.constant 128 : i32
    %add3A_63 = arith.constant 65536 : i32
    %add3A_64 = arith.addi %mul3A_2, %add3A_63 : i32
    %dma_start3A_65 = tpu.memref_slice %arg2[%add3A_64] : memref<8388608xf32, #tpu.memory_space<hbm>> -> memref<16384xf32, #tpu.memory_space<hbm>>
    %dma_start3A_66 = tpu.memref_slice %arg2[%add3A_64] : memref<8388608xf32, #tpu.memory_space<hbm>> -> memref<16384xf32, #tpu.memory_space<hbm>>
    tpu.enqueue_dma source(%dma_start3A_66 : memref<16384xf32, #tpu.memory_space<hbm>>) target(%arg8 : memref<16384xf32, #tpu.memory_space<vmem>>) target_semaphore(%arg12 : memref<!tpu.dma_semaphore, #tpu.memory_space<semaphore_mem>>)
    %dma_start3A_67 = tpu.memref_slice %arg3[%add3A_64] : memref<8388608xf32, #tpu.memory_space<hbm>> -> memref<16384xf32, #tpu.memory_space<hbm>>
    %dma_start3A_68 = tpu.memref_slice %arg3[%add3A_64] : memref<8388608xf32, #tpu.memory_space<hbm>> -> memref<16384xf32, #tpu.memory_space<hbm>>
    tpu.enqueue_dma source(%dma_start3A_68 : memref<16384xf32, #tpu.memory_space<hbm>>) target(%arg10 : memref<16384xf32, #tpu.memory_space<vmem>>) target_semaphore(%arg14 : memref<!tpu.dma_semaphore, #tpu.memory_space<semaphore_mem>>)
    %dma_wait3A_69 = tpu.memref_slice %arg2[%add3A_48] : memref<8388608xf32, #tpu.memory_space<hbm>> -> memref<16384xf32, #tpu.memory_space<hbm>>
    %dma_wait3A_70 = tpu.memref_slice %arg2[%add3A_48] : memref<8388608xf32, #tpu.memory_space<hbm>> -> memref<16384xf32, #tpu.memory_space<hbm>>
    tpu.wait_dma2 semaphore(%arg13 : memref<!tpu.dma_semaphore, #tpu.memory_space<semaphore_mem>>) src(%dma_wait3A_70 : memref<16384xf32, #tpu.memory_space<hbm>>) dst(%arg9 : memref<16384xf32, #tpu.memory_space<vmem>>)
    %dma_wait3A_71 = tpu.memref_slice %arg3[%add3A_48] : memref<8388608xf32, #tpu.memory_space<hbm>> -> memref<16384xf32, #tpu.memory_space<hbm>>
    %dma_wait3A_72 = tpu.memref_slice %arg3[%add3A_48] : memref<8388608xf32, #tpu.memory_space<hbm>> -> memref<16384xf32, #tpu.memory_space<hbm>>
    tpu.wait_dma2 semaphore(%arg15 : memref<!tpu.dma_semaphore, #tpu.memory_space<semaphore_mem>>) src(%dma_wait3A_72 : memref<16384xf32, #tpu.memory_space<hbm>>) dst(%arg11 : memref<16384xf32, #tpu.memory_space<vmem>>)
    %scan3A_73 = arith.constant 0 : i32
    %scan3A_74 = arith.constant 0 : i32
    %scan3A_75 = arith.constant 128 : i32
    %scan3A_76 = arith.addi %scan3A_74, %scan3A_75 : i32
    %scan3A_77 = arith.constant 1 : i32
    scf.for %scan3A_265 = %scan3A_74 to %scan3A_76 step %scan3A_77  : i32 {
      %mul3A_266 = arith.constant 128 : i32
      %mul3A_267 = arith.muli %scan3A_265, %mul3A_266 : i32
      %add3A_268 = arith.constant 0 : i32
      %add3A_269 = arith.addi %mul3A_267, %add3A_268 : i32
      %get3A = arith.index_cast %add3A_269 : i32 to index
      %get3A_270 = tpu.vector_load %arg9[%get3A] {strides = array<i32>} : memref<16384xf32, #tpu.memory_space<vmem>>, vector<16xf32>,
      %get3A_271 = arith.index_cast %add3A_269 : i32 to index
      %get3A_272 = tpu.vector_load %arg11[%get3A_271] {strides = array<i32>} : memref<16384xf32, #tpu.memory_space<vmem>>, vector<16xf32>,
      %mul3A_273 = arith.constant 128 : i32
      %mul3A_274 = arith.muli %scan3A_265, %mul3A_273 : i32
      %add3A_275 = arith.constant 16 : i32
      %add3A_276 = arith.addi %mul3A_274, %add3A_275 : i32
      %get3A_277 = arith.index_cast %add3A_276 : i32 to index
      %get3A_278 = tpu.vector_load %arg9[%get3A_277] {strides = array<i32>} : memref<16384xf32, #tpu.memory_space<vmem>>, vector<16xf32>,
      %get3A_279 = arith.index_cast %add3A_276 : i32 to index
      %get3A_280 = tpu.vector_load %arg11[%get3A_279] {strides = array<i32>} : memref<16384xf32, #tpu.memory_space<vmem>>, vector<16xf32>,
      %mul3A_281 = arith.constant 128 : i32
      %mul3A_282 = arith.muli %scan3A_265, %mul3A_281 : i32
      %add3A_283 = arith.constant 32 : i32
      %add3A_284 = arith.addi %mul3A_282, %add3A_283 : i32
      %get3A_285 = arith.index_cast %add3A_284 : i32 to index
      %get3A_286 = tpu.vector_load %arg9[%get3A_285] {strides = array<i32>} : memref<16384xf32, #tpu.memory_space<vmem>>, vector<16xf32>,
      %get3A_287 = arith.index_cast %add3A_284 : i32 to index
      %get3A_288 = tpu.vector_load %arg11[%get3A_287] {strides = array<i32>} : memref<16384xf32, #tpu.memory_space<vmem>>, vector<16xf32>,
      %mul3A_289 = arith.constant 128 : i32
      %mul3A_290 = arith.muli %scan3A_265, %mul3A_289 : i32
      %add3A_291 = arith.constant 48 : i32
      %add3A_292 = arith.addi %mul3A_290, %add3A_291 : i32
      %get3A_293 = arith.index_cast %add3A_292 : i32 to index
      %get3A_294 = tpu.vector_load %arg9[%get3A_293] {strides = array<i32>} : memref<16384xf32, #tpu.memory_space<vmem>>, vector<16xf32>,
      %get3A_295 = arith.index_cast %add3A_292 : i32 to index
      %get3A_296 = tpu.vector_load %arg11[%get3A_295] {strides = array<i32>} : memref<16384xf32, #tpu.memory_space<vmem>>, vector<16xf32>,
      %mul3A_297 = arith.constant 128 : i32
      %mul3A_298 = arith.muli %scan3A_265, %mul3A_297 : i32
      %add3A_299 = arith.constant 64 : i32
      %add3A_300 = arith.addi %mul3A_298, %add3A_299 : i32
      %get3A_301 = arith.index_cast %add3A_300 : i32 to index
      %get3A_302 = tpu.vector_load %arg9[%get3A_301] {strides = array<i32>} : memref<16384xf32, #tpu.memory_space<vmem>>, vector<16xf32>,
      %get3A_303 = arith.index_cast %add3A_300 : i32 to index
      %get3A_304 = tpu.vector_load %arg11[%get3A_303] {strides = array<i32>} : memref<16384xf32, #tpu.memory_space<vmem>>, vector<16xf32>,
      %mul3A_305 = arith.constant 128 : i32
      %mul3A_306 = arith.muli %scan3A_265, %mul3A_305 : i32
      %add3A_307 = arith.constant 80 : i32
      %add3A_308 = arith.addi %mul3A_306, %add3A_307 : i32
      %get3A_309 = arith.index_cast %add3A_308 : i32 to index
      %get3A_310 = tpu.vector_load %arg9[%get3A_309] {strides = array<i32>} : memref<16384xf32, #tpu.memory_space<vmem>>, vector<16xf32>,
      %get3A_311 = arith.index_cast %add3A_308 : i32 to index
      %get3A_312 = tpu.vector_load %arg11[%get3A_311] {strides = array<i32>} : memref<16384xf32, #tpu.memory_space<vmem>>, vector<16xf32>,
      %mul3A_313 = arith.constant 128 : i32
      %mul3A_314 = arith.muli %scan3A_265, %mul3A_313 : i32
      %add3A_315 = arith.constant 96 : i32
      %add3A_316 = arith.addi %mul3A_314, %add3A_315 : i32
      %get3A_317 = arith.index_cast %add3A_316 : i32 to index
      %get3A_318 = tpu.vector_load %arg9[%get3A_317] {strides = array<i32>} : memref<16384xf32, #tpu.memory_space<vmem>>, vector<16xf32>,
      %get3A_319 = arith.index_cast %add3A_316 : i32 to index
      %get3A_320 = tpu.vector_load %arg11[%get3A_319] {strides = array<i32>} : memref<16384xf32, #tpu.memory_space<vmem>>, vector<16xf32>,
      %mul3A_321 = arith.constant 128 : i32
      %mul3A_322 = arith.muli %scan3A_265, %mul3A_321 : i32
      %add3A_323 = arith.constant 112 : i32
      %add3A_324 = arith.addi %mul3A_322, %add3A_323 : i32
      %get3A_325 = arith.index_cast %add3A_324 : i32 to index
      %get3A_326 = tpu.vector_load %arg9[%get3A_325] {strides = array<i32>} : memref<16384xf32, #tpu.memory_space<vmem>>, vector<16xf32>,
      %get3A_327 = arith.index_cast %add3A_324 : i32 to index
      %get3A_328 = tpu.vector_load %arg11[%get3A_327] {strides = array<i32>} : memref<16384xf32, #tpu.memory_space<vmem>>, vector<16xf32>,
      %sub3A = arith.subf %get3A_272, %get3A_270 : vector<16xf32>
      %mul3A_329 = arith.mulf %sub3A, %sub3A : vector<16xf32>
      %bitcast_convert_type3A = tpu.bitcast %get3A_270 : vector<16xf32> -> vector<16xi32>
      %shift_right_arithmetic3A = arith.constant 31 : i32
      %shift_right_arithmetic3A_330 = vector.broadcast %shift_right_arithmetic3A : i32 to vector<16xi32>
      %shift_right_arithmetic3A_331 = arith.shrsi %bitcast_convert_type3A, %shift_right_arithmetic3A_330 : vector<16xi32>
      %or3A = arith.constant -2147483648 : i32
      %or3A_332 = vector.broadcast %or3A : i32 to vector<16xi32>
      %or3A_333 = arith.ori %shift_right_arithmetic3A_331, %or3A_332 : vector<16xi32>
      %xor3A = arith.xori %bitcast_convert_type3A, %or3A_333 : vector<16xi32>
      %shift_right_logical3A = arith.constant 18 : i32
      %shift_right_logical3A_334 = vector.broadcast %shift_right_logical3A : i32 to vector<16xi32>
      %shift_right_logical3A_335 = arith.shrui %xor3A, %shift_right_logical3A_334 : vector<16xi32>
      %sub3A_336 = arith.subf %get3A_280, %get3A_278 : vector<16xf32>
      %mul3A_337 = arith.mulf %sub3A_336, %sub3A_336 : vector<16xf32>
      %bitcast_convert_type3A_338 = tpu.bitcast %get3A_278 : vector<16xf32> -> vector<16xi32>
      %shift_right_arithmetic3A_339 = arith.constant 31 : i32
      %shift_right_arithmetic3A_340 = vector.broadcast %shift_right_arithmetic3A_339 : i32 to vector<16xi32>
      %shift_right_arithmetic3A_341 = arith.shrsi %bitcast_convert_type3A_338, %shift_right_arithmetic3A_340 : vector<16xi32>
      %or3A_342 = arith.constant -2147483648 : i32
      %or3A_343 = vector.broadcast %or3A_342 : i32 to vector<16xi32>
      %or3A_344 = arith.ori %shift_right_arithmetic3A_341, %or3A_343 : vector<16xi32>
      %xor3A_345 = arith.xori %bitcast_convert_type3A_338, %or3A_344 : vector<16xi32>
      %shift_right_logical3A_346 = arith.constant 18 : i32
      %shift_right_logical3A_347 = vector.broadcast %shift_right_logical3A_346 : i32 to vector<16xi32>
      %shift_right_logical3A_348 = arith.shrui %xor3A_345, %shift_right_logical3A_347 : vector<16xi32>
      %sub3A_349 = arith.subf %get3A_288, %get3A_286 : vector<16xf32>
      %mul3A_350 = arith.mulf %sub3A_349, %sub3A_349 : vector<16xf32>
      %bitcast_convert_type3A_351 = tpu.bitcast %get3A_286 : vector<16xf32> -> vector<16xi32>
      %shift_right_arithmetic3A_352 = arith.constant 31 : i32
      %shift_right_arithmetic3A_353 = vector.broadcast %shift_right_arithmetic3A_352 : i32 to vector<16xi32>
      %shift_right_arithmetic3A_354 = arith.shrsi %bitcast_convert_type3A_351, %shift_right_arithmetic3A_353 : vector<16xi32>
      %or3A_355 = arith.constant -2147483648 : i32
      %or3A_356 = vector.broadcast %or3A_355 : i32 to vector<16xi32>
      %or3A_357 = arith.ori %shift_right_arithmetic3A_354, %or3A_356 : vector<16xi32>
      %xor3A_358 = arith.xori %bitcast_convert_type3A_351, %or3A_357 : vector<16xi32>
      %shift_right_logical3A_359 = arith.constant 18 : i32
      %shift_right_logical3A_360 = vector.broadcast %shift_right_logical3A_359 : i32 to vector<16xi32>
      %shift_right_logical3A_361 = arith.shrui %xor3A_358, %shift_right_logical3A_360 : vector<16xi32>
      %sub3A_362 = arith.subf %get3A_296, %get3A_294 : vector<16xf32>
      %mul3A_363 = arith.mulf %sub3A_362, %sub3A_362 : vector<16xf32>
      %bitcast_convert_type3A_364 = tpu.bitcast %get3A_294 : vector<16xf32> -> vector<16xi32>
      %shift_right_arithmetic3A_365 = arith.constant 31 : i32
      %shift_right_arithmetic3A_366 = vector.broadcast %shift_right_arithmetic3A_365 : i32 to vector<16xi32>
      %shift_right_arithmetic3A_367 = arith.shrsi %bitcast_convert_type3A_364, %shift_right_arithmetic3A_366 : vector<16xi32>
      %or3A_368 = arith.constant -2147483648 : i32
      %or3A_369 = vector.broadcast %or3A_368 : i32 to vector<16xi32>
      %or3A_370 = arith.ori %shift_right_arithmetic3A_367, %or3A_369 : vector<16xi32>
      %xor3A_371 = arith.xori %bitcast_convert_type3A_364, %or3A_370 : vector<16xi32>
      %shift_right_logical3A_372 = arith.constant 18 : i32
      %shift_right_logical3A_373 = vector.broadcast %shift_right_logical3A_372 : i32 to vector<16xi32>
      %shift_right_logical3A_374 = arith.shrui %xor3A_371, %shift_right_logical3A_373 : vector<16xi32>
      %sub3A_375 = arith.subf %get3A_304, %get3A_302 : vector<16xf32>
      %mul3A_376 = arith.mulf %sub3A_375, %sub3A_375 : vector<16xf32>
      %bitcast_convert_type3A_377 = tpu.bitcast %get3A_302 : vector<16xf32> -> vector<16xi32>
      %shift_right_arithmetic3A_378 = arith.constant 31 : i32
      %shift_right_arithmetic3A_379 = vector.broadcast %shift_right_arithmetic3A_378 : i32 to vector<16xi32>
      %shift_right_arithmetic3A_380 = arith.shrsi %bitcast_convert_type3A_377, %shift_right_arithmetic3A_379 : vector<16xi32>
      %or3A_381 = arith.constant -2147483648 : i32
      %or3A_382 = vector.broadcast %or3A_381 : i32 to vector<16xi32>
      %or3A_383 = arith.ori %shift_right_arithmetic3A_380, %or3A_382 : vector<16xi32>
      %xor3A_384 = arith.xori %bitcast_convert_type3A_377, %or3A_383 : vector<16xi32>
      %shift_right_logical3A_385 = arith.constant 18 : i32
      %shift_right_logical3A_386 = vector.broadcast %shift_right_logical3A_385 : i32 to vector<16xi32>
      %shift_right_logical3A_387 = arith.shrui %xor3A_384, %shift_right_logical3A_386 : vector<16xi32>
      %sub3A_388 = arith.subf %get3A_312, %get3A_310 : vector<16xf32>
      %mul3A_389 = arith.mulf %sub3A_388, %sub3A_388 : vector<16xf32>
      %bitcast_convert_type3A_390 = tpu.bitcast %get3A_310 : vector<16xf32> -> vector<16xi32>
      %shift_right_arithmetic3A_391 = arith.constant 31 : i32
      %shift_right_arithmetic3A_392 = vector.broadcast %shift_right_arithmetic3A_391 : i32 to vector<16xi32>
      %shift_right_arithmetic3A_393 = arith.shrsi %bitcast_convert_type3A_390, %shift_right_arithmetic3A_392 : vector<16xi32>
      %or3A_394 = arith.constant -2147483648 : i32
      %or3A_395 = vector.broadcast %or3A_394 : i32 to vector<16xi32>
      %or3A_396 = arith.ori %shift_right_arithmetic3A_393, %or3A_395 : vector<16xi32>
      %xor3A_397 = arith.xori %bitcast_convert_type3A_390, %or3A_396 : vector<16xi32>
      %shift_right_logical3A_398 = arith.constant 18 : i32
      %shift_right_logical3A_399 = vector.broadcast %shift_right_logical3A_398 : i32 to vector<16xi32>
      %shift_right_logical3A_400 = arith.shrui %xor3A_397, %shift_right_logical3A_399 : vector<16xi32>
      %sub3A_401 = arith.subf %get3A_320, %get3A_318 : vector<16xf32>
      %mul3A_402 = arith.mulf %sub3A_401, %sub3A_401 : vector<16xf32>
      %bitcast_convert_type3A_403 = tpu.bitcast %get3A_318 : vector<16xf32> -> vector<16xi32>
      %shift_right_arithmetic3A_404 = arith.constant 31 : i32
      %shift_right_arithmetic3A_405 = vector.broadcast %shift_right_arithmetic3A_404 : i32 to vector<16xi32>
      %shift_right_arithmetic3A_406 = arith.shrsi %bitcast_convert_type3A_403, %shift_right_arithmetic3A_405 : vector<16xi32>
      %or3A_407 = arith.constant -2147483648 : i32
      %or3A_408 = vector.broadcast %or3A_407 : i32 to vector<16xi32>
      %or3A_409 = arith.ori %shift_right_arithmetic3A_406, %or3A_408 : vector<16xi32>
      %xor3A_410 = arith.xori %bitcast_convert_type3A_403, %or3A_409 : vector<16xi32>
      %shift_right_logical3A_411 = arith.constant 18 : i32
      %shift_right_logical3A_412 = vector.broadcast %shift_right_logical3A_411 : i32 to vector<16xi32>
      %shift_right_logical3A_413 = arith.shrui %xor3A_410, %shift_right_logical3A_412 : vector<16xi32>
      %sub3A_414 = arith.subf %get3A_328, %get3A_326 : vector<16xf32>
      %mul3A_415 = arith.mulf %sub3A_414, %sub3A_414 : vector<16xf32>
      %bitcast_convert_type3A_416 = tpu.bitcast %get3A_326 : vector<16xf32> -> vector<16xi32>
      %shift_right_arithmetic3A_417 = arith.constant 31 : i32
      %shift_right_arithmetic3A_418 = vector.broadcast %shift_right_arithmetic3A_417 : i32 to vector<16xi32>
      %shift_right_arithmetic3A_419 = arith.shrsi %bitcast_convert_type3A_416, %shift_right_arithmetic3A_418 : vector<16xi32>
      %or3A_420 = arith.constant -2147483648 : i32
      %or3A_421 = vector.broadcast %or3A_420 : i32 to vector<16xi32>
      %or3A_422 = arith.ori %shift_right_arithmetic3A_419, %or3A_421 : vector<16xi32>
      %xor3A_423 = arith.xori %bitcast_convert_type3A_416, %or3A_422 : vector<16xi32>
      %shift_right_logical3A_424 = arith.constant 18 : i32
      %shift_right_logical3A_425 = vector.broadcast %shift_right_logical3A_424 : i32 to vector<16xi32>
      %shift_right_logical3A_426 = arith.shrui %xor3A_423, %shift_right_logical3A_425 : vector<16xi32>
      tpu.vector_store_idx %arg6[%shift_right_logical3A_335], %broadcast_in_dim3A_7 {add = true} : memref<16384xi32, #tpu.memory_space<vmem>>[vector<16xi32>], vector<16xi32>,
      tpu.vector_store_idx %arg6[%shift_right_logical3A_348], %broadcast_in_dim3A_7 {add = true} : memref<16384xi32, #tpu.memory_space<vmem>>[vector<16xi32>], vector<16xi32>,
      tpu.vector_store_idx %arg6[%shift_right_logical3A_361], %broadcast_in_dim3A_7 {add = true} : memref<16384xi32, #tpu.memory_space<vmem>>[vector<16xi32>], vector<16xi32>,
      tpu.vector_store_idx %arg6[%shift_right_logical3A_374], %broadcast_in_dim3A_7 {add = true} : memref<16384xi32, #tpu.memory_space<vmem>>[vector<16xi32>], vector<16xi32>,
      tpu.vector_store_idx %arg6[%shift_right_logical3A_387], %broadcast_in_dim3A_7 {add = true} : memref<16384xi32, #tpu.memory_space<vmem>>[vector<16xi32>], vector<16xi32>,
      tpu.vector_store_idx %arg6[%shift_right_logical3A_400], %broadcast_in_dim3A_7 {add = true} : memref<16384xi32, #tpu.memory_space<vmem>>[vector<16xi32>], vector<16xi32>,
      tpu.vector_store_idx %arg6[%shift_right_logical3A_413], %broadcast_in_dim3A_7 {add = true} : memref<16384xi32, #tpu.memory_space<vmem>>[vector<16xi32>], vector<16xi32>,
      tpu.vector_store_idx %arg6[%shift_right_logical3A_426], %broadcast_in_dim3A_7 {add = true} : memref<16384xi32, #tpu.memory_space<vmem>>[vector<16xi32>], vector<16xi32>,
      tpu.vector_store_idx %arg7[%shift_right_logical3A_335], %mul3A_329 {add = true} : memref<16384xf32, #tpu.memory_space<vmem>>[vector<16xi32>], vector<16xf32>,
      tpu.vector_store_idx %arg7[%shift_right_logical3A_348], %mul3A_337 {add = true} : memref<16384xf32, #tpu.memory_space<vmem>>[vector<16xi32>], vector<16xf32>,
      tpu.vector_store_idx %arg7[%shift_right_logical3A_361], %mul3A_350 {add = true} : memref<16384xf32, #tpu.memory_space<vmem>>[vector<16xi32>], vector<16xf32>,
      tpu.vector_store_idx %arg7[%shift_right_logical3A_374], %mul3A_363 {add = true} : memref<16384xf32, #tpu.memory_space<vmem>>[vector<16xi32>], vector<16xf32>,
      tpu.vector_store_idx %arg7[%shift_right_logical3A_387], %mul3A_376 {add = true} : memref<16384xf32, #tpu.memory_space<vmem>>[vector<16xi32>], vector<16xf32>,
      tpu.vector_store_idx %arg7[%shift_right_logical3A_400], %mul3A_389 {add = true} : memref<16384xf32, #tpu.memory_space<vmem>>[vector<16xi32>], vector<16xf32>,
      tpu.vector_store_idx %arg7[%shift_right_logical3A_413], %mul3A_402 {add = true} : memref<16384xf32, #tpu.memory_space<vmem>>[vector<16xi32>], vector<16xf32>,
      tpu.vector_store_idx %arg7[%shift_right_logical3A_426], %mul3A_415 {add = true} : memref<16384xf32, #tpu.memory_space<vmem>>[vector<16xi32>], vector<16xf32>,
    }
    %scan3A_78 = arith.constant 128 : i32
    %add3A_79 = arith.constant 81920 : i32
    %add3A_80 = arith.addi %mul3A_2, %add3A_79 : i32
    %dma_start3A_81 = tpu.memref_slice %arg2[%add3A_80] : memref<8388608xf32, #tpu.memory_space<hbm>> -> memref<16384xf32, #tpu.memory_space<hbm>>
    %dma_start3A_82 = tpu.memref_slice %arg2[%add3A_80] : memref<8388608xf32, #tpu.memory_space<hbm>> -> memref<16384xf32, #tpu.memory_space<hbm>>
    tpu.enqueue_dma source(%dma_start3A_82 : memref<16384xf32, #tpu.memory_space<hbm>>) target(%arg9 : memref<16384xf32, #tpu.memory_space<vmem>>) target_semaphore(%arg13 : memref<!tpu.dma_semaphore, #tpu.memory_space<semaphore_mem>>)
    %dma_start3A_83 = tpu.memref_slice %arg3[%add3A_80] : memref<8388608xf32, #tpu.memory_space<hbm>> -> memref<16384xf32, #tpu.memory_space<hbm>>
    %dma_start3A_84 = tpu.memref_slice %arg3[%add3A_80] : memref<8388608xf32, #tpu.memory_space<hbm>> -> memref<16384xf32, #tpu.memory_space<hbm>>
    tpu.enqueue_dma source(%dma_start3A_84 : memref<16384xf32, #tpu.memory_space<hbm>>) target(%arg11 : memref<16384xf32, #tpu.memory_space<vmem>>) target_semaphore(%arg15 : memref<!tpu.dma_semaphore, #tpu.memory_space<semaphore_mem>>)
    %dma_wait3A_85 = tpu.memref_slice %arg2[%add3A_64] : memref<8388608xf32, #tpu.memory_space<hbm>> -> memref<16384xf32, #tpu.memory_space<hbm>>
    %dma_wait3A_86 = tpu.memref_slice %arg2[%add3A_64] : memref<8388608xf32, #tpu.memory_space<hbm>> -> memref<16384xf32, #tpu.memory_space<hbm>>
    tpu.wait_dma2 semaphore(%arg12 : memref<!tpu.dma_semaphore, #tpu.memory_space<semaphore_mem>>) src(%dma_wait3A_86 : memref<16384xf32, #tpu.memory_space<hbm>>) dst(%arg8 : memref<16384xf32, #tpu.memory_space<vmem>>)
    %dma_wait3A_87 = tpu.memref_slice %arg3[%add3A_64] : memref<8388608xf32, #tpu.memory_space<hbm>> -> memref<16384xf32, #tpu.memory_space<hbm>>
    %dma_wait3A_88 = tpu.memref_slice %arg3[%add3A_64] : memref<8388608xf32, #tpu.memory_space<hbm>> -> memref<16384xf32, #tpu.memory_space<hbm>>
    tpu.wait_dma2 semaphore(%arg14 : memref<!tpu.dma_semaphore, #tpu.memory_space<semaphore_mem>>) src(%dma_wait3A_88 : memref<16384xf32, #tpu.memory_space<hbm>>) dst(%arg10 : memref<16384xf32, #tpu.memory_space<vmem>>)
    %scan3A_89 = arith.constant 0 : i32
    %scan3A_90 = arith.constant 0 : i32
    %scan3A_91 = arith.constant 128 : i32
    %scan3A_92 = arith.addi %scan3A_90, %scan3A_91 : i32
    %scan3A_93 = arith.constant 1 : i32
    scf.for %scan3A_265 = %scan3A_90 to %scan3A_92 step %scan3A_93  : i32 {
      %mul3A_266 = arith.constant 128 : i32
      %mul3A_267 = arith.muli %scan3A_265, %mul3A_266 : i32
      %add3A_268 = arith.constant 0 : i32
      %add3A_269 = arith.addi %mul3A_267, %add3A_268 : i32
      %get3A = arith.index_cast %add3A_269 : i32 to index
      %get3A_270 = tpu.vector_load %arg8[%get3A] {strides = array<i32>} : memref<16384xf32, #tpu.memory_space<vmem>>, vector<16xf32>,
      %get3A_271 = arith.index_cast %add3A_269 : i32 to index
      %get3A_272 = tpu.vector_load %arg10[%get3A_271] {strides = array<i32>} : memref<16384xf32, #tpu.memory_space<vmem>>, vector<16xf32>,
      %mul3A_273 = arith.constant 128 : i32
      %mul3A_274 = arith.muli %scan3A_265, %mul3A_273 : i32
      %add3A_275 = arith.constant 16 : i32
      %add3A_276 = arith.addi %mul3A_274, %add3A_275 : i32
      %get3A_277 = arith.index_cast %add3A_276 : i32 to index
      %get3A_278 = tpu.vector_load %arg8[%get3A_277] {strides = array<i32>} : memref<16384xf32, #tpu.memory_space<vmem>>, vector<16xf32>,
      %get3A_279 = arith.index_cast %add3A_276 : i32 to index
      %get3A_280 = tpu.vector_load %arg10[%get3A_279] {strides = array<i32>} : memref<16384xf32, #tpu.memory_space<vmem>>, vector<16xf32>,
      %mul3A_281 = arith.constant 128 : i32
      %mul3A_282 = arith.muli %scan3A_265, %mul3A_281 : i32
      %add3A_283 = arith.constant 32 : i32
      %add3A_284 = arith.addi %mul3A_282, %add3A_283 : i32
      %get3A_285 = arith.index_cast %add3A_284 : i32 to index
      %get3A_286 = tpu.vector_load %arg8[%get3A_285] {strides = array<i32>} : memref<16384xf32, #tpu.memory_space<vmem>>, vector<16xf32>,
      %get3A_287 = arith.index_cast %add3A_284 : i32 to index
      %get3A_288 = tpu.vector_load %arg10[%get3A_287] {strides = array<i32>} : memref<16384xf32, #tpu.memory_space<vmem>>, vector<16xf32>,
      %mul3A_289 = arith.constant 128 : i32
      %mul3A_290 = arith.muli %scan3A_265, %mul3A_289 : i32
      %add3A_291 = arith.constant 48 : i32
      %add3A_292 = arith.addi %mul3A_290, %add3A_291 : i32
      %get3A_293 = arith.index_cast %add3A_292 : i32 to index
      %get3A_294 = tpu.vector_load %arg8[%get3A_293] {strides = array<i32>} : memref<16384xf32, #tpu.memory_space<vmem>>, vector<16xf32>,
      %get3A_295 = arith.index_cast %add3A_292 : i32 to index
      %get3A_296 = tpu.vector_load %arg10[%get3A_295] {strides = array<i32>} : memref<16384xf32, #tpu.memory_space<vmem>>, vector<16xf32>,
      %mul3A_297 = arith.constant 128 : i32
      %mul3A_298 = arith.muli %scan3A_265, %mul3A_297 : i32
      %add3A_299 = arith.constant 64 : i32
      %add3A_300 = arith.addi %mul3A_298, %add3A_299 : i32
      %get3A_301 = arith.index_cast %add3A_300 : i32 to index
      %get3A_302 = tpu.vector_load %arg8[%get3A_301] {strides = array<i32>} : memref<16384xf32, #tpu.memory_space<vmem>>, vector<16xf32>,
      %get3A_303 = arith.index_cast %add3A_300 : i32 to index
      %get3A_304 = tpu.vector_load %arg10[%get3A_303] {strides = array<i32>} : memref<16384xf32, #tpu.memory_space<vmem>>, vector<16xf32>,
      %mul3A_305 = arith.constant 128 : i32
      %mul3A_306 = arith.muli %scan3A_265, %mul3A_305 : i32
      %add3A_307 = arith.constant 80 : i32
      %add3A_308 = arith.addi %mul3A_306, %add3A_307 : i32
      %get3A_309 = arith.index_cast %add3A_308 : i32 to index
      %get3A_310 = tpu.vector_load %arg8[%get3A_309] {strides = array<i32>} : memref<16384xf32, #tpu.memory_space<vmem>>, vector<16xf32>,
      %get3A_311 = arith.index_cast %add3A_308 : i32 to index
      %get3A_312 = tpu.vector_load %arg10[%get3A_311] {strides = array<i32>} : memref<16384xf32, #tpu.memory_space<vmem>>, vector<16xf32>,
      %mul3A_313 = arith.constant 128 : i32
      %mul3A_314 = arith.muli %scan3A_265, %mul3A_313 : i32
      %add3A_315 = arith.constant 96 : i32
      %add3A_316 = arith.addi %mul3A_314, %add3A_315 : i32
      %get3A_317 = arith.index_cast %add3A_316 : i32 to index
      %get3A_318 = tpu.vector_load %arg8[%get3A_317] {strides = array<i32>} : memref<16384xf32, #tpu.memory_space<vmem>>, vector<16xf32>,
      %get3A_319 = arith.index_cast %add3A_316 : i32 to index
      %get3A_320 = tpu.vector_load %arg10[%get3A_319] {strides = array<i32>} : memref<16384xf32, #tpu.memory_space<vmem>>, vector<16xf32>,
      %mul3A_321 = arith.constant 128 : i32
      %mul3A_322 = arith.muli %scan3A_265, %mul3A_321 : i32
      %add3A_323 = arith.constant 112 : i32
      %add3A_324 = arith.addi %mul3A_322, %add3A_323 : i32
      %get3A_325 = arith.index_cast %add3A_324 : i32 to index
      %get3A_326 = tpu.vector_load %arg8[%get3A_325] {strides = array<i32>} : memref<16384xf32, #tpu.memory_space<vmem>>, vector<16xf32>,
      %get3A_327 = arith.index_cast %add3A_324 : i32 to index
      %get3A_328 = tpu.vector_load %arg10[%get3A_327] {strides = array<i32>} : memref<16384xf32, #tpu.memory_space<vmem>>, vector<16xf32>,
      %sub3A = arith.subf %get3A_272, %get3A_270 : vector<16xf32>
      %mul3A_329 = arith.mulf %sub3A, %sub3A : vector<16xf32>
      %bitcast_convert_type3A = tpu.bitcast %get3A_270 : vector<16xf32> -> vector<16xi32>
      %shift_right_arithmetic3A = arith.constant 31 : i32
      %shift_right_arithmetic3A_330 = vector.broadcast %shift_right_arithmetic3A : i32 to vector<16xi32>
      %shift_right_arithmetic3A_331 = arith.shrsi %bitcast_convert_type3A, %shift_right_arithmetic3A_330 : vector<16xi32>
      %or3A = arith.constant -2147483648 : i32
      %or3A_332 = vector.broadcast %or3A : i32 to vector<16xi32>
      %or3A_333 = arith.ori %shift_right_arithmetic3A_331, %or3A_332 : vector<16xi32>
      %xor3A = arith.xori %bitcast_convert_type3A, %or3A_333 : vector<16xi32>
      %shift_right_logical3A = arith.constant 18 : i32
      %shift_right_logical3A_334 = vector.broadcast %shift_right_logical3A : i32 to vector<16xi32>
      %shift_right_logical3A_335 = arith.shrui %xor3A, %shift_right_logical3A_334 : vector<16xi32>
      %sub3A_336 = arith.subf %get3A_280, %get3A_278 : vector<16xf32>
      %mul3A_337 = arith.mulf %sub3A_336, %sub3A_336 : vector<16xf32>
      %bitcast_convert_type3A_338 = tpu.bitcast %get3A_278 : vector<16xf32> -> vector<16xi32>
      %shift_right_arithmetic3A_339 = arith.constant 31 : i32
      %shift_right_arithmetic3A_340 = vector.broadcast %shift_right_arithmetic3A_339 : i32 to vector<16xi32>
      %shift_right_arithmetic3A_341 = arith.shrsi %bitcast_convert_type3A_338, %shift_right_arithmetic3A_340 : vector<16xi32>
      %or3A_342 = arith.constant -2147483648 : i32
      %or3A_343 = vector.broadcast %or3A_342 : i32 to vector<16xi32>
      %or3A_344 = arith.ori %shift_right_arithmetic3A_341, %or3A_343 : vector<16xi32>
      %xor3A_345 = arith.xori %bitcast_convert_type3A_338, %or3A_344 : vector<16xi32>
      %shift_right_logical3A_346 = arith.constant 18 : i32
      %shift_right_logical3A_347 = vector.broadcast %shift_right_logical3A_346 : i32 to vector<16xi32>
      %shift_right_logical3A_348 = arith.shrui %xor3A_345, %shift_right_logical3A_347 : vector<16xi32>
      %sub3A_349 = arith.subf %get3A_288, %get3A_286 : vector<16xf32>
      %mul3A_350 = arith.mulf %sub3A_349, %sub3A_349 : vector<16xf32>
      %bitcast_convert_type3A_351 = tpu.bitcast %get3A_286 : vector<16xf32> -> vector<16xi32>
      %shift_right_arithmetic3A_352 = arith.constant 31 : i32
      %shift_right_arithmetic3A_353 = vector.broadcast %shift_right_arithmetic3A_352 : i32 to vector<16xi32>
      %shift_right_arithmetic3A_354 = arith.shrsi %bitcast_convert_type3A_351, %shift_right_arithmetic3A_353 : vector<16xi32>
      %or3A_355 = arith.constant -2147483648 : i32
      %or3A_356 = vector.broadcast %or3A_355 : i32 to vector<16xi32>
      %or3A_357 = arith.ori %shift_right_arithmetic3A_354, %or3A_356 : vector<16xi32>
      %xor3A_358 = arith.xori %bitcast_convert_type3A_351, %or3A_357 : vector<16xi32>
      %shift_right_logical3A_359 = arith.constant 18 : i32
      %shift_right_logical3A_360 = vector.broadcast %shift_right_logical3A_359 : i32 to vector<16xi32>
      %shift_right_logical3A_361 = arith.shrui %xor3A_358, %shift_right_logical3A_360 : vector<16xi32>
      %sub3A_362 = arith.subf %get3A_296, %get3A_294 : vector<16xf32>
      %mul3A_363 = arith.mulf %sub3A_362, %sub3A_362 : vector<16xf32>
      %bitcast_convert_type3A_364 = tpu.bitcast %get3A_294 : vector<16xf32> -> vector<16xi32>
      %shift_right_arithmetic3A_365 = arith.constant 31 : i32
      %shift_right_arithmetic3A_366 = vector.broadcast %shift_right_arithmetic3A_365 : i32 to vector<16xi32>
      %shift_right_arithmetic3A_367 = arith.shrsi %bitcast_convert_type3A_364, %shift_right_arithmetic3A_366 : vector<16xi32>
      %or3A_368 = arith.constant -2147483648 : i32
      %or3A_369 = vector.broadcast %or3A_368 : i32 to vector<16xi32>
      %or3A_370 = arith.ori %shift_right_arithmetic3A_367, %or3A_369 : vector<16xi32>
      %xor3A_371 = arith.xori %bitcast_convert_type3A_364, %or3A_370 : vector<16xi32>
      %shift_right_logical3A_372 = arith.constant 18 : i32
      %shift_right_logical3A_373 = vector.broadcast %shift_right_logical3A_372 : i32 to vector<16xi32>
      %shift_right_logical3A_374 = arith.shrui %xor3A_371, %shift_right_logical3A_373 : vector<16xi32>
      %sub3A_375 = arith.subf %get3A_304, %get3A_302 : vector<16xf32>
      %mul3A_376 = arith.mulf %sub3A_375, %sub3A_375 : vector<16xf32>
      %bitcast_convert_type3A_377 = tpu.bitcast %get3A_302 : vector<16xf32> -> vector<16xi32>
      %shift_right_arithmetic3A_378 = arith.constant 31 : i32
      %shift_right_arithmetic3A_379 = vector.broadcast %shift_right_arithmetic3A_378 : i32 to vector<16xi32>
      %shift_right_arithmetic3A_380 = arith.shrsi %bitcast_convert_type3A_377, %shift_right_arithmetic3A_379 : vector<16xi32>
      %or3A_381 = arith.constant -2147483648 : i32
      %or3A_382 = vector.broadcast %or3A_381 : i32 to vector<16xi32>
      %or3A_383 = arith.ori %shift_right_arithmetic3A_380, %or3A_382 : vector<16xi32>
      %xor3A_384 = arith.xori %bitcast_convert_type3A_377, %or3A_383 : vector<16xi32>
      %shift_right_logical3A_385 = arith.constant 18 : i32
      %shift_right_logical3A_386 = vector.broadcast %shift_right_logical3A_385 : i32 to vector<16xi32>
      %shift_right_logical3A_387 = arith.shrui %xor3A_384, %shift_right_logical3A_386 : vector<16xi32>
      %sub3A_388 = arith.subf %get3A_312, %get3A_310 : vector<16xf32>
      %mul3A_389 = arith.mulf %sub3A_388, %sub3A_388 : vector<16xf32>
      %bitcast_convert_type3A_390 = tpu.bitcast %get3A_310 : vector<16xf32> -> vector<16xi32>
      %shift_right_arithmetic3A_391 = arith.constant 31 : i32
      %shift_right_arithmetic3A_392 = vector.broadcast %shift_right_arithmetic3A_391 : i32 to vector<16xi32>
      %shift_right_arithmetic3A_393 = arith.shrsi %bitcast_convert_type3A_390, %shift_right_arithmetic3A_392 : vector<16xi32>
      %or3A_394 = arith.constant -2147483648 : i32
      %or3A_395 = vector.broadcast %or3A_394 : i32 to vector<16xi32>
      %or3A_396 = arith.ori %shift_right_arithmetic3A_393, %or3A_395 : vector<16xi32>
      %xor3A_397 = arith.xori %bitcast_convert_type3A_390, %or3A_396 : vector<16xi32>
      %shift_right_logical3A_398 = arith.constant 18 : i32
      %shift_right_logical3A_399 = vector.broadcast %shift_right_logical3A_398 : i32 to vector<16xi32>
      %shift_right_logical3A_400 = arith.shrui %xor3A_397, %shift_right_logical3A_399 : vector<16xi32>
      %sub3A_401 = arith.subf %get3A_320, %get3A_318 : vector<16xf32>
      %mul3A_402 = arith.mulf %sub3A_401, %sub3A_401 : vector<16xf32>
      %bitcast_convert_type3A_403 = tpu.bitcast %get3A_318 : vector<16xf32> -> vector<16xi32>
      %shift_right_arithmetic3A_404 = arith.constant 31 : i32
      %shift_right_arithmetic3A_405 = vector.broadcast %shift_right_arithmetic3A_404 : i32 to vector<16xi32>
      %shift_right_arithmetic3A_406 = arith.shrsi %bitcast_convert_type3A_403, %shift_right_arithmetic3A_405 : vector<16xi32>
      %or3A_407 = arith.constant -2147483648 : i32
      %or3A_408 = vector.broadcast %or3A_407 : i32 to vector<16xi32>
      %or3A_409 = arith.ori %shift_right_arithmetic3A_406, %or3A_408 : vector<16xi32>
      %xor3A_410 = arith.xori %bitcast_convert_type3A_403, %or3A_409 : vector<16xi32>
      %shift_right_logical3A_411 = arith.constant 18 : i32
      %shift_right_logical3A_412 = vector.broadcast %shift_right_logical3A_411 : i32 to vector<16xi32>
      %shift_right_logical3A_413 = arith.shrui %xor3A_410, %shift_right_logical3A_412 : vector<16xi32>
      %sub3A_414 = arith.subf %get3A_328, %get3A_326 : vector<16xf32>
      %mul3A_415 = arith.mulf %sub3A_414, %sub3A_414 : vector<16xf32>
      %bitcast_convert_type3A_416 = tpu.bitcast %get3A_326 : vector<16xf32> -> vector<16xi32>
      %shift_right_arithmetic3A_417 = arith.constant 31 : i32
      %shift_right_arithmetic3A_418 = vector.broadcast %shift_right_arithmetic3A_417 : i32 to vector<16xi32>
      %shift_right_arithmetic3A_419 = arith.shrsi %bitcast_convert_type3A_416, %shift_right_arithmetic3A_418 : vector<16xi32>
      %or3A_420 = arith.constant -2147483648 : i32
      %or3A_421 = vector.broadcast %or3A_420 : i32 to vector<16xi32>
      %or3A_422 = arith.ori %shift_right_arithmetic3A_419, %or3A_421 : vector<16xi32>
      %xor3A_423 = arith.xori %bitcast_convert_type3A_416, %or3A_422 : vector<16xi32>
      %shift_right_logical3A_424 = arith.constant 18 : i32
      %shift_right_logical3A_425 = vector.broadcast %shift_right_logical3A_424 : i32 to vector<16xi32>
      %shift_right_logical3A_426 = arith.shrui %xor3A_423, %shift_right_logical3A_425 : vector<16xi32>
      tpu.vector_store_idx %arg6[%shift_right_logical3A_335], %broadcast_in_dim3A_7 {add = true} : memref<16384xi32, #tpu.memory_space<vmem>>[vector<16xi32>], vector<16xi32>,
      tpu.vector_store_idx %arg6[%shift_right_logical3A_348], %broadcast_in_dim3A_7 {add = true} : memref<16384xi32, #tpu.memory_space<vmem>>[vector<16xi32>], vector<16xi32>,
      tpu.vector_store_idx %arg6[%shift_right_logical3A_361], %broadcast_in_dim3A_7 {add = true} : memref<16384xi32, #tpu.memory_space<vmem>>[vector<16xi32>], vector<16xi32>,
      tpu.vector_store_idx %arg6[%shift_right_logical3A_374], %broadcast_in_dim3A_7 {add = true} : memref<16384xi32, #tpu.memory_space<vmem>>[vector<16xi32>], vector<16xi32>,
      tpu.vector_store_idx %arg6[%shift_right_logical3A_387], %broadcast_in_dim3A_7 {add = true} : memref<16384xi32, #tpu.memory_space<vmem>>[vector<16xi32>], vector<16xi32>,
      tpu.vector_store_idx %arg6[%shift_right_logical3A_400], %broadcast_in_dim3A_7 {add = true} : memref<16384xi32, #tpu.memory_space<vmem>>[vector<16xi32>], vector<16xi32>,
      tpu.vector_store_idx %arg6[%shift_right_logical3A_413], %broadcast_in_dim3A_7 {add = true} : memref<16384xi32, #tpu.memory_space<vmem>>[vector<16xi32>], vector<16xi32>,
      tpu.vector_store_idx %arg6[%shift_right_logical3A_426], %broadcast_in_dim3A_7 {add = true} : memref<16384xi32, #tpu.memory_space<vmem>>[vector<16xi32>], vector<16xi32>,
      tpu.vector_store_idx %arg7[%shift_right_logical3A_335], %mul3A_329 {add = true} : memref<16384xf32, #tpu.memory_space<vmem>>[vector<16xi32>], vector<16xf32>,
      tpu.vector_store_idx %arg7[%shift_right_logical3A_348], %mul3A_337 {add = true} : memref<16384xf32, #tpu.memory_space<vmem>>[vector<16xi32>], vector<16xf32>,
      tpu.vector_store_idx %arg7[%shift_right_logical3A_361], %mul3A_350 {add = true} : memref<16384xf32, #tpu.memory_space<vmem>>[vector<16xi32>], vector<16xf32>,
      tpu.vector_store_idx %arg7[%shift_right_logical3A_374], %mul3A_363 {add = true} : memref<16384xf32, #tpu.memory_space<vmem>>[vector<16xi32>], vector<16xf32>,
      tpu.vector_store_idx %arg7[%shift_right_logical3A_387], %mul3A_376 {add = true} : memref<16384xf32, #tpu.memory_space<vmem>>[vector<16xi32>], vector<16xf32>,
      tpu.vector_store_idx %arg7[%shift_right_logical3A_400], %mul3A_389 {add = true} : memref<16384xf32, #tpu.memory_space<vmem>>[vector<16xi32>], vector<16xf32>,
      tpu.vector_store_idx %arg7[%shift_right_logical3A_413], %mul3A_402 {add = true} : memref<16384xf32, #tpu.memory_space<vmem>>[vector<16xi32>], vector<16xf32>,
      tpu.vector_store_idx %arg7[%shift_right_logical3A_426], %mul3A_415 {add = true} : memref<16384xf32, #tpu.memory_space<vmem>>[vector<16xi32>], vector<16xf32>,
    }
    %scan3A_94 = arith.constant 128 : i32
    %add3A_95 = arith.constant 98304 : i32
    %add3A_96 = arith.addi %mul3A_2, %add3A_95 : i32
    %dma_start3A_97 = tpu.memref_slice %arg2[%add3A_96] : memref<8388608xf32, #tpu.memory_space<hbm>> -> memref<16384xf32, #tpu.memory_space<hbm>>
    %dma_start3A_98 = tpu.memref_slice %arg2[%add3A_96] : memref<8388608xf32, #tpu.memory_space<hbm>> -> memref<16384xf32, #tpu.memory_space<hbm>>
    tpu.enqueue_dma source(%dma_start3A_98 : memref<16384xf32, #tpu.memory_space<hbm>>) target(%arg8 : memref<16384xf32, #tpu.memory_space<vmem>>) target_semaphore(%arg12 : memref<!tpu.dma_semaphore, #tpu.memory_space<semaphore_mem>>)
    %dma_start3A_99 = tpu.memref_slice %arg3[%add3A_96] : memref<8388608xf32, #tpu.memory_space<hbm>> -> memref<16384xf32, #tpu.memory_space<hbm>>
    %dma_start3A_100 = tpu.memref_slice %arg3[%add3A_96] : memref<8388608xf32, #tpu.memory_space<hbm>> -> memref<16384xf32, #tpu.memory_space<hbm>>
    tpu.enqueue_dma source(%dma_start3A_100 : memref<16384xf32, #tpu.memory_space<hbm>>) target(%arg10 : memref<16384xf32, #tpu.memory_space<vmem>>) target_semaphore(%arg14 : memref<!tpu.dma_semaphore, #tpu.memory_space<semaphore_mem>>)
    %dma_wait3A_101 = tpu.memref_slice %arg2[%add3A_80] : memref<8388608xf32, #tpu.memory_space<hbm>> -> memref<16384xf32, #tpu.memory_space<hbm>>
    %dma_wait3A_102 = tpu.memref_slice %arg2[%add3A_80] : memref<8388608xf32, #tpu.memory_space<hbm>> -> memref<16384xf32, #tpu.memory_space<hbm>>
    tpu.wait_dma2 semaphore(%arg13 : memref<!tpu.dma_semaphore, #tpu.memory_space<semaphore_mem>>) src(%dma_wait3A_102 : memref<16384xf32, #tpu.memory_space<hbm>>) dst(%arg9 : memref<16384xf32, #tpu.memory_space<vmem>>)
    %dma_wait3A_103 = tpu.memref_slice %arg3[%add3A_80] : memref<8388608xf32, #tpu.memory_space<hbm>> -> memref<16384xf32, #tpu.memory_space<hbm>>
    %dma_wait3A_104 = tpu.memref_slice %arg3[%add3A_80] : memref<8388608xf32, #tpu.memory_space<hbm>> -> memref<16384xf32, #tpu.memory_space<hbm>>
    tpu.wait_dma2 semaphore(%arg15 : memref<!tpu.dma_semaphore, #tpu.memory_space<semaphore_mem>>) src(%dma_wait3A_104 : memref<16384xf32, #tpu.memory_space<hbm>>) dst(%arg11 : memref<16384xf32, #tpu.memory_space<vmem>>)
    %scan3A_105 = arith.constant 0 : i32
    %scan3A_106 = arith.constant 0 : i32
    %scan3A_107 = arith.constant 128 : i32
    %scan3A_108 = arith.addi %scan3A_106, %scan3A_107 : i32
    %scan3A_109 = arith.constant 1 : i32
    scf.for %scan3A_265 = %scan3A_106 to %scan3A_108 step %scan3A_109  : i32 {
      %mul3A_266 = arith.constant 128 : i32
      %mul3A_267 = arith.muli %scan3A_265, %mul3A_266 : i32
      %add3A_268 = arith.constant 0 : i32
      %add3A_269 = arith.addi %mul3A_267, %add3A_268 : i32
      %get3A = arith.index_cast %add3A_269 : i32 to index
      %get3A_270 = tpu.vector_load %arg9[%get3A] {strides = array<i32>} : memref<16384xf32, #tpu.memory_space<vmem>>, vector<16xf32>,
      %get3A_271 = arith.index_cast %add3A_269 : i32 to index
      %get3A_272 = tpu.vector_load %arg11[%get3A_271] {strides = array<i32>} : memref<16384xf32, #tpu.memory_space<vmem>>, vector<16xf32>,
      %mul3A_273 = arith.constant 128 : i32
      %mul3A_274 = arith.muli %scan3A_265, %mul3A_273 : i32
      %add3A_275 = arith.constant 16 : i32
      %add3A_276 = arith.addi %mul3A_274, %add3A_275 : i32
      %get3A_277 = arith.index_cast %add3A_276 : i32 to index
      %get3A_278 = tpu.vector_load %arg9[%get3A_277] {strides = array<i32>} : memref<16384xf32, #tpu.memory_space<vmem>>, vector<16xf32>,
      %get3A_279 = arith.index_cast %add3A_276 : i32 to index
      %get3A_280 = tpu.vector_load %arg11[%get3A_279] {strides = array<i32>} : memref<16384xf32, #tpu.memory_space<vmem>>, vector<16xf32>,
      %mul3A_281 = arith.constant 128 : i32
      %mul3A_282 = arith.muli %scan3A_265, %mul3A_281 : i32
      %add3A_283 = arith.constant 32 : i32
      %add3A_284 = arith.addi %mul3A_282, %add3A_283 : i32
      %get3A_285 = arith.index_cast %add3A_284 : i32 to index
      %get3A_286 = tpu.vector_load %arg9[%get3A_285] {strides = array<i32>} : memref<16384xf32, #tpu.memory_space<vmem>>, vector<16xf32>,
      %get3A_287 = arith.index_cast %add3A_284 : i32 to index
      %get3A_288 = tpu.vector_load %arg11[%get3A_287] {strides = array<i32>} : memref<16384xf32, #tpu.memory_space<vmem>>, vector<16xf32>,
      %mul3A_289 = arith.constant 128 : i32
      %mul3A_290 = arith.muli %scan3A_265, %mul3A_289 : i32
      %add3A_291 = arith.constant 48 : i32
      %add3A_292 = arith.addi %mul3A_290, %add3A_291 : i32
      %get3A_293 = arith.index_cast %add3A_292 : i32 to index
      %get3A_294 = tpu.vector_load %arg9[%get3A_293] {strides = array<i32>} : memref<16384xf32, #tpu.memory_space<vmem>>, vector<16xf32>,
      %get3A_295 = arith.index_cast %add3A_292 : i32 to index
      %get3A_296 = tpu.vector_load %arg11[%get3A_295] {strides = array<i32>} : memref<16384xf32, #tpu.memory_space<vmem>>, vector<16xf32>,
      %mul3A_297 = arith.constant 128 : i32
      %mul3A_298 = arith.muli %scan3A_265, %mul3A_297 : i32
      %add3A_299 = arith.constant 64 : i32
      %add3A_300 = arith.addi %mul3A_298, %add3A_299 : i32
      %get3A_301 = arith.index_cast %add3A_300 : i32 to index
      %get3A_302 = tpu.vector_load %arg9[%get3A_301] {strides = array<i32>} : memref<16384xf32, #tpu.memory_space<vmem>>, vector<16xf32>,
      %get3A_303 = arith.index_cast %add3A_300 : i32 to index
      %get3A_304 = tpu.vector_load %arg11[%get3A_303] {strides = array<i32>} : memref<16384xf32, #tpu.memory_space<vmem>>, vector<16xf32>,
      %mul3A_305 = arith.constant 128 : i32
      %mul3A_306 = arith.muli %scan3A_265, %mul3A_305 : i32
      %add3A_307 = arith.constant 80 : i32
      %add3A_308 = arith.addi %mul3A_306, %add3A_307 : i32
      %get3A_309 = arith.index_cast %add3A_308 : i32 to index
      %get3A_310 = tpu.vector_load %arg9[%get3A_309] {strides = array<i32>} : memref<16384xf32, #tpu.memory_space<vmem>>, vector<16xf32>,
      %get3A_311 = arith.index_cast %add3A_308 : i32 to index
      %get3A_312 = tpu.vector_load %arg11[%get3A_311] {strides = array<i32>} : memref<16384xf32, #tpu.memory_space<vmem>>, vector<16xf32>,
      %mul3A_313 = arith.constant 128 : i32
      %mul3A_314 = arith.muli %scan3A_265, %mul3A_313 : i32
      %add3A_315 = arith.constant 96 : i32
      %add3A_316 = arith.addi %mul3A_314, %add3A_315 : i32
      %get3A_317 = arith.index_cast %add3A_316 : i32 to index
      %get3A_318 = tpu.vector_load %arg9[%get3A_317] {strides = array<i32>} : memref<16384xf32, #tpu.memory_space<vmem>>, vector<16xf32>,
      %get3A_319 = arith.index_cast %add3A_316 : i32 to index
      %get3A_320 = tpu.vector_load %arg11[%get3A_319] {strides = array<i32>} : memref<16384xf32, #tpu.memory_space<vmem>>, vector<16xf32>,
      %mul3A_321 = arith.constant 128 : i32
      %mul3A_322 = arith.muli %scan3A_265, %mul3A_321 : i32
      %add3A_323 = arith.constant 112 : i32
      %add3A_324 = arith.addi %mul3A_322, %add3A_323 : i32
      %get3A_325 = arith.index_cast %add3A_324 : i32 to index
      %get3A_326 = tpu.vector_load %arg9[%get3A_325] {strides = array<i32>} : memref<16384xf32, #tpu.memory_space<vmem>>, vector<16xf32>,
      %get3A_327 = arith.index_cast %add3A_324 : i32 to index
      %get3A_328 = tpu.vector_load %arg11[%get3A_327] {strides = array<i32>} : memref<16384xf32, #tpu.memory_space<vmem>>, vector<16xf32>,
      %sub3A = arith.subf %get3A_272, %get3A_270 : vector<16xf32>
      %mul3A_329 = arith.mulf %sub3A, %sub3A : vector<16xf32>
      %bitcast_convert_type3A = tpu.bitcast %get3A_270 : vector<16xf32> -> vector<16xi32>
      %shift_right_arithmetic3A = arith.constant 31 : i32
      %shift_right_arithmetic3A_330 = vector.broadcast %shift_right_arithmetic3A : i32 to vector<16xi32>
      %shift_right_arithmetic3A_331 = arith.shrsi %bitcast_convert_type3A, %shift_right_arithmetic3A_330 : vector<16xi32>
      %or3A = arith.constant -2147483648 : i32
      %or3A_332 = vector.broadcast %or3A : i32 to vector<16xi32>
      %or3A_333 = arith.ori %shift_right_arithmetic3A_331, %or3A_332 : vector<16xi32>
      %xor3A = arith.xori %bitcast_convert_type3A, %or3A_333 : vector<16xi32>
      %shift_right_logical3A = arith.constant 18 : i32
      %shift_right_logical3A_334 = vector.broadcast %shift_right_logical3A : i32 to vector<16xi32>
      %shift_right_logical3A_335 = arith.shrui %xor3A, %shift_right_logical3A_334 : vector<16xi32>
      %sub3A_336 = arith.subf %get3A_280, %get3A_278 : vector<16xf32>
      %mul3A_337 = arith.mulf %sub3A_336, %sub3A_336 : vector<16xf32>
      %bitcast_convert_type3A_338 = tpu.bitcast %get3A_278 : vector<16xf32> -> vector<16xi32>
      %shift_right_arithmetic3A_339 = arith.constant 31 : i32
      %shift_right_arithmetic3A_340 = vector.broadcast %shift_right_arithmetic3A_339 : i32 to vector<16xi32>
      %shift_right_arithmetic3A_341 = arith.shrsi %bitcast_convert_type3A_338, %shift_right_arithmetic3A_340 : vector<16xi32>
      %or3A_342 = arith.constant -2147483648 : i32
      %or3A_343 = vector.broadcast %or3A_342 : i32 to vector<16xi32>
      %or3A_344 = arith.ori %shift_right_arithmetic3A_341, %or3A_343 : vector<16xi32>
      %xor3A_345 = arith.xori %bitcast_convert_type3A_338, %or3A_344 : vector<16xi32>
      %shift_right_logical3A_346 = arith.constant 18 : i32
      %shift_right_logical3A_347 = vector.broadcast %shift_right_logical3A_346 : i32 to vector<16xi32>
      %shift_right_logical3A_348 = arith.shrui %xor3A_345, %shift_right_logical3A_347 : vector<16xi32>
      %sub3A_349 = arith.subf %get3A_288, %get3A_286 : vector<16xf32>
      %mul3A_350 = arith.mulf %sub3A_349, %sub3A_349 : vector<16xf32>
      %bitcast_convert_type3A_351 = tpu.bitcast %get3A_286 : vector<16xf32> -> vector<16xi32>
      %shift_right_arithmetic3A_352 = arith.constant 31 : i32
      %shift_right_arithmetic3A_353 = vector.broadcast %shift_right_arithmetic3A_352 : i32 to vector<16xi32>
      %shift_right_arithmetic3A_354 = arith.shrsi %bitcast_convert_type3A_351, %shift_right_arithmetic3A_353 : vector<16xi32>
      %or3A_355 = arith.constant -2147483648 : i32
      %or3A_356 = vector.broadcast %or3A_355 : i32 to vector<16xi32>
      %or3A_357 = arith.ori %shift_right_arithmetic3A_354, %or3A_356 : vector<16xi32>
      %xor3A_358 = arith.xori %bitcast_convert_type3A_351, %or3A_357 : vector<16xi32>
      %shift_right_logical3A_359 = arith.constant 18 : i32
      %shift_right_logical3A_360 = vector.broadcast %shift_right_logical3A_359 : i32 to vector<16xi32>
      %shift_right_logical3A_361 = arith.shrui %xor3A_358, %shift_right_logical3A_360 : vector<16xi32>
      %sub3A_362 = arith.subf %get3A_296, %get3A_294 : vector<16xf32>
      %mul3A_363 = arith.mulf %sub3A_362, %sub3A_362 : vector<16xf32>
      %bitcast_convert_type3A_364 = tpu.bitcast %get3A_294 : vector<16xf32> -> vector<16xi32>
      %shift_right_arithmetic3A_365 = arith.constant 31 : i32
      %shift_right_arithmetic3A_366 = vector.broadcast %shift_right_arithmetic3A_365 : i32 to vector<16xi32>
      %shift_right_arithmetic3A_367 = arith.shrsi %bitcast_convert_type3A_364, %shift_right_arithmetic3A_366 : vector<16xi32>
      %or3A_368 = arith.constant -2147483648 : i32
      %or3A_369 = vector.broadcast %or3A_368 : i32 to vector<16xi32>
      %or3A_370 = arith.ori %shift_right_arithmetic3A_367, %or3A_369 : vector<16xi32>
      %xor3A_371 = arith.xori %bitcast_convert_type3A_364, %or3A_370 : vector<16xi32>
      %shift_right_logical3A_372 = arith.constant 18 : i32
      %shift_right_logical3A_373 = vector.broadcast %shift_right_logical3A_372 : i32 to vector<16xi32>
      %shift_right_logical3A_374 = arith.shrui %xor3A_371, %shift_right_logical3A_373 : vector<16xi32>
      %sub3A_375 = arith.subf %get3A_304, %get3A_302 : vector<16xf32>
      %mul3A_376 = arith.mulf %sub3A_375, %sub3A_375 : vector<16xf32>
      %bitcast_convert_type3A_377 = tpu.bitcast %get3A_302 : vector<16xf32> -> vector<16xi32>
      %shift_right_arithmetic3A_378 = arith.constant 31 : i32
      %shift_right_arithmetic3A_379 = vector.broadcast %shift_right_arithmetic3A_378 : i32 to vector<16xi32>
      %shift_right_arithmetic3A_380 = arith.shrsi %bitcast_convert_type3A_377, %shift_right_arithmetic3A_379 : vector<16xi32>
      %or3A_381 = arith.constant -2147483648 : i32
      %or3A_382 = vector.broadcast %or3A_381 : i32 to vector<16xi32>
      %or3A_383 = arith.ori %shift_right_arithmetic3A_380, %or3A_382 : vector<16xi32>
      %xor3A_384 = arith.xori %bitcast_convert_type3A_377, %or3A_383 : vector<16xi32>
      %shift_right_logical3A_385 = arith.constant 18 : i32
      %shift_right_logical3A_386 = vector.broadcast %shift_right_logical3A_385 : i32 to vector<16xi32>
      %shift_right_logical3A_387 = arith.shrui %xor3A_384, %shift_right_logical3A_386 : vector<16xi32>
      %sub3A_388 = arith.subf %get3A_312, %get3A_310 : vector<16xf32>
      %mul3A_389 = arith.mulf %sub3A_388, %sub3A_388 : vector<16xf32>
      %bitcast_convert_type3A_390 = tpu.bitcast %get3A_310 : vector<16xf32> -> vector<16xi32>
      %shift_right_arithmetic3A_391 = arith.constant 31 : i32
      %shift_right_arithmetic3A_392 = vector.broadcast %shift_right_arithmetic3A_391 : i32 to vector<16xi32>
      %shift_right_arithmetic3A_393 = arith.shrsi %bitcast_convert_type3A_390, %shift_right_arithmetic3A_392 : vector<16xi32>
      %or3A_394 = arith.constant -2147483648 : i32
      %or3A_395 = vector.broadcast %or3A_394 : i32 to vector<16xi32>
      %or3A_396 = arith.ori %shift_right_arithmetic3A_393, %or3A_395 : vector<16xi32>
      %xor3A_397 = arith.xori %bitcast_convert_type3A_390, %or3A_396 : vector<16xi32>
      %shift_right_logical3A_398 = arith.constant 18 : i32
      %shift_right_logical3A_399 = vector.broadcast %shift_right_logical3A_398 : i32 to vector<16xi32>
      %shift_right_logical3A_400 = arith.shrui %xor3A_397, %shift_right_logical3A_399 : vector<16xi32>
      %sub3A_401 = arith.subf %get3A_320, %get3A_318 : vector<16xf32>
      %mul3A_402 = arith.mulf %sub3A_401, %sub3A_401 : vector<16xf32>
      %bitcast_convert_type3A_403 = tpu.bitcast %get3A_318 : vector<16xf32> -> vector<16xi32>
      %shift_right_arithmetic3A_404 = arith.constant 31 : i32
      %shift_right_arithmetic3A_405 = vector.broadcast %shift_right_arithmetic3A_404 : i32 to vector<16xi32>
      %shift_right_arithmetic3A_406 = arith.shrsi %bitcast_convert_type3A_403, %shift_right_arithmetic3A_405 : vector<16xi32>
      %or3A_407 = arith.constant -2147483648 : i32
      %or3A_408 = vector.broadcast %or3A_407 : i32 to vector<16xi32>
      %or3A_409 = arith.ori %shift_right_arithmetic3A_406, %or3A_408 : vector<16xi32>
      %xor3A_410 = arith.xori %bitcast_convert_type3A_403, %or3A_409 : vector<16xi32>
      %shift_right_logical3A_411 = arith.constant 18 : i32
      %shift_right_logical3A_412 = vector.broadcast %shift_right_logical3A_411 : i32 to vector<16xi32>
      %shift_right_logical3A_413 = arith.shrui %xor3A_410, %shift_right_logical3A_412 : vector<16xi32>
      %sub3A_414 = arith.subf %get3A_328, %get3A_326 : vector<16xf32>
      %mul3A_415 = arith.mulf %sub3A_414, %sub3A_414 : vector<16xf32>
      %bitcast_convert_type3A_416 = tpu.bitcast %get3A_326 : vector<16xf32> -> vector<16xi32>
      %shift_right_arithmetic3A_417 = arith.constant 31 : i32
      %shift_right_arithmetic3A_418 = vector.broadcast %shift_right_arithmetic3A_417 : i32 to vector<16xi32>
      %shift_right_arithmetic3A_419 = arith.shrsi %bitcast_convert_type3A_416, %shift_right_arithmetic3A_418 : vector<16xi32>
      %or3A_420 = arith.constant -2147483648 : i32
      %or3A_421 = vector.broadcast %or3A_420 : i32 to vector<16xi32>
      %or3A_422 = arith.ori %shift_right_arithmetic3A_419, %or3A_421 : vector<16xi32>
      %xor3A_423 = arith.xori %bitcast_convert_type3A_416, %or3A_422 : vector<16xi32>
      %shift_right_logical3A_424 = arith.constant 18 : i32
      %shift_right_logical3A_425 = vector.broadcast %shift_right_logical3A_424 : i32 to vector<16xi32>
      %shift_right_logical3A_426 = arith.shrui %xor3A_423, %shift_right_logical3A_425 : vector<16xi32>
      tpu.vector_store_idx %arg6[%shift_right_logical3A_335], %broadcast_in_dim3A_7 {add = true} : memref<16384xi32, #tpu.memory_space<vmem>>[vector<16xi32>], vector<16xi32>,
      tpu.vector_store_idx %arg6[%shift_right_logical3A_348], %broadcast_in_dim3A_7 {add = true} : memref<16384xi32, #tpu.memory_space<vmem>>[vector<16xi32>], vector<16xi32>,
      tpu.vector_store_idx %arg6[%shift_right_logical3A_361], %broadcast_in_dim3A_7 {add = true} : memref<16384xi32, #tpu.memory_space<vmem>>[vector<16xi32>], vector<16xi32>,
      tpu.vector_store_idx %arg6[%shift_right_logical3A_374], %broadcast_in_dim3A_7 {add = true} : memref<16384xi32, #tpu.memory_space<vmem>>[vector<16xi32>], vector<16xi32>,
      tpu.vector_store_idx %arg6[%shift_right_logical3A_387], %broadcast_in_dim3A_7 {add = true} : memref<16384xi32, #tpu.memory_space<vmem>>[vector<16xi32>], vector<16xi32>,
      tpu.vector_store_idx %arg6[%shift_right_logical3A_400], %broadcast_in_dim3A_7 {add = true} : memref<16384xi32, #tpu.memory_space<vmem>>[vector<16xi32>], vector<16xi32>,
      tpu.vector_store_idx %arg6[%shift_right_logical3A_413], %broadcast_in_dim3A_7 {add = true} : memref<16384xi32, #tpu.memory_space<vmem>>[vector<16xi32>], vector<16xi32>,
      tpu.vector_store_idx %arg6[%shift_right_logical3A_426], %broadcast_in_dim3A_7 {add = true} : memref<16384xi32, #tpu.memory_space<vmem>>[vector<16xi32>], vector<16xi32>,
      tpu.vector_store_idx %arg7[%shift_right_logical3A_335], %mul3A_329 {add = true} : memref<16384xf32, #tpu.memory_space<vmem>>[vector<16xi32>], vector<16xf32>,
      tpu.vector_store_idx %arg7[%shift_right_logical3A_348], %mul3A_337 {add = true} : memref<16384xf32, #tpu.memory_space<vmem>>[vector<16xi32>], vector<16xf32>,
      tpu.vector_store_idx %arg7[%shift_right_logical3A_361], %mul3A_350 {add = true} : memref<16384xf32, #tpu.memory_space<vmem>>[vector<16xi32>], vector<16xf32>,
      tpu.vector_store_idx %arg7[%shift_right_logical3A_374], %mul3A_363 {add = true} : memref<16384xf32, #tpu.memory_space<vmem>>[vector<16xi32>], vector<16xf32>,
      tpu.vector_store_idx %arg7[%shift_right_logical3A_387], %mul3A_376 {add = true} : memref<16384xf32, #tpu.memory_space<vmem>>[vector<16xi32>], vector<16xf32>,
      tpu.vector_store_idx %arg7[%shift_right_logical3A_400], %mul3A_389 {add = true} : memref<16384xf32, #tpu.memory_space<vmem>>[vector<16xi32>], vector<16xf32>,
      tpu.vector_store_idx %arg7[%shift_right_logical3A_413], %mul3A_402 {add = true} : memref<16384xf32, #tpu.memory_space<vmem>>[vector<16xi32>], vector<16xf32>,
      tpu.vector_store_idx %arg7[%shift_right_logical3A_426], %mul3A_415 {add = true} : memref<16384xf32, #tpu.memory_space<vmem>>[vector<16xi32>], vector<16xf32>,
    }
    %scan3A_110 = arith.constant 128 : i32
    %add3A_111 = arith.constant 114688 : i32
    %add3A_112 = arith.addi %mul3A_2, %add3A_111 : i32
    %dma_start3A_113 = tpu.memref_slice %arg2[%add3A_112] : memref<8388608xf32, #tpu.memory_space<hbm>> -> memref<16384xf32, #tpu.memory_space<hbm>>
    %dma_start3A_114 = tpu.memref_slice %arg2[%add3A_112] : memref<8388608xf32, #tpu.memory_space<hbm>> -> memref<16384xf32, #tpu.memory_space<hbm>>
    tpu.enqueue_dma source(%dma_start3A_114 : memref<16384xf32, #tpu.memory_space<hbm>>) target(%arg9 : memref<16384xf32, #tpu.memory_space<vmem>>) target_semaphore(%arg13 : memref<!tpu.dma_semaphore, #tpu.memory_space<semaphore_mem>>)
    %dma_start3A_115 = tpu.memref_slice %arg3[%add3A_112] : memref<8388608xf32, #tpu.memory_space<hbm>> -> memref<16384xf32, #tpu.memory_space<hbm>>
    %dma_start3A_116 = tpu.memref_slice %arg3[%add3A_112] : memref<8388608xf32, #tpu.memory_space<hbm>> -> memref<16384xf32, #tpu.memory_space<hbm>>
    tpu.enqueue_dma source(%dma_start3A_116 : memref<16384xf32, #tpu.memory_space<hbm>>) target(%arg11 : memref<16384xf32, #tpu.memory_space<vmem>>) target_semaphore(%arg15 : memref<!tpu.dma_semaphore, #tpu.memory_space<semaphore_mem>>)
    %dma_wait3A_117 = tpu.memref_slice %arg2[%add3A_96] : memref<8388608xf32, #tpu.memory_space<hbm>> -> memref<16384xf32, #tpu.memory_space<hbm>>
    %dma_wait3A_118 = tpu.memref_slice %arg2[%add3A_96] : memref<8388608xf32, #tpu.memory_space<hbm>> -> memref<16384xf32, #tpu.memory_space<hbm>>
    tpu.wait_dma2 semaphore(%arg12 : memref<!tpu.dma_semaphore, #tpu.memory_space<semaphore_mem>>) src(%dma_wait3A_118 : memref<16384xf32, #tpu.memory_space<hbm>>) dst(%arg8 : memref<16384xf32, #tpu.memory_space<vmem>>)
    %dma_wait3A_119 = tpu.memref_slice %arg3[%add3A_96] : memref<8388608xf32, #tpu.memory_space<hbm>> -> memref<16384xf32, #tpu.memory_space<hbm>>
    %dma_wait3A_120 = tpu.memref_slice %arg3[%add3A_96] : memref<8388608xf32, #tpu.memory_space<hbm>> -> memref<16384xf32, #tpu.memory_space<hbm>>
    tpu.wait_dma2 semaphore(%arg14 : memref<!tpu.dma_semaphore, #tpu.memory_space<semaphore_mem>>) src(%dma_wait3A_120 : memref<16384xf32, #tpu.memory_space<hbm>>) dst(%arg10 : memref<16384xf32, #tpu.memory_space<vmem>>)
    %scan3A_121 = arith.constant 0 : i32
    %scan3A_122 = arith.constant 0 : i32
    %scan3A_123 = arith.constant 128 : i32
    %scan3A_124 = arith.addi %scan3A_122, %scan3A_123 : i32
    %scan3A_125 = arith.constant 1 : i32
    scf.for %scan3A_265 = %scan3A_122 to %scan3A_124 step %scan3A_125  : i32 {
      %mul3A_266 = arith.constant 128 : i32
      %mul3A_267 = arith.muli %scan3A_265, %mul3A_266 : i32
      %add3A_268 = arith.constant 0 : i32
      %add3A_269 = arith.addi %mul3A_267, %add3A_268 : i32
      %get3A = arith.index_cast %add3A_269 : i32 to index
      %get3A_270 = tpu.vector_load %arg8[%get3A] {strides = array<i32>} : memref<16384xf32, #tpu.memory_space<vmem>>, vector<16xf32>,
      %get3A_271 = arith.index_cast %add3A_269 : i32 to index
      %get3A_272 = tpu.vector_load %arg10[%get3A_271] {strides = array<i32>} : memref<16384xf32, #tpu.memory_space<vmem>>, vector<16xf32>,
      %mul3A_273 = arith.constant 128 : i32
      %mul3A_274 = arith.muli %scan3A_265, %mul3A_273 : i32
      %add3A_275 = arith.constant 16 : i32
      %add3A_276 = arith.addi %mul3A_274, %add3A_275 : i32
      %get3A_277 = arith.index_cast %add3A_276 : i32 to index
      %get3A_278 = tpu.vector_load %arg8[%get3A_277] {strides = array<i32>} : memref<16384xf32, #tpu.memory_space<vmem>>, vector<16xf32>,
      %get3A_279 = arith.index_cast %add3A_276 : i32 to index
      %get3A_280 = tpu.vector_load %arg10[%get3A_279] {strides = array<i32>} : memref<16384xf32, #tpu.memory_space<vmem>>, vector<16xf32>,
      %mul3A_281 = arith.constant 128 : i32
      %mul3A_282 = arith.muli %scan3A_265, %mul3A_281 : i32
      %add3A_283 = arith.constant 32 : i32
      %add3A_284 = arith.addi %mul3A_282, %add3A_283 : i32
      %get3A_285 = arith.index_cast %add3A_284 : i32 to index
      %get3A_286 = tpu.vector_load %arg8[%get3A_285] {strides = array<i32>} : memref<16384xf32, #tpu.memory_space<vmem>>, vector<16xf32>,
      %get3A_287 = arith.index_cast %add3A_284 : i32 to index
      %get3A_288 = tpu.vector_load %arg10[%get3A_287] {strides = array<i32>} : memref<16384xf32, #tpu.memory_space<vmem>>, vector<16xf32>,
      %mul3A_289 = arith.constant 128 : i32
      %mul3A_290 = arith.muli %scan3A_265, %mul3A_289 : i32
      %add3A_291 = arith.constant 48 : i32
      %add3A_292 = arith.addi %mul3A_290, %add3A_291 : i32
      %get3A_293 = arith.index_cast %add3A_292 : i32 to index
      %get3A_294 = tpu.vector_load %arg8[%get3A_293] {strides = array<i32>} : memref<16384xf32, #tpu.memory_space<vmem>>, vector<16xf32>,
      %get3A_295 = arith.index_cast %add3A_292 : i32 to index
      %get3A_296 = tpu.vector_load %arg10[%get3A_295] {strides = array<i32>} : memref<16384xf32, #tpu.memory_space<vmem>>, vector<16xf32>,
      %mul3A_297 = arith.constant 128 : i32
      %mul3A_298 = arith.muli %scan3A_265, %mul3A_297 : i32
      %add3A_299 = arith.constant 64 : i32
      %add3A_300 = arith.addi %mul3A_298, %add3A_299 : i32
      %get3A_301 = arith.index_cast %add3A_300 : i32 to index
      %get3A_302 = tpu.vector_load %arg8[%get3A_301] {strides = array<i32>} : memref<16384xf32, #tpu.memory_space<vmem>>, vector<16xf32>,
      %get3A_303 = arith.index_cast %add3A_300 : i32 to index
      %get3A_304 = tpu.vector_load %arg10[%get3A_303] {strides = array<i32>} : memref<16384xf32, #tpu.memory_space<vmem>>, vector<16xf32>,
      %mul3A_305 = arith.constant 128 : i32
      %mul3A_306 = arith.muli %scan3A_265, %mul3A_305 : i32
      %add3A_307 = arith.constant 80 : i32
      %add3A_308 = arith.addi %mul3A_306, %add3A_307 : i32
      %get3A_309 = arith.index_cast %add3A_308 : i32 to index
      %get3A_310 = tpu.vector_load %arg8[%get3A_309] {strides = array<i32>} : memref<16384xf32, #tpu.memory_space<vmem>>, vector<16xf32>,
      %get3A_311 = arith.index_cast %add3A_308 : i32 to index
      %get3A_312 = tpu.vector_load %arg10[%get3A_311] {strides = array<i32>} : memref<16384xf32, #tpu.memory_space<vmem>>, vector<16xf32>,
      %mul3A_313 = arith.constant 128 : i32
      %mul3A_314 = arith.muli %scan3A_265, %mul3A_313 : i32
      %add3A_315 = arith.constant 96 : i32
      %add3A_316 = arith.addi %mul3A_314, %add3A_315 : i32
      %get3A_317 = arith.index_cast %add3A_316 : i32 to index
      %get3A_318 = tpu.vector_load %arg8[%get3A_317] {strides = array<i32>} : memref<16384xf32, #tpu.memory_space<vmem>>, vector<16xf32>,
      %get3A_319 = arith.index_cast %add3A_316 : i32 to index
      %get3A_320 = tpu.vector_load %arg10[%get3A_319] {strides = array<i32>} : memref<16384xf32, #tpu.memory_space<vmem>>, vector<16xf32>,
      %mul3A_321 = arith.constant 128 : i32
      %mul3A_322 = arith.muli %scan3A_265, %mul3A_321 : i32
      %add3A_323 = arith.constant 112 : i32
      %add3A_324 = arith.addi %mul3A_322, %add3A_323 : i32
      %get3A_325 = arith.index_cast %add3A_324 : i32 to index
      %get3A_326 = tpu.vector_load %arg8[%get3A_325] {strides = array<i32>} : memref<16384xf32, #tpu.memory_space<vmem>>, vector<16xf32>,
      %get3A_327 = arith.index_cast %add3A_324 : i32 to index
      %get3A_328 = tpu.vector_load %arg10[%get3A_327] {strides = array<i32>} : memref<16384xf32, #tpu.memory_space<vmem>>, vector<16xf32>,
      %sub3A = arith.subf %get3A_272, %get3A_270 : vector<16xf32>
      %mul3A_329 = arith.mulf %sub3A, %sub3A : vector<16xf32>
      %bitcast_convert_type3A = tpu.bitcast %get3A_270 : vector<16xf32> -> vector<16xi32>
      %shift_right_arithmetic3A = arith.constant 31 : i32
      %shift_right_arithmetic3A_330 = vector.broadcast %shift_right_arithmetic3A : i32 to vector<16xi32>
      %shift_right_arithmetic3A_331 = arith.shrsi %bitcast_convert_type3A, %shift_right_arithmetic3A_330 : vector<16xi32>
      %or3A = arith.constant -2147483648 : i32
      %or3A_332 = vector.broadcast %or3A : i32 to vector<16xi32>
      %or3A_333 = arith.ori %shift_right_arithmetic3A_331, %or3A_332 : vector<16xi32>
      %xor3A = arith.xori %bitcast_convert_type3A, %or3A_333 : vector<16xi32>
      %shift_right_logical3A = arith.constant 18 : i32
      %shift_right_logical3A_334 = vector.broadcast %shift_right_logical3A : i32 to vector<16xi32>
      %shift_right_logical3A_335 = arith.shrui %xor3A, %shift_right_logical3A_334 : vector<16xi32>
      %sub3A_336 = arith.subf %get3A_280, %get3A_278 : vector<16xf32>
      %mul3A_337 = arith.mulf %sub3A_336, %sub3A_336 : vector<16xf32>
      %bitcast_convert_type3A_338 = tpu.bitcast %get3A_278 : vector<16xf32> -> vector<16xi32>
      %shift_right_arithmetic3A_339 = arith.constant 31 : i32
      %shift_right_arithmetic3A_340 = vector.broadcast %shift_right_arithmetic3A_339 : i32 to vector<16xi32>
      %shift_right_arithmetic3A_341 = arith.shrsi %bitcast_convert_type3A_338, %shift_right_arithmetic3A_340 : vector<16xi32>
      %or3A_342 = arith.constant -2147483648 : i32
      %or3A_343 = vector.broadcast %or3A_342 : i32 to vector<16xi32>
      %or3A_344 = arith.ori %shift_right_arithmetic3A_341, %or3A_343 : vector<16xi32>
      %xor3A_345 = arith.xori %bitcast_convert_type3A_338, %or3A_344 : vector<16xi32>
      %shift_right_logical3A_346 = arith.constant 18 : i32
      %shift_right_logical3A_347 = vector.broadcast %shift_right_logical3A_346 : i32 to vector<16xi32>
      %shift_right_logical3A_348 = arith.shrui %xor3A_345, %shift_right_logical3A_347 : vector<16xi32>
      %sub3A_349 = arith.subf %get3A_288, %get3A_286 : vector<16xf32>
      %mul3A_350 = arith.mulf %sub3A_349, %sub3A_349 : vector<16xf32>
      %bitcast_convert_type3A_351 = tpu.bitcast %get3A_286 : vector<16xf32> -> vector<16xi32>
      %shift_right_arithmetic3A_352 = arith.constant 31 : i32
      %shift_right_arithmetic3A_353 = vector.broadcast %shift_right_arithmetic3A_352 : i32 to vector<16xi32>
      %shift_right_arithmetic3A_354 = arith.shrsi %bitcast_convert_type3A_351, %shift_right_arithmetic3A_353 : vector<16xi32>
      %or3A_355 = arith.constant -2147483648 : i32
      %or3A_356 = vector.broadcast %or3A_355 : i32 to vector<16xi32>
      %or3A_357 = arith.ori %shift_right_arithmetic3A_354, %or3A_356 : vector<16xi32>
      %xor3A_358 = arith.xori %bitcast_convert_type3A_351, %or3A_357 : vector<16xi32>
      %shift_right_logical3A_359 = arith.constant 18 : i32
      %shift_right_logical3A_360 = vector.broadcast %shift_right_logical3A_359 : i32 to vector<16xi32>
      %shift_right_logical3A_361 = arith.shrui %xor3A_358, %shift_right_logical3A_360 : vector<16xi32>
      %sub3A_362 = arith.subf %get3A_296, %get3A_294 : vector<16xf32>
      %mul3A_363 = arith.mulf %sub3A_362, %sub3A_362 : vector<16xf32>
      %bitcast_convert_type3A_364 = tpu.bitcast %get3A_294 : vector<16xf32> -> vector<16xi32>
      %shift_right_arithmetic3A_365 = arith.constant 31 : i32
      %shift_right_arithmetic3A_366 = vector.broadcast %shift_right_arithmetic3A_365 : i32 to vector<16xi32>
      %shift_right_arithmetic3A_367 = arith.shrsi %bitcast_convert_type3A_364, %shift_right_arithmetic3A_366 : vector<16xi32>
      %or3A_368 = arith.constant -2147483648 : i32
      %or3A_369 = vector.broadcast %or3A_368 : i32 to vector<16xi32>
      %or3A_370 = arith.ori %shift_right_arithmetic3A_367, %or3A_369 : vector<16xi32>
      %xor3A_371 = arith.xori %bitcast_convert_type3A_364, %or3A_370 : vector<16xi32>
      %shift_right_logical3A_372 = arith.constant 18 : i32
      %shift_right_logical3A_373 = vector.broadcast %shift_right_logical3A_372 : i32 to vector<16xi32>
      %shift_right_logical3A_374 = arith.shrui %xor3A_371, %shift_right_logical3A_373 : vector<16xi32>
      %sub3A_375 = arith.subf %get3A_304, %get3A_302 : vector<16xf32>
      %mul3A_376 = arith.mulf %sub3A_375, %sub3A_375 : vector<16xf32>
      %bitcast_convert_type3A_377 = tpu.bitcast %get3A_302 : vector<16xf32> -> vector<16xi32>
      %shift_right_arithmetic3A_378 = arith.constant 31 : i32
      %shift_right_arithmetic3A_379 = vector.broadcast %shift_right_arithmetic3A_378 : i32 to vector<16xi32>
      %shift_right_arithmetic3A_380 = arith.shrsi %bitcast_convert_type3A_377, %shift_right_arithmetic3A_379 : vector<16xi32>
      %or3A_381 = arith.constant -2147483648 : i32
      %or3A_382 = vector.broadcast %or3A_381 : i32 to vector<16xi32>
      %or3A_383 = arith.ori %shift_right_arithmetic3A_380, %or3A_382 : vector<16xi32>
      %xor3A_384 = arith.xori %bitcast_convert_type3A_377, %or3A_383 : vector<16xi32>
      %shift_right_logical3A_385 = arith.constant 18 : i32
      %shift_right_logical3A_386 = vector.broadcast %shift_right_logical3A_385 : i32 to vector<16xi32>
      %shift_right_logical3A_387 = arith.shrui %xor3A_384, %shift_right_logical3A_386 : vector<16xi32>
      %sub3A_388 = arith.subf %get3A_312, %get3A_310 : vector<16xf32>
      %mul3A_389 = arith.mulf %sub3A_388, %sub3A_388 : vector<16xf32>
      %bitcast_convert_type3A_390 = tpu.bitcast %get3A_310 : vector<16xf32> -> vector<16xi32>
      %shift_right_arithmetic3A_391 = arith.constant 31 : i32
      %shift_right_arithmetic3A_392 = vector.broadcast %shift_right_arithmetic3A_391 : i32 to vector<16xi32>
      %shift_right_arithmetic3A_393 = arith.shrsi %bitcast_convert_type3A_390, %shift_right_arithmetic3A_392 : vector<16xi32>
      %or3A_394 = arith.constant -2147483648 : i32
      %or3A_395 = vector.broadcast %or3A_394 : i32 to vector<16xi32>
      %or3A_396 = arith.ori %shift_right_arithmetic3A_393, %or3A_395 : vector<16xi32>
      %xor3A_397 = arith.xori %bitcast_convert_type3A_390, %or3A_396 : vector<16xi32>
      %shift_right_logical3A_398 = arith.constant 18 : i32
      %shift_right_logical3A_399 = vector.broadcast %shift_right_logical3A_398 : i32 to vector<16xi32>
      %shift_right_logical3A_400 = arith.shrui %xor3A_397, %shift_right_logical3A_399 : vector<16xi32>
      %sub3A_401 = arith.subf %get3A_320, %get3A_318 : vector<16xf32>
      %mul3A_402 = arith.mulf %sub3A_401, %sub3A_401 : vector<16xf32>
      %bitcast_convert_type3A_403 = tpu.bitcast %get3A_318 : vector<16xf32> -> vector<16xi32>
      %shift_right_arithmetic3A_404 = arith.constant 31 : i32
      %shift_right_arithmetic3A_405 = vector.broadcast %shift_right_arithmetic3A_404 : i32 to vector<16xi32>
      %shift_right_arithmetic3A_406 = arith.shrsi %bitcast_convert_type3A_403, %shift_right_arithmetic3A_405 : vector<16xi32>
      %or3A_407 = arith.constant -2147483648 : i32
      %or3A_408 = vector.broadcast %or3A_407 : i32 to vector<16xi32>
      %or3A_409 = arith.ori %shift_right_arithmetic3A_406, %or3A_408 : vector<16xi32>
      %xor3A_410 = arith.xori %bitcast_convert_type3A_403, %or3A_409 : vector<16xi32>
      %shift_right_logical3A_411 = arith.constant 18 : i32
      %shift_right_logical3A_412 = vector.broadcast %shift_right_logical3A_411 : i32 to vector<16xi32>
      %shift_right_logical3A_413 = arith.shrui %xor3A_410, %shift_right_logical3A_412 : vector<16xi32>
      %sub3A_414 = arith.subf %get3A_328, %get3A_326 : vector<16xf32>
      %mul3A_415 = arith.mulf %sub3A_414, %sub3A_414 : vector<16xf32>
      %bitcast_convert_type3A_416 = tpu.bitcast %get3A_326 : vector<16xf32> -> vector<16xi32>
      %shift_right_arithmetic3A_417 = arith.constant 31 : i32
      %shift_right_arithmetic3A_418 = vector.broadcast %shift_right_arithmetic3A_417 : i32 to vector<16xi32>
      %shift_right_arithmetic3A_419 = arith.shrsi %bitcast_convert_type3A_416, %shift_right_arithmetic3A_418 : vector<16xi32>
      %or3A_420 = arith.constant -2147483648 : i32
      %or3A_421 = vector.broadcast %or3A_420 : i32 to vector<16xi32>
      %or3A_422 = arith.ori %shift_right_arithmetic3A_419, %or3A_421 : vector<16xi32>
      %xor3A_423 = arith.xori %bitcast_convert_type3A_416, %or3A_422 : vector<16xi32>
      %shift_right_logical3A_424 = arith.constant 18 : i32
      %shift_right_logical3A_425 = vector.broadcast %shift_right_logical3A_424 : i32 to vector<16xi32>
      %shift_right_logical3A_426 = arith.shrui %xor3A_423, %shift_right_logical3A_425 : vector<16xi32>
      tpu.vector_store_idx %arg6[%shift_right_logical3A_335], %broadcast_in_dim3A_7 {add = true} : memref<16384xi32, #tpu.memory_space<vmem>>[vector<16xi32>], vector<16xi32>,
      tpu.vector_store_idx %arg6[%shift_right_logical3A_348], %broadcast_in_dim3A_7 {add = true} : memref<16384xi32, #tpu.memory_space<vmem>>[vector<16xi32>], vector<16xi32>,
      tpu.vector_store_idx %arg6[%shift_right_logical3A_361], %broadcast_in_dim3A_7 {add = true} : memref<16384xi32, #tpu.memory_space<vmem>>[vector<16xi32>], vector<16xi32>,
      tpu.vector_store_idx %arg6[%shift_right_logical3A_374], %broadcast_in_dim3A_7 {add = true} : memref<16384xi32, #tpu.memory_space<vmem>>[vector<16xi32>], vector<16xi32>,
      tpu.vector_store_idx %arg6[%shift_right_logical3A_387], %broadcast_in_dim3A_7 {add = true} : memref<16384xi32, #tpu.memory_space<vmem>>[vector<16xi32>], vector<16xi32>,
      tpu.vector_store_idx %arg6[%shift_right_logical3A_400], %broadcast_in_dim3A_7 {add = true} : memref<16384xi32, #tpu.memory_space<vmem>>[vector<16xi32>], vector<16xi32>,
      tpu.vector_store_idx %arg6[%shift_right_logical3A_413], %broadcast_in_dim3A_7 {add = true} : memref<16384xi32, #tpu.memory_space<vmem>>[vector<16xi32>], vector<16xi32>,
      tpu.vector_store_idx %arg6[%shift_right_logical3A_426], %broadcast_in_dim3A_7 {add = true} : memref<16384xi32, #tpu.memory_space<vmem>>[vector<16xi32>], vector<16xi32>,
      tpu.vector_store_idx %arg7[%shift_right_logical3A_335], %mul3A_329 {add = true} : memref<16384xf32, #tpu.memory_space<vmem>>[vector<16xi32>], vector<16xf32>,
      tpu.vector_store_idx %arg7[%shift_right_logical3A_348], %mul3A_337 {add = true} : memref<16384xf32, #tpu.memory_space<vmem>>[vector<16xi32>], vector<16xf32>,
      tpu.vector_store_idx %arg7[%shift_right_logical3A_361], %mul3A_350 {add = true} : memref<16384xf32, #tpu.memory_space<vmem>>[vector<16xi32>], vector<16xf32>,
      tpu.vector_store_idx %arg7[%shift_right_logical3A_374], %mul3A_363 {add = true} : memref<16384xf32, #tpu.memory_space<vmem>>[vector<16xi32>], vector<16xf32>,
      tpu.vector_store_idx %arg7[%shift_right_logical3A_387], %mul3A_376 {add = true} : memref<16384xf32, #tpu.memory_space<vmem>>[vector<16xi32>], vector<16xf32>,
      tpu.vector_store_idx %arg7[%shift_right_logical3A_400], %mul3A_389 {add = true} : memref<16384xf32, #tpu.memory_space<vmem>>[vector<16xi32>], vector<16xf32>,
      tpu.vector_store_idx %arg7[%shift_right_logical3A_413], %mul3A_402 {add = true} : memref<16384xf32, #tpu.memory_space<vmem>>[vector<16xi32>], vector<16xf32>,
      tpu.vector_store_idx %arg7[%shift_right_logical3A_426], %mul3A_415 {add = true} : memref<16384xf32, #tpu.memory_space<vmem>>[vector<16xi32>], vector<16xf32>,
    }
    %scan3A_126 = arith.constant 128 : i32
    %add3A_127 = arith.constant 131072 : i32
    %add3A_128 = arith.addi %mul3A_2, %add3A_127 : i32
    %dma_start3A_129 = tpu.memref_slice %arg2[%add3A_128] : memref<8388608xf32, #tpu.memory_space<hbm>> -> memref<16384xf32, #tpu.memory_space<hbm>>
    %dma_start3A_130 = tpu.memref_slice %arg2[%add3A_128] : memref<8388608xf32, #tpu.memory_space<hbm>> -> memref<16384xf32, #tpu.memory_space<hbm>>
    tpu.enqueue_dma source(%dma_start3A_130 : memref<16384xf32, #tpu.memory_space<hbm>>) target(%arg8 : memref<16384xf32, #tpu.memory_space<vmem>>) target_semaphore(%arg12 : memref<!tpu.dma_semaphore, #tpu.memory_space<semaphore_mem>>)
    %dma_start3A_131 = tpu.memref_slice %arg3[%add3A_128] : memref<8388608xf32, #tpu.memory_space<hbm>> -> memref<16384xf32, #tpu.memory_space<hbm>>
    %dma_start3A_132 = tpu.memref_slice %arg3[%add3A_128] : memref<8388608xf32, #tpu.memory_space<hbm>> -> memref<16384xf32, #tpu.memory_space<hbm>>
    tpu.enqueue_dma source(%dma_start3A_132 : memref<16384xf32, #tpu.memory_space<hbm>>) target(%arg10 : memref<16384xf32, #tpu.memory_space<vmem>>) target_semaphore(%arg14 : memref<!tpu.dma_semaphore, #tpu.memory_space<semaphore_mem>>)
    %dma_wait3A_133 = tpu.memref_slice %arg2[%add3A_112] : memref<8388608xf32, #tpu.memory_space<hbm>> -> memref<16384xf32, #tpu.memory_space<hbm>>
    %dma_wait3A_134 = tpu.memref_slice %arg2[%add3A_112] : memref<8388608xf32, #tpu.memory_space<hbm>> -> memref<16384xf32, #tpu.memory_space<hbm>>
    tpu.wait_dma2 semaphore(%arg13 : memref<!tpu.dma_semaphore, #tpu.memory_space<semaphore_mem>>) src(%dma_wait3A_134 : memref<16384xf32, #tpu.memory_space<hbm>>) dst(%arg9 : memref<16384xf32, #tpu.memory_space<vmem>>)
    %dma_wait3A_135 = tpu.memref_slice %arg3[%add3A_112] : memref<8388608xf32, #tpu.memory_space<hbm>> -> memref<16384xf32, #tpu.memory_space<hbm>>
    %dma_wait3A_136 = tpu.memref_slice %arg3[%add3A_112] : memref<8388608xf32, #tpu.memory_space<hbm>> -> memref<16384xf32, #tpu.memory_space<hbm>>
    tpu.wait_dma2 semaphore(%arg15 : memref<!tpu.dma_semaphore, #tpu.memory_space<semaphore_mem>>) src(%dma_wait3A_136 : memref<16384xf32, #tpu.memory_space<hbm>>) dst(%arg11 : memref<16384xf32, #tpu.memory_space<vmem>>)
    %scan3A_137 = arith.constant 0 : i32
    %scan3A_138 = arith.constant 0 : i32
    %scan3A_139 = arith.constant 128 : i32
    %scan3A_140 = arith.addi %scan3A_138, %scan3A_139 : i32
    %scan3A_141 = arith.constant 1 : i32
    scf.for %scan3A_265 = %scan3A_138 to %scan3A_140 step %scan3A_141  : i32 {
      %mul3A_266 = arith.constant 128 : i32
      %mul3A_267 = arith.muli %scan3A_265, %mul3A_266 : i32
      %add3A_268 = arith.constant 0 : i32
      %add3A_269 = arith.addi %mul3A_267, %add3A_268 : i32
      %get3A = arith.index_cast %add3A_269 : i32 to index
      %get3A_270 = tpu.vector_load %arg9[%get3A] {strides = array<i32>} : memref<16384xf32, #tpu.memory_space<vmem>>, vector<16xf32>,
      %get3A_271 = arith.index_cast %add3A_269 : i32 to index
      %get3A_272 = tpu.vector_load %arg11[%get3A_271] {strides = array<i32>} : memref<16384xf32, #tpu.memory_space<vmem>>, vector<16xf32>,
      %mul3A_273 = arith.constant 128 : i32
      %mul3A_274 = arith.muli %scan3A_265, %mul3A_273 : i32
      %add3A_275 = arith.constant 16 : i32
      %add3A_276 = arith.addi %mul3A_274, %add3A_275 : i32
      %get3A_277 = arith.index_cast %add3A_276 : i32 to index
      %get3A_278 = tpu.vector_load %arg9[%get3A_277] {strides = array<i32>} : memref<16384xf32, #tpu.memory_space<vmem>>, vector<16xf32>,
      %get3A_279 = arith.index_cast %add3A_276 : i32 to index
      %get3A_280 = tpu.vector_load %arg11[%get3A_279] {strides = array<i32>} : memref<16384xf32, #tpu.memory_space<vmem>>, vector<16xf32>,
      %mul3A_281 = arith.constant 128 : i32
      %mul3A_282 = arith.muli %scan3A_265, %mul3A_281 : i32
      %add3A_283 = arith.constant 32 : i32
      %add3A_284 = arith.addi %mul3A_282, %add3A_283 : i32
      %get3A_285 = arith.index_cast %add3A_284 : i32 to index
      %get3A_286 = tpu.vector_load %arg9[%get3A_285] {strides = array<i32>} : memref<16384xf32, #tpu.memory_space<vmem>>, vector<16xf32>,
      %get3A_287 = arith.index_cast %add3A_284 : i32 to index
      %get3A_288 = tpu.vector_load %arg11[%get3A_287] {strides = array<i32>} : memref<16384xf32, #tpu.memory_space<vmem>>, vector<16xf32>,
      %mul3A_289 = arith.constant 128 : i32
      %mul3A_290 = arith.muli %scan3A_265, %mul3A_289 : i32
      %add3A_291 = arith.constant 48 : i32
      %add3A_292 = arith.addi %mul3A_290, %add3A_291 : i32
      %get3A_293 = arith.index_cast %add3A_292 : i32 to index
      %get3A_294 = tpu.vector_load %arg9[%get3A_293] {strides = array<i32>} : memref<16384xf32, #tpu.memory_space<vmem>>, vector<16xf32>,
      %get3A_295 = arith.index_cast %add3A_292 : i32 to index
      %get3A_296 = tpu.vector_load %arg11[%get3A_295] {strides = array<i32>} : memref<16384xf32, #tpu.memory_space<vmem>>, vector<16xf32>,
      %mul3A_297 = arith.constant 128 : i32
      %mul3A_298 = arith.muli %scan3A_265, %mul3A_297 : i32
      %add3A_299 = arith.constant 64 : i32
      %add3A_300 = arith.addi %mul3A_298, %add3A_299 : i32
      %get3A_301 = arith.index_cast %add3A_300 : i32 to index
      %get3A_302 = tpu.vector_load %arg9[%get3A_301] {strides = array<i32>} : memref<16384xf32, #tpu.memory_space<vmem>>, vector<16xf32>,
      %get3A_303 = arith.index_cast %add3A_300 : i32 to index
      %get3A_304 = tpu.vector_load %arg11[%get3A_303] {strides = array<i32>} : memref<16384xf32, #tpu.memory_space<vmem>>, vector<16xf32>,
      %mul3A_305 = arith.constant 128 : i32
      %mul3A_306 = arith.muli %scan3A_265, %mul3A_305 : i32
      %add3A_307 = arith.constant 80 : i32
      %add3A_308 = arith.addi %mul3A_306, %add3A_307 : i32
      %get3A_309 = arith.index_cast %add3A_308 : i32 to index
      %get3A_310 = tpu.vector_load %arg9[%get3A_309] {strides = array<i32>} : memref<16384xf32, #tpu.memory_space<vmem>>, vector<16xf32>,
      %get3A_311 = arith.index_cast %add3A_308 : i32 to index
      %get3A_312 = tpu.vector_load %arg11[%get3A_311] {strides = array<i32>} : memref<16384xf32, #tpu.memory_space<vmem>>, vector<16xf32>,
      %mul3A_313 = arith.constant 128 : i32
      %mul3A_314 = arith.muli %scan3A_265, %mul3A_313 : i32
      %add3A_315 = arith.constant 96 : i32
      %add3A_316 = arith.addi %mul3A_314, %add3A_315 : i32
      %get3A_317 = arith.index_cast %add3A_316 : i32 to index
      %get3A_318 = tpu.vector_load %arg9[%get3A_317] {strides = array<i32>} : memref<16384xf32, #tpu.memory_space<vmem>>, vector<16xf32>,
      %get3A_319 = arith.index_cast %add3A_316 : i32 to index
      %get3A_320 = tpu.vector_load %arg11[%get3A_319] {strides = array<i32>} : memref<16384xf32, #tpu.memory_space<vmem>>, vector<16xf32>,
      %mul3A_321 = arith.constant 128 : i32
      %mul3A_322 = arith.muli %scan3A_265, %mul3A_321 : i32
      %add3A_323 = arith.constant 112 : i32
      %add3A_324 = arith.addi %mul3A_322, %add3A_323 : i32
      %get3A_325 = arith.index_cast %add3A_324 : i32 to index
      %get3A_326 = tpu.vector_load %arg9[%get3A_325] {strides = array<i32>} : memref<16384xf32, #tpu.memory_space<vmem>>, vector<16xf32>,
      %get3A_327 = arith.index_cast %add3A_324 : i32 to index
      %get3A_328 = tpu.vector_load %arg11[%get3A_327] {strides = array<i32>} : memref<16384xf32, #tpu.memory_space<vmem>>, vector<16xf32>,
      %sub3A = arith.subf %get3A_272, %get3A_270 : vector<16xf32>
      %mul3A_329 = arith.mulf %sub3A, %sub3A : vector<16xf32>
      %bitcast_convert_type3A = tpu.bitcast %get3A_270 : vector<16xf32> -> vector<16xi32>
      %shift_right_arithmetic3A = arith.constant 31 : i32
      %shift_right_arithmetic3A_330 = vector.broadcast %shift_right_arithmetic3A : i32 to vector<16xi32>
      %shift_right_arithmetic3A_331 = arith.shrsi %bitcast_convert_type3A, %shift_right_arithmetic3A_330 : vector<16xi32>
      %or3A = arith.constant -2147483648 : i32
      %or3A_332 = vector.broadcast %or3A : i32 to vector<16xi32>
      %or3A_333 = arith.ori %shift_right_arithmetic3A_331, %or3A_332 : vector<16xi32>
      %xor3A = arith.xori %bitcast_convert_type3A, %or3A_333 : vector<16xi32>
      %shift_right_logical3A = arith.constant 18 : i32
      %shift_right_logical3A_334 = vector.broadcast %shift_right_logical3A : i32 to vector<16xi32>
      %shift_right_logical3A_335 = arith.shrui %xor3A, %shift_right_logical3A_334 : vector<16xi32>
      %sub3A_336 = arith.subf %get3A_280, %get3A_278 : vector<16xf32>
      %mul3A_337 = arith.mulf %sub3A_336, %sub3A_336 : vector<16xf32>
      %bitcast_convert_type3A_338 = tpu.bitcast %get3A_278 : vector<16xf32> -> vector<16xi32>
      %shift_right_arithmetic3A_339 = arith.constant 31 : i32
      %shift_right_arithmetic3A_340 = vector.broadcast %shift_right_arithmetic3A_339 : i32 to vector<16xi32>
      %shift_right_arithmetic3A_341 = arith.shrsi %bitcast_convert_type3A_338, %shift_right_arithmetic3A_340 : vector<16xi32>
      %or3A_342 = arith.constant -2147483648 : i32
      %or3A_343 = vector.broadcast %or3A_342 : i32 to vector<16xi32>
      %or3A_344 = arith.ori %shift_right_arithmetic3A_341, %or3A_343 : vector<16xi32>
      %xor3A_345 = arith.xori %bitcast_convert_type3A_338, %or3A_344 : vector<16xi32>
      %shift_right_logical3A_346 = arith.constant 18 : i32
      %shift_right_logical3A_347 = vector.broadcast %shift_right_logical3A_346 : i32 to vector<16xi32>
      %shift_right_logical3A_348 = arith.shrui %xor3A_345, %shift_right_logical3A_347 : vector<16xi32>
      %sub3A_349 = arith.subf %get3A_288, %get3A_286 : vector<16xf32>
      %mul3A_350 = arith.mulf %sub3A_349, %sub3A_349 : vector<16xf32>
      %bitcast_convert_type3A_351 = tpu.bitcast %get3A_286 : vector<16xf32> -> vector<16xi32>
      %shift_right_arithmetic3A_352 = arith.constant 31 : i32
      %shift_right_arithmetic3A_353 = vector.broadcast %shift_right_arithmetic3A_352 : i32 to vector<16xi32>
      %shift_right_arithmetic3A_354 = arith.shrsi %bitcast_convert_type3A_351, %shift_right_arithmetic3A_353 : vector<16xi32>
      %or3A_355 = arith.constant -2147483648 : i32
      %or3A_356 = vector.broadcast %or3A_355 : i32 to vector<16xi32>
      %or3A_357 = arith.ori %shift_right_arithmetic3A_354, %or3A_356 : vector<16xi32>
      %xor3A_358 = arith.xori %bitcast_convert_type3A_351, %or3A_357 : vector<16xi32>
      %shift_right_logical3A_359 = arith.constant 18 : i32
      %shift_right_logical3A_360 = vector.broadcast %shift_right_logical3A_359 : i32 to vector<16xi32>
      %shift_right_logical3A_361 = arith.shrui %xor3A_358, %shift_right_logical3A_360 : vector<16xi32>
      %sub3A_362 = arith.subf %get3A_296, %get3A_294 : vector<16xf32>
      %mul3A_363 = arith.mulf %sub3A_362, %sub3A_362 : vector<16xf32>
      %bitcast_convert_type3A_364 = tpu.bitcast %get3A_294 : vector<16xf32> -> vector<16xi32>
      %shift_right_arithmetic3A_365 = arith.constant 31 : i32
      %shift_right_arithmetic3A_366 = vector.broadcast %shift_right_arithmetic3A_365 : i32 to vector<16xi32>
      %shift_right_arithmetic3A_367 = arith.shrsi %bitcast_convert_type3A_364, %shift_right_arithmetic3A_366 : vector<16xi32>
      %or3A_368 = arith.constant -2147483648 : i32
      %or3A_369 = vector.broadcast %or3A_368 : i32 to vector<16xi32>
      %or3A_370 = arith.ori %shift_right_arithmetic3A_367, %or3A_369 : vector<16xi32>
      %xor3A_371 = arith.xori %bitcast_convert_type3A_364, %or3A_370 : vector<16xi32>
      %shift_right_logical3A_372 = arith.constant 18 : i32
      %shift_right_logical3A_373 = vector.broadcast %shift_right_logical3A_372 : i32 to vector<16xi32>
      %shift_right_logical3A_374 = arith.shrui %xor3A_371, %shift_right_logical3A_373 : vector<16xi32>
      %sub3A_375 = arith.subf %get3A_304, %get3A_302 : vector<16xf32>
      %mul3A_376 = arith.mulf %sub3A_375, %sub3A_375 : vector<16xf32>
      %bitcast_convert_type3A_377 = tpu.bitcast %get3A_302 : vector<16xf32> -> vector<16xi32>
      %shift_right_arithmetic3A_378 = arith.constant 31 : i32
      %shift_right_arithmetic3A_379 = vector.broadcast %shift_right_arithmetic3A_378 : i32 to vector<16xi32>
      %shift_right_arithmetic3A_380 = arith.shrsi %bitcast_convert_type3A_377, %shift_right_arithmetic3A_379 : vector<16xi32>
      %or3A_381 = arith.constant -2147483648 : i32
      %or3A_382 = vector.broadcast %or3A_381 : i32 to vector<16xi32>
      %or3A_383 = arith.ori %shift_right_arithmetic3A_380, %or3A_382 : vector<16xi32>
      %xor3A_384 = arith.xori %bitcast_convert_type3A_377, %or3A_383 : vector<16xi32>
      %shift_right_logical3A_385 = arith.constant 18 : i32
      %shift_right_logical3A_386 = vector.broadcast %shift_right_logical3A_385 : i32 to vector<16xi32>
      %shift_right_logical3A_387 = arith.shrui %xor3A_384, %shift_right_logical3A_386 : vector<16xi32>
      %sub3A_388 = arith.subf %get3A_312, %get3A_310 : vector<16xf32>
      %mul3A_389 = arith.mulf %sub3A_388, %sub3A_388 : vector<16xf32>
      %bitcast_convert_type3A_390 = tpu.bitcast %get3A_310 : vector<16xf32> -> vector<16xi32>
      %shift_right_arithmetic3A_391 = arith.constant 31 : i32
      %shift_right_arithmetic3A_392 = vector.broadcast %shift_right_arithmetic3A_391 : i32 to vector<16xi32>
      %shift_right_arithmetic3A_393 = arith.shrsi %bitcast_convert_type3A_390, %shift_right_arithmetic3A_392 : vector<16xi32>
      %or3A_394 = arith.constant -2147483648 : i32
      %or3A_395 = vector.broadcast %or3A_394 : i32 to vector<16xi32>
      %or3A_396 = arith.ori %shift_right_arithmetic3A_393, %or3A_395 : vector<16xi32>
      %xor3A_397 = arith.xori %bitcast_convert_type3A_390, %or3A_396 : vector<16xi32>
      %shift_right_logical3A_398 = arith.constant 18 : i32
      %shift_right_logical3A_399 = vector.broadcast %shift_right_logical3A_398 : i32 to vector<16xi32>
      %shift_right_logical3A_400 = arith.shrui %xor3A_397, %shift_right_logical3A_399 : vector<16xi32>
      %sub3A_401 = arith.subf %get3A_320, %get3A_318 : vector<16xf32>
      %mul3A_402 = arith.mulf %sub3A_401, %sub3A_401 : vector<16xf32>
      %bitcast_convert_type3A_403 = tpu.bitcast %get3A_318 : vector<16xf32> -> vector<16xi32>
      %shift_right_arithmetic3A_404 = arith.constant 31 : i32
      %shift_right_arithmetic3A_405 = vector.broadcast %shift_right_arithmetic3A_404 : i32 to vector<16xi32>
      %shift_right_arithmetic3A_406 = arith.shrsi %bitcast_convert_type3A_403, %shift_right_arithmetic3A_405 : vector<16xi32>
      %or3A_407 = arith.constant -2147483648 : i32
      %or3A_408 = vector.broadcast %or3A_407 : i32 to vector<16xi32>
      %or3A_409 = arith.ori %shift_right_arithmetic3A_406, %or3A_408 : vector<16xi32>
      %xor3A_410 = arith.xori %bitcast_convert_type3A_403, %or3A_409 : vector<16xi32>
      %shift_right_logical3A_411 = arith.constant 18 : i32
      %shift_right_logical3A_412 = vector.broadcast %shift_right_logical3A_411 : i32 to vector<16xi32>
      %shift_right_logical3A_413 = arith.shrui %xor3A_410, %shift_right_logical3A_412 : vector<16xi32>
      %sub3A_414 = arith.subf %get3A_328, %get3A_326 : vector<16xf32>
      %mul3A_415 = arith.mulf %sub3A_414, %sub3A_414 : vector<16xf32>
      %bitcast_convert_type3A_416 = tpu.bitcast %get3A_326 : vector<16xf32> -> vector<16xi32>
      %shift_right_arithmetic3A_417 = arith.constant 31 : i32
      %shift_right_arithmetic3A_418 = vector.broadcast %shift_right_arithmetic3A_417 : i32 to vector<16xi32>
      %shift_right_arithmetic3A_419 = arith.shrsi %bitcast_convert_type3A_416, %shift_right_arithmetic3A_418 : vector<16xi32>
      %or3A_420 = arith.constant -2147483648 : i32
      %or3A_421 = vector.broadcast %or3A_420 : i32 to vector<16xi32>
      %or3A_422 = arith.ori %shift_right_arithmetic3A_419, %or3A_421 : vector<16xi32>
      %xor3A_423 = arith.xori %bitcast_convert_type3A_416, %or3A_422 : vector<16xi32>
      %shift_right_logical3A_424 = arith.constant 18 : i32
      %shift_right_logical3A_425 = vector.broadcast %shift_right_logical3A_424 : i32 to vector<16xi32>
      %shift_right_logical3A_426 = arith.shrui %xor3A_423, %shift_right_logical3A_425 : vector<16xi32>
      tpu.vector_store_idx %arg6[%shift_right_logical3A_335], %broadcast_in_dim3A_7 {add = true} : memref<16384xi32, #tpu.memory_space<vmem>>[vector<16xi32>], vector<16xi32>,
      tpu.vector_store_idx %arg6[%shift_right_logical3A_348], %broadcast_in_dim3A_7 {add = true} : memref<16384xi32, #tpu.memory_space<vmem>>[vector<16xi32>], vector<16xi32>,
      tpu.vector_store_idx %arg6[%shift_right_logical3A_361], %broadcast_in_dim3A_7 {add = true} : memref<16384xi32, #tpu.memory_space<vmem>>[vector<16xi32>], vector<16xi32>,
      tpu.vector_store_idx %arg6[%shift_right_logical3A_374], %broadcast_in_dim3A_7 {add = true} : memref<16384xi32, #tpu.memory_space<vmem>>[vector<16xi32>], vector<16xi32>,
      tpu.vector_store_idx %arg6[%shift_right_logical3A_387], %broadcast_in_dim3A_7 {add = true} : memref<16384xi32, #tpu.memory_space<vmem>>[vector<16xi32>], vector<16xi32>,
      tpu.vector_store_idx %arg6[%shift_right_logical3A_400], %broadcast_in_dim3A_7 {add = true} : memref<16384xi32, #tpu.memory_space<vmem>>[vector<16xi32>], vector<16xi32>,
      tpu.vector_store_idx %arg6[%shift_right_logical3A_413], %broadcast_in_dim3A_7 {add = true} : memref<16384xi32, #tpu.memory_space<vmem>>[vector<16xi32>], vector<16xi32>,
      tpu.vector_store_idx %arg6[%shift_right_logical3A_426], %broadcast_in_dim3A_7 {add = true} : memref<16384xi32, #tpu.memory_space<vmem>>[vector<16xi32>], vector<16xi32>,
      tpu.vector_store_idx %arg7[%shift_right_logical3A_335], %mul3A_329 {add = true} : memref<16384xf32, #tpu.memory_space<vmem>>[vector<16xi32>], vector<16xf32>,
      tpu.vector_store_idx %arg7[%shift_right_logical3A_348], %mul3A_337 {add = true} : memref<16384xf32, #tpu.memory_space<vmem>>[vector<16xi32>], vector<16xf32>,
      tpu.vector_store_idx %arg7[%shift_right_logical3A_361], %mul3A_350 {add = true} : memref<16384xf32, #tpu.memory_space<vmem>>[vector<16xi32>], vector<16xf32>,
      tpu.vector_store_idx %arg7[%shift_right_logical3A_374], %mul3A_363 {add = true} : memref<16384xf32, #tpu.memory_space<vmem>>[vector<16xi32>], vector<16xf32>,
      tpu.vector_store_idx %arg7[%shift_right_logical3A_387], %mul3A_376 {add = true} : memref<16384xf32, #tpu.memory_space<vmem>>[vector<16xi32>], vector<16xf32>,
      tpu.vector_store_idx %arg7[%shift_right_logical3A_400], %mul3A_389 {add = true} : memref<16384xf32, #tpu.memory_space<vmem>>[vector<16xi32>], vector<16xf32>,
      tpu.vector_store_idx %arg7[%shift_right_logical3A_413], %mul3A_402 {add = true} : memref<16384xf32, #tpu.memory_space<vmem>>[vector<16xi32>], vector<16xf32>,
      tpu.vector_store_idx %arg7[%shift_right_logical3A_426], %mul3A_415 {add = true} : memref<16384xf32, #tpu.memory_space<vmem>>[vector<16xi32>], vector<16xf32>,
    }
    %scan3A_142 = arith.constant 128 : i32
    %add3A_143 = arith.constant 147456 : i32
    %add3A_144 = arith.addi %mul3A_2, %add3A_143 : i32
    %dma_start3A_145 = tpu.memref_slice %arg2[%add3A_144] : memref<8388608xf32, #tpu.memory_space<hbm>> -> memref<16384xf32, #tpu.memory_space<hbm>>
    %dma_start3A_146 = tpu.memref_slice %arg2[%add3A_144] : memref<8388608xf32, #tpu.memory_space<hbm>> -> memref<16384xf32, #tpu.memory_space<hbm>>
    tpu.enqueue_dma source(%dma_start3A_146 : memref<16384xf32, #tpu.memory_space<hbm>>) target(%arg9 : memref<16384xf32, #tpu.memory_space<vmem>>) target_semaphore(%arg13 : memref<!tpu.dma_semaphore, #tpu.memory_space<semaphore_mem>>)
    %dma_start3A_147 = tpu.memref_slice %arg3[%add3A_144] : memref<8388608xf32, #tpu.memory_space<hbm>> -> memref<16384xf32, #tpu.memory_space<hbm>>
    %dma_start3A_148 = tpu.memref_slice %arg3[%add3A_144] : memref<8388608xf32, #tpu.memory_space<hbm>> -> memref<16384xf32, #tpu.memory_space<hbm>>
    tpu.enqueue_dma source(%dma_start3A_148 : memref<16384xf32, #tpu.memory_space<hbm>>) target(%arg11 : memref<16384xf32, #tpu.memory_space<vmem>>) target_semaphore(%arg15 : memref<!tpu.dma_semaphore, #tpu.memory_space<semaphore_mem>>)
    %dma_wait3A_149 = tpu.memref_slice %arg2[%add3A_128] : memref<8388608xf32, #tpu.memory_space<hbm>> -> memref<16384xf32, #tpu.memory_space<hbm>>
    %dma_wait3A_150 = tpu.memref_slice %arg2[%add3A_128] : memref<8388608xf32, #tpu.memory_space<hbm>> -> memref<16384xf32, #tpu.memory_space<hbm>>
    tpu.wait_dma2 semaphore(%arg12 : memref<!tpu.dma_semaphore, #tpu.memory_space<semaphore_mem>>) src(%dma_wait3A_150 : memref<16384xf32, #tpu.memory_space<hbm>>) dst(%arg8 : memref<16384xf32, #tpu.memory_space<vmem>>)
    %dma_wait3A_151 = tpu.memref_slice %arg3[%add3A_128] : memref<8388608xf32, #tpu.memory_space<hbm>> -> memref<16384xf32, #tpu.memory_space<hbm>>
    %dma_wait3A_152 = tpu.memref_slice %arg3[%add3A_128] : memref<8388608xf32, #tpu.memory_space<hbm>> -> memref<16384xf32, #tpu.memory_space<hbm>>
    tpu.wait_dma2 semaphore(%arg14 : memref<!tpu.dma_semaphore, #tpu.memory_space<semaphore_mem>>) src(%dma_wait3A_152 : memref<16384xf32, #tpu.memory_space<hbm>>) dst(%arg10 : memref<16384xf32, #tpu.memory_space<vmem>>)
    %scan3A_153 = arith.constant 0 : i32
    %scan3A_154 = arith.constant 0 : i32
    %scan3A_155 = arith.constant 128 : i32
    %scan3A_156 = arith.addi %scan3A_154, %scan3A_155 : i32
    %scan3A_157 = arith.constant 1 : i32
    scf.for %scan3A_265 = %scan3A_154 to %scan3A_156 step %scan3A_157  : i32 {
      %mul3A_266 = arith.constant 128 : i32
      %mul3A_267 = arith.muli %scan3A_265, %mul3A_266 : i32
      %add3A_268 = arith.constant 0 : i32
      %add3A_269 = arith.addi %mul3A_267, %add3A_268 : i32
      %get3A = arith.index_cast %add3A_269 : i32 to index
      %get3A_270 = tpu.vector_load %arg8[%get3A] {strides = array<i32>} : memref<16384xf32, #tpu.memory_space<vmem>>, vector<16xf32>,
      %get3A_271 = arith.index_cast %add3A_269 : i32 to index
      %get3A_272 = tpu.vector_load %arg10[%get3A_271] {strides = array<i32>} : memref<16384xf32, #tpu.memory_space<vmem>>, vector<16xf32>,
      %mul3A_273 = arith.constant 128 : i32
      %mul3A_274 = arith.muli %scan3A_265, %mul3A_273 : i32
      %add3A_275 = arith.constant 16 : i32
      %add3A_276 = arith.addi %mul3A_274, %add3A_275 : i32
      %get3A_277 = arith.index_cast %add3A_276 : i32 to index
      %get3A_278 = tpu.vector_load %arg8[%get3A_277] {strides = array<i32>} : memref<16384xf32, #tpu.memory_space<vmem>>, vector<16xf32>,
      %get3A_279 = arith.index_cast %add3A_276 : i32 to index
      %get3A_280 = tpu.vector_load %arg10[%get3A_279] {strides = array<i32>} : memref<16384xf32, #tpu.memory_space<vmem>>, vector<16xf32>,
      %mul3A_281 = arith.constant 128 : i32
      %mul3A_282 = arith.muli %scan3A_265, %mul3A_281 : i32
      %add3A_283 = arith.constant 32 : i32
      %add3A_284 = arith.addi %mul3A_282, %add3A_283 : i32
      %get3A_285 = arith.index_cast %add3A_284 : i32 to index
      %get3A_286 = tpu.vector_load %arg8[%get3A_285] {strides = array<i32>} : memref<16384xf32, #tpu.memory_space<vmem>>, vector<16xf32>,
      %get3A_287 = arith.index_cast %add3A_284 : i32 to index
      %get3A_288 = tpu.vector_load %arg10[%get3A_287] {strides = array<i32>} : memref<16384xf32, #tpu.memory_space<vmem>>, vector<16xf32>,
      %mul3A_289 = arith.constant 128 : i32
      %mul3A_290 = arith.muli %scan3A_265, %mul3A_289 : i32
      %add3A_291 = arith.constant 48 : i32
      %add3A_292 = arith.addi %mul3A_290, %add3A_291 : i32
      %get3A_293 = arith.index_cast %add3A_292 : i32 to index
      %get3A_294 = tpu.vector_load %arg8[%get3A_293] {strides = array<i32>} : memref<16384xf32, #tpu.memory_space<vmem>>, vector<16xf32>,
      %get3A_295 = arith.index_cast %add3A_292 : i32 to index
      %get3A_296 = tpu.vector_load %arg10[%get3A_295] {strides = array<i32>} : memref<16384xf32, #tpu.memory_space<vmem>>, vector<16xf32>,
      %mul3A_297 = arith.constant 128 : i32
      %mul3A_298 = arith.muli %scan3A_265, %mul3A_297 : i32
      %add3A_299 = arith.constant 64 : i32
      %add3A_300 = arith.addi %mul3A_298, %add3A_299 : i32
      %get3A_301 = arith.index_cast %add3A_300 : i32 to index
      %get3A_302 = tpu.vector_load %arg8[%get3A_301] {strides = array<i32>} : memref<16384xf32, #tpu.memory_space<vmem>>, vector<16xf32>,
      %get3A_303 = arith.index_cast %add3A_300 : i32 to index
      %get3A_304 = tpu.vector_load %arg10[%get3A_303] {strides = array<i32>} : memref<16384xf32, #tpu.memory_space<vmem>>, vector<16xf32>,
      %mul3A_305 = arith.constant 128 : i32
      %mul3A_306 = arith.muli %scan3A_265, %mul3A_305 : i32
      %add3A_307 = arith.constant 80 : i32
      %add3A_308 = arith.addi %mul3A_306, %add3A_307 : i32
      %get3A_309 = arith.index_cast %add3A_308 : i32 to index
      %get3A_310 = tpu.vector_load %arg8[%get3A_309] {strides = array<i32>} : memref<16384xf32, #tpu.memory_space<vmem>>, vector<16xf32>,
      %get3A_311 = arith.index_cast %add3A_308 : i32 to index
      %get3A_312 = tpu.vector_load %arg10[%get3A_311] {strides = array<i32>} : memref<16384xf32, #tpu.memory_space<vmem>>, vector<16xf32>,
      %mul3A_313 = arith.constant 128 : i32
      %mul3A_314 = arith.muli %scan3A_265, %mul3A_313 : i32
      %add3A_315 = arith.constant 96 : i32
      %add3A_316 = arith.addi %mul3A_314, %add3A_315 : i32
      %get3A_317 = arith.index_cast %add3A_316 : i32 to index
      %get3A_318 = tpu.vector_load %arg8[%get3A_317] {strides = array<i32>} : memref<16384xf32, #tpu.memory_space<vmem>>, vector<16xf32>,
      %get3A_319 = arith.index_cast %add3A_316 : i32 to index
      %get3A_320 = tpu.vector_load %arg10[%get3A_319] {strides = array<i32>} : memref<16384xf32, #tpu.memory_space<vmem>>, vector<16xf32>,
      %mul3A_321 = arith.constant 128 : i32
      %mul3A_322 = arith.muli %scan3A_265, %mul3A_321 : i32
      %add3A_323 = arith.constant 112 : i32
      %add3A_324 = arith.addi %mul3A_322, %add3A_323 : i32
      %get3A_325 = arith.index_cast %add3A_324 : i32 to index
      %get3A_326 = tpu.vector_load %arg8[%get3A_325] {strides = array<i32>} : memref<16384xf32, #tpu.memory_space<vmem>>, vector<16xf32>,
      %get3A_327 = arith.index_cast %add3A_324 : i32 to index
      %get3A_328 = tpu.vector_load %arg10[%get3A_327] {strides = array<i32>} : memref<16384xf32, #tpu.memory_space<vmem>>, vector<16xf32>,
      %sub3A = arith.subf %get3A_272, %get3A_270 : vector<16xf32>
      %mul3A_329 = arith.mulf %sub3A, %sub3A : vector<16xf32>
      %bitcast_convert_type3A = tpu.bitcast %get3A_270 : vector<16xf32> -> vector<16xi32>
      %shift_right_arithmetic3A = arith.constant 31 : i32
      %shift_right_arithmetic3A_330 = vector.broadcast %shift_right_arithmetic3A : i32 to vector<16xi32>
      %shift_right_arithmetic3A_331 = arith.shrsi %bitcast_convert_type3A, %shift_right_arithmetic3A_330 : vector<16xi32>
      %or3A = arith.constant -2147483648 : i32
      %or3A_332 = vector.broadcast %or3A : i32 to vector<16xi32>
      %or3A_333 = arith.ori %shift_right_arithmetic3A_331, %or3A_332 : vector<16xi32>
      %xor3A = arith.xori %bitcast_convert_type3A, %or3A_333 : vector<16xi32>
      %shift_right_logical3A = arith.constant 18 : i32
      %shift_right_logical3A_334 = vector.broadcast %shift_right_logical3A : i32 to vector<16xi32>
      %shift_right_logical3A_335 = arith.shrui %xor3A, %shift_right_logical3A_334 : vector<16xi32>
      %sub3A_336 = arith.subf %get3A_280, %get3A_278 : vector<16xf32>
      %mul3A_337 = arith.mulf %sub3A_336, %sub3A_336 : vector<16xf32>
      %bitcast_convert_type3A_338 = tpu.bitcast %get3A_278 : vector<16xf32> -> vector<16xi32>
      %shift_right_arithmetic3A_339 = arith.constant 31 : i32
      %shift_right_arithmetic3A_340 = vector.broadcast %shift_right_arithmetic3A_339 : i32 to vector<16xi32>
      %shift_right_arithmetic3A_341 = arith.shrsi %bitcast_convert_type3A_338, %shift_right_arithmetic3A_340 : vector<16xi32>
      %or3A_342 = arith.constant -2147483648 : i32
      %or3A_343 = vector.broadcast %or3A_342 : i32 to vector<16xi32>
      %or3A_344 = arith.ori %shift_right_arithmetic3A_341, %or3A_343 : vector<16xi32>
      %xor3A_345 = arith.xori %bitcast_convert_type3A_338, %or3A_344 : vector<16xi32>
      %shift_right_logical3A_346 = arith.constant 18 : i32
      %shift_right_logical3A_347 = vector.broadcast %shift_right_logical3A_346 : i32 to vector<16xi32>
      %shift_right_logical3A_348 = arith.shrui %xor3A_345, %shift_right_logical3A_347 : vector<16xi32>
      %sub3A_349 = arith.subf %get3A_288, %get3A_286 : vector<16xf32>
      %mul3A_350 = arith.mulf %sub3A_349, %sub3A_349 : vector<16xf32>
      %bitcast_convert_type3A_351 = tpu.bitcast %get3A_286 : vector<16xf32> -> vector<16xi32>
      %shift_right_arithmetic3A_352 = arith.constant 31 : i32
      %shift_right_arithmetic3A_353 = vector.broadcast %shift_right_arithmetic3A_352 : i32 to vector<16xi32>
      %shift_right_arithmetic3A_354 = arith.shrsi %bitcast_convert_type3A_351, %shift_right_arithmetic3A_353 : vector<16xi32>
      %or3A_355 = arith.constant -2147483648 : i32
      %or3A_356 = vector.broadcast %or3A_355 : i32 to vector<16xi32>
      %or3A_357 = arith.ori %shift_right_arithmetic3A_354, %or3A_356 : vector<16xi32>
      %xor3A_358 = arith.xori %bitcast_convert_type3A_351, %or3A_357 : vector<16xi32>
      %shift_right_logical3A_359 = arith.constant 18 : i32
      %shift_right_logical3A_360 = vector.broadcast %shift_right_logical3A_359 : i32 to vector<16xi32>
      %shift_right_logical3A_361 = arith.shrui %xor3A_358, %shift_right_logical3A_360 : vector<16xi32>
      %sub3A_362 = arith.subf %get3A_296, %get3A_294 : vector<16xf32>
      %mul3A_363 = arith.mulf %sub3A_362, %sub3A_362 : vector<16xf32>
      %bitcast_convert_type3A_364 = tpu.bitcast %get3A_294 : vector<16xf32> -> vector<16xi32>
      %shift_right_arithmetic3A_365 = arith.constant 31 : i32
      %shift_right_arithmetic3A_366 = vector.broadcast %shift_right_arithmetic3A_365 : i32 to vector<16xi32>
      %shift_right_arithmetic3A_367 = arith.shrsi %bitcast_convert_type3A_364, %shift_right_arithmetic3A_366 : vector<16xi32>
      %or3A_368 = arith.constant -2147483648 : i32
      %or3A_369 = vector.broadcast %or3A_368 : i32 to vector<16xi32>
      %or3A_370 = arith.ori %shift_right_arithmetic3A_367, %or3A_369 : vector<16xi32>
      %xor3A_371 = arith.xori %bitcast_convert_type3A_364, %or3A_370 : vector<16xi32>
      %shift_right_logical3A_372 = arith.constant 18 : i32
      %shift_right_logical3A_373 = vector.broadcast %shift_right_logical3A_372 : i32 to vector<16xi32>
      %shift_right_logical3A_374 = arith.shrui %xor3A_371, %shift_right_logical3A_373 : vector<16xi32>
      %sub3A_375 = arith.subf %get3A_304, %get3A_302 : vector<16xf32>
      %mul3A_376 = arith.mulf %sub3A_375, %sub3A_375 : vector<16xf32>
      %bitcast_convert_type3A_377 = tpu.bitcast %get3A_302 : vector<16xf32> -> vector<16xi32>
      %shift_right_arithmetic3A_378 = arith.constant 31 : i32
      %shift_right_arithmetic3A_379 = vector.broadcast %shift_right_arithmetic3A_378 : i32 to vector<16xi32>
      %shift_right_arithmetic3A_380 = arith.shrsi %bitcast_convert_type3A_377, %shift_right_arithmetic3A_379 : vector<16xi32>
      %or3A_381 = arith.constant -2147483648 : i32
      %or3A_382 = vector.broadcast %or3A_381 : i32 to vector<16xi32>
      %or3A_383 = arith.ori %shift_right_arithmetic3A_380, %or3A_382 : vector<16xi32>
      %xor3A_384 = arith.xori %bitcast_convert_type3A_377, %or3A_383 : vector<16xi32>
      %shift_right_logical3A_385 = arith.constant 18 : i32
      %shift_right_logical3A_386 = vector.broadcast %shift_right_logical3A_385 : i32 to vector<16xi32>
      %shift_right_logical3A_387 = arith.shrui %xor3A_384, %shift_right_logical3A_386 : vector<16xi32>
      %sub3A_388 = arith.subf %get3A_312, %get3A_310 : vector<16xf32>
      %mul3A_389 = arith.mulf %sub3A_388, %sub3A_388 : vector<16xf32>
      %bitcast_convert_type3A_390 = tpu.bitcast %get3A_310 : vector<16xf32> -> vector<16xi32>
      %shift_right_arithmetic3A_391 = arith.constant 31 : i32
      %shift_right_arithmetic3A_392 = vector.broadcast %shift_right_arithmetic3A_391 : i32 to vector<16xi32>
      %shift_right_arithmetic3A_393 = arith.shrsi %bitcast_convert_type3A_390, %shift_right_arithmetic3A_392 : vector<16xi32>
      %or3A_394 = arith.constant -2147483648 : i32
      %or3A_395 = vector.broadcast %or3A_394 : i32 to vector<16xi32>
      %or3A_396 = arith.ori %shift_right_arithmetic3A_393, %or3A_395 : vector<16xi32>
      %xor3A_397 = arith.xori %bitcast_convert_type3A_390, %or3A_396 : vector<16xi32>
      %shift_right_logical3A_398 = arith.constant 18 : i32
      %shift_right_logical3A_399 = vector.broadcast %shift_right_logical3A_398 : i32 to vector<16xi32>
      %shift_right_logical3A_400 = arith.shrui %xor3A_397, %shift_right_logical3A_399 : vector<16xi32>
      %sub3A_401 = arith.subf %get3A_320, %get3A_318 : vector<16xf32>
      %mul3A_402 = arith.mulf %sub3A_401, %sub3A_401 : vector<16xf32>
      %bitcast_convert_type3A_403 = tpu.bitcast %get3A_318 : vector<16xf32> -> vector<16xi32>
      %shift_right_arithmetic3A_404 = arith.constant 31 : i32
      %shift_right_arithmetic3A_405 = vector.broadcast %shift_right_arithmetic3A_404 : i32 to vector<16xi32>
      %shift_right_arithmetic3A_406 = arith.shrsi %bitcast_convert_type3A_403, %shift_right_arithmetic3A_405 : vector<16xi32>
      %or3A_407 = arith.constant -2147483648 : i32
      %or3A_408 = vector.broadcast %or3A_407 : i32 to vector<16xi32>
      %or3A_409 = arith.ori %shift_right_arithmetic3A_406, %or3A_408 : vector<16xi32>
      %xor3A_410 = arith.xori %bitcast_convert_type3A_403, %or3A_409 : vector<16xi32>
      %shift_right_logical3A_411 = arith.constant 18 : i32
      %shift_right_logical3A_412 = vector.broadcast %shift_right_logical3A_411 : i32 to vector<16xi32>
      %shift_right_logical3A_413 = arith.shrui %xor3A_410, %shift_right_logical3A_412 : vector<16xi32>
      %sub3A_414 = arith.subf %get3A_328, %get3A_326 : vector<16xf32>
      %mul3A_415 = arith.mulf %sub3A_414, %sub3A_414 : vector<16xf32>
      %bitcast_convert_type3A_416 = tpu.bitcast %get3A_326 : vector<16xf32> -> vector<16xi32>
      %shift_right_arithmetic3A_417 = arith.constant 31 : i32
      %shift_right_arithmetic3A_418 = vector.broadcast %shift_right_arithmetic3A_417 : i32 to vector<16xi32>
      %shift_right_arithmetic3A_419 = arith.shrsi %bitcast_convert_type3A_416, %shift_right_arithmetic3A_418 : vector<16xi32>
      %or3A_420 = arith.constant -2147483648 : i32
      %or3A_421 = vector.broadcast %or3A_420 : i32 to vector<16xi32>
      %or3A_422 = arith.ori %shift_right_arithmetic3A_419, %or3A_421 : vector<16xi32>
      %xor3A_423 = arith.xori %bitcast_convert_type3A_416, %or3A_422 : vector<16xi32>
      %shift_right_logical3A_424 = arith.constant 18 : i32
      %shift_right_logical3A_425 = vector.broadcast %shift_right_logical3A_424 : i32 to vector<16xi32>
      %shift_right_logical3A_426 = arith.shrui %xor3A_423, %shift_right_logical3A_425 : vector<16xi32>
      tpu.vector_store_idx %arg6[%shift_right_logical3A_335], %broadcast_in_dim3A_7 {add = true} : memref<16384xi32, #tpu.memory_space<vmem>>[vector<16xi32>], vector<16xi32>,
      tpu.vector_store_idx %arg6[%shift_right_logical3A_348], %broadcast_in_dim3A_7 {add = true} : memref<16384xi32, #tpu.memory_space<vmem>>[vector<16xi32>], vector<16xi32>,
      tpu.vector_store_idx %arg6[%shift_right_logical3A_361], %broadcast_in_dim3A_7 {add = true} : memref<16384xi32, #tpu.memory_space<vmem>>[vector<16xi32>], vector<16xi32>,
      tpu.vector_store_idx %arg6[%shift_right_logical3A_374], %broadcast_in_dim3A_7 {add = true} : memref<16384xi32, #tpu.memory_space<vmem>>[vector<16xi32>], vector<16xi32>,
      tpu.vector_store_idx %arg6[%shift_right_logical3A_387], %broadcast_in_dim3A_7 {add = true} : memref<16384xi32, #tpu.memory_space<vmem>>[vector<16xi32>], vector<16xi32>,
      tpu.vector_store_idx %arg6[%shift_right_logical3A_400], %broadcast_in_dim3A_7 {add = true} : memref<16384xi32, #tpu.memory_space<vmem>>[vector<16xi32>], vector<16xi32>,
      tpu.vector_store_idx %arg6[%shift_right_logical3A_413], %broadcast_in_dim3A_7 {add = true} : memref<16384xi32, #tpu.memory_space<vmem>>[vector<16xi32>], vector<16xi32>,
      tpu.vector_store_idx %arg6[%shift_right_logical3A_426], %broadcast_in_dim3A_7 {add = true} : memref<16384xi32, #tpu.memory_space<vmem>>[vector<16xi32>], vector<16xi32>,
      tpu.vector_store_idx %arg7[%shift_right_logical3A_335], %mul3A_329 {add = true} : memref<16384xf32, #tpu.memory_space<vmem>>[vector<16xi32>], vector<16xf32>,
      tpu.vector_store_idx %arg7[%shift_right_logical3A_348], %mul3A_337 {add = true} : memref<16384xf32, #tpu.memory_space<vmem>>[vector<16xi32>], vector<16xf32>,
      tpu.vector_store_idx %arg7[%shift_right_logical3A_361], %mul3A_350 {add = true} : memref<16384xf32, #tpu.memory_space<vmem>>[vector<16xi32>], vector<16xf32>,
      tpu.vector_store_idx %arg7[%shift_right_logical3A_374], %mul3A_363 {add = true} : memref<16384xf32, #tpu.memory_space<vmem>>[vector<16xi32>], vector<16xf32>,
      tpu.vector_store_idx %arg7[%shift_right_logical3A_387], %mul3A_376 {add = true} : memref<16384xf32, #tpu.memory_space<vmem>>[vector<16xi32>], vector<16xf32>,
      tpu.vector_store_idx %arg7[%shift_right_logical3A_400], %mul3A_389 {add = true} : memref<16384xf32, #tpu.memory_space<vmem>>[vector<16xi32>], vector<16xf32>,
      tpu.vector_store_idx %arg7[%shift_right_logical3A_413], %mul3A_402 {add = true} : memref<16384xf32, #tpu.memory_space<vmem>>[vector<16xi32>], vector<16xf32>,
      tpu.vector_store_idx %arg7[%shift_right_logical3A_426], %mul3A_415 {add = true} : memref<16384xf32, #tpu.memory_space<vmem>>[vector<16xi32>], vector<16xf32>,
    }
    %scan3A_158 = arith.constant 128 : i32
    %add3A_159 = arith.constant 163840 : i32
    %add3A_160 = arith.addi %mul3A_2, %add3A_159 : i32
    %dma_start3A_161 = tpu.memref_slice %arg2[%add3A_160] : memref<8388608xf32, #tpu.memory_space<hbm>> -> memref<16384xf32, #tpu.memory_space<hbm>>
    %dma_start3A_162 = tpu.memref_slice %arg2[%add3A_160] : memref<8388608xf32, #tpu.memory_space<hbm>> -> memref<16384xf32, #tpu.memory_space<hbm>>
    tpu.enqueue_dma source(%dma_start3A_162 : memref<16384xf32, #tpu.memory_space<hbm>>) target(%arg8 : memref<16384xf32, #tpu.memory_space<vmem>>) target_semaphore(%arg12 : memref<!tpu.dma_semaphore, #tpu.memory_space<semaphore_mem>>)
    %dma_start3A_163 = tpu.memref_slice %arg3[%add3A_160] : memref<8388608xf32, #tpu.memory_space<hbm>> -> memref<16384xf32, #tpu.memory_space<hbm>>
    %dma_start3A_164 = tpu.memref_slice %arg3[%add3A_160] : memref<8388608xf32, #tpu.memory_space<hbm>> -> memref<16384xf32, #tpu.memory_space<hbm>>
    tpu.enqueue_dma source(%dma_start3A_164 : memref<16384xf32, #tpu.memory_space<hbm>>) target(%arg10 : memref<16384xf32, #tpu.memory_space<vmem>>) target_semaphore(%arg14 : memref<!tpu.dma_semaphore, #tpu.memory_space<semaphore_mem>>)
    %dma_wait3A_165 = tpu.memref_slice %arg2[%add3A_144] : memref<8388608xf32, #tpu.memory_space<hbm>> -> memref<16384xf32, #tpu.memory_space<hbm>>
    %dma_wait3A_166 = tpu.memref_slice %arg2[%add3A_144] : memref<8388608xf32, #tpu.memory_space<hbm>> -> memref<16384xf32, #tpu.memory_space<hbm>>
    tpu.wait_dma2 semaphore(%arg13 : memref<!tpu.dma_semaphore, #tpu.memory_space<semaphore_mem>>) src(%dma_wait3A_166 : memref<16384xf32, #tpu.memory_space<hbm>>) dst(%arg9 : memref<16384xf32, #tpu.memory_space<vmem>>)
    %dma_wait3A_167 = tpu.memref_slice %arg3[%add3A_144] : memref<8388608xf32, #tpu.memory_space<hbm>> -> memref<16384xf32, #tpu.memory_space<hbm>>
    %dma_wait3A_168 = tpu.memref_slice %arg3[%add3A_144] : memref<8388608xf32, #tpu.memory_space<hbm>> -> memref<16384xf32, #tpu.memory_space<hbm>>
    tpu.wait_dma2 semaphore(%arg15 : memref<!tpu.dma_semaphore, #tpu.memory_space<semaphore_mem>>) src(%dma_wait3A_168 : memref<16384xf32, #tpu.memory_space<hbm>>) dst(%arg11 : memref<16384xf32, #tpu.memory_space<vmem>>)
    %scan3A_169 = arith.constant 0 : i32
    %scan3A_170 = arith.constant 0 : i32
    %scan3A_171 = arith.constant 128 : i32
    %scan3A_172 = arith.addi %scan3A_170, %scan3A_171 : i32
    %scan3A_173 = arith.constant 1 : i32
    scf.for %scan3A_265 = %scan3A_170 to %scan3A_172 step %scan3A_173  : i32 {
      %mul3A_266 = arith.constant 128 : i32
      %mul3A_267 = arith.muli %scan3A_265, %mul3A_266 : i32
      %add3A_268 = arith.constant 0 : i32
      %add3A_269 = arith.addi %mul3A_267, %add3A_268 : i32
      %get3A = arith.index_cast %add3A_269 : i32 to index
      %get3A_270 = tpu.vector_load %arg9[%get3A] {strides = array<i32>} : memref<16384xf32, #tpu.memory_space<vmem>>, vector<16xf32>,
      %get3A_271 = arith.index_cast %add3A_269 : i32 to index
      %get3A_272 = tpu.vector_load %arg11[%get3A_271] {strides = array<i32>} : memref<16384xf32, #tpu.memory_space<vmem>>, vector<16xf32>,
      %mul3A_273 = arith.constant 128 : i32
      %mul3A_274 = arith.muli %scan3A_265, %mul3A_273 : i32
      %add3A_275 = arith.constant 16 : i32
      %add3A_276 = arith.addi %mul3A_274, %add3A_275 : i32
      %get3A_277 = arith.index_cast %add3A_276 : i32 to index
      %get3A_278 = tpu.vector_load %arg9[%get3A_277] {strides = array<i32>} : memref<16384xf32, #tpu.memory_space<vmem>>, vector<16xf32>,
      %get3A_279 = arith.index_cast %add3A_276 : i32 to index
      %get3A_280 = tpu.vector_load %arg11[%get3A_279] {strides = array<i32>} : memref<16384xf32, #tpu.memory_space<vmem>>, vector<16xf32>,
      %mul3A_281 = arith.constant 128 : i32
      %mul3A_282 = arith.muli %scan3A_265, %mul3A_281 : i32
      %add3A_283 = arith.constant 32 : i32
      %add3A_284 = arith.addi %mul3A_282, %add3A_283 : i32
      %get3A_285 = arith.index_cast %add3A_284 : i32 to index
      %get3A_286 = tpu.vector_load %arg9[%get3A_285] {strides = array<i32>} : memref<16384xf32, #tpu.memory_space<vmem>>, vector<16xf32>,
      %get3A_287 = arith.index_cast %add3A_284 : i32 to index
      %get3A_288 = tpu.vector_load %arg11[%get3A_287] {strides = array<i32>} : memref<16384xf32, #tpu.memory_space<vmem>>, vector<16xf32>,
      %mul3A_289 = arith.constant 128 : i32
      %mul3A_290 = arith.muli %scan3A_265, %mul3A_289 : i32
      %add3A_291 = arith.constant 48 : i32
      %add3A_292 = arith.addi %mul3A_290, %add3A_291 : i32
      %get3A_293 = arith.index_cast %add3A_292 : i32 to index
      %get3A_294 = tpu.vector_load %arg9[%get3A_293] {strides = array<i32>} : memref<16384xf32, #tpu.memory_space<vmem>>, vector<16xf32>,
      %get3A_295 = arith.index_cast %add3A_292 : i32 to index
      %get3A_296 = tpu.vector_load %arg11[%get3A_295] {strides = array<i32>} : memref<16384xf32, #tpu.memory_space<vmem>>, vector<16xf32>,
      %mul3A_297 = arith.constant 128 : i32
      %mul3A_298 = arith.muli %scan3A_265, %mul3A_297 : i32
      %add3A_299 = arith.constant 64 : i32
      %add3A_300 = arith.addi %mul3A_298, %add3A_299 : i32
      %get3A_301 = arith.index_cast %add3A_300 : i32 to index
      %get3A_302 = tpu.vector_load %arg9[%get3A_301] {strides = array<i32>} : memref<16384xf32, #tpu.memory_space<vmem>>, vector<16xf32>,
      %get3A_303 = arith.index_cast %add3A_300 : i32 to index
      %get3A_304 = tpu.vector_load %arg11[%get3A_303] {strides = array<i32>} : memref<16384xf32, #tpu.memory_space<vmem>>, vector<16xf32>,
      %mul3A_305 = arith.constant 128 : i32
      %mul3A_306 = arith.muli %scan3A_265, %mul3A_305 : i32
      %add3A_307 = arith.constant 80 : i32
      %add3A_308 = arith.addi %mul3A_306, %add3A_307 : i32
      %get3A_309 = arith.index_cast %add3A_308 : i32 to index
      %get3A_310 = tpu.vector_load %arg9[%get3A_309] {strides = array<i32>} : memref<16384xf32, #tpu.memory_space<vmem>>, vector<16xf32>,
      %get3A_311 = arith.index_cast %add3A_308 : i32 to index
      %get3A_312 = tpu.vector_load %arg11[%get3A_311] {strides = array<i32>} : memref<16384xf32, #tpu.memory_space<vmem>>, vector<16xf32>,
      %mul3A_313 = arith.constant 128 : i32
      %mul3A_314 = arith.muli %scan3A_265, %mul3A_313 : i32
      %add3A_315 = arith.constant 96 : i32
      %add3A_316 = arith.addi %mul3A_314, %add3A_315 : i32
      %get3A_317 = arith.index_cast %add3A_316 : i32 to index
      %get3A_318 = tpu.vector_load %arg9[%get3A_317] {strides = array<i32>} : memref<16384xf32, #tpu.memory_space<vmem>>, vector<16xf32>,
      %get3A_319 = arith.index_cast %add3A_316 : i32 to index
      %get3A_320 = tpu.vector_load %arg11[%get3A_319] {strides = array<i32>} : memref<16384xf32, #tpu.memory_space<vmem>>, vector<16xf32>,
      %mul3A_321 = arith.constant 128 : i32
      %mul3A_322 = arith.muli %scan3A_265, %mul3A_321 : i32
      %add3A_323 = arith.constant 112 : i32
      %add3A_324 = arith.addi %mul3A_322, %add3A_323 : i32
      %get3A_325 = arith.index_cast %add3A_324 : i32 to index
      %get3A_326 = tpu.vector_load %arg9[%get3A_325] {strides = array<i32>} : memref<16384xf32, #tpu.memory_space<vmem>>, vector<16xf32>,
      %get3A_327 = arith.index_cast %add3A_324 : i32 to index
      %get3A_328 = tpu.vector_load %arg11[%get3A_327] {strides = array<i32>} : memref<16384xf32, #tpu.memory_space<vmem>>, vector<16xf32>,
      %sub3A = arith.subf %get3A_272, %get3A_270 : vector<16xf32>
      %mul3A_329 = arith.mulf %sub3A, %sub3A : vector<16xf32>
      %bitcast_convert_type3A = tpu.bitcast %get3A_270 : vector<16xf32> -> vector<16xi32>
      %shift_right_arithmetic3A = arith.constant 31 : i32
      %shift_right_arithmetic3A_330 = vector.broadcast %shift_right_arithmetic3A : i32 to vector<16xi32>
      %shift_right_arithmetic3A_331 = arith.shrsi %bitcast_convert_type3A, %shift_right_arithmetic3A_330 : vector<16xi32>
      %or3A = arith.constant -2147483648 : i32
      %or3A_332 = vector.broadcast %or3A : i32 to vector<16xi32>
      %or3A_333 = arith.ori %shift_right_arithmetic3A_331, %or3A_332 : vector<16xi32>
      %xor3A = arith.xori %bitcast_convert_type3A, %or3A_333 : vector<16xi32>
      %shift_right_logical3A = arith.constant 18 : i32
      %shift_right_logical3A_334 = vector.broadcast %shift_right_logical3A : i32 to vector<16xi32>
      %shift_right_logical3A_335 = arith.shrui %xor3A, %shift_right_logical3A_334 : vector<16xi32>
      %sub3A_336 = arith.subf %get3A_280, %get3A_278 : vector<16xf32>
      %mul3A_337 = arith.mulf %sub3A_336, %sub3A_336 : vector<16xf32>
      %bitcast_convert_type3A_338 = tpu.bitcast %get3A_278 : vector<16xf32> -> vector<16xi32>
      %shift_right_arithmetic3A_339 = arith.constant 31 : i32
      %shift_right_arithmetic3A_340 = vector.broadcast %shift_right_arithmetic3A_339 : i32 to vector<16xi32>
      %shift_right_arithmetic3A_341 = arith.shrsi %bitcast_convert_type3A_338, %shift_right_arithmetic3A_340 : vector<16xi32>
      %or3A_342 = arith.constant -2147483648 : i32
      %or3A_343 = vector.broadcast %or3A_342 : i32 to vector<16xi32>
      %or3A_344 = arith.ori %shift_right_arithmetic3A_341, %or3A_343 : vector<16xi32>
      %xor3A_345 = arith.xori %bitcast_convert_type3A_338, %or3A_344 : vector<16xi32>
      %shift_right_logical3A_346 = arith.constant 18 : i32
      %shift_right_logical3A_347 = vector.broadcast %shift_right_logical3A_346 : i32 to vector<16xi32>
      %shift_right_logical3A_348 = arith.shrui %xor3A_345, %shift_right_logical3A_347 : vector<16xi32>
      %sub3A_349 = arith.subf %get3A_288, %get3A_286 : vector<16xf32>
      %mul3A_350 = arith.mulf %sub3A_349, %sub3A_349 : vector<16xf32>
      %bitcast_convert_type3A_351 = tpu.bitcast %get3A_286 : vector<16xf32> -> vector<16xi32>
      %shift_right_arithmetic3A_352 = arith.constant 31 : i32
      %shift_right_arithmetic3A_353 = vector.broadcast %shift_right_arithmetic3A_352 : i32 to vector<16xi32>
      %shift_right_arithmetic3A_354 = arith.shrsi %bitcast_convert_type3A_351, %shift_right_arithmetic3A_353 : vector<16xi32>
      %or3A_355 = arith.constant -2147483648 : i32
      %or3A_356 = vector.broadcast %or3A_355 : i32 to vector<16xi32>
      %or3A_357 = arith.ori %shift_right_arithmetic3A_354, %or3A_356 : vector<16xi32>
      %xor3A_358 = arith.xori %bitcast_convert_type3A_351, %or3A_357 : vector<16xi32>
      %shift_right_logical3A_359 = arith.constant 18 : i32
      %shift_right_logical3A_360 = vector.broadcast %shift_right_logical3A_359 : i32 to vector<16xi32>
      %shift_right_logical3A_361 = arith.shrui %xor3A_358, %shift_right_logical3A_360 : vector<16xi32>
      %sub3A_362 = arith.subf %get3A_296, %get3A_294 : vector<16xf32>
      %mul3A_363 = arith.mulf %sub3A_362, %sub3A_362 : vector<16xf32>
      %bitcast_convert_type3A_364 = tpu.bitcast %get3A_294 : vector<16xf32> -> vector<16xi32>
      %shift_right_arithmetic3A_365 = arith.constant 31 : i32
      %shift_right_arithmetic3A_366 = vector.broadcast %shift_right_arithmetic3A_365 : i32 to vector<16xi32>
      %shift_right_arithmetic3A_367 = arith.shrsi %bitcast_convert_type3A_364, %shift_right_arithmetic3A_366 : vector<16xi32>
      %or3A_368 = arith.constant -2147483648 : i32
      %or3A_369 = vector.broadcast %or3A_368 : i32 to vector<16xi32>
      %or3A_370 = arith.ori %shift_right_arithmetic3A_367, %or3A_369 : vector<16xi32>
      %xor3A_371 = arith.xori %bitcast_convert_type3A_364, %or3A_370 : vector<16xi32>
      %shift_right_logical3A_372 = arith.constant 18 : i32
      %shift_right_logical3A_373 = vector.broadcast %shift_right_logical3A_372 : i32 to vector<16xi32>
      %shift_right_logical3A_374 = arith.shrui %xor3A_371, %shift_right_logical3A_373 : vector<16xi32>
      %sub3A_375 = arith.subf %get3A_304, %get3A_302 : vector<16xf32>
      %mul3A_376 = arith.mulf %sub3A_375, %sub3A_375 : vector<16xf32>
      %bitcast_convert_type3A_377 = tpu.bitcast %get3A_302 : vector<16xf32> -> vector<16xi32>
      %shift_right_arithmetic3A_378 = arith.constant 31 : i32
      %shift_right_arithmetic3A_379 = vector.broadcast %shift_right_arithmetic3A_378 : i32 to vector<16xi32>
      %shift_right_arithmetic3A_380 = arith.shrsi %bitcast_convert_type3A_377, %shift_right_arithmetic3A_379 : vector<16xi32>
      %or3A_381 = arith.constant -2147483648 : i32
      %or3A_382 = vector.broadcast %or3A_381 : i32 to vector<16xi32>
      %or3A_383 = arith.ori %shift_right_arithmetic3A_380, %or3A_382 : vector<16xi32>
      %xor3A_384 = arith.xori %bitcast_convert_type3A_377, %or3A_383 : vector<16xi32>
      %shift_right_logical3A_385 = arith.constant 18 : i32
      %shift_right_logical3A_386 = vector.broadcast %shift_right_logical3A_385 : i32 to vector<16xi32>
      %shift_right_logical3A_387 = arith.shrui %xor3A_384, %shift_right_logical3A_386 : vector<16xi32>
      %sub3A_388 = arith.subf %get3A_312, %get3A_310 : vector<16xf32>
      %mul3A_389 = arith.mulf %sub3A_388, %sub3A_388 : vector<16xf32>
      %bitcast_convert_type3A_390 = tpu.bitcast %get3A_310 : vector<16xf32> -> vector<16xi32>
      %shift_right_arithmetic3A_391 = arith.constant 31 : i32
      %shift_right_arithmetic3A_392 = vector.broadcast %shift_right_arithmetic3A_391 : i32 to vector<16xi32>
      %shift_right_arithmetic3A_393 = arith.shrsi %bitcast_convert_type3A_390, %shift_right_arithmetic3A_392 : vector<16xi32>
      %or3A_394 = arith.constant -2147483648 : i32
      %or3A_395 = vector.broadcast %or3A_394 : i32 to vector<16xi32>
      %or3A_396 = arith.ori %shift_right_arithmetic3A_393, %or3A_395 : vector<16xi32>
      %xor3A_397 = arith.xori %bitcast_convert_type3A_390, %or3A_396 : vector<16xi32>
      %shift_right_logical3A_398 = arith.constant 18 : i32
      %shift_right_logical3A_399 = vector.broadcast %shift_right_logical3A_398 : i32 to vector<16xi32>
      %shift_right_logical3A_400 = arith.shrui %xor3A_397, %shift_right_logical3A_399 : vector<16xi32>
      %sub3A_401 = arith.subf %get3A_320, %get3A_318 : vector<16xf32>
      %mul3A_402 = arith.mulf %sub3A_401, %sub3A_401 : vector<16xf32>
      %bitcast_convert_type3A_403 = tpu.bitcast %get3A_318 : vector<16xf32> -> vector<16xi32>
      %shift_right_arithmetic3A_404 = arith.constant 31 : i32
      %shift_right_arithmetic3A_405 = vector.broadcast %shift_right_arithmetic3A_404 : i32 to vector<16xi32>
      %shift_right_arithmetic3A_406 = arith.shrsi %bitcast_convert_type3A_403, %shift_right_arithmetic3A_405 : vector<16xi32>
      %or3A_407 = arith.constant -2147483648 : i32
      %or3A_408 = vector.broadcast %or3A_407 : i32 to vector<16xi32>
      %or3A_409 = arith.ori %shift_right_arithmetic3A_406, %or3A_408 : vector<16xi32>
      %xor3A_410 = arith.xori %bitcast_convert_type3A_403, %or3A_409 : vector<16xi32>
      %shift_right_logical3A_411 = arith.constant 18 : i32
      %shift_right_logical3A_412 = vector.broadcast %shift_right_logical3A_411 : i32 to vector<16xi32>
      %shift_right_logical3A_413 = arith.shrui %xor3A_410, %shift_right_logical3A_412 : vector<16xi32>
      %sub3A_414 = arith.subf %get3A_328, %get3A_326 : vector<16xf32>
      %mul3A_415 = arith.mulf %sub3A_414, %sub3A_414 : vector<16xf32>
      %bitcast_convert_type3A_416 = tpu.bitcast %get3A_326 : vector<16xf32> -> vector<16xi32>
      %shift_right_arithmetic3A_417 = arith.constant 31 : i32
      %shift_right_arithmetic3A_418 = vector.broadcast %shift_right_arithmetic3A_417 : i32 to vector<16xi32>
      %shift_right_arithmetic3A_419 = arith.shrsi %bitcast_convert_type3A_416, %shift_right_arithmetic3A_418 : vector<16xi32>
      %or3A_420 = arith.constant -2147483648 : i32
      %or3A_421 = vector.broadcast %or3A_420 : i32 to vector<16xi32>
      %or3A_422 = arith.ori %shift_right_arithmetic3A_419, %or3A_421 : vector<16xi32>
      %xor3A_423 = arith.xori %bitcast_convert_type3A_416, %or3A_422 : vector<16xi32>
      %shift_right_logical3A_424 = arith.constant 18 : i32
      %shift_right_logical3A_425 = vector.broadcast %shift_right_logical3A_424 : i32 to vector<16xi32>
      %shift_right_logical3A_426 = arith.shrui %xor3A_423, %shift_right_logical3A_425 : vector<16xi32>
      tpu.vector_store_idx %arg6[%shift_right_logical3A_335], %broadcast_in_dim3A_7 {add = true} : memref<16384xi32, #tpu.memory_space<vmem>>[vector<16xi32>], vector<16xi32>,
      tpu.vector_store_idx %arg6[%shift_right_logical3A_348], %broadcast_in_dim3A_7 {add = true} : memref<16384xi32, #tpu.memory_space<vmem>>[vector<16xi32>], vector<16xi32>,
      tpu.vector_store_idx %arg6[%shift_right_logical3A_361], %broadcast_in_dim3A_7 {add = true} : memref<16384xi32, #tpu.memory_space<vmem>>[vector<16xi32>], vector<16xi32>,
      tpu.vector_store_idx %arg6[%shift_right_logical3A_374], %broadcast_in_dim3A_7 {add = true} : memref<16384xi32, #tpu.memory_space<vmem>>[vector<16xi32>], vector<16xi32>,
      tpu.vector_store_idx %arg6[%shift_right_logical3A_387], %broadcast_in_dim3A_7 {add = true} : memref<16384xi32, #tpu.memory_space<vmem>>[vector<16xi32>], vector<16xi32>,
      tpu.vector_store_idx %arg6[%shift_right_logical3A_400], %broadcast_in_dim3A_7 {add = true} : memref<16384xi32, #tpu.memory_space<vmem>>[vector<16xi32>], vector<16xi32>,
      tpu.vector_store_idx %arg6[%shift_right_logical3A_413], %broadcast_in_dim3A_7 {add = true} : memref<16384xi32, #tpu.memory_space<vmem>>[vector<16xi32>], vector<16xi32>,
      tpu.vector_store_idx %arg6[%shift_right_logical3A_426], %broadcast_in_dim3A_7 {add = true} : memref<16384xi32, #tpu.memory_space<vmem>>[vector<16xi32>], vector<16xi32>,
      tpu.vector_store_idx %arg7[%shift_right_logical3A_335], %mul3A_329 {add = true} : memref<16384xf32, #tpu.memory_space<vmem>>[vector<16xi32>], vector<16xf32>,
      tpu.vector_store_idx %arg7[%shift_right_logical3A_348], %mul3A_337 {add = true} : memref<16384xf32, #tpu.memory_space<vmem>>[vector<16xi32>], vector<16xf32>,
      tpu.vector_store_idx %arg7[%shift_right_logical3A_361], %mul3A_350 {add = true} : memref<16384xf32, #tpu.memory_space<vmem>>[vector<16xi32>], vector<16xf32>,
      tpu.vector_store_idx %arg7[%shift_right_logical3A_374], %mul3A_363 {add = true} : memref<16384xf32, #tpu.memory_space<vmem>>[vector<16xi32>], vector<16xf32>,
      tpu.vector_store_idx %arg7[%shift_right_logical3A_387], %mul3A_376 {add = true} : memref<16384xf32, #tpu.memory_space<vmem>>[vector<16xi32>], vector<16xf32>,
      tpu.vector_store_idx %arg7[%shift_right_logical3A_400], %mul3A_389 {add = true} : memref<16384xf32, #tpu.memory_space<vmem>>[vector<16xi32>], vector<16xf32>,
      tpu.vector_store_idx %arg7[%shift_right_logical3A_413], %mul3A_402 {add = true} : memref<16384xf32, #tpu.memory_space<vmem>>[vector<16xi32>], vector<16xf32>,
      tpu.vector_store_idx %arg7[%shift_right_logical3A_426], %mul3A_415 {add = true} : memref<16384xf32, #tpu.memory_space<vmem>>[vector<16xi32>], vector<16xf32>,
    }
    %scan3A_174 = arith.constant 128 : i32
    %add3A_175 = arith.constant 180224 : i32
    %add3A_176 = arith.addi %mul3A_2, %add3A_175 : i32
    %dma_start3A_177 = tpu.memref_slice %arg2[%add3A_176] : memref<8388608xf32, #tpu.memory_space<hbm>> -> memref<16384xf32, #tpu.memory_space<hbm>>
    %dma_start3A_178 = tpu.memref_slice %arg2[%add3A_176] : memref<8388608xf32, #tpu.memory_space<hbm>> -> memref<16384xf32, #tpu.memory_space<hbm>>
    tpu.enqueue_dma source(%dma_start3A_178 : memref<16384xf32, #tpu.memory_space<hbm>>) target(%arg9 : memref<16384xf32, #tpu.memory_space<vmem>>) target_semaphore(%arg13 : memref<!tpu.dma_semaphore, #tpu.memory_space<semaphore_mem>>)
    %dma_start3A_179 = tpu.memref_slice %arg3[%add3A_176] : memref<8388608xf32, #tpu.memory_space<hbm>> -> memref<16384xf32, #tpu.memory_space<hbm>>
    %dma_start3A_180 = tpu.memref_slice %arg3[%add3A_176] : memref<8388608xf32, #tpu.memory_space<hbm>> -> memref<16384xf32, #tpu.memory_space<hbm>>
    tpu.enqueue_dma source(%dma_start3A_180 : memref<16384xf32, #tpu.memory_space<hbm>>) target(%arg11 : memref<16384xf32, #tpu.memory_space<vmem>>) target_semaphore(%arg15 : memref<!tpu.dma_semaphore, #tpu.memory_space<semaphore_mem>>)
    %dma_wait3A_181 = tpu.memref_slice %arg2[%add3A_160] : memref<8388608xf32, #tpu.memory_space<hbm>> -> memref<16384xf32, #tpu.memory_space<hbm>>
    %dma_wait3A_182 = tpu.memref_slice %arg2[%add3A_160] : memref<8388608xf32, #tpu.memory_space<hbm>> -> memref<16384xf32, #tpu.memory_space<hbm>>
    tpu.wait_dma2 semaphore(%arg12 : memref<!tpu.dma_semaphore, #tpu.memory_space<semaphore_mem>>) src(%dma_wait3A_182 : memref<16384xf32, #tpu.memory_space<hbm>>) dst(%arg8 : memref<16384xf32, #tpu.memory_space<vmem>>)
    %dma_wait3A_183 = tpu.memref_slice %arg3[%add3A_160] : memref<8388608xf32, #tpu.memory_space<hbm>> -> memref<16384xf32, #tpu.memory_space<hbm>>
    %dma_wait3A_184 = tpu.memref_slice %arg3[%add3A_160] : memref<8388608xf32, #tpu.memory_space<hbm>> -> memref<16384xf32, #tpu.memory_space<hbm>>
    tpu.wait_dma2 semaphore(%arg14 : memref<!tpu.dma_semaphore, #tpu.memory_space<semaphore_mem>>) src(%dma_wait3A_184 : memref<16384xf32, #tpu.memory_space<hbm>>) dst(%arg10 : memref<16384xf32, #tpu.memory_space<vmem>>)
    %scan3A_185 = arith.constant 0 : i32
    %scan3A_186 = arith.constant 0 : i32
    %scan3A_187 = arith.constant 128 : i32
    %scan3A_188 = arith.addi %scan3A_186, %scan3A_187 : i32
    %scan3A_189 = arith.constant 1 : i32
    scf.for %scan3A_265 = %scan3A_186 to %scan3A_188 step %scan3A_189  : i32 {
      %mul3A_266 = arith.constant 128 : i32
      %mul3A_267 = arith.muli %scan3A_265, %mul3A_266 : i32
      %add3A_268 = arith.constant 0 : i32
      %add3A_269 = arith.addi %mul3A_267, %add3A_268 : i32
      %get3A = arith.index_cast %add3A_269 : i32 to index
      %get3A_270 = tpu.vector_load %arg8[%get3A] {strides = array<i32>} : memref<16384xf32, #tpu.memory_space<vmem>>, vector<16xf32>,
      %get3A_271 = arith.index_cast %add3A_269 : i32 to index
      %get3A_272 = tpu.vector_load %arg10[%get3A_271] {strides = array<i32>} : memref<16384xf32, #tpu.memory_space<vmem>>, vector<16xf32>,
      %mul3A_273 = arith.constant 128 : i32
      %mul3A_274 = arith.muli %scan3A_265, %mul3A_273 : i32
      %add3A_275 = arith.constant 16 : i32
      %add3A_276 = arith.addi %mul3A_274, %add3A_275 : i32
      %get3A_277 = arith.index_cast %add3A_276 : i32 to index
      %get3A_278 = tpu.vector_load %arg8[%get3A_277] {strides = array<i32>} : memref<16384xf32, #tpu.memory_space<vmem>>, vector<16xf32>,
      %get3A_279 = arith.index_cast %add3A_276 : i32 to index
      %get3A_280 = tpu.vector_load %arg10[%get3A_279] {strides = array<i32>} : memref<16384xf32, #tpu.memory_space<vmem>>, vector<16xf32>,
      %mul3A_281 = arith.constant 128 : i32
      %mul3A_282 = arith.muli %scan3A_265, %mul3A_281 : i32
      %add3A_283 = arith.constant 32 : i32
      %add3A_284 = arith.addi %mul3A_282, %add3A_283 : i32
      %get3A_285 = arith.index_cast %add3A_284 : i32 to index
      %get3A_286 = tpu.vector_load %arg8[%get3A_285] {strides = array<i32>} : memref<16384xf32, #tpu.memory_space<vmem>>, vector<16xf32>,
      %get3A_287 = arith.index_cast %add3A_284 : i32 to index
      %get3A_288 = tpu.vector_load %arg10[%get3A_287] {strides = array<i32>} : memref<16384xf32, #tpu.memory_space<vmem>>, vector<16xf32>,
      %mul3A_289 = arith.constant 128 : i32
      %mul3A_290 = arith.muli %scan3A_265, %mul3A_289 : i32
      %add3A_291 = arith.constant 48 : i32
      %add3A_292 = arith.addi %mul3A_290, %add3A_291 : i32
      %get3A_293 = arith.index_cast %add3A_292 : i32 to index
      %get3A_294 = tpu.vector_load %arg8[%get3A_293] {strides = array<i32>} : memref<16384xf32, #tpu.memory_space<vmem>>, vector<16xf32>,
      %get3A_295 = arith.index_cast %add3A_292 : i32 to index
      %get3A_296 = tpu.vector_load %arg10[%get3A_295] {strides = array<i32>} : memref<16384xf32, #tpu.memory_space<vmem>>, vector<16xf32>,
      %mul3A_297 = arith.constant 128 : i32
      %mul3A_298 = arith.muli %scan3A_265, %mul3A_297 : i32
      %add3A_299 = arith.constant 64 : i32
      %add3A_300 = arith.addi %mul3A_298, %add3A_299 : i32
      %get3A_301 = arith.index_cast %add3A_300 : i32 to index
      %get3A_302 = tpu.vector_load %arg8[%get3A_301] {strides = array<i32>} : memref<16384xf32, #tpu.memory_space<vmem>>, vector<16xf32>,
      %get3A_303 = arith.index_cast %add3A_300 : i32 to index
      %get3A_304 = tpu.vector_load %arg10[%get3A_303] {strides = array<i32>} : memref<16384xf32, #tpu.memory_space<vmem>>, vector<16xf32>,
      %mul3A_305 = arith.constant 128 : i32
      %mul3A_306 = arith.muli %scan3A_265, %mul3A_305 : i32
      %add3A_307 = arith.constant 80 : i32
      %add3A_308 = arith.addi %mul3A_306, %add3A_307 : i32
      %get3A_309 = arith.index_cast %add3A_308 : i32 to index
      %get3A_310 = tpu.vector_load %arg8[%get3A_309] {strides = array<i32>} : memref<16384xf32, #tpu.memory_space<vmem>>, vector<16xf32>,
      %get3A_311 = arith.index_cast %add3A_308 : i32 to index
      %get3A_312 = tpu.vector_load %arg10[%get3A_311] {strides = array<i32>} : memref<16384xf32, #tpu.memory_space<vmem>>, vector<16xf32>,
      %mul3A_313 = arith.constant 128 : i32
      %mul3A_314 = arith.muli %scan3A_265, %mul3A_313 : i32
      %add3A_315 = arith.constant 96 : i32
      %add3A_316 = arith.addi %mul3A_314, %add3A_315 : i32
      %get3A_317 = arith.index_cast %add3A_316 : i32 to index
      %get3A_318 = tpu.vector_load %arg8[%get3A_317] {strides = array<i32>} : memref<16384xf32, #tpu.memory_space<vmem>>, vector<16xf32>,
      %get3A_319 = arith.index_cast %add3A_316 : i32 to index
      %get3A_320 = tpu.vector_load %arg10[%get3A_319] {strides = array<i32>} : memref<16384xf32, #tpu.memory_space<vmem>>, vector<16xf32>,
      %mul3A_321 = arith.constant 128 : i32
      %mul3A_322 = arith.muli %scan3A_265, %mul3A_321 : i32
      %add3A_323 = arith.constant 112 : i32
      %add3A_324 = arith.addi %mul3A_322, %add3A_323 : i32
      %get3A_325 = arith.index_cast %add3A_324 : i32 to index
      %get3A_326 = tpu.vector_load %arg8[%get3A_325] {strides = array<i32>} : memref<16384xf32, #tpu.memory_space<vmem>>, vector<16xf32>,
      %get3A_327 = arith.index_cast %add3A_324 : i32 to index
      %get3A_328 = tpu.vector_load %arg10[%get3A_327] {strides = array<i32>} : memref<16384xf32, #tpu.memory_space<vmem>>, vector<16xf32>,
      %sub3A = arith.subf %get3A_272, %get3A_270 : vector<16xf32>
      %mul3A_329 = arith.mulf %sub3A, %sub3A : vector<16xf32>
      %bitcast_convert_type3A = tpu.bitcast %get3A_270 : vector<16xf32> -> vector<16xi32>
      %shift_right_arithmetic3A = arith.constant 31 : i32
      %shift_right_arithmetic3A_330 = vector.broadcast %shift_right_arithmetic3A : i32 to vector<16xi32>
      %shift_right_arithmetic3A_331 = arith.shrsi %bitcast_convert_type3A, %shift_right_arithmetic3A_330 : vector<16xi32>
      %or3A = arith.constant -2147483648 : i32
      %or3A_332 = vector.broadcast %or3A : i32 to vector<16xi32>
      %or3A_333 = arith.ori %shift_right_arithmetic3A_331, %or3A_332 : vector<16xi32>
      %xor3A = arith.xori %bitcast_convert_type3A, %or3A_333 : vector<16xi32>
      %shift_right_logical3A = arith.constant 18 : i32
      %shift_right_logical3A_334 = vector.broadcast %shift_right_logical3A : i32 to vector<16xi32>
      %shift_right_logical3A_335 = arith.shrui %xor3A, %shift_right_logical3A_334 : vector<16xi32>
      %sub3A_336 = arith.subf %get3A_280, %get3A_278 : vector<16xf32>
      %mul3A_337 = arith.mulf %sub3A_336, %sub3A_336 : vector<16xf32>
      %bitcast_convert_type3A_338 = tpu.bitcast %get3A_278 : vector<16xf32> -> vector<16xi32>
      %shift_right_arithmetic3A_339 = arith.constant 31 : i32
      %shift_right_arithmetic3A_340 = vector.broadcast %shift_right_arithmetic3A_339 : i32 to vector<16xi32>
      %shift_right_arithmetic3A_341 = arith.shrsi %bitcast_convert_type3A_338, %shift_right_arithmetic3A_340 : vector<16xi32>
      %or3A_342 = arith.constant -2147483648 : i32
      %or3A_343 = vector.broadcast %or3A_342 : i32 to vector<16xi32>
      %or3A_344 = arith.ori %shift_right_arithmetic3A_341, %or3A_343 : vector<16xi32>
      %xor3A_345 = arith.xori %bitcast_convert_type3A_338, %or3A_344 : vector<16xi32>
      %shift_right_logical3A_346 = arith.constant 18 : i32
      %shift_right_logical3A_347 = vector.broadcast %shift_right_logical3A_346 : i32 to vector<16xi32>
      %shift_right_logical3A_348 = arith.shrui %xor3A_345, %shift_right_logical3A_347 : vector<16xi32>
      %sub3A_349 = arith.subf %get3A_288, %get3A_286 : vector<16xf32>
      %mul3A_350 = arith.mulf %sub3A_349, %sub3A_349 : vector<16xf32>
      %bitcast_convert_type3A_351 = tpu.bitcast %get3A_286 : vector<16xf32> -> vector<16xi32>
      %shift_right_arithmetic3A_352 = arith.constant 31 : i32
      %shift_right_arithmetic3A_353 = vector.broadcast %shift_right_arithmetic3A_352 : i32 to vector<16xi32>
      %shift_right_arithmetic3A_354 = arith.shrsi %bitcast_convert_type3A_351, %shift_right_arithmetic3A_353 : vector<16xi32>
      %or3A_355 = arith.constant -2147483648 : i32
      %or3A_356 = vector.broadcast %or3A_355 : i32 to vector<16xi32>
      %or3A_357 = arith.ori %shift_right_arithmetic3A_354, %or3A_356 : vector<16xi32>
      %xor3A_358 = arith.xori %bitcast_convert_type3A_351, %or3A_357 : vector<16xi32>
      %shift_right_logical3A_359 = arith.constant 18 : i32
      %shift_right_logical3A_360 = vector.broadcast %shift_right_logical3A_359 : i32 to vector<16xi32>
      %shift_right_logical3A_361 = arith.shrui %xor3A_358, %shift_right_logical3A_360 : vector<16xi32>
      %sub3A_362 = arith.subf %get3A_296, %get3A_294 : vector<16xf32>
      %mul3A_363 = arith.mulf %sub3A_362, %sub3A_362 : vector<16xf32>
      %bitcast_convert_type3A_364 = tpu.bitcast %get3A_294 : vector<16xf32> -> vector<16xi32>
      %shift_right_arithmetic3A_365 = arith.constant 31 : i32
      %shift_right_arithmetic3A_366 = vector.broadcast %shift_right_arithmetic3A_365 : i32 to vector<16xi32>
      %shift_right_arithmetic3A_367 = arith.shrsi %bitcast_convert_type3A_364, %shift_right_arithmetic3A_366 : vector<16xi32>
      %or3A_368 = arith.constant -2147483648 : i32
      %or3A_369 = vector.broadcast %or3A_368 : i32 to vector<16xi32>
      %or3A_370 = arith.ori %shift_right_arithmetic3A_367, %or3A_369 : vector<16xi32>
      %xor3A_371 = arith.xori %bitcast_convert_type3A_364, %or3A_370 : vector<16xi32>
      %shift_right_logical3A_372 = arith.constant 18 : i32
      %shift_right_logical3A_373 = vector.broadcast %shift_right_logical3A_372 : i32 to vector<16xi32>
      %shift_right_logical3A_374 = arith.shrui %xor3A_371, %shift_right_logical3A_373 : vector<16xi32>
      %sub3A_375 = arith.subf %get3A_304, %get3A_302 : vector<16xf32>
      %mul3A_376 = arith.mulf %sub3A_375, %sub3A_375 : vector<16xf32>
      %bitcast_convert_type3A_377 = tpu.bitcast %get3A_302 : vector<16xf32> -> vector<16xi32>
      %shift_right_arithmetic3A_378 = arith.constant 31 : i32
      %shift_right_arithmetic3A_379 = vector.broadcast %shift_right_arithmetic3A_378 : i32 to vector<16xi32>
      %shift_right_arithmetic3A_380 = arith.shrsi %bitcast_convert_type3A_377, %shift_right_arithmetic3A_379 : vector<16xi32>
      %or3A_381 = arith.constant -2147483648 : i32
      %or3A_382 = vector.broadcast %or3A_381 : i32 to vector<16xi32>
      %or3A_383 = arith.ori %shift_right_arithmetic3A_380, %or3A_382 : vector<16xi32>
      %xor3A_384 = arith.xori %bitcast_convert_type3A_377, %or3A_383 : vector<16xi32>
      %shift_right_logical3A_385 = arith.constant 18 : i32
      %shift_right_logical3A_386 = vector.broadcast %shift_right_logical3A_385 : i32 to vector<16xi32>
      %shift_right_logical3A_387 = arith.shrui %xor3A_384, %shift_right_logical3A_386 : vector<16xi32>
      %sub3A_388 = arith.subf %get3A_312, %get3A_310 : vector<16xf32>
      %mul3A_389 = arith.mulf %sub3A_388, %sub3A_388 : vector<16xf32>
      %bitcast_convert_type3A_390 = tpu.bitcast %get3A_310 : vector<16xf32> -> vector<16xi32>
      %shift_right_arithmetic3A_391 = arith.constant 31 : i32
      %shift_right_arithmetic3A_392 = vector.broadcast %shift_right_arithmetic3A_391 : i32 to vector<16xi32>
      %shift_right_arithmetic3A_393 = arith.shrsi %bitcast_convert_type3A_390, %shift_right_arithmetic3A_392 : vector<16xi32>
      %or3A_394 = arith.constant -2147483648 : i32
      %or3A_395 = vector.broadcast %or3A_394 : i32 to vector<16xi32>
      %or3A_396 = arith.ori %shift_right_arithmetic3A_393, %or3A_395 : vector<16xi32>
      %xor3A_397 = arith.xori %bitcast_convert_type3A_390, %or3A_396 : vector<16xi32>
      %shift_right_logical3A_398 = arith.constant 18 : i32
      %shift_right_logical3A_399 = vector.broadcast %shift_right_logical3A_398 : i32 to vector<16xi32>
      %shift_right_logical3A_400 = arith.shrui %xor3A_397, %shift_right_logical3A_399 : vector<16xi32>
      %sub3A_401 = arith.subf %get3A_320, %get3A_318 : vector<16xf32>
      %mul3A_402 = arith.mulf %sub3A_401, %sub3A_401 : vector<16xf32>
      %bitcast_convert_type3A_403 = tpu.bitcast %get3A_318 : vector<16xf32> -> vector<16xi32>
      %shift_right_arithmetic3A_404 = arith.constant 31 : i32
      %shift_right_arithmetic3A_405 = vector.broadcast %shift_right_arithmetic3A_404 : i32 to vector<16xi32>
      %shift_right_arithmetic3A_406 = arith.shrsi %bitcast_convert_type3A_403, %shift_right_arithmetic3A_405 : vector<16xi32>
      %or3A_407 = arith.constant -2147483648 : i32
      %or3A_408 = vector.broadcast %or3A_407 : i32 to vector<16xi32>
      %or3A_409 = arith.ori %shift_right_arithmetic3A_406, %or3A_408 : vector<16xi32>
      %xor3A_410 = arith.xori %bitcast_convert_type3A_403, %or3A_409 : vector<16xi32>
      %shift_right_logical3A_411 = arith.constant 18 : i32
      %shift_right_logical3A_412 = vector.broadcast %shift_right_logical3A_411 : i32 to vector<16xi32>
      %shift_right_logical3A_413 = arith.shrui %xor3A_410, %shift_right_logical3A_412 : vector<16xi32>
      %sub3A_414 = arith.subf %get3A_328, %get3A_326 : vector<16xf32>
      %mul3A_415 = arith.mulf %sub3A_414, %sub3A_414 : vector<16xf32>
      %bitcast_convert_type3A_416 = tpu.bitcast %get3A_326 : vector<16xf32> -> vector<16xi32>
      %shift_right_arithmetic3A_417 = arith.constant 31 : i32
      %shift_right_arithmetic3A_418 = vector.broadcast %shift_right_arithmetic3A_417 : i32 to vector<16xi32>
      %shift_right_arithmetic3A_419 = arith.shrsi %bitcast_convert_type3A_416, %shift_right_arithmetic3A_418 : vector<16xi32>
      %or3A_420 = arith.constant -2147483648 : i32
      %or3A_421 = vector.broadcast %or3A_420 : i32 to vector<16xi32>
      %or3A_422 = arith.ori %shift_right_arithmetic3A_419, %or3A_421 : vector<16xi32>
      %xor3A_423 = arith.xori %bitcast_convert_type3A_416, %or3A_422 : vector<16xi32>
      %shift_right_logical3A_424 = arith.constant 18 : i32
      %shift_right_logical3A_425 = vector.broadcast %shift_right_logical3A_424 : i32 to vector<16xi32>
      %shift_right_logical3A_426 = arith.shrui %xor3A_423, %shift_right_logical3A_425 : vector<16xi32>
      tpu.vector_store_idx %arg6[%shift_right_logical3A_335], %broadcast_in_dim3A_7 {add = true} : memref<16384xi32, #tpu.memory_space<vmem>>[vector<16xi32>], vector<16xi32>,
      tpu.vector_store_idx %arg6[%shift_right_logical3A_348], %broadcast_in_dim3A_7 {add = true} : memref<16384xi32, #tpu.memory_space<vmem>>[vector<16xi32>], vector<16xi32>,
      tpu.vector_store_idx %arg6[%shift_right_logical3A_361], %broadcast_in_dim3A_7 {add = true} : memref<16384xi32, #tpu.memory_space<vmem>>[vector<16xi32>], vector<16xi32>,
      tpu.vector_store_idx %arg6[%shift_right_logical3A_374], %broadcast_in_dim3A_7 {add = true} : memref<16384xi32, #tpu.memory_space<vmem>>[vector<16xi32>], vector<16xi32>,
      tpu.vector_store_idx %arg6[%shift_right_logical3A_387], %broadcast_in_dim3A_7 {add = true} : memref<16384xi32, #tpu.memory_space<vmem>>[vector<16xi32>], vector<16xi32>,
      tpu.vector_store_idx %arg6[%shift_right_logical3A_400], %broadcast_in_dim3A_7 {add = true} : memref<16384xi32, #tpu.memory_space<vmem>>[vector<16xi32>], vector<16xi32>,
      tpu.vector_store_idx %arg6[%shift_right_logical3A_413], %broadcast_in_dim3A_7 {add = true} : memref<16384xi32, #tpu.memory_space<vmem>>[vector<16xi32>], vector<16xi32>,
      tpu.vector_store_idx %arg6[%shift_right_logical3A_426], %broadcast_in_dim3A_7 {add = true} : memref<16384xi32, #tpu.memory_space<vmem>>[vector<16xi32>], vector<16xi32>,
      tpu.vector_store_idx %arg7[%shift_right_logical3A_335], %mul3A_329 {add = true} : memref<16384xf32, #tpu.memory_space<vmem>>[vector<16xi32>], vector<16xf32>,
      tpu.vector_store_idx %arg7[%shift_right_logical3A_348], %mul3A_337 {add = true} : memref<16384xf32, #tpu.memory_space<vmem>>[vector<16xi32>], vector<16xf32>,
      tpu.vector_store_idx %arg7[%shift_right_logical3A_361], %mul3A_350 {add = true} : memref<16384xf32, #tpu.memory_space<vmem>>[vector<16xi32>], vector<16xf32>,
      tpu.vector_store_idx %arg7[%shift_right_logical3A_374], %mul3A_363 {add = true} : memref<16384xf32, #tpu.memory_space<vmem>>[vector<16xi32>], vector<16xf32>,
      tpu.vector_store_idx %arg7[%shift_right_logical3A_387], %mul3A_376 {add = true} : memref<16384xf32, #tpu.memory_space<vmem>>[vector<16xi32>], vector<16xf32>,
      tpu.vector_store_idx %arg7[%shift_right_logical3A_400], %mul3A_389 {add = true} : memref<16384xf32, #tpu.memory_space<vmem>>[vector<16xi32>], vector<16xf32>,
      tpu.vector_store_idx %arg7[%shift_right_logical3A_413], %mul3A_402 {add = true} : memref<16384xf32, #tpu.memory_space<vmem>>[vector<16xi32>], vector<16xf32>,
      tpu.vector_store_idx %arg7[%shift_right_logical3A_426], %mul3A_415 {add = true} : memref<16384xf32, #tpu.memory_space<vmem>>[vector<16xi32>], vector<16xf32>,
    }
    %scan3A_190 = arith.constant 128 : i32
    %add3A_191 = arith.constant 196608 : i32
    %add3A_192 = arith.addi %mul3A_2, %add3A_191 : i32
    %dma_start3A_193 = tpu.memref_slice %arg2[%add3A_192] : memref<8388608xf32, #tpu.memory_space<hbm>> -> memref<16384xf32, #tpu.memory_space<hbm>>
    %dma_start3A_194 = tpu.memref_slice %arg2[%add3A_192] : memref<8388608xf32, #tpu.memory_space<hbm>> -> memref<16384xf32, #tpu.memory_space<hbm>>
    tpu.enqueue_dma source(%dma_start3A_194 : memref<16384xf32, #tpu.memory_space<hbm>>) target(%arg8 : memref<16384xf32, #tpu.memory_space<vmem>>) target_semaphore(%arg12 : memref<!tpu.dma_semaphore, #tpu.memory_space<semaphore_mem>>)
    %dma_start3A_195 = tpu.memref_slice %arg3[%add3A_192] : memref<8388608xf32, #tpu.memory_space<hbm>> -> memref<16384xf32, #tpu.memory_space<hbm>>
    %dma_start3A_196 = tpu.memref_slice %arg3[%add3A_192] : memref<8388608xf32, #tpu.memory_space<hbm>> -> memref<16384xf32, #tpu.memory_space<hbm>>
    tpu.enqueue_dma source(%dma_start3A_196 : memref<16384xf32, #tpu.memory_space<hbm>>) target(%arg10 : memref<16384xf32, #tpu.memory_space<vmem>>) target_semaphore(%arg14 : memref<!tpu.dma_semaphore, #tpu.memory_space<semaphore_mem>>)
    %dma_wait3A_197 = tpu.memref_slice %arg2[%add3A_176] : memref<8388608xf32, #tpu.memory_space<hbm>> -> memref<16384xf32, #tpu.memory_space<hbm>>
    %dma_wait3A_198 = tpu.memref_slice %arg2[%add3A_176] : memref<8388608xf32, #tpu.memory_space<hbm>> -> memref<16384xf32, #tpu.memory_space<hbm>>
    tpu.wait_dma2 semaphore(%arg13 : memref<!tpu.dma_semaphore, #tpu.memory_space<semaphore_mem>>) src(%dma_wait3A_198 : memref<16384xf32, #tpu.memory_space<hbm>>) dst(%arg9 : memref<16384xf32, #tpu.memory_space<vmem>>)
    %dma_wait3A_199 = tpu.memref_slice %arg3[%add3A_176] : memref<8388608xf32, #tpu.memory_space<hbm>> -> memref<16384xf32, #tpu.memory_space<hbm>>
    %dma_wait3A_200 = tpu.memref_slice %arg3[%add3A_176] : memref<8388608xf32, #tpu.memory_space<hbm>> -> memref<16384xf32, #tpu.memory_space<hbm>>
    tpu.wait_dma2 semaphore(%arg15 : memref<!tpu.dma_semaphore, #tpu.memory_space<semaphore_mem>>) src(%dma_wait3A_200 : memref<16384xf32, #tpu.memory_space<hbm>>) dst(%arg11 : memref<16384xf32, #tpu.memory_space<vmem>>)
    %scan3A_201 = arith.constant 0 : i32
    %scan3A_202 = arith.constant 0 : i32
    %scan3A_203 = arith.constant 128 : i32
    %scan3A_204 = arith.addi %scan3A_202, %scan3A_203 : i32
    %scan3A_205 = arith.constant 1 : i32
    scf.for %scan3A_265 = %scan3A_202 to %scan3A_204 step %scan3A_205  : i32 {
      %mul3A_266 = arith.constant 128 : i32
      %mul3A_267 = arith.muli %scan3A_265, %mul3A_266 : i32
      %add3A_268 = arith.constant 0 : i32
      %add3A_269 = arith.addi %mul3A_267, %add3A_268 : i32
      %get3A = arith.index_cast %add3A_269 : i32 to index
      %get3A_270 = tpu.vector_load %arg9[%get3A] {strides = array<i32>} : memref<16384xf32, #tpu.memory_space<vmem>>, vector<16xf32>,
      %get3A_271 = arith.index_cast %add3A_269 : i32 to index
      %get3A_272 = tpu.vector_load %arg11[%get3A_271] {strides = array<i32>} : memref<16384xf32, #tpu.memory_space<vmem>>, vector<16xf32>,
      %mul3A_273 = arith.constant 128 : i32
      %mul3A_274 = arith.muli %scan3A_265, %mul3A_273 : i32
      %add3A_275 = arith.constant 16 : i32
      %add3A_276 = arith.addi %mul3A_274, %add3A_275 : i32
      %get3A_277 = arith.index_cast %add3A_276 : i32 to index
      %get3A_278 = tpu.vector_load %arg9[%get3A_277] {strides = array<i32>} : memref<16384xf32, #tpu.memory_space<vmem>>, vector<16xf32>,
      %get3A_279 = arith.index_cast %add3A_276 : i32 to index
      %get3A_280 = tpu.vector_load %arg11[%get3A_279] {strides = array<i32>} : memref<16384xf32, #tpu.memory_space<vmem>>, vector<16xf32>,
      %mul3A_281 = arith.constant 128 : i32
      %mul3A_282 = arith.muli %scan3A_265, %mul3A_281 : i32
      %add3A_283 = arith.constant 32 : i32
      %add3A_284 = arith.addi %mul3A_282, %add3A_283 : i32
      %get3A_285 = arith.index_cast %add3A_284 : i32 to index
      %get3A_286 = tpu.vector_load %arg9[%get3A_285] {strides = array<i32>} : memref<16384xf32, #tpu.memory_space<vmem>>, vector<16xf32>,
      %get3A_287 = arith.index_cast %add3A_284 : i32 to index
      %get3A_288 = tpu.vector_load %arg11[%get3A_287] {strides = array<i32>} : memref<16384xf32, #tpu.memory_space<vmem>>, vector<16xf32>,
      %mul3A_289 = arith.constant 128 : i32
      %mul3A_290 = arith.muli %scan3A_265, %mul3A_289 : i32
      %add3A_291 = arith.constant 48 : i32
      %add3A_292 = arith.addi %mul3A_290, %add3A_291 : i32
      %get3A_293 = arith.index_cast %add3A_292 : i32 to index
      %get3A_294 = tpu.vector_load %arg9[%get3A_293] {strides = array<i32>} : memref<16384xf32, #tpu.memory_space<vmem>>, vector<16xf32>,
      %get3A_295 = arith.index_cast %add3A_292 : i32 to index
      %get3A_296 = tpu.vector_load %arg11[%get3A_295] {strides = array<i32>} : memref<16384xf32, #tpu.memory_space<vmem>>, vector<16xf32>,
      %mul3A_297 = arith.constant 128 : i32
      %mul3A_298 = arith.muli %scan3A_265, %mul3A_297 : i32
      %add3A_299 = arith.constant 64 : i32
      %add3A_300 = arith.addi %mul3A_298, %add3A_299 : i32
      %get3A_301 = arith.index_cast %add3A_300 : i32 to index
      %get3A_302 = tpu.vector_load %arg9[%get3A_301] {strides = array<i32>} : memref<16384xf32, #tpu.memory_space<vmem>>, vector<16xf32>,
      %get3A_303 = arith.index_cast %add3A_300 : i32 to index
      %get3A_304 = tpu.vector_load %arg11[%get3A_303] {strides = array<i32>} : memref<16384xf32, #tpu.memory_space<vmem>>, vector<16xf32>,
      %mul3A_305 = arith.constant 128 : i32
      %mul3A_306 = arith.muli %scan3A_265, %mul3A_305 : i32
      %add3A_307 = arith.constant 80 : i32
      %add3A_308 = arith.addi %mul3A_306, %add3A_307 : i32
      %get3A_309 = arith.index_cast %add3A_308 : i32 to index
      %get3A_310 = tpu.vector_load %arg9[%get3A_309] {strides = array<i32>} : memref<16384xf32, #tpu.memory_space<vmem>>, vector<16xf32>,
      %get3A_311 = arith.index_cast %add3A_308 : i32 to index
      %get3A_312 = tpu.vector_load %arg11[%get3A_311] {strides = array<i32>} : memref<16384xf32, #tpu.memory_space<vmem>>, vector<16xf32>,
      %mul3A_313 = arith.constant 128 : i32
      %mul3A_314 = arith.muli %scan3A_265, %mul3A_313 : i32
      %add3A_315 = arith.constant 96 : i32
      %add3A_316 = arith.addi %mul3A_314, %add3A_315 : i32
      %get3A_317 = arith.index_cast %add3A_316 : i32 to index
      %get3A_318 = tpu.vector_load %arg9[%get3A_317] {strides = array<i32>} : memref<16384xf32, #tpu.memory_space<vmem>>, vector<16xf32>,
      %get3A_319 = arith.index_cast %add3A_316 : i32 to index
      %get3A_320 = tpu.vector_load %arg11[%get3A_319] {strides = array<i32>} : memref<16384xf32, #tpu.memory_space<vmem>>, vector<16xf32>,
      %mul3A_321 = arith.constant 128 : i32
      %mul3A_322 = arith.muli %scan3A_265, %mul3A_321 : i32
      %add3A_323 = arith.constant 112 : i32
      %add3A_324 = arith.addi %mul3A_322, %add3A_323 : i32
      %get3A_325 = arith.index_cast %add3A_324 : i32 to index
      %get3A_326 = tpu.vector_load %arg9[%get3A_325] {strides = array<i32>} : memref<16384xf32, #tpu.memory_space<vmem>>, vector<16xf32>,
      %get3A_327 = arith.index_cast %add3A_324 : i32 to index
      %get3A_328 = tpu.vector_load %arg11[%get3A_327] {strides = array<i32>} : memref<16384xf32, #tpu.memory_space<vmem>>, vector<16xf32>,
      %sub3A = arith.subf %get3A_272, %get3A_270 : vector<16xf32>
      %mul3A_329 = arith.mulf %sub3A, %sub3A : vector<16xf32>
      %bitcast_convert_type3A = tpu.bitcast %get3A_270 : vector<16xf32> -> vector<16xi32>
      %shift_right_arithmetic3A = arith.constant 31 : i32
      %shift_right_arithmetic3A_330 = vector.broadcast %shift_right_arithmetic3A : i32 to vector<16xi32>
      %shift_right_arithmetic3A_331 = arith.shrsi %bitcast_convert_type3A, %shift_right_arithmetic3A_330 : vector<16xi32>
      %or3A = arith.constant -2147483648 : i32
      %or3A_332 = vector.broadcast %or3A : i32 to vector<16xi32>
      %or3A_333 = arith.ori %shift_right_arithmetic3A_331, %or3A_332 : vector<16xi32>
      %xor3A = arith.xori %bitcast_convert_type3A, %or3A_333 : vector<16xi32>
      %shift_right_logical3A = arith.constant 18 : i32
      %shift_right_logical3A_334 = vector.broadcast %shift_right_logical3A : i32 to vector<16xi32>
      %shift_right_logical3A_335 = arith.shrui %xor3A, %shift_right_logical3A_334 : vector<16xi32>
      %sub3A_336 = arith.subf %get3A_280, %get3A_278 : vector<16xf32>
      %mul3A_337 = arith.mulf %sub3A_336, %sub3A_336 : vector<16xf32>
      %bitcast_convert_type3A_338 = tpu.bitcast %get3A_278 : vector<16xf32> -> vector<16xi32>
      %shift_right_arithmetic3A_339 = arith.constant 31 : i32
      %shift_right_arithmetic3A_340 = vector.broadcast %shift_right_arithmetic3A_339 : i32 to vector<16xi32>
      %shift_right_arithmetic3A_341 = arith.shrsi %bitcast_convert_type3A_338, %shift_right_arithmetic3A_340 : vector<16xi32>
      %or3A_342 = arith.constant -2147483648 : i32
      %or3A_343 = vector.broadcast %or3A_342 : i32 to vector<16xi32>
      %or3A_344 = arith.ori %shift_right_arithmetic3A_341, %or3A_343 : vector<16xi32>
      %xor3A_345 = arith.xori %bitcast_convert_type3A_338, %or3A_344 : vector<16xi32>
      %shift_right_logical3A_346 = arith.constant 18 : i32
      %shift_right_logical3A_347 = vector.broadcast %shift_right_logical3A_346 : i32 to vector<16xi32>
      %shift_right_logical3A_348 = arith.shrui %xor3A_345, %shift_right_logical3A_347 : vector<16xi32>
      %sub3A_349 = arith.subf %get3A_288, %get3A_286 : vector<16xf32>
      %mul3A_350 = arith.mulf %sub3A_349, %sub3A_349 : vector<16xf32>
      %bitcast_convert_type3A_351 = tpu.bitcast %get3A_286 : vector<16xf32> -> vector<16xi32>
      %shift_right_arithmetic3A_352 = arith.constant 31 : i32
      %shift_right_arithmetic3A_353 = vector.broadcast %shift_right_arithmetic3A_352 : i32 to vector<16xi32>
      %shift_right_arithmetic3A_354 = arith.shrsi %bitcast_convert_type3A_351, %shift_right_arithmetic3A_353 : vector<16xi32>
      %or3A_355 = arith.constant -2147483648 : i32
      %or3A_356 = vector.broadcast %or3A_355 : i32 to vector<16xi32>
      %or3A_357 = arith.ori %shift_right_arithmetic3A_354, %or3A_356 : vector<16xi32>
      %xor3A_358 = arith.xori %bitcast_convert_type3A_351, %or3A_357 : vector<16xi32>
      %shift_right_logical3A_359 = arith.constant 18 : i32
      %shift_right_logical3A_360 = vector.broadcast %shift_right_logical3A_359 : i32 to vector<16xi32>
      %shift_right_logical3A_361 = arith.shrui %xor3A_358, %shift_right_logical3A_360 : vector<16xi32>
      %sub3A_362 = arith.subf %get3A_296, %get3A_294 : vector<16xf32>
      %mul3A_363 = arith.mulf %sub3A_362, %sub3A_362 : vector<16xf32>
      %bitcast_convert_type3A_364 = tpu.bitcast %get3A_294 : vector<16xf32> -> vector<16xi32>
      %shift_right_arithmetic3A_365 = arith.constant 31 : i32
      %shift_right_arithmetic3A_366 = vector.broadcast %shift_right_arithmetic3A_365 : i32 to vector<16xi32>
      %shift_right_arithmetic3A_367 = arith.shrsi %bitcast_convert_type3A_364, %shift_right_arithmetic3A_366 : vector<16xi32>
      %or3A_368 = arith.constant -2147483648 : i32
      %or3A_369 = vector.broadcast %or3A_368 : i32 to vector<16xi32>
      %or3A_370 = arith.ori %shift_right_arithmetic3A_367, %or3A_369 : vector<16xi32>
      %xor3A_371 = arith.xori %bitcast_convert_type3A_364, %or3A_370 : vector<16xi32>
      %shift_right_logical3A_372 = arith.constant 18 : i32
      %shift_right_logical3A_373 = vector.broadcast %shift_right_logical3A_372 : i32 to vector<16xi32>
      %shift_right_logical3A_374 = arith.shrui %xor3A_371, %shift_right_logical3A_373 : vector<16xi32>
      %sub3A_375 = arith.subf %get3A_304, %get3A_302 : vector<16xf32>
      %mul3A_376 = arith.mulf %sub3A_375, %sub3A_375 : vector<16xf32>
      %bitcast_convert_type3A_377 = tpu.bitcast %get3A_302 : vector<16xf32> -> vector<16xi32>
      %shift_right_arithmetic3A_378 = arith.constant 31 : i32
      %shift_right_arithmetic3A_379 = vector.broadcast %shift_right_arithmetic3A_378 : i32 to vector<16xi32>
      %shift_right_arithmetic3A_380 = arith.shrsi %bitcast_convert_type3A_377, %shift_right_arithmetic3A_379 : vector<16xi32>
      %or3A_381 = arith.constant -2147483648 : i32
      %or3A_382 = vector.broadcast %or3A_381 : i32 to vector<16xi32>
      %or3A_383 = arith.ori %shift_right_arithmetic3A_380, %or3A_382 : vector<16xi32>
      %xor3A_384 = arith.xori %bitcast_convert_type3A_377, %or3A_383 : vector<16xi32>
      %shift_right_logical3A_385 = arith.constant 18 : i32
      %shift_right_logical3A_386 = vector.broadcast %shift_right_logical3A_385 : i32 to vector<16xi32>
      %shift_right_logical3A_387 = arith.shrui %xor3A_384, %shift_right_logical3A_386 : vector<16xi32>
      %sub3A_388 = arith.subf %get3A_312, %get3A_310 : vector<16xf32>
      %mul3A_389 = arith.mulf %sub3A_388, %sub3A_388 : vector<16xf32>
      %bitcast_convert_type3A_390 = tpu.bitcast %get3A_310 : vector<16xf32> -> vector<16xi32>
      %shift_right_arithmetic3A_391 = arith.constant 31 : i32
      %shift_right_arithmetic3A_392 = vector.broadcast %shift_right_arithmetic3A_391 : i32 to vector<16xi32>
      %shift_right_arithmetic3A_393 = arith.shrsi %bitcast_convert_type3A_390, %shift_right_arithmetic3A_392 : vector<16xi32>
      %or3A_394 = arith.constant -2147483648 : i32
      %or3A_395 = vector.broadcast %or3A_394 : i32 to vector<16xi32>
      %or3A_396 = arith.ori %shift_right_arithmetic3A_393, %or3A_395 : vector<16xi32>
      %xor3A_397 = arith.xori %bitcast_convert_type3A_390, %or3A_396 : vector<16xi32>
      %shift_right_logical3A_398 = arith.constant 18 : i32
      %shift_right_logical3A_399 = vector.broadcast %shift_right_logical3A_398 : i32 to vector<16xi32>
      %shift_right_logical3A_400 = arith.shrui %xor3A_397, %shift_right_logical3A_399 : vector<16xi32>
      %sub3A_401 = arith.subf %get3A_320, %get3A_318 : vector<16xf32>
      %mul3A_402 = arith.mulf %sub3A_401, %sub3A_401 : vector<16xf32>
      %bitcast_convert_type3A_403 = tpu.bitcast %get3A_318 : vector<16xf32> -> vector<16xi32>
      %shift_right_arithmetic3A_404 = arith.constant 31 : i32
      %shift_right_arithmetic3A_405 = vector.broadcast %shift_right_arithmetic3A_404 : i32 to vector<16xi32>
      %shift_right_arithmetic3A_406 = arith.shrsi %bitcast_convert_type3A_403, %shift_right_arithmetic3A_405 : vector<16xi32>
      %or3A_407 = arith.constant -2147483648 : i32
      %or3A_408 = vector.broadcast %or3A_407 : i32 to vector<16xi32>
      %or3A_409 = arith.ori %shift_right_arithmetic3A_406, %or3A_408 : vector<16xi32>
      %xor3A_410 = arith.xori %bitcast_convert_type3A_403, %or3A_409 : vector<16xi32>
      %shift_right_logical3A_411 = arith.constant 18 : i32
      %shift_right_logical3A_412 = vector.broadcast %shift_right_logical3A_411 : i32 to vector<16xi32>
      %shift_right_logical3A_413 = arith.shrui %xor3A_410, %shift_right_logical3A_412 : vector<16xi32>
      %sub3A_414 = arith.subf %get3A_328, %get3A_326 : vector<16xf32>
      %mul3A_415 = arith.mulf %sub3A_414, %sub3A_414 : vector<16xf32>
      %bitcast_convert_type3A_416 = tpu.bitcast %get3A_326 : vector<16xf32> -> vector<16xi32>
      %shift_right_arithmetic3A_417 = arith.constant 31 : i32
      %shift_right_arithmetic3A_418 = vector.broadcast %shift_right_arithmetic3A_417 : i32 to vector<16xi32>
      %shift_right_arithmetic3A_419 = arith.shrsi %bitcast_convert_type3A_416, %shift_right_arithmetic3A_418 : vector<16xi32>
      %or3A_420 = arith.constant -2147483648 : i32
      %or3A_421 = vector.broadcast %or3A_420 : i32 to vector<16xi32>
      %or3A_422 = arith.ori %shift_right_arithmetic3A_419, %or3A_421 : vector<16xi32>
      %xor3A_423 = arith.xori %bitcast_convert_type3A_416, %or3A_422 : vector<16xi32>
      %shift_right_logical3A_424 = arith.constant 18 : i32
      %shift_right_logical3A_425 = vector.broadcast %shift_right_logical3A_424 : i32 to vector<16xi32>
      %shift_right_logical3A_426 = arith.shrui %xor3A_423, %shift_right_logical3A_425 : vector<16xi32>
      tpu.vector_store_idx %arg6[%shift_right_logical3A_335], %broadcast_in_dim3A_7 {add = true} : memref<16384xi32, #tpu.memory_space<vmem>>[vector<16xi32>], vector<16xi32>,
      tpu.vector_store_idx %arg6[%shift_right_logical3A_348], %broadcast_in_dim3A_7 {add = true} : memref<16384xi32, #tpu.memory_space<vmem>>[vector<16xi32>], vector<16xi32>,
      tpu.vector_store_idx %arg6[%shift_right_logical3A_361], %broadcast_in_dim3A_7 {add = true} : memref<16384xi32, #tpu.memory_space<vmem>>[vector<16xi32>], vector<16xi32>,
      tpu.vector_store_idx %arg6[%shift_right_logical3A_374], %broadcast_in_dim3A_7 {add = true} : memref<16384xi32, #tpu.memory_space<vmem>>[vector<16xi32>], vector<16xi32>,
      tpu.vector_store_idx %arg6[%shift_right_logical3A_387], %broadcast_in_dim3A_7 {add = true} : memref<16384xi32, #tpu.memory_space<vmem>>[vector<16xi32>], vector<16xi32>,
      tpu.vector_store_idx %arg6[%shift_right_logical3A_400], %broadcast_in_dim3A_7 {add = true} : memref<16384xi32, #tpu.memory_space<vmem>>[vector<16xi32>], vector<16xi32>,
      tpu.vector_store_idx %arg6[%shift_right_logical3A_413], %broadcast_in_dim3A_7 {add = true} : memref<16384xi32, #tpu.memory_space<vmem>>[vector<16xi32>], vector<16xi32>,
      tpu.vector_store_idx %arg6[%shift_right_logical3A_426], %broadcast_in_dim3A_7 {add = true} : memref<16384xi32, #tpu.memory_space<vmem>>[vector<16xi32>], vector<16xi32>,
      tpu.vector_store_idx %arg7[%shift_right_logical3A_335], %mul3A_329 {add = true} : memref<16384xf32, #tpu.memory_space<vmem>>[vector<16xi32>], vector<16xf32>,
      tpu.vector_store_idx %arg7[%shift_right_logical3A_348], %mul3A_337 {add = true} : memref<16384xf32, #tpu.memory_space<vmem>>[vector<16xi32>], vector<16xf32>,
      tpu.vector_store_idx %arg7[%shift_right_logical3A_361], %mul3A_350 {add = true} : memref<16384xf32, #tpu.memory_space<vmem>>[vector<16xi32>], vector<16xf32>,
      tpu.vector_store_idx %arg7[%shift_right_logical3A_374], %mul3A_363 {add = true} : memref<16384xf32, #tpu.memory_space<vmem>>[vector<16xi32>], vector<16xf32>,
      tpu.vector_store_idx %arg7[%shift_right_logical3A_387], %mul3A_376 {add = true} : memref<16384xf32, #tpu.memory_space<vmem>>[vector<16xi32>], vector<16xf32>,
      tpu.vector_store_idx %arg7[%shift_right_logical3A_400], %mul3A_389 {add = true} : memref<16384xf32, #tpu.memory_space<vmem>>[vector<16xi32>], vector<16xf32>,
      tpu.vector_store_idx %arg7[%shift_right_logical3A_413], %mul3A_402 {add = true} : memref<16384xf32, #tpu.memory_space<vmem>>[vector<16xi32>], vector<16xf32>,
      tpu.vector_store_idx %arg7[%shift_right_logical3A_426], %mul3A_415 {add = true} : memref<16384xf32, #tpu.memory_space<vmem>>[vector<16xi32>], vector<16xf32>,
    }
    %scan3A_206 = arith.constant 128 : i32
    %add3A_207 = arith.constant 212992 : i32
    %add3A_208 = arith.addi %mul3A_2, %add3A_207 : i32
    %dma_start3A_209 = tpu.memref_slice %arg2[%add3A_208] : memref<8388608xf32, #tpu.memory_space<hbm>> -> memref<16384xf32, #tpu.memory_space<hbm>>
    %dma_start3A_210 = tpu.memref_slice %arg2[%add3A_208] : memref<8388608xf32, #tpu.memory_space<hbm>> -> memref<16384xf32, #tpu.memory_space<hbm>>
    tpu.enqueue_dma source(%dma_start3A_210 : memref<16384xf32, #tpu.memory_space<hbm>>) target(%arg9 : memref<16384xf32, #tpu.memory_space<vmem>>) target_semaphore(%arg13 : memref<!tpu.dma_semaphore, #tpu.memory_space<semaphore_mem>>)
    %dma_start3A_211 = tpu.memref_slice %arg3[%add3A_208] : memref<8388608xf32, #tpu.memory_space<hbm>> -> memref<16384xf32, #tpu.memory_space<hbm>>
    %dma_start3A_212 = tpu.memref_slice %arg3[%add3A_208] : memref<8388608xf32, #tpu.memory_space<hbm>> -> memref<16384xf32, #tpu.memory_space<hbm>>
    tpu.enqueue_dma source(%dma_start3A_212 : memref<16384xf32, #tpu.memory_space<hbm>>) target(%arg11 : memref<16384xf32, #tpu.memory_space<vmem>>) target_semaphore(%arg15 : memref<!tpu.dma_semaphore, #tpu.memory_space<semaphore_mem>>)
    %dma_wait3A_213 = tpu.memref_slice %arg2[%add3A_192] : memref<8388608xf32, #tpu.memory_space<hbm>> -> memref<16384xf32, #tpu.memory_space<hbm>>
    %dma_wait3A_214 = tpu.memref_slice %arg2[%add3A_192] : memref<8388608xf32, #tpu.memory_space<hbm>> -> memref<16384xf32, #tpu.memory_space<hbm>>
    tpu.wait_dma2 semaphore(%arg12 : memref<!tpu.dma_semaphore, #tpu.memory_space<semaphore_mem>>) src(%dma_wait3A_214 : memref<16384xf32, #tpu.memory_space<hbm>>) dst(%arg8 : memref<16384xf32, #tpu.memory_space<vmem>>)
    %dma_wait3A_215 = tpu.memref_slice %arg3[%add3A_192] : memref<8388608xf32, #tpu.memory_space<hbm>> -> memref<16384xf32, #tpu.memory_space<hbm>>
    %dma_wait3A_216 = tpu.memref_slice %arg3[%add3A_192] : memref<8388608xf32, #tpu.memory_space<hbm>> -> memref<16384xf32, #tpu.memory_space<hbm>>
    tpu.wait_dma2 semaphore(%arg14 : memref<!tpu.dma_semaphore, #tpu.memory_space<semaphore_mem>>) src(%dma_wait3A_216 : memref<16384xf32, #tpu.memory_space<hbm>>) dst(%arg10 : memref<16384xf32, #tpu.memory_space<vmem>>)
    %scan3A_217 = arith.constant 0 : i32
    %scan3A_218 = arith.constant 0 : i32
    %scan3A_219 = arith.constant 128 : i32
    %scan3A_220 = arith.addi %scan3A_218, %scan3A_219 : i32
    %scan3A_221 = arith.constant 1 : i32
    scf.for %scan3A_265 = %scan3A_218 to %scan3A_220 step %scan3A_221  : i32 {
      %mul3A_266 = arith.constant 128 : i32
      %mul3A_267 = arith.muli %scan3A_265, %mul3A_266 : i32
      %add3A_268 = arith.constant 0 : i32
      %add3A_269 = arith.addi %mul3A_267, %add3A_268 : i32
      %get3A = arith.index_cast %add3A_269 : i32 to index
      %get3A_270 = tpu.vector_load %arg8[%get3A] {strides = array<i32>} : memref<16384xf32, #tpu.memory_space<vmem>>, vector<16xf32>,
      %get3A_271 = arith.index_cast %add3A_269 : i32 to index
      %get3A_272 = tpu.vector_load %arg10[%get3A_271] {strides = array<i32>} : memref<16384xf32, #tpu.memory_space<vmem>>, vector<16xf32>,
      %mul3A_273 = arith.constant 128 : i32
      %mul3A_274 = arith.muli %scan3A_265, %mul3A_273 : i32
      %add3A_275 = arith.constant 16 : i32
      %add3A_276 = arith.addi %mul3A_274, %add3A_275 : i32
      %get3A_277 = arith.index_cast %add3A_276 : i32 to index
      %get3A_278 = tpu.vector_load %arg8[%get3A_277] {strides = array<i32>} : memref<16384xf32, #tpu.memory_space<vmem>>, vector<16xf32>,
      %get3A_279 = arith.index_cast %add3A_276 : i32 to index
      %get3A_280 = tpu.vector_load %arg10[%get3A_279] {strides = array<i32>} : memref<16384xf32, #tpu.memory_space<vmem>>, vector<16xf32>,
      %mul3A_281 = arith.constant 128 : i32
      %mul3A_282 = arith.muli %scan3A_265, %mul3A_281 : i32
      %add3A_283 = arith.constant 32 : i32
      %add3A_284 = arith.addi %mul3A_282, %add3A_283 : i32
      %get3A_285 = arith.index_cast %add3A_284 : i32 to index
      %get3A_286 = tpu.vector_load %arg8[%get3A_285] {strides = array<i32>} : memref<16384xf32, #tpu.memory_space<vmem>>, vector<16xf32>,
      %get3A_287 = arith.index_cast %add3A_284 : i32 to index
      %get3A_288 = tpu.vector_load %arg10[%get3A_287] {strides = array<i32>} : memref<16384xf32, #tpu.memory_space<vmem>>, vector<16xf32>,
      %mul3A_289 = arith.constant 128 : i32
      %mul3A_290 = arith.muli %scan3A_265, %mul3A_289 : i32
      %add3A_291 = arith.constant 48 : i32
      %add3A_292 = arith.addi %mul3A_290, %add3A_291 : i32
      %get3A_293 = arith.index_cast %add3A_292 : i32 to index
      %get3A_294 = tpu.vector_load %arg8[%get3A_293] {strides = array<i32>} : memref<16384xf32, #tpu.memory_space<vmem>>, vector<16xf32>,
      %get3A_295 = arith.index_cast %add3A_292 : i32 to index
      %get3A_296 = tpu.vector_load %arg10[%get3A_295] {strides = array<i32>} : memref<16384xf32, #tpu.memory_space<vmem>>, vector<16xf32>,
      %mul3A_297 = arith.constant 128 : i32
      %mul3A_298 = arith.muli %scan3A_265, %mul3A_297 : i32
      %add3A_299 = arith.constant 64 : i32
      %add3A_300 = arith.addi %mul3A_298, %add3A_299 : i32
      %get3A_301 = arith.index_cast %add3A_300 : i32 to index
      %get3A_302 = tpu.vector_load %arg8[%get3A_301] {strides = array<i32>} : memref<16384xf32, #tpu.memory_space<vmem>>, vector<16xf32>,
      %get3A_303 = arith.index_cast %add3A_300 : i32 to index
      %get3A_304 = tpu.vector_load %arg10[%get3A_303] {strides = array<i32>} : memref<16384xf32, #tpu.memory_space<vmem>>, vector<16xf32>,
      %mul3A_305 = arith.constant 128 : i32
      %mul3A_306 = arith.muli %scan3A_265, %mul3A_305 : i32
      %add3A_307 = arith.constant 80 : i32
      %add3A_308 = arith.addi %mul3A_306, %add3A_307 : i32
      %get3A_309 = arith.index_cast %add3A_308 : i32 to index
      %get3A_310 = tpu.vector_load %arg8[%get3A_309] {strides = array<i32>} : memref<16384xf32, #tpu.memory_space<vmem>>, vector<16xf32>,
      %get3A_311 = arith.index_cast %add3A_308 : i32 to index
      %get3A_312 = tpu.vector_load %arg10[%get3A_311] {strides = array<i32>} : memref<16384xf32, #tpu.memory_space<vmem>>, vector<16xf32>,
      %mul3A_313 = arith.constant 128 : i32
      %mul3A_314 = arith.muli %scan3A_265, %mul3A_313 : i32
      %add3A_315 = arith.constant 96 : i32
      %add3A_316 = arith.addi %mul3A_314, %add3A_315 : i32
      %get3A_317 = arith.index_cast %add3A_316 : i32 to index
      %get3A_318 = tpu.vector_load %arg8[%get3A_317] {strides = array<i32>} : memref<16384xf32, #tpu.memory_space<vmem>>, vector<16xf32>,
      %get3A_319 = arith.index_cast %add3A_316 : i32 to index
      %get3A_320 = tpu.vector_load %arg10[%get3A_319] {strides = array<i32>} : memref<16384xf32, #tpu.memory_space<vmem>>, vector<16xf32>,
      %mul3A_321 = arith.constant 128 : i32
      %mul3A_322 = arith.muli %scan3A_265, %mul3A_321 : i32
      %add3A_323 = arith.constant 112 : i32
      %add3A_324 = arith.addi %mul3A_322, %add3A_323 : i32
      %get3A_325 = arith.index_cast %add3A_324 : i32 to index
      %get3A_326 = tpu.vector_load %arg8[%get3A_325] {strides = array<i32>} : memref<16384xf32, #tpu.memory_space<vmem>>, vector<16xf32>,
      %get3A_327 = arith.index_cast %add3A_324 : i32 to index
      %get3A_328 = tpu.vector_load %arg10[%get3A_327] {strides = array<i32>} : memref<16384xf32, #tpu.memory_space<vmem>>, vector<16xf32>,
      %sub3A = arith.subf %get3A_272, %get3A_270 : vector<16xf32>
      %mul3A_329 = arith.mulf %sub3A, %sub3A : vector<16xf32>
      %bitcast_convert_type3A = tpu.bitcast %get3A_270 : vector<16xf32> -> vector<16xi32>
      %shift_right_arithmetic3A = arith.constant 31 : i32
      %shift_right_arithmetic3A_330 = vector.broadcast %shift_right_arithmetic3A : i32 to vector<16xi32>
      %shift_right_arithmetic3A_331 = arith.shrsi %bitcast_convert_type3A, %shift_right_arithmetic3A_330 : vector<16xi32>
      %or3A = arith.constant -2147483648 : i32
      %or3A_332 = vector.broadcast %or3A : i32 to vector<16xi32>
      %or3A_333 = arith.ori %shift_right_arithmetic3A_331, %or3A_332 : vector<16xi32>
      %xor3A = arith.xori %bitcast_convert_type3A, %or3A_333 : vector<16xi32>
      %shift_right_logical3A = arith.constant 18 : i32
      %shift_right_logical3A_334 = vector.broadcast %shift_right_logical3A : i32 to vector<16xi32>
      %shift_right_logical3A_335 = arith.shrui %xor3A, %shift_right_logical3A_334 : vector<16xi32>
      %sub3A_336 = arith.subf %get3A_280, %get3A_278 : vector<16xf32>
      %mul3A_337 = arith.mulf %sub3A_336, %sub3A_336 : vector<16xf32>
      %bitcast_convert_type3A_338 = tpu.bitcast %get3A_278 : vector<16xf32> -> vector<16xi32>
      %shift_right_arithmetic3A_339 = arith.constant 31 : i32
      %shift_right_arithmetic3A_340 = vector.broadcast %shift_right_arithmetic3A_339 : i32 to vector<16xi32>
      %shift_right_arithmetic3A_341 = arith.shrsi %bitcast_convert_type3A_338, %shift_right_arithmetic3A_340 : vector<16xi32>
      %or3A_342 = arith.constant -2147483648 : i32
      %or3A_343 = vector.broadcast %or3A_342 : i32 to vector<16xi32>
      %or3A_344 = arith.ori %shift_right_arithmetic3A_341, %or3A_343 : vector<16xi32>
      %xor3A_345 = arith.xori %bitcast_convert_type3A_338, %or3A_344 : vector<16xi32>
      %shift_right_logical3A_346 = arith.constant 18 : i32
      %shift_right_logical3A_347 = vector.broadcast %shift_right_logical3A_346 : i32 to vector<16xi32>
      %shift_right_logical3A_348 = arith.shrui %xor3A_345, %shift_right_logical3A_347 : vector<16xi32>
      %sub3A_349 = arith.subf %get3A_288, %get3A_286 : vector<16xf32>
      %mul3A_350 = arith.mulf %sub3A_349, %sub3A_349 : vector<16xf32>
      %bitcast_convert_type3A_351 = tpu.bitcast %get3A_286 : vector<16xf32> -> vector<16xi32>
      %shift_right_arithmetic3A_352 = arith.constant 31 : i32
      %shift_right_arithmetic3A_353 = vector.broadcast %shift_right_arithmetic3A_352 : i32 to vector<16xi32>
      %shift_right_arithmetic3A_354 = arith.shrsi %bitcast_convert_type3A_351, %shift_right_arithmetic3A_353 : vector<16xi32>
      %or3A_355 = arith.constant -2147483648 : i32
      %or3A_356 = vector.broadcast %or3A_355 : i32 to vector<16xi32>
      %or3A_357 = arith.ori %shift_right_arithmetic3A_354, %or3A_356 : vector<16xi32>
      %xor3A_358 = arith.xori %bitcast_convert_type3A_351, %or3A_357 : vector<16xi32>
      %shift_right_logical3A_359 = arith.constant 18 : i32
      %shift_right_logical3A_360 = vector.broadcast %shift_right_logical3A_359 : i32 to vector<16xi32>
      %shift_right_logical3A_361 = arith.shrui %xor3A_358, %shift_right_logical3A_360 : vector<16xi32>
      %sub3A_362 = arith.subf %get3A_296, %get3A_294 : vector<16xf32>
      %mul3A_363 = arith.mulf %sub3A_362, %sub3A_362 : vector<16xf32>
      %bitcast_convert_type3A_364 = tpu.bitcast %get3A_294 : vector<16xf32> -> vector<16xi32>
      %shift_right_arithmetic3A_365 = arith.constant 31 : i32
      %shift_right_arithmetic3A_366 = vector.broadcast %shift_right_arithmetic3A_365 : i32 to vector<16xi32>
      %shift_right_arithmetic3A_367 = arith.shrsi %bitcast_convert_type3A_364, %shift_right_arithmetic3A_366 : vector<16xi32>
      %or3A_368 = arith.constant -2147483648 : i32
      %or3A_369 = vector.broadcast %or3A_368 : i32 to vector<16xi32>
      %or3A_370 = arith.ori %shift_right_arithmetic3A_367, %or3A_369 : vector<16xi32>
      %xor3A_371 = arith.xori %bitcast_convert_type3A_364, %or3A_370 : vector<16xi32>
      %shift_right_logical3A_372 = arith.constant 18 : i32
      %shift_right_logical3A_373 = vector.broadcast %shift_right_logical3A_372 : i32 to vector<16xi32>
      %shift_right_logical3A_374 = arith.shrui %xor3A_371, %shift_right_logical3A_373 : vector<16xi32>
      %sub3A_375 = arith.subf %get3A_304, %get3A_302 : vector<16xf32>
      %mul3A_376 = arith.mulf %sub3A_375, %sub3A_375 : vector<16xf32>
      %bitcast_convert_type3A_377 = tpu.bitcast %get3A_302 : vector<16xf32> -> vector<16xi32>
      %shift_right_arithmetic3A_378 = arith.constant 31 : i32
      %shift_right_arithmetic3A_379 = vector.broadcast %shift_right_arithmetic3A_378 : i32 to vector<16xi32>
      %shift_right_arithmetic3A_380 = arith.shrsi %bitcast_convert_type3A_377, %shift_right_arithmetic3A_379 : vector<16xi32>
      %or3A_381 = arith.constant -2147483648 : i32
      %or3A_382 = vector.broadcast %or3A_381 : i32 to vector<16xi32>
      %or3A_383 = arith.ori %shift_right_arithmetic3A_380, %or3A_382 : vector<16xi32>
      %xor3A_384 = arith.xori %bitcast_convert_type3A_377, %or3A_383 : vector<16xi32>
      %shift_right_logical3A_385 = arith.constant 18 : i32
      %shift_right_logical3A_386 = vector.broadcast %shift_right_logical3A_385 : i32 to vector<16xi32>
      %shift_right_logical3A_387 = arith.shrui %xor3A_384, %shift_right_logical3A_386 : vector<16xi32>
      %sub3A_388 = arith.subf %get3A_312, %get3A_310 : vector<16xf32>
      %mul3A_389 = arith.mulf %sub3A_388, %sub3A_388 : vector<16xf32>
      %bitcast_convert_type3A_390 = tpu.bitcast %get3A_310 : vector<16xf32> -> vector<16xi32>
      %shift_right_arithmetic3A_391 = arith.constant 31 : i32
      %shift_right_arithmetic3A_392 = vector.broadcast %shift_right_arithmetic3A_391 : i32 to vector<16xi32>
      %shift_right_arithmetic3A_393 = arith.shrsi %bitcast_convert_type3A_390, %shift_right_arithmetic3A_392 : vector<16xi32>
      %or3A_394 = arith.constant -2147483648 : i32
      %or3A_395 = vector.broadcast %or3A_394 : i32 to vector<16xi32>
      %or3A_396 = arith.ori %shift_right_arithmetic3A_393, %or3A_395 : vector<16xi32>
      %xor3A_397 = arith.xori %bitcast_convert_type3A_390, %or3A_396 : vector<16xi32>
      %shift_right_logical3A_398 = arith.constant 18 : i32
      %shift_right_logical3A_399 = vector.broadcast %shift_right_logical3A_398 : i32 to vector<16xi32>
      %shift_right_logical3A_400 = arith.shrui %xor3A_397, %shift_right_logical3A_399 : vector<16xi32>
      %sub3A_401 = arith.subf %get3A_320, %get3A_318 : vector<16xf32>
      %mul3A_402 = arith.mulf %sub3A_401, %sub3A_401 : vector<16xf32>
      %bitcast_convert_type3A_403 = tpu.bitcast %get3A_318 : vector<16xf32> -> vector<16xi32>
      %shift_right_arithmetic3A_404 = arith.constant 31 : i32
      %shift_right_arithmetic3A_405 = vector.broadcast %shift_right_arithmetic3A_404 : i32 to vector<16xi32>
      %shift_right_arithmetic3A_406 = arith.shrsi %bitcast_convert_type3A_403, %shift_right_arithmetic3A_405 : vector<16xi32>
      %or3A_407 = arith.constant -2147483648 : i32
      %or3A_408 = vector.broadcast %or3A_407 : i32 to vector<16xi32>
      %or3A_409 = arith.ori %shift_right_arithmetic3A_406, %or3A_408 : vector<16xi32>
      %xor3A_410 = arith.xori %bitcast_convert_type3A_403, %or3A_409 : vector<16xi32>
      %shift_right_logical3A_411 = arith.constant 18 : i32
      %shift_right_logical3A_412 = vector.broadcast %shift_right_logical3A_411 : i32 to vector<16xi32>
      %shift_right_logical3A_413 = arith.shrui %xor3A_410, %shift_right_logical3A_412 : vector<16xi32>
      %sub3A_414 = arith.subf %get3A_328, %get3A_326 : vector<16xf32>
      %mul3A_415 = arith.mulf %sub3A_414, %sub3A_414 : vector<16xf32>
      %bitcast_convert_type3A_416 = tpu.bitcast %get3A_326 : vector<16xf32> -> vector<16xi32>
      %shift_right_arithmetic3A_417 = arith.constant 31 : i32
      %shift_right_arithmetic3A_418 = vector.broadcast %shift_right_arithmetic3A_417 : i32 to vector<16xi32>
      %shift_right_arithmetic3A_419 = arith.shrsi %bitcast_convert_type3A_416, %shift_right_arithmetic3A_418 : vector<16xi32>
      %or3A_420 = arith.constant -2147483648 : i32
      %or3A_421 = vector.broadcast %or3A_420 : i32 to vector<16xi32>
      %or3A_422 = arith.ori %shift_right_arithmetic3A_419, %or3A_421 : vector<16xi32>
      %xor3A_423 = arith.xori %bitcast_convert_type3A_416, %or3A_422 : vector<16xi32>
      %shift_right_logical3A_424 = arith.constant 18 : i32
      %shift_right_logical3A_425 = vector.broadcast %shift_right_logical3A_424 : i32 to vector<16xi32>
      %shift_right_logical3A_426 = arith.shrui %xor3A_423, %shift_right_logical3A_425 : vector<16xi32>
      tpu.vector_store_idx %arg6[%shift_right_logical3A_335], %broadcast_in_dim3A_7 {add = true} : memref<16384xi32, #tpu.memory_space<vmem>>[vector<16xi32>], vector<16xi32>,
      tpu.vector_store_idx %arg6[%shift_right_logical3A_348], %broadcast_in_dim3A_7 {add = true} : memref<16384xi32, #tpu.memory_space<vmem>>[vector<16xi32>], vector<16xi32>,
      tpu.vector_store_idx %arg6[%shift_right_logical3A_361], %broadcast_in_dim3A_7 {add = true} : memref<16384xi32, #tpu.memory_space<vmem>>[vector<16xi32>], vector<16xi32>,
      tpu.vector_store_idx %arg6[%shift_right_logical3A_374], %broadcast_in_dim3A_7 {add = true} : memref<16384xi32, #tpu.memory_space<vmem>>[vector<16xi32>], vector<16xi32>,
      tpu.vector_store_idx %arg6[%shift_right_logical3A_387], %broadcast_in_dim3A_7 {add = true} : memref<16384xi32, #tpu.memory_space<vmem>>[vector<16xi32>], vector<16xi32>,
      tpu.vector_store_idx %arg6[%shift_right_logical3A_400], %broadcast_in_dim3A_7 {add = true} : memref<16384xi32, #tpu.memory_space<vmem>>[vector<16xi32>], vector<16xi32>,
      tpu.vector_store_idx %arg6[%shift_right_logical3A_413], %broadcast_in_dim3A_7 {add = true} : memref<16384xi32, #tpu.memory_space<vmem>>[vector<16xi32>], vector<16xi32>,
      tpu.vector_store_idx %arg6[%shift_right_logical3A_426], %broadcast_in_dim3A_7 {add = true} : memref<16384xi32, #tpu.memory_space<vmem>>[vector<16xi32>], vector<16xi32>,
      tpu.vector_store_idx %arg7[%shift_right_logical3A_335], %mul3A_329 {add = true} : memref<16384xf32, #tpu.memory_space<vmem>>[vector<16xi32>], vector<16xf32>,
      tpu.vector_store_idx %arg7[%shift_right_logical3A_348], %mul3A_337 {add = true} : memref<16384xf32, #tpu.memory_space<vmem>>[vector<16xi32>], vector<16xf32>,
      tpu.vector_store_idx %arg7[%shift_right_logical3A_361], %mul3A_350 {add = true} : memref<16384xf32, #tpu.memory_space<vmem>>[vector<16xi32>], vector<16xf32>,
      tpu.vector_store_idx %arg7[%shift_right_logical3A_374], %mul3A_363 {add = true} : memref<16384xf32, #tpu.memory_space<vmem>>[vector<16xi32>], vector<16xf32>,
      tpu.vector_store_idx %arg7[%shift_right_logical3A_387], %mul3A_376 {add = true} : memref<16384xf32, #tpu.memory_space<vmem>>[vector<16xi32>], vector<16xf32>,
      tpu.vector_store_idx %arg7[%shift_right_logical3A_400], %mul3A_389 {add = true} : memref<16384xf32, #tpu.memory_space<vmem>>[vector<16xi32>], vector<16xf32>,
      tpu.vector_store_idx %arg7[%shift_right_logical3A_413], %mul3A_402 {add = true} : memref<16384xf32, #tpu.memory_space<vmem>>[vector<16xi32>], vector<16xf32>,
      tpu.vector_store_idx %arg7[%shift_right_logical3A_426], %mul3A_415 {add = true} : memref<16384xf32, #tpu.memory_space<vmem>>[vector<16xi32>], vector<16xf32>,
    }
    %scan3A_222 = arith.constant 128 : i32
    %add3A_223 = arith.constant 229376 : i32
    %add3A_224 = arith.addi %mul3A_2, %add3A_223 : i32
    %dma_start3A_225 = tpu.memref_slice %arg2[%add3A_224] : memref<8388608xf32, #tpu.memory_space<hbm>> -> memref<16384xf32, #tpu.memory_space<hbm>>
    %dma_start3A_226 = tpu.memref_slice %arg2[%add3A_224] : memref<8388608xf32, #tpu.memory_space<hbm>> -> memref<16384xf32, #tpu.memory_space<hbm>>
    tpu.enqueue_dma source(%dma_start3A_226 : memref<16384xf32, #tpu.memory_space<hbm>>) target(%arg8 : memref<16384xf32, #tpu.memory_space<vmem>>) target_semaphore(%arg12 : memref<!tpu.dma_semaphore, #tpu.memory_space<semaphore_mem>>)
    %dma_start3A_227 = tpu.memref_slice %arg3[%add3A_224] : memref<8388608xf32, #tpu.memory_space<hbm>> -> memref<16384xf32, #tpu.memory_space<hbm>>
    %dma_start3A_228 = tpu.memref_slice %arg3[%add3A_224] : memref<8388608xf32, #tpu.memory_space<hbm>> -> memref<16384xf32, #tpu.memory_space<hbm>>
    tpu.enqueue_dma source(%dma_start3A_228 : memref<16384xf32, #tpu.memory_space<hbm>>) target(%arg10 : memref<16384xf32, #tpu.memory_space<vmem>>) target_semaphore(%arg14 : memref<!tpu.dma_semaphore, #tpu.memory_space<semaphore_mem>>)
    %dma_wait3A_229 = tpu.memref_slice %arg2[%add3A_208] : memref<8388608xf32, #tpu.memory_space<hbm>> -> memref<16384xf32, #tpu.memory_space<hbm>>
    %dma_wait3A_230 = tpu.memref_slice %arg2[%add3A_208] : memref<8388608xf32, #tpu.memory_space<hbm>> -> memref<16384xf32, #tpu.memory_space<hbm>>
    tpu.wait_dma2 semaphore(%arg13 : memref<!tpu.dma_semaphore, #tpu.memory_space<semaphore_mem>>) src(%dma_wait3A_230 : memref<16384xf32, #tpu.memory_space<hbm>>) dst(%arg9 : memref<16384xf32, #tpu.memory_space<vmem>>)
    %dma_wait3A_231 = tpu.memref_slice %arg3[%add3A_208] : memref<8388608xf32, #tpu.memory_space<hbm>> -> memref<16384xf32, #tpu.memory_space<hbm>>
    %dma_wait3A_232 = tpu.memref_slice %arg3[%add3A_208] : memref<8388608xf32, #tpu.memory_space<hbm>> -> memref<16384xf32, #tpu.memory_space<hbm>>
    tpu.wait_dma2 semaphore(%arg15 : memref<!tpu.dma_semaphore, #tpu.memory_space<semaphore_mem>>) src(%dma_wait3A_232 : memref<16384xf32, #tpu.memory_space<hbm>>) dst(%arg11 : memref<16384xf32, #tpu.memory_space<vmem>>)
    %scan3A_233 = arith.constant 0 : i32
    %scan3A_234 = arith.constant 0 : i32
    %scan3A_235 = arith.constant 128 : i32
    %scan3A_236 = arith.addi %scan3A_234, %scan3A_235 : i32
    %scan3A_237 = arith.constant 1 : i32
    scf.for %scan3A_265 = %scan3A_234 to %scan3A_236 step %scan3A_237  : i32 {
      %mul3A_266 = arith.constant 128 : i32
      %mul3A_267 = arith.muli %scan3A_265, %mul3A_266 : i32
      %add3A_268 = arith.constant 0 : i32
      %add3A_269 = arith.addi %mul3A_267, %add3A_268 : i32
      %get3A = arith.index_cast %add3A_269 : i32 to index
      %get3A_270 = tpu.vector_load %arg9[%get3A] {strides = array<i32>} : memref<16384xf32, #tpu.memory_space<vmem>>, vector<16xf32>,
      %get3A_271 = arith.index_cast %add3A_269 : i32 to index
      %get3A_272 = tpu.vector_load %arg11[%get3A_271] {strides = array<i32>} : memref<16384xf32, #tpu.memory_space<vmem>>, vector<16xf32>,
      %mul3A_273 = arith.constant 128 : i32
      %mul3A_274 = arith.muli %scan3A_265, %mul3A_273 : i32
      %add3A_275 = arith.constant 16 : i32
      %add3A_276 = arith.addi %mul3A_274, %add3A_275 : i32
      %get3A_277 = arith.index_cast %add3A_276 : i32 to index
      %get3A_278 = tpu.vector_load %arg9[%get3A_277] {strides = array<i32>} : memref<16384xf32, #tpu.memory_space<vmem>>, vector<16xf32>,
      %get3A_279 = arith.index_cast %add3A_276 : i32 to index
      %get3A_280 = tpu.vector_load %arg11[%get3A_279] {strides = array<i32>} : memref<16384xf32, #tpu.memory_space<vmem>>, vector<16xf32>,
      %mul3A_281 = arith.constant 128 : i32
      %mul3A_282 = arith.muli %scan3A_265, %mul3A_281 : i32
      %add3A_283 = arith.constant 32 : i32
      %add3A_284 = arith.addi %mul3A_282, %add3A_283 : i32
      %get3A_285 = arith.index_cast %add3A_284 : i32 to index
      %get3A_286 = tpu.vector_load %arg9[%get3A_285] {strides = array<i32>} : memref<16384xf32, #tpu.memory_space<vmem>>, vector<16xf32>,
      %get3A_287 = arith.index_cast %add3A_284 : i32 to index
      %get3A_288 = tpu.vector_load %arg11[%get3A_287] {strides = array<i32>} : memref<16384xf32, #tpu.memory_space<vmem>>, vector<16xf32>,
      %mul3A_289 = arith.constant 128 : i32
      %mul3A_290 = arith.muli %scan3A_265, %mul3A_289 : i32
      %add3A_291 = arith.constant 48 : i32
      %add3A_292 = arith.addi %mul3A_290, %add3A_291 : i32
      %get3A_293 = arith.index_cast %add3A_292 : i32 to index
      %get3A_294 = tpu.vector_load %arg9[%get3A_293] {strides = array<i32>} : memref<16384xf32, #tpu.memory_space<vmem>>, vector<16xf32>,
      %get3A_295 = arith.index_cast %add3A_292 : i32 to index
      %get3A_296 = tpu.vector_load %arg11[%get3A_295] {strides = array<i32>} : memref<16384xf32, #tpu.memory_space<vmem>>, vector<16xf32>,
      %mul3A_297 = arith.constant 128 : i32
      %mul3A_298 = arith.muli %scan3A_265, %mul3A_297 : i32
      %add3A_299 = arith.constant 64 : i32
      %add3A_300 = arith.addi %mul3A_298, %add3A_299 : i32
      %get3A_301 = arith.index_cast %add3A_300 : i32 to index
      %get3A_302 = tpu.vector_load %arg9[%get3A_301] {strides = array<i32>} : memref<16384xf32, #tpu.memory_space<vmem>>, vector<16xf32>,
      %get3A_303 = arith.index_cast %add3A_300 : i32 to index
      %get3A_304 = tpu.vector_load %arg11[%get3A_303] {strides = array<i32>} : memref<16384xf32, #tpu.memory_space<vmem>>, vector<16xf32>,
      %mul3A_305 = arith.constant 128 : i32
      %mul3A_306 = arith.muli %scan3A_265, %mul3A_305 : i32
      %add3A_307 = arith.constant 80 : i32
      %add3A_308 = arith.addi %mul3A_306, %add3A_307 : i32
      %get3A_309 = arith.index_cast %add3A_308 : i32 to index
      %get3A_310 = tpu.vector_load %arg9[%get3A_309] {strides = array<i32>} : memref<16384xf32, #tpu.memory_space<vmem>>, vector<16xf32>,
      %get3A_311 = arith.index_cast %add3A_308 : i32 to index
      %get3A_312 = tpu.vector_load %arg11[%get3A_311] {strides = array<i32>} : memref<16384xf32, #tpu.memory_space<vmem>>, vector<16xf32>,
      %mul3A_313 = arith.constant 128 : i32
      %mul3A_314 = arith.muli %scan3A_265, %mul3A_313 : i32
      %add3A_315 = arith.constant 96 : i32
      %add3A_316 = arith.addi %mul3A_314, %add3A_315 : i32
      %get3A_317 = arith.index_cast %add3A_316 : i32 to index
      %get3A_318 = tpu.vector_load %arg9[%get3A_317] {strides = array<i32>} : memref<16384xf32, #tpu.memory_space<vmem>>, vector<16xf32>,
      %get3A_319 = arith.index_cast %add3A_316 : i32 to index
      %get3A_320 = tpu.vector_load %arg11[%get3A_319] {strides = array<i32>} : memref<16384xf32, #tpu.memory_space<vmem>>, vector<16xf32>,
      %mul3A_321 = arith.constant 128 : i32
      %mul3A_322 = arith.muli %scan3A_265, %mul3A_321 : i32
      %add3A_323 = arith.constant 112 : i32
      %add3A_324 = arith.addi %mul3A_322, %add3A_323 : i32
      %get3A_325 = arith.index_cast %add3A_324 : i32 to index
      %get3A_326 = tpu.vector_load %arg9[%get3A_325] {strides = array<i32>} : memref<16384xf32, #tpu.memory_space<vmem>>, vector<16xf32>,
      %get3A_327 = arith.index_cast %add3A_324 : i32 to index
      %get3A_328 = tpu.vector_load %arg11[%get3A_327] {strides = array<i32>} : memref<16384xf32, #tpu.memory_space<vmem>>, vector<16xf32>,
      %sub3A = arith.subf %get3A_272, %get3A_270 : vector<16xf32>
      %mul3A_329 = arith.mulf %sub3A, %sub3A : vector<16xf32>
      %bitcast_convert_type3A = tpu.bitcast %get3A_270 : vector<16xf32> -> vector<16xi32>
      %shift_right_arithmetic3A = arith.constant 31 : i32
      %shift_right_arithmetic3A_330 = vector.broadcast %shift_right_arithmetic3A : i32 to vector<16xi32>
      %shift_right_arithmetic3A_331 = arith.shrsi %bitcast_convert_type3A, %shift_right_arithmetic3A_330 : vector<16xi32>
      %or3A = arith.constant -2147483648 : i32
      %or3A_332 = vector.broadcast %or3A : i32 to vector<16xi32>
      %or3A_333 = arith.ori %shift_right_arithmetic3A_331, %or3A_332 : vector<16xi32>
      %xor3A = arith.xori %bitcast_convert_type3A, %or3A_333 : vector<16xi32>
      %shift_right_logical3A = arith.constant 18 : i32
      %shift_right_logical3A_334 = vector.broadcast %shift_right_logical3A : i32 to vector<16xi32>
      %shift_right_logical3A_335 = arith.shrui %xor3A, %shift_right_logical3A_334 : vector<16xi32>
      %sub3A_336 = arith.subf %get3A_280, %get3A_278 : vector<16xf32>
      %mul3A_337 = arith.mulf %sub3A_336, %sub3A_336 : vector<16xf32>
      %bitcast_convert_type3A_338 = tpu.bitcast %get3A_278 : vector<16xf32> -> vector<16xi32>
      %shift_right_arithmetic3A_339 = arith.constant 31 : i32
      %shift_right_arithmetic3A_340 = vector.broadcast %shift_right_arithmetic3A_339 : i32 to vector<16xi32>
      %shift_right_arithmetic3A_341 = arith.shrsi %bitcast_convert_type3A_338, %shift_right_arithmetic3A_340 : vector<16xi32>
      %or3A_342 = arith.constant -2147483648 : i32
      %or3A_343 = vector.broadcast %or3A_342 : i32 to vector<16xi32>
      %or3A_344 = arith.ori %shift_right_arithmetic3A_341, %or3A_343 : vector<16xi32>
      %xor3A_345 = arith.xori %bitcast_convert_type3A_338, %or3A_344 : vector<16xi32>
      %shift_right_logical3A_346 = arith.constant 18 : i32
      %shift_right_logical3A_347 = vector.broadcast %shift_right_logical3A_346 : i32 to vector<16xi32>
      %shift_right_logical3A_348 = arith.shrui %xor3A_345, %shift_right_logical3A_347 : vector<16xi32>
      %sub3A_349 = arith.subf %get3A_288, %get3A_286 : vector<16xf32>
      %mul3A_350 = arith.mulf %sub3A_349, %sub3A_349 : vector<16xf32>
      %bitcast_convert_type3A_351 = tpu.bitcast %get3A_286 : vector<16xf32> -> vector<16xi32>
      %shift_right_arithmetic3A_352 = arith.constant 31 : i32
      %shift_right_arithmetic3A_353 = vector.broadcast %shift_right_arithmetic3A_352 : i32 to vector<16xi32>
      %shift_right_arithmetic3A_354 = arith.shrsi %bitcast_convert_type3A_351, %shift_right_arithmetic3A_353 : vector<16xi32>
      %or3A_355 = arith.constant -2147483648 : i32
      %or3A_356 = vector.broadcast %or3A_355 : i32 to vector<16xi32>
      %or3A_357 = arith.ori %shift_right_arithmetic3A_354, %or3A_356 : vector<16xi32>
      %xor3A_358 = arith.xori %bitcast_convert_type3A_351, %or3A_357 : vector<16xi32>
      %shift_right_logical3A_359 = arith.constant 18 : i32
      %shift_right_logical3A_360 = vector.broadcast %shift_right_logical3A_359 : i32 to vector<16xi32>
      %shift_right_logical3A_361 = arith.shrui %xor3A_358, %shift_right_logical3A_360 : vector<16xi32>
      %sub3A_362 = arith.subf %get3A_296, %get3A_294 : vector<16xf32>
      %mul3A_363 = arith.mulf %sub3A_362, %sub3A_362 : vector<16xf32>
      %bitcast_convert_type3A_364 = tpu.bitcast %get3A_294 : vector<16xf32> -> vector<16xi32>
      %shift_right_arithmetic3A_365 = arith.constant 31 : i32
      %shift_right_arithmetic3A_366 = vector.broadcast %shift_right_arithmetic3A_365 : i32 to vector<16xi32>
      %shift_right_arithmetic3A_367 = arith.shrsi %bitcast_convert_type3A_364, %shift_right_arithmetic3A_366 : vector<16xi32>
      %or3A_368 = arith.constant -2147483648 : i32
      %or3A_369 = vector.broadcast %or3A_368 : i32 to vector<16xi32>
      %or3A_370 = arith.ori %shift_right_arithmetic3A_367, %or3A_369 : vector<16xi32>
      %xor3A_371 = arith.xori %bitcast_convert_type3A_364, %or3A_370 : vector<16xi32>
      %shift_right_logical3A_372 = arith.constant 18 : i32
      %shift_right_logical3A_373 = vector.broadcast %shift_right_logical3A_372 : i32 to vector<16xi32>
      %shift_right_logical3A_374 = arith.shrui %xor3A_371, %shift_right_logical3A_373 : vector<16xi32>
      %sub3A_375 = arith.subf %get3A_304, %get3A_302 : vector<16xf32>
      %mul3A_376 = arith.mulf %sub3A_375, %sub3A_375 : vector<16xf32>
      %bitcast_convert_type3A_377 = tpu.bitcast %get3A_302 : vector<16xf32> -> vector<16xi32>
      %shift_right_arithmetic3A_378 = arith.constant 31 : i32
      %shift_right_arithmetic3A_379 = vector.broadcast %shift_right_arithmetic3A_378 : i32 to vector<16xi32>
      %shift_right_arithmetic3A_380 = arith.shrsi %bitcast_convert_type3A_377, %shift_right_arithmetic3A_379 : vector<16xi32>
      %or3A_381 = arith.constant -2147483648 : i32
      %or3A_382 = vector.broadcast %or3A_381 : i32 to vector<16xi32>
      %or3A_383 = arith.ori %shift_right_arithmetic3A_380, %or3A_382 : vector<16xi32>
      %xor3A_384 = arith.xori %bitcast_convert_type3A_377, %or3A_383 : vector<16xi32>
      %shift_right_logical3A_385 = arith.constant 18 : i32
      %shift_right_logical3A_386 = vector.broadcast %shift_right_logical3A_385 : i32 to vector<16xi32>
      %shift_right_logical3A_387 = arith.shrui %xor3A_384, %shift_right_logical3A_386 : vector<16xi32>
      %sub3A_388 = arith.subf %get3A_312, %get3A_310 : vector<16xf32>
      %mul3A_389 = arith.mulf %sub3A_388, %sub3A_388 : vector<16xf32>
      %bitcast_convert_type3A_390 = tpu.bitcast %get3A_310 : vector<16xf32> -> vector<16xi32>
      %shift_right_arithmetic3A_391 = arith.constant 31 : i32
      %shift_right_arithmetic3A_392 = vector.broadcast %shift_right_arithmetic3A_391 : i32 to vector<16xi32>
      %shift_right_arithmetic3A_393 = arith.shrsi %bitcast_convert_type3A_390, %shift_right_arithmetic3A_392 : vector<16xi32>
      %or3A_394 = arith.constant -2147483648 : i32
      %or3A_395 = vector.broadcast %or3A_394 : i32 to vector<16xi32>
      %or3A_396 = arith.ori %shift_right_arithmetic3A_393, %or3A_395 : vector<16xi32>
      %xor3A_397 = arith.xori %bitcast_convert_type3A_390, %or3A_396 : vector<16xi32>
      %shift_right_logical3A_398 = arith.constant 18 : i32
      %shift_right_logical3A_399 = vector.broadcast %shift_right_logical3A_398 : i32 to vector<16xi32>
      %shift_right_logical3A_400 = arith.shrui %xor3A_397, %shift_right_logical3A_399 : vector<16xi32>
      %sub3A_401 = arith.subf %get3A_320, %get3A_318 : vector<16xf32>
      %mul3A_402 = arith.mulf %sub3A_401, %sub3A_401 : vector<16xf32>
      %bitcast_convert_type3A_403 = tpu.bitcast %get3A_318 : vector<16xf32> -> vector<16xi32>
      %shift_right_arithmetic3A_404 = arith.constant 31 : i32
      %shift_right_arithmetic3A_405 = vector.broadcast %shift_right_arithmetic3A_404 : i32 to vector<16xi32>
      %shift_right_arithmetic3A_406 = arith.shrsi %bitcast_convert_type3A_403, %shift_right_arithmetic3A_405 : vector<16xi32>
      %or3A_407 = arith.constant -2147483648 : i32
      %or3A_408 = vector.broadcast %or3A_407 : i32 to vector<16xi32>
      %or3A_409 = arith.ori %shift_right_arithmetic3A_406, %or3A_408 : vector<16xi32>
      %xor3A_410 = arith.xori %bitcast_convert_type3A_403, %or3A_409 : vector<16xi32>
      %shift_right_logical3A_411 = arith.constant 18 : i32
      %shift_right_logical3A_412 = vector.broadcast %shift_right_logical3A_411 : i32 to vector<16xi32>
      %shift_right_logical3A_413 = arith.shrui %xor3A_410, %shift_right_logical3A_412 : vector<16xi32>
      %sub3A_414 = arith.subf %get3A_328, %get3A_326 : vector<16xf32>
      %mul3A_415 = arith.mulf %sub3A_414, %sub3A_414 : vector<16xf32>
      %bitcast_convert_type3A_416 = tpu.bitcast %get3A_326 : vector<16xf32> -> vector<16xi32>
      %shift_right_arithmetic3A_417 = arith.constant 31 : i32
      %shift_right_arithmetic3A_418 = vector.broadcast %shift_right_arithmetic3A_417 : i32 to vector<16xi32>
      %shift_right_arithmetic3A_419 = arith.shrsi %bitcast_convert_type3A_416, %shift_right_arithmetic3A_418 : vector<16xi32>
      %or3A_420 = arith.constant -2147483648 : i32
      %or3A_421 = vector.broadcast %or3A_420 : i32 to vector<16xi32>
      %or3A_422 = arith.ori %shift_right_arithmetic3A_419, %or3A_421 : vector<16xi32>
      %xor3A_423 = arith.xori %bitcast_convert_type3A_416, %or3A_422 : vector<16xi32>
      %shift_right_logical3A_424 = arith.constant 18 : i32
      %shift_right_logical3A_425 = vector.broadcast %shift_right_logical3A_424 : i32 to vector<16xi32>
      %shift_right_logical3A_426 = arith.shrui %xor3A_423, %shift_right_logical3A_425 : vector<16xi32>
      tpu.vector_store_idx %arg6[%shift_right_logical3A_335], %broadcast_in_dim3A_7 {add = true} : memref<16384xi32, #tpu.memory_space<vmem>>[vector<16xi32>], vector<16xi32>,
      tpu.vector_store_idx %arg6[%shift_right_logical3A_348], %broadcast_in_dim3A_7 {add = true} : memref<16384xi32, #tpu.memory_space<vmem>>[vector<16xi32>], vector<16xi32>,
      tpu.vector_store_idx %arg6[%shift_right_logical3A_361], %broadcast_in_dim3A_7 {add = true} : memref<16384xi32, #tpu.memory_space<vmem>>[vector<16xi32>], vector<16xi32>,
      tpu.vector_store_idx %arg6[%shift_right_logical3A_374], %broadcast_in_dim3A_7 {add = true} : memref<16384xi32, #tpu.memory_space<vmem>>[vector<16xi32>], vector<16xi32>,
      tpu.vector_store_idx %arg6[%shift_right_logical3A_387], %broadcast_in_dim3A_7 {add = true} : memref<16384xi32, #tpu.memory_space<vmem>>[vector<16xi32>], vector<16xi32>,
      tpu.vector_store_idx %arg6[%shift_right_logical3A_400], %broadcast_in_dim3A_7 {add = true} : memref<16384xi32, #tpu.memory_space<vmem>>[vector<16xi32>], vector<16xi32>,
      tpu.vector_store_idx %arg6[%shift_right_logical3A_413], %broadcast_in_dim3A_7 {add = true} : memref<16384xi32, #tpu.memory_space<vmem>>[vector<16xi32>], vector<16xi32>,
      tpu.vector_store_idx %arg6[%shift_right_logical3A_426], %broadcast_in_dim3A_7 {add = true} : memref<16384xi32, #tpu.memory_space<vmem>>[vector<16xi32>], vector<16xi32>,
      tpu.vector_store_idx %arg7[%shift_right_logical3A_335], %mul3A_329 {add = true} : memref<16384xf32, #tpu.memory_space<vmem>>[vector<16xi32>], vector<16xf32>,
      tpu.vector_store_idx %arg7[%shift_right_logical3A_348], %mul3A_337 {add = true} : memref<16384xf32, #tpu.memory_space<vmem>>[vector<16xi32>], vector<16xf32>,
      tpu.vector_store_idx %arg7[%shift_right_logical3A_361], %mul3A_350 {add = true} : memref<16384xf32, #tpu.memory_space<vmem>>[vector<16xi32>], vector<16xf32>,
      tpu.vector_store_idx %arg7[%shift_right_logical3A_374], %mul3A_363 {add = true} : memref<16384xf32, #tpu.memory_space<vmem>>[vector<16xi32>], vector<16xf32>,
      tpu.vector_store_idx %arg7[%shift_right_logical3A_387], %mul3A_376 {add = true} : memref<16384xf32, #tpu.memory_space<vmem>>[vector<16xi32>], vector<16xf32>,
      tpu.vector_store_idx %arg7[%shift_right_logical3A_400], %mul3A_389 {add = true} : memref<16384xf32, #tpu.memory_space<vmem>>[vector<16xi32>], vector<16xf32>,
      tpu.vector_store_idx %arg7[%shift_right_logical3A_413], %mul3A_402 {add = true} : memref<16384xf32, #tpu.memory_space<vmem>>[vector<16xi32>], vector<16xf32>,
      tpu.vector_store_idx %arg7[%shift_right_logical3A_426], %mul3A_415 {add = true} : memref<16384xf32, #tpu.memory_space<vmem>>[vector<16xi32>], vector<16xf32>,
    }
    %scan3A_238 = arith.constant 128 : i32
    %add3A_239 = arith.constant 245760 : i32
    %add3A_240 = arith.addi %mul3A_2, %add3A_239 : i32
    %dma_start3A_241 = tpu.memref_slice %arg2[%add3A_240] : memref<8388608xf32, #tpu.memory_space<hbm>> -> memref<16384xf32, #tpu.memory_space<hbm>>
    %dma_start3A_242 = tpu.memref_slice %arg2[%add3A_240] : memref<8388608xf32, #tpu.memory_space<hbm>> -> memref<16384xf32, #tpu.memory_space<hbm>>
    tpu.enqueue_dma source(%dma_start3A_242 : memref<16384xf32, #tpu.memory_space<hbm>>) target(%arg9 : memref<16384xf32, #tpu.memory_space<vmem>>) target_semaphore(%arg13 : memref<!tpu.dma_semaphore, #tpu.memory_space<semaphore_mem>>)
    %dma_start3A_243 = tpu.memref_slice %arg3[%add3A_240] : memref<8388608xf32, #tpu.memory_space<hbm>> -> memref<16384xf32, #tpu.memory_space<hbm>>
    %dma_start3A_244 = tpu.memref_slice %arg3[%add3A_240] : memref<8388608xf32, #tpu.memory_space<hbm>> -> memref<16384xf32, #tpu.memory_space<hbm>>
    tpu.enqueue_dma source(%dma_start3A_244 : memref<16384xf32, #tpu.memory_space<hbm>>) target(%arg11 : memref<16384xf32, #tpu.memory_space<vmem>>) target_semaphore(%arg15 : memref<!tpu.dma_semaphore, #tpu.memory_space<semaphore_mem>>)
    %dma_wait3A_245 = tpu.memref_slice %arg2[%add3A_224] : memref<8388608xf32, #tpu.memory_space<hbm>> -> memref<16384xf32, #tpu.memory_space<hbm>>
    %dma_wait3A_246 = tpu.memref_slice %arg2[%add3A_224] : memref<8388608xf32, #tpu.memory_space<hbm>> -> memref<16384xf32, #tpu.memory_space<hbm>>
    tpu.wait_dma2 semaphore(%arg12 : memref<!tpu.dma_semaphore, #tpu.memory_space<semaphore_mem>>) src(%dma_wait3A_246 : memref<16384xf32, #tpu.memory_space<hbm>>) dst(%arg8 : memref<16384xf32, #tpu.memory_space<vmem>>)
    %dma_wait3A_247 = tpu.memref_slice %arg3[%add3A_224] : memref<8388608xf32, #tpu.memory_space<hbm>> -> memref<16384xf32, #tpu.memory_space<hbm>>
    %dma_wait3A_248 = tpu.memref_slice %arg3[%add3A_224] : memref<8388608xf32, #tpu.memory_space<hbm>> -> memref<16384xf32, #tpu.memory_space<hbm>>
    tpu.wait_dma2 semaphore(%arg14 : memref<!tpu.dma_semaphore, #tpu.memory_space<semaphore_mem>>) src(%dma_wait3A_248 : memref<16384xf32, #tpu.memory_space<hbm>>) dst(%arg10 : memref<16384xf32, #tpu.memory_space<vmem>>)
    %scan3A_249 = arith.constant 0 : i32
    %scan3A_250 = arith.constant 0 : i32
    %scan3A_251 = arith.constant 128 : i32
    %scan3A_252 = arith.addi %scan3A_250, %scan3A_251 : i32
    %scan3A_253 = arith.constant 1 : i32
    scf.for %scan3A_265 = %scan3A_250 to %scan3A_252 step %scan3A_253  : i32 {
      %mul3A_266 = arith.constant 128 : i32
      %mul3A_267 = arith.muli %scan3A_265, %mul3A_266 : i32
      %add3A_268 = arith.constant 0 : i32
      %add3A_269 = arith.addi %mul3A_267, %add3A_268 : i32
      %get3A = arith.index_cast %add3A_269 : i32 to index
      %get3A_270 = tpu.vector_load %arg8[%get3A] {strides = array<i32>} : memref<16384xf32, #tpu.memory_space<vmem>>, vector<16xf32>,
      %get3A_271 = arith.index_cast %add3A_269 : i32 to index
      %get3A_272 = tpu.vector_load %arg10[%get3A_271] {strides = array<i32>} : memref<16384xf32, #tpu.memory_space<vmem>>, vector<16xf32>,
      %mul3A_273 = arith.constant 128 : i32
      %mul3A_274 = arith.muli %scan3A_265, %mul3A_273 : i32
      %add3A_275 = arith.constant 16 : i32
      %add3A_276 = arith.addi %mul3A_274, %add3A_275 : i32
      %get3A_277 = arith.index_cast %add3A_276 : i32 to index
      %get3A_278 = tpu.vector_load %arg8[%get3A_277] {strides = array<i32>} : memref<16384xf32, #tpu.memory_space<vmem>>, vector<16xf32>,
      %get3A_279 = arith.index_cast %add3A_276 : i32 to index
      %get3A_280 = tpu.vector_load %arg10[%get3A_279] {strides = array<i32>} : memref<16384xf32, #tpu.memory_space<vmem>>, vector<16xf32>,
      %mul3A_281 = arith.constant 128 : i32
      %mul3A_282 = arith.muli %scan3A_265, %mul3A_281 : i32
      %add3A_283 = arith.constant 32 : i32
      %add3A_284 = arith.addi %mul3A_282, %add3A_283 : i32
      %get3A_285 = arith.index_cast %add3A_284 : i32 to index
      %get3A_286 = tpu.vector_load %arg8[%get3A_285] {strides = array<i32>} : memref<16384xf32, #tpu.memory_space<vmem>>, vector<16xf32>,
      %get3A_287 = arith.index_cast %add3A_284 : i32 to index
      %get3A_288 = tpu.vector_load %arg10[%get3A_287] {strides = array<i32>} : memref<16384xf32, #tpu.memory_space<vmem>>, vector<16xf32>,
      %mul3A_289 = arith.constant 128 : i32
      %mul3A_290 = arith.muli %scan3A_265, %mul3A_289 : i32
      %add3A_291 = arith.constant 48 : i32
      %add3A_292 = arith.addi %mul3A_290, %add3A_291 : i32
      %get3A_293 = arith.index_cast %add3A_292 : i32 to index
      %get3A_294 = tpu.vector_load %arg8[%get3A_293] {strides = array<i32>} : memref<16384xf32, #tpu.memory_space<vmem>>, vector<16xf32>,
      %get3A_295 = arith.index_cast %add3A_292 : i32 to index
      %get3A_296 = tpu.vector_load %arg10[%get3A_295] {strides = array<i32>} : memref<16384xf32, #tpu.memory_space<vmem>>, vector<16xf32>,
      %mul3A_297 = arith.constant 128 : i32
      %mul3A_298 = arith.muli %scan3A_265, %mul3A_297 : i32
      %add3A_299 = arith.constant 64 : i32
      %add3A_300 = arith.addi %mul3A_298, %add3A_299 : i32
      %get3A_301 = arith.index_cast %add3A_300 : i32 to index
      %get3A_302 = tpu.vector_load %arg8[%get3A_301] {strides = array<i32>} : memref<16384xf32, #tpu.memory_space<vmem>>, vector<16xf32>,
      %get3A_303 = arith.index_cast %add3A_300 : i32 to index
      %get3A_304 = tpu.vector_load %arg10[%get3A_303] {strides = array<i32>} : memref<16384xf32, #tpu.memory_space<vmem>>, vector<16xf32>,
      %mul3A_305 = arith.constant 128 : i32
      %mul3A_306 = arith.muli %scan3A_265, %mul3A_305 : i32
      %add3A_307 = arith.constant 80 : i32
      %add3A_308 = arith.addi %mul3A_306, %add3A_307 : i32
      %get3A_309 = arith.index_cast %add3A_308 : i32 to index
      %get3A_310 = tpu.vector_load %arg8[%get3A_309] {strides = array<i32>} : memref<16384xf32, #tpu.memory_space<vmem>>, vector<16xf32>,
      %get3A_311 = arith.index_cast %add3A_308 : i32 to index
      %get3A_312 = tpu.vector_load %arg10[%get3A_311] {strides = array<i32>} : memref<16384xf32, #tpu.memory_space<vmem>>, vector<16xf32>,
      %mul3A_313 = arith.constant 128 : i32
      %mul3A_314 = arith.muli %scan3A_265, %mul3A_313 : i32
      %add3A_315 = arith.constant 96 : i32
      %add3A_316 = arith.addi %mul3A_314, %add3A_315 : i32
      %get3A_317 = arith.index_cast %add3A_316 : i32 to index
      %get3A_318 = tpu.vector_load %arg8[%get3A_317] {strides = array<i32>} : memref<16384xf32, #tpu.memory_space<vmem>>, vector<16xf32>,
      %get3A_319 = arith.index_cast %add3A_316 : i32 to index
      %get3A_320 = tpu.vector_load %arg10[%get3A_319] {strides = array<i32>} : memref<16384xf32, #tpu.memory_space<vmem>>, vector<16xf32>,
      %mul3A_321 = arith.constant 128 : i32
      %mul3A_322 = arith.muli %scan3A_265, %mul3A_321 : i32
      %add3A_323 = arith.constant 112 : i32
      %add3A_324 = arith.addi %mul3A_322, %add3A_323 : i32
      %get3A_325 = arith.index_cast %add3A_324 : i32 to index
      %get3A_326 = tpu.vector_load %arg8[%get3A_325] {strides = array<i32>} : memref<16384xf32, #tpu.memory_space<vmem>>, vector<16xf32>,
      %get3A_327 = arith.index_cast %add3A_324 : i32 to index
      %get3A_328 = tpu.vector_load %arg10[%get3A_327] {strides = array<i32>} : memref<16384xf32, #tpu.memory_space<vmem>>, vector<16xf32>,
      %sub3A = arith.subf %get3A_272, %get3A_270 : vector<16xf32>
      %mul3A_329 = arith.mulf %sub3A, %sub3A : vector<16xf32>
      %bitcast_convert_type3A = tpu.bitcast %get3A_270 : vector<16xf32> -> vector<16xi32>
      %shift_right_arithmetic3A = arith.constant 31 : i32
      %shift_right_arithmetic3A_330 = vector.broadcast %shift_right_arithmetic3A : i32 to vector<16xi32>
      %shift_right_arithmetic3A_331 = arith.shrsi %bitcast_convert_type3A, %shift_right_arithmetic3A_330 : vector<16xi32>
      %or3A = arith.constant -2147483648 : i32
      %or3A_332 = vector.broadcast %or3A : i32 to vector<16xi32>
      %or3A_333 = arith.ori %shift_right_arithmetic3A_331, %or3A_332 : vector<16xi32>
      %xor3A = arith.xori %bitcast_convert_type3A, %or3A_333 : vector<16xi32>
      %shift_right_logical3A = arith.constant 18 : i32
      %shift_right_logical3A_334 = vector.broadcast %shift_right_logical3A : i32 to vector<16xi32>
      %shift_right_logical3A_335 = arith.shrui %xor3A, %shift_right_logical3A_334 : vector<16xi32>
      %sub3A_336 = arith.subf %get3A_280, %get3A_278 : vector<16xf32>
      %mul3A_337 = arith.mulf %sub3A_336, %sub3A_336 : vector<16xf32>
      %bitcast_convert_type3A_338 = tpu.bitcast %get3A_278 : vector<16xf32> -> vector<16xi32>
      %shift_right_arithmetic3A_339 = arith.constant 31 : i32
      %shift_right_arithmetic3A_340 = vector.broadcast %shift_right_arithmetic3A_339 : i32 to vector<16xi32>
      %shift_right_arithmetic3A_341 = arith.shrsi %bitcast_convert_type3A_338, %shift_right_arithmetic3A_340 : vector<16xi32>
      %or3A_342 = arith.constant -2147483648 : i32
      %or3A_343 = vector.broadcast %or3A_342 : i32 to vector<16xi32>
      %or3A_344 = arith.ori %shift_right_arithmetic3A_341, %or3A_343 : vector<16xi32>
      %xor3A_345 = arith.xori %bitcast_convert_type3A_338, %or3A_344 : vector<16xi32>
      %shift_right_logical3A_346 = arith.constant 18 : i32
      %shift_right_logical3A_347 = vector.broadcast %shift_right_logical3A_346 : i32 to vector<16xi32>
      %shift_right_logical3A_348 = arith.shrui %xor3A_345, %shift_right_logical3A_347 : vector<16xi32>
      %sub3A_349 = arith.subf %get3A_288, %get3A_286 : vector<16xf32>
      %mul3A_350 = arith.mulf %sub3A_349, %sub3A_349 : vector<16xf32>
      %bitcast_convert_type3A_351 = tpu.bitcast %get3A_286 : vector<16xf32> -> vector<16xi32>
      %shift_right_arithmetic3A_352 = arith.constant 31 : i32
      %shift_right_arithmetic3A_353 = vector.broadcast %shift_right_arithmetic3A_352 : i32 to vector<16xi32>
      %shift_right_arithmetic3A_354 = arith.shrsi %bitcast_convert_type3A_351, %shift_right_arithmetic3A_353 : vector<16xi32>
      %or3A_355 = arith.constant -2147483648 : i32
      %or3A_356 = vector.broadcast %or3A_355 : i32 to vector<16xi32>
      %or3A_357 = arith.ori %shift_right_arithmetic3A_354, %or3A_356 : vector<16xi32>
      %xor3A_358 = arith.xori %bitcast_convert_type3A_351, %or3A_357 : vector<16xi32>
      %shift_right_logical3A_359 = arith.constant 18 : i32
      %shift_right_logical3A_360 = vector.broadcast %shift_right_logical3A_359 : i32 to vector<16xi32>
      %shift_right_logical3A_361 = arith.shrui %xor3A_358, %shift_right_logical3A_360 : vector<16xi32>
      %sub3A_362 = arith.subf %get3A_296, %get3A_294 : vector<16xf32>
      %mul3A_363 = arith.mulf %sub3A_362, %sub3A_362 : vector<16xf32>
      %bitcast_convert_type3A_364 = tpu.bitcast %get3A_294 : vector<16xf32> -> vector<16xi32>
      %shift_right_arithmetic3A_365 = arith.constant 31 : i32
      %shift_right_arithmetic3A_366 = vector.broadcast %shift_right_arithmetic3A_365 : i32 to vector<16xi32>
      %shift_right_arithmetic3A_367 = arith.shrsi %bitcast_convert_type3A_364, %shift_right_arithmetic3A_366 : vector<16xi32>
      %or3A_368 = arith.constant -2147483648 : i32
      %or3A_369 = vector.broadcast %or3A_368 : i32 to vector<16xi32>
      %or3A_370 = arith.ori %shift_right_arithmetic3A_367, %or3A_369 : vector<16xi32>
      %xor3A_371 = arith.xori %bitcast_convert_type3A_364, %or3A_370 : vector<16xi32>
      %shift_right_logical3A_372 = arith.constant 18 : i32
      %shift_right_logical3A_373 = vector.broadcast %shift_right_logical3A_372 : i32 to vector<16xi32>
      %shift_right_logical3A_374 = arith.shrui %xor3A_371, %shift_right_logical3A_373 : vector<16xi32>
      %sub3A_375 = arith.subf %get3A_304, %get3A_302 : vector<16xf32>
      %mul3A_376 = arith.mulf %sub3A_375, %sub3A_375 : vector<16xf32>
      %bitcast_convert_type3A_377 = tpu.bitcast %get3A_302 : vector<16xf32> -> vector<16xi32>
      %shift_right_arithmetic3A_378 = arith.constant 31 : i32
      %shift_right_arithmetic3A_379 = vector.broadcast %shift_right_arithmetic3A_378 : i32 to vector<16xi32>
      %shift_right_arithmetic3A_380 = arith.shrsi %bitcast_convert_type3A_377, %shift_right_arithmetic3A_379 : vector<16xi32>
      %or3A_381 = arith.constant -2147483648 : i32
      %or3A_382 = vector.broadcast %or3A_381 : i32 to vector<16xi32>
      %or3A_383 = arith.ori %shift_right_arithmetic3A_380, %or3A_382 : vector<16xi32>
      %xor3A_384 = arith.xori %bitcast_convert_type3A_377, %or3A_383 : vector<16xi32>
      %shift_right_logical3A_385 = arith.constant 18 : i32
      %shift_right_logical3A_386 = vector.broadcast %shift_right_logical3A_385 : i32 to vector<16xi32>
      %shift_right_logical3A_387 = arith.shrui %xor3A_384, %shift_right_logical3A_386 : vector<16xi32>
      %sub3A_388 = arith.subf %get3A_312, %get3A_310 : vector<16xf32>
      %mul3A_389 = arith.mulf %sub3A_388, %sub3A_388 : vector<16xf32>
      %bitcast_convert_type3A_390 = tpu.bitcast %get3A_310 : vector<16xf32> -> vector<16xi32>
      %shift_right_arithmetic3A_391 = arith.constant 31 : i32
      %shift_right_arithmetic3A_392 = vector.broadcast %shift_right_arithmetic3A_391 : i32 to vector<16xi32>
      %shift_right_arithmetic3A_393 = arith.shrsi %bitcast_convert_type3A_390, %shift_right_arithmetic3A_392 : vector<16xi32>
      %or3A_394 = arith.constant -2147483648 : i32
      %or3A_395 = vector.broadcast %or3A_394 : i32 to vector<16xi32>
      %or3A_396 = arith.ori %shift_right_arithmetic3A_393, %or3A_395 : vector<16xi32>
      %xor3A_397 = arith.xori %bitcast_convert_type3A_390, %or3A_396 : vector<16xi32>
      %shift_right_logical3A_398 = arith.constant 18 : i32
      %shift_right_logical3A_399 = vector.broadcast %shift_right_logical3A_398 : i32 to vector<16xi32>
      %shift_right_logical3A_400 = arith.shrui %xor3A_397, %shift_right_logical3A_399 : vector<16xi32>
      %sub3A_401 = arith.subf %get3A_320, %get3A_318 : vector<16xf32>
      %mul3A_402 = arith.mulf %sub3A_401, %sub3A_401 : vector<16xf32>
      %bitcast_convert_type3A_403 = tpu.bitcast %get3A_318 : vector<16xf32> -> vector<16xi32>
      %shift_right_arithmetic3A_404 = arith.constant 31 : i32
      %shift_right_arithmetic3A_405 = vector.broadcast %shift_right_arithmetic3A_404 : i32 to vector<16xi32>
      %shift_right_arithmetic3A_406 = arith.shrsi %bitcast_convert_type3A_403, %shift_right_arithmetic3A_405 : vector<16xi32>
      %or3A_407 = arith.constant -2147483648 : i32
      %or3A_408 = vector.broadcast %or3A_407 : i32 to vector<16xi32>
      %or3A_409 = arith.ori %shift_right_arithmetic3A_406, %or3A_408 : vector<16xi32>
      %xor3A_410 = arith.xori %bitcast_convert_type3A_403, %or3A_409 : vector<16xi32>
      %shift_right_logical3A_411 = arith.constant 18 : i32
      %shift_right_logical3A_412 = vector.broadcast %shift_right_logical3A_411 : i32 to vector<16xi32>
      %shift_right_logical3A_413 = arith.shrui %xor3A_410, %shift_right_logical3A_412 : vector<16xi32>
      %sub3A_414 = arith.subf %get3A_328, %get3A_326 : vector<16xf32>
      %mul3A_415 = arith.mulf %sub3A_414, %sub3A_414 : vector<16xf32>
      %bitcast_convert_type3A_416 = tpu.bitcast %get3A_326 : vector<16xf32> -> vector<16xi32>
      %shift_right_arithmetic3A_417 = arith.constant 31 : i32
      %shift_right_arithmetic3A_418 = vector.broadcast %shift_right_arithmetic3A_417 : i32 to vector<16xi32>
      %shift_right_arithmetic3A_419 = arith.shrsi %bitcast_convert_type3A_416, %shift_right_arithmetic3A_418 : vector<16xi32>
      %or3A_420 = arith.constant -2147483648 : i32
      %or3A_421 = vector.broadcast %or3A_420 : i32 to vector<16xi32>
      %or3A_422 = arith.ori %shift_right_arithmetic3A_419, %or3A_421 : vector<16xi32>
      %xor3A_423 = arith.xori %bitcast_convert_type3A_416, %or3A_422 : vector<16xi32>
      %shift_right_logical3A_424 = arith.constant 18 : i32
      %shift_right_logical3A_425 = vector.broadcast %shift_right_logical3A_424 : i32 to vector<16xi32>
      %shift_right_logical3A_426 = arith.shrui %xor3A_423, %shift_right_logical3A_425 : vector<16xi32>
      tpu.vector_store_idx %arg6[%shift_right_logical3A_335], %broadcast_in_dim3A_7 {add = true} : memref<16384xi32, #tpu.memory_space<vmem>>[vector<16xi32>], vector<16xi32>,
      tpu.vector_store_idx %arg6[%shift_right_logical3A_348], %broadcast_in_dim3A_7 {add = true} : memref<16384xi32, #tpu.memory_space<vmem>>[vector<16xi32>], vector<16xi32>,
      tpu.vector_store_idx %arg6[%shift_right_logical3A_361], %broadcast_in_dim3A_7 {add = true} : memref<16384xi32, #tpu.memory_space<vmem>>[vector<16xi32>], vector<16xi32>,
      tpu.vector_store_idx %arg6[%shift_right_logical3A_374], %broadcast_in_dim3A_7 {add = true} : memref<16384xi32, #tpu.memory_space<vmem>>[vector<16xi32>], vector<16xi32>,
      tpu.vector_store_idx %arg6[%shift_right_logical3A_387], %broadcast_in_dim3A_7 {add = true} : memref<16384xi32, #tpu.memory_space<vmem>>[vector<16xi32>], vector<16xi32>,
      tpu.vector_store_idx %arg6[%shift_right_logical3A_400], %broadcast_in_dim3A_7 {add = true} : memref<16384xi32, #tpu.memory_space<vmem>>[vector<16xi32>], vector<16xi32>,
      tpu.vector_store_idx %arg6[%shift_right_logical3A_413], %broadcast_in_dim3A_7 {add = true} : memref<16384xi32, #tpu.memory_space<vmem>>[vector<16xi32>], vector<16xi32>,
      tpu.vector_store_idx %arg6[%shift_right_logical3A_426], %broadcast_in_dim3A_7 {add = true} : memref<16384xi32, #tpu.memory_space<vmem>>[vector<16xi32>], vector<16xi32>,
      tpu.vector_store_idx %arg7[%shift_right_logical3A_335], %mul3A_329 {add = true} : memref<16384xf32, #tpu.memory_space<vmem>>[vector<16xi32>], vector<16xf32>,
      tpu.vector_store_idx %arg7[%shift_right_logical3A_348], %mul3A_337 {add = true} : memref<16384xf32, #tpu.memory_space<vmem>>[vector<16xi32>], vector<16xf32>,
      tpu.vector_store_idx %arg7[%shift_right_logical3A_361], %mul3A_350 {add = true} : memref<16384xf32, #tpu.memory_space<vmem>>[vector<16xi32>], vector<16xf32>,
      tpu.vector_store_idx %arg7[%shift_right_logical3A_374], %mul3A_363 {add = true} : memref<16384xf32, #tpu.memory_space<vmem>>[vector<16xi32>], vector<16xf32>,
      tpu.vector_store_idx %arg7[%shift_right_logical3A_387], %mul3A_376 {add = true} : memref<16384xf32, #tpu.memory_space<vmem>>[vector<16xi32>], vector<16xf32>,
      tpu.vector_store_idx %arg7[%shift_right_logical3A_400], %mul3A_389 {add = true} : memref<16384xf32, #tpu.memory_space<vmem>>[vector<16xi32>], vector<16xf32>,
      tpu.vector_store_idx %arg7[%shift_right_logical3A_413], %mul3A_402 {add = true} : memref<16384xf32, #tpu.memory_space<vmem>>[vector<16xi32>], vector<16xf32>,
      tpu.vector_store_idx %arg7[%shift_right_logical3A_426], %mul3A_415 {add = true} : memref<16384xf32, #tpu.memory_space<vmem>>[vector<16xi32>], vector<16xf32>,
    }
    %scan3A_254 = arith.constant 128 : i32
    %dma_wait3A_255 = tpu.memref_slice %arg2[%add3A_240] : memref<8388608xf32, #tpu.memory_space<hbm>> -> memref<16384xf32, #tpu.memory_space<hbm>>
    %dma_wait3A_256 = tpu.memref_slice %arg2[%add3A_240] : memref<8388608xf32, #tpu.memory_space<hbm>> -> memref<16384xf32, #tpu.memory_space<hbm>>
    tpu.wait_dma2 semaphore(%arg13 : memref<!tpu.dma_semaphore, #tpu.memory_space<semaphore_mem>>) src(%dma_wait3A_256 : memref<16384xf32, #tpu.memory_space<hbm>>) dst(%arg9 : memref<16384xf32, #tpu.memory_space<vmem>>)
    %dma_wait3A_257 = tpu.memref_slice %arg3[%add3A_240] : memref<8388608xf32, #tpu.memory_space<hbm>> -> memref<16384xf32, #tpu.memory_space<hbm>>
    %dma_wait3A_258 = tpu.memref_slice %arg3[%add3A_240] : memref<8388608xf32, #tpu.memory_space<hbm>> -> memref<16384xf32, #tpu.memory_space<hbm>>
    tpu.wait_dma2 semaphore(%arg15 : memref<!tpu.dma_semaphore, #tpu.memory_space<semaphore_mem>>) src(%dma_wait3A_258 : memref<16384xf32, #tpu.memory_space<hbm>>) dst(%arg11 : memref<16384xf32, #tpu.memory_space<vmem>>)
    %scan3A_259 = arith.constant 0 : i32
    %scan3A_260 = arith.constant 0 : i32
    %scan3A_261 = arith.constant 128 : i32
    %scan3A_262 = arith.addi %scan3A_260, %scan3A_261 : i32
    %scan3A_263 = arith.constant 1 : i32
    scf.for %scan3A_265 = %scan3A_260 to %scan3A_262 step %scan3A_263  : i32 {
      %mul3A_266 = arith.constant 128 : i32
      %mul3A_267 = arith.muli %scan3A_265, %mul3A_266 : i32
      %add3A_268 = arith.constant 0 : i32
      %add3A_269 = arith.addi %mul3A_267, %add3A_268 : i32
      %get3A = arith.index_cast %add3A_269 : i32 to index
      %get3A_270 = tpu.vector_load %arg9[%get3A] {strides = array<i32>} : memref<16384xf32, #tpu.memory_space<vmem>>, vector<16xf32>,
      %get3A_271 = arith.index_cast %add3A_269 : i32 to index
      %get3A_272 = tpu.vector_load %arg11[%get3A_271] {strides = array<i32>} : memref<16384xf32, #tpu.memory_space<vmem>>, vector<16xf32>,
      %mul3A_273 = arith.constant 128 : i32
      %mul3A_274 = arith.muli %scan3A_265, %mul3A_273 : i32
      %add3A_275 = arith.constant 16 : i32
      %add3A_276 = arith.addi %mul3A_274, %add3A_275 : i32
      %get3A_277 = arith.index_cast %add3A_276 : i32 to index
      %get3A_278 = tpu.vector_load %arg9[%get3A_277] {strides = array<i32>} : memref<16384xf32, #tpu.memory_space<vmem>>, vector<16xf32>,
      %get3A_279 = arith.index_cast %add3A_276 : i32 to index
      %get3A_280 = tpu.vector_load %arg11[%get3A_279] {strides = array<i32>} : memref<16384xf32, #tpu.memory_space<vmem>>, vector<16xf32>,
      %mul3A_281 = arith.constant 128 : i32
      %mul3A_282 = arith.muli %scan3A_265, %mul3A_281 : i32
      %add3A_283 = arith.constant 32 : i32
      %add3A_284 = arith.addi %mul3A_282, %add3A_283 : i32
      %get3A_285 = arith.index_cast %add3A_284 : i32 to index
      %get3A_286 = tpu.vector_load %arg9[%get3A_285] {strides = array<i32>} : memref<16384xf32, #tpu.memory_space<vmem>>, vector<16xf32>,
      %get3A_287 = arith.index_cast %add3A_284 : i32 to index
      %get3A_288 = tpu.vector_load %arg11[%get3A_287] {strides = array<i32>} : memref<16384xf32, #tpu.memory_space<vmem>>, vector<16xf32>,
      %mul3A_289 = arith.constant 128 : i32
      %mul3A_290 = arith.muli %scan3A_265, %mul3A_289 : i32
      %add3A_291 = arith.constant 48 : i32
      %add3A_292 = arith.addi %mul3A_290, %add3A_291 : i32
      %get3A_293 = arith.index_cast %add3A_292 : i32 to index
      %get3A_294 = tpu.vector_load %arg9[%get3A_293] {strides = array<i32>} : memref<16384xf32, #tpu.memory_space<vmem>>, vector<16xf32>,
      %get3A_295 = arith.index_cast %add3A_292 : i32 to index
      %get3A_296 = tpu.vector_load %arg11[%get3A_295] {strides = array<i32>} : memref<16384xf32, #tpu.memory_space<vmem>>, vector<16xf32>,
      %mul3A_297 = arith.constant 128 : i32
      %mul3A_298 = arith.muli %scan3A_265, %mul3A_297 : i32
      %add3A_299 = arith.constant 64 : i32
      %add3A_300 = arith.addi %mul3A_298, %add3A_299 : i32
      %get3A_301 = arith.index_cast %add3A_300 : i32 to index
      %get3A_302 = tpu.vector_load %arg9[%get3A_301] {strides = array<i32>} : memref<16384xf32, #tpu.memory_space<vmem>>, vector<16xf32>,
      %get3A_303 = arith.index_cast %add3A_300 : i32 to index
      %get3A_304 = tpu.vector_load %arg11[%get3A_303] {strides = array<i32>} : memref<16384xf32, #tpu.memory_space<vmem>>, vector<16xf32>,
      %mul3A_305 = arith.constant 128 : i32
      %mul3A_306 = arith.muli %scan3A_265, %mul3A_305 : i32
      %add3A_307 = arith.constant 80 : i32
      %add3A_308 = arith.addi %mul3A_306, %add3A_307 : i32
      %get3A_309 = arith.index_cast %add3A_308 : i32 to index
      %get3A_310 = tpu.vector_load %arg9[%get3A_309] {strides = array<i32>} : memref<16384xf32, #tpu.memory_space<vmem>>, vector<16xf32>,
      %get3A_311 = arith.index_cast %add3A_308 : i32 to index
      %get3A_312 = tpu.vector_load %arg11[%get3A_311] {strides = array<i32>} : memref<16384xf32, #tpu.memory_space<vmem>>, vector<16xf32>,
      %mul3A_313 = arith.constant 128 : i32
      %mul3A_314 = arith.muli %scan3A_265, %mul3A_313 : i32
      %add3A_315 = arith.constant 96 : i32
      %add3A_316 = arith.addi %mul3A_314, %add3A_315 : i32
      %get3A_317 = arith.index_cast %add3A_316 : i32 to index
      %get3A_318 = tpu.vector_load %arg9[%get3A_317] {strides = array<i32>} : memref<16384xf32, #tpu.memory_space<vmem>>, vector<16xf32>,
      %get3A_319 = arith.index_cast %add3A_316 : i32 to index
      %get3A_320 = tpu.vector_load %arg11[%get3A_319] {strides = array<i32>} : memref<16384xf32, #tpu.memory_space<vmem>>, vector<16xf32>,
      %mul3A_321 = arith.constant 128 : i32
      %mul3A_322 = arith.muli %scan3A_265, %mul3A_321 : i32
      %add3A_323 = arith.constant 112 : i32
      %add3A_324 = arith.addi %mul3A_322, %add3A_323 : i32
      %get3A_325 = arith.index_cast %add3A_324 : i32 to index
      %get3A_326 = tpu.vector_load %arg9[%get3A_325] {strides = array<i32>} : memref<16384xf32, #tpu.memory_space<vmem>>, vector<16xf32>,
      %get3A_327 = arith.index_cast %add3A_324 : i32 to index
      %get3A_328 = tpu.vector_load %arg11[%get3A_327] {strides = array<i32>} : memref<16384xf32, #tpu.memory_space<vmem>>, vector<16xf32>,
      %sub3A = arith.subf %get3A_272, %get3A_270 : vector<16xf32>
      %mul3A_329 = arith.mulf %sub3A, %sub3A : vector<16xf32>
      %bitcast_convert_type3A = tpu.bitcast %get3A_270 : vector<16xf32> -> vector<16xi32>
      %shift_right_arithmetic3A = arith.constant 31 : i32
      %shift_right_arithmetic3A_330 = vector.broadcast %shift_right_arithmetic3A : i32 to vector<16xi32>
      %shift_right_arithmetic3A_331 = arith.shrsi %bitcast_convert_type3A, %shift_right_arithmetic3A_330 : vector<16xi32>
      %or3A = arith.constant -2147483648 : i32
      %or3A_332 = vector.broadcast %or3A : i32 to vector<16xi32>
      %or3A_333 = arith.ori %shift_right_arithmetic3A_331, %or3A_332 : vector<16xi32>
      %xor3A = arith.xori %bitcast_convert_type3A, %or3A_333 : vector<16xi32>
      %shift_right_logical3A = arith.constant 18 : i32
      %shift_right_logical3A_334 = vector.broadcast %shift_right_logical3A : i32 to vector<16xi32>
      %shift_right_logical3A_335 = arith.shrui %xor3A, %shift_right_logical3A_334 : vector<16xi32>
      %sub3A_336 = arith.subf %get3A_280, %get3A_278 : vector<16xf32>
      %mul3A_337 = arith.mulf %sub3A_336, %sub3A_336 : vector<16xf32>
      %bitcast_convert_type3A_338 = tpu.bitcast %get3A_278 : vector<16xf32> -> vector<16xi32>
      %shift_right_arithmetic3A_339 = arith.constant 31 : i32
      %shift_right_arithmetic3A_340 = vector.broadcast %shift_right_arithmetic3A_339 : i32 to vector<16xi32>
      %shift_right_arithmetic3A_341 = arith.shrsi %bitcast_convert_type3A_338, %shift_right_arithmetic3A_340 : vector<16xi32>
      %or3A_342 = arith.constant -2147483648 : i32
      %or3A_343 = vector.broadcast %or3A_342 : i32 to vector<16xi32>
      %or3A_344 = arith.ori %shift_right_arithmetic3A_341, %or3A_343 : vector<16xi32>
      %xor3A_345 = arith.xori %bitcast_convert_type3A_338, %or3A_344 : vector<16xi32>
      %shift_right_logical3A_346 = arith.constant 18 : i32
      %shift_right_logical3A_347 = vector.broadcast %shift_right_logical3A_346 : i32 to vector<16xi32>
      %shift_right_logical3A_348 = arith.shrui %xor3A_345, %shift_right_logical3A_347 : vector<16xi32>
      %sub3A_349 = arith.subf %get3A_288, %get3A_286 : vector<16xf32>
      %mul3A_350 = arith.mulf %sub3A_349, %sub3A_349 : vector<16xf32>
      %bitcast_convert_type3A_351 = tpu.bitcast %get3A_286 : vector<16xf32> -> vector<16xi32>
      %shift_right_arithmetic3A_352 = arith.constant 31 : i32
      %shift_right_arithmetic3A_353 = vector.broadcast %shift_right_arithmetic3A_352 : i32 to vector<16xi32>
      %shift_right_arithmetic3A_354 = arith.shrsi %bitcast_convert_type3A_351, %shift_right_arithmetic3A_353 : vector<16xi32>
      %or3A_355 = arith.constant -2147483648 : i32
      %or3A_356 = vector.broadcast %or3A_355 : i32 to vector<16xi32>
      %or3A_357 = arith.ori %shift_right_arithmetic3A_354, %or3A_356 : vector<16xi32>
      %xor3A_358 = arith.xori %bitcast_convert_type3A_351, %or3A_357 : vector<16xi32>
      %shift_right_logical3A_359 = arith.constant 18 : i32
      %shift_right_logical3A_360 = vector.broadcast %shift_right_logical3A_359 : i32 to vector<16xi32>
      %shift_right_logical3A_361 = arith.shrui %xor3A_358, %shift_right_logical3A_360 : vector<16xi32>
      %sub3A_362 = arith.subf %get3A_296, %get3A_294 : vector<16xf32>
      %mul3A_363 = arith.mulf %sub3A_362, %sub3A_362 : vector<16xf32>
      %bitcast_convert_type3A_364 = tpu.bitcast %get3A_294 : vector<16xf32> -> vector<16xi32>
      %shift_right_arithmetic3A_365 = arith.constant 31 : i32
      %shift_right_arithmetic3A_366 = vector.broadcast %shift_right_arithmetic3A_365 : i32 to vector<16xi32>
      %shift_right_arithmetic3A_367 = arith.shrsi %bitcast_convert_type3A_364, %shift_right_arithmetic3A_366 : vector<16xi32>
      %or3A_368 = arith.constant -2147483648 : i32
      %or3A_369 = vector.broadcast %or3A_368 : i32 to vector<16xi32>
      %or3A_370 = arith.ori %shift_right_arithmetic3A_367, %or3A_369 : vector<16xi32>
      %xor3A_371 = arith.xori %bitcast_convert_type3A_364, %or3A_370 : vector<16xi32>
      %shift_right_logical3A_372 = arith.constant 18 : i32
      %shift_right_logical3A_373 = vector.broadcast %shift_right_logical3A_372 : i32 to vector<16xi32>
      %shift_right_logical3A_374 = arith.shrui %xor3A_371, %shift_right_logical3A_373 : vector<16xi32>
      %sub3A_375 = arith.subf %get3A_304, %get3A_302 : vector<16xf32>
      %mul3A_376 = arith.mulf %sub3A_375, %sub3A_375 : vector<16xf32>
      %bitcast_convert_type3A_377 = tpu.bitcast %get3A_302 : vector<16xf32> -> vector<16xi32>
      %shift_right_arithmetic3A_378 = arith.constant 31 : i32
      %shift_right_arithmetic3A_379 = vector.broadcast %shift_right_arithmetic3A_378 : i32 to vector<16xi32>
      %shift_right_arithmetic3A_380 = arith.shrsi %bitcast_convert_type3A_377, %shift_right_arithmetic3A_379 : vector<16xi32>
      %or3A_381 = arith.constant -2147483648 : i32
      %or3A_382 = vector.broadcast %or3A_381 : i32 to vector<16xi32>
      %or3A_383 = arith.ori %shift_right_arithmetic3A_380, %or3A_382 : vector<16xi32>
      %xor3A_384 = arith.xori %bitcast_convert_type3A_377, %or3A_383 : vector<16xi32>
      %shift_right_logical3A_385 = arith.constant 18 : i32
      %shift_right_logical3A_386 = vector.broadcast %shift_right_logical3A_385 : i32 to vector<16xi32>
      %shift_right_logical3A_387 = arith.shrui %xor3A_384, %shift_right_logical3A_386 : vector<16xi32>
      %sub3A_388 = arith.subf %get3A_312, %get3A_310 : vector<16xf32>
      %mul3A_389 = arith.mulf %sub3A_388, %sub3A_388 : vector<16xf32>
      %bitcast_convert_type3A_390 = tpu.bitcast %get3A_310 : vector<16xf32> -> vector<16xi32>
      %shift_right_arithmetic3A_391 = arith.constant 31 : i32
      %shift_right_arithmetic3A_392 = vector.broadcast %shift_right_arithmetic3A_391 : i32 to vector<16xi32>
      %shift_right_arithmetic3A_393 = arith.shrsi %bitcast_convert_type3A_390, %shift_right_arithmetic3A_392 : vector<16xi32>
      %or3A_394 = arith.constant -2147483648 : i32
      %or3A_395 = vector.broadcast %or3A_394 : i32 to vector<16xi32>
      %or3A_396 = arith.ori %shift_right_arithmetic3A_393, %or3A_395 : vector<16xi32>
      %xor3A_397 = arith.xori %bitcast_convert_type3A_390, %or3A_396 : vector<16xi32>
      %shift_right_logical3A_398 = arith.constant 18 : i32
      %shift_right_logical3A_399 = vector.broadcast %shift_right_logical3A_398 : i32 to vector<16xi32>
      %shift_right_logical3A_400 = arith.shrui %xor3A_397, %shift_right_logical3A_399 : vector<16xi32>
      %sub3A_401 = arith.subf %get3A_320, %get3A_318 : vector<16xf32>
      %mul3A_402 = arith.mulf %sub3A_401, %sub3A_401 : vector<16xf32>
      %bitcast_convert_type3A_403 = tpu.bitcast %get3A_318 : vector<16xf32> -> vector<16xi32>
      %shift_right_arithmetic3A_404 = arith.constant 31 : i32
      %shift_right_arithmetic3A_405 = vector.broadcast %shift_right_arithmetic3A_404 : i32 to vector<16xi32>
      %shift_right_arithmetic3A_406 = arith.shrsi %bitcast_convert_type3A_403, %shift_right_arithmetic3A_405 : vector<16xi32>
      %or3A_407 = arith.constant -2147483648 : i32
      %or3A_408 = vector.broadcast %or3A_407 : i32 to vector<16xi32>
      %or3A_409 = arith.ori %shift_right_arithmetic3A_406, %or3A_408 : vector<16xi32>
      %xor3A_410 = arith.xori %bitcast_convert_type3A_403, %or3A_409 : vector<16xi32>
      %shift_right_logical3A_411 = arith.constant 18 : i32
      %shift_right_logical3A_412 = vector.broadcast %shift_right_logical3A_411 : i32 to vector<16xi32>
      %shift_right_logical3A_413 = arith.shrui %xor3A_410, %shift_right_logical3A_412 : vector<16xi32>
      %sub3A_414 = arith.subf %get3A_328, %get3A_326 : vector<16xf32>
      %mul3A_415 = arith.mulf %sub3A_414, %sub3A_414 : vector<16xf32>
      %bitcast_convert_type3A_416 = tpu.bitcast %get3A_326 : vector<16xf32> -> vector<16xi32>
      %shift_right_arithmetic3A_417 = arith.constant 31 : i32
      %shift_right_arithmetic3A_418 = vector.broadcast %shift_right_arithmetic3A_417 : i32 to vector<16xi32>
      %shift_right_arithmetic3A_419 = arith.shrsi %bitcast_convert_type3A_416, %shift_right_arithmetic3A_418 : vector<16xi32>
      %or3A_420 = arith.constant -2147483648 : i32
      %or3A_421 = vector.broadcast %or3A_420 : i32 to vector<16xi32>
      %or3A_422 = arith.ori %shift_right_arithmetic3A_419, %or3A_421 : vector<16xi32>
      %xor3A_423 = arith.xori %bitcast_convert_type3A_416, %or3A_422 : vector<16xi32>
      %shift_right_logical3A_424 = arith.constant 18 : i32
      %shift_right_logical3A_425 = vector.broadcast %shift_right_logical3A_424 : i32 to vector<16xi32>
      %shift_right_logical3A_426 = arith.shrui %xor3A_423, %shift_right_logical3A_425 : vector<16xi32>
      tpu.vector_store_idx %arg6[%shift_right_logical3A_335], %broadcast_in_dim3A_7 {add = true} : memref<16384xi32, #tpu.memory_space<vmem>>[vector<16xi32>], vector<16xi32>,
      tpu.vector_store_idx %arg6[%shift_right_logical3A_348], %broadcast_in_dim3A_7 {add = true} : memref<16384xi32, #tpu.memory_space<vmem>>[vector<16xi32>], vector<16xi32>,
      tpu.vector_store_idx %arg6[%shift_right_logical3A_361], %broadcast_in_dim3A_7 {add = true} : memref<16384xi32, #tpu.memory_space<vmem>>[vector<16xi32>], vector<16xi32>,
      tpu.vector_store_idx %arg6[%shift_right_logical3A_374], %broadcast_in_dim3A_7 {add = true} : memref<16384xi32, #tpu.memory_space<vmem>>[vector<16xi32>], vector<16xi32>,
      tpu.vector_store_idx %arg6[%shift_right_logical3A_387], %broadcast_in_dim3A_7 {add = true} : memref<16384xi32, #tpu.memory_space<vmem>>[vector<16xi32>], vector<16xi32>,
      tpu.vector_store_idx %arg6[%shift_right_logical3A_400], %broadcast_in_dim3A_7 {add = true} : memref<16384xi32, #tpu.memory_space<vmem>>[vector<16xi32>], vector<16xi32>,
      tpu.vector_store_idx %arg6[%shift_right_logical3A_413], %broadcast_in_dim3A_7 {add = true} : memref<16384xi32, #tpu.memory_space<vmem>>[vector<16xi32>], vector<16xi32>,
      tpu.vector_store_idx %arg6[%shift_right_logical3A_426], %broadcast_in_dim3A_7 {add = true} : memref<16384xi32, #tpu.memory_space<vmem>>[vector<16xi32>], vector<16xi32>,
      tpu.vector_store_idx %arg7[%shift_right_logical3A_335], %mul3A_329 {add = true} : memref<16384xf32, #tpu.memory_space<vmem>>[vector<16xi32>], vector<16xf32>,
      tpu.vector_store_idx %arg7[%shift_right_logical3A_348], %mul3A_337 {add = true} : memref<16384xf32, #tpu.memory_space<vmem>>[vector<16xi32>], vector<16xf32>,
      tpu.vector_store_idx %arg7[%shift_right_logical3A_361], %mul3A_350 {add = true} : memref<16384xf32, #tpu.memory_space<vmem>>[vector<16xi32>], vector<16xf32>,
      tpu.vector_store_idx %arg7[%shift_right_logical3A_374], %mul3A_363 {add = true} : memref<16384xf32, #tpu.memory_space<vmem>>[vector<16xi32>], vector<16xf32>,
      tpu.vector_store_idx %arg7[%shift_right_logical3A_387], %mul3A_376 {add = true} : memref<16384xf32, #tpu.memory_space<vmem>>[vector<16xi32>], vector<16xf32>,
      tpu.vector_store_idx %arg7[%shift_right_logical3A_400], %mul3A_389 {add = true} : memref<16384xf32, #tpu.memory_space<vmem>>[vector<16xi32>], vector<16xf32>,
      tpu.vector_store_idx %arg7[%shift_right_logical3A_413], %mul3A_402 {add = true} : memref<16384xf32, #tpu.memory_space<vmem>>[vector<16xi32>], vector<16xf32>,
      tpu.vector_store_idx %arg7[%shift_right_logical3A_426], %mul3A_415 {add = true} : memref<16384xf32, #tpu.memory_space<vmem>>[vector<16xi32>], vector<16xf32>,
    }
    %scan3A_264 = arith.constant 128 : i32
    "tpu.region"() ({
      %run_scoped3A = tpu.sem_alloc : memref<!tpu.dma_semaphore, #tpu.memory_space<semaphore_mem>>
      %dma_start3A_265 = arith.constant 0 : i32
      %dma_start3A_266 = tpu.memref_slice %arg4[%add3A, %dma_start3A_265] : memref<32x16384xi32, #tpu.memory_space<hbm>> -> memref<1x16384xi32, #tpu.memory_space<hbm>>
      %dma_start3A_267 = tpu.memref_squeeze %dma_start3A_266 : memref<1x16384xi32, #tpu.memory_space<hbm>> -> memref<16384xi32, #tpu.memory_space<hbm>>
      %dma_start3A_268 = arith.constant 0 : i32
      %dma_start3A_269 = tpu.memref_slice %arg4[%add3A, %dma_start3A_268] : memref<32x16384xi32, #tpu.memory_space<hbm>> -> memref<1x16384xi32, #tpu.memory_space<hbm>>
      %dma_start3A_270 = tpu.memref_squeeze %dma_start3A_269 : memref<1x16384xi32, #tpu.memory_space<hbm>> -> memref<16384xi32, #tpu.memory_space<hbm>>
      tpu.enqueue_dma source(%arg6 : memref<16384xi32, #tpu.memory_space<vmem>>) target(%dma_start3A_270 : memref<16384xi32, #tpu.memory_space<hbm>>) target_semaphore(%run_scoped3A : memref<!tpu.dma_semaphore, #tpu.memory_space<semaphore_mem>>)
      %dma_wait3A_271 = arith.constant 0 : i32
      %dma_wait3A_272 = tpu.memref_slice %arg4[%add3A, %dma_wait3A_271] : memref<32x16384xi32, #tpu.memory_space<hbm>> -> memref<1x16384xi32, #tpu.memory_space<hbm>>
      %dma_wait3A_273 = tpu.memref_squeeze %dma_wait3A_272 : memref<1x16384xi32, #tpu.memory_space<hbm>> -> memref<16384xi32, #tpu.memory_space<hbm>>
      %dma_wait3A_274 = arith.constant 0 : i32
      %dma_wait3A_275 = tpu.memref_slice %arg4[%add3A, %dma_wait3A_274] : memref<32x16384xi32, #tpu.memory_space<hbm>> -> memref<1x16384xi32, #tpu.memory_space<hbm>>
      %dma_wait3A_276 = tpu.memref_squeeze %dma_wait3A_275 : memref<1x16384xi32, #tpu.memory_space<hbm>> -> memref<16384xi32, #tpu.memory_space<hbm>>
      tpu.wait_dma2 semaphore(%run_scoped3A : memref<!tpu.dma_semaphore, #tpu.memory_space<semaphore_mem>>) src(%arg6 : memref<16384xi32, #tpu.memory_space<vmem>>) dst(%dma_wait3A_276 : memref<16384xi32, #tpu.memory_space<hbm>>)
      tpu.yield
    }) : () -> ()
    "tpu.region"() ({
      %run_scoped3A = tpu.sem_alloc : memref<!tpu.dma_semaphore, #tpu.memory_space<semaphore_mem>>
      %dma_start3A_265 = arith.constant 0 : i32
      %dma_start3A_266 = tpu.memref_slice %arg5[%add3A, %dma_start3A_265] : memref<32x16384xf32, #tpu.memory_space<hbm>> -> memref<1x16384xf32, #tpu.memory_space<hbm>>
      %dma_start3A_267 = tpu.memref_squeeze %dma_start3A_266 : memref<1x16384xf32, #tpu.memory_space<hbm>> -> memref<16384xf32, #tpu.memory_space<hbm>>
      %dma_start3A_268 = arith.constant 0 : i32
      %dma_start3A_269 = tpu.memref_slice %arg5[%add3A, %dma_start3A_268] : memref<32x16384xf32, #tpu.memory_space<hbm>> -> memref<1x16384xf32, #tpu.memory_space<hbm>>
      %dma_start3A_270 = tpu.memref_squeeze %dma_start3A_269 : memref<1x16384xf32, #tpu.memory_space<hbm>> -> memref<16384xf32, #tpu.memory_space<hbm>>
      tpu.enqueue_dma source(%arg7 : memref<16384xf32, #tpu.memory_space<vmem>>) target(%dma_start3A_270 : memref<16384xf32, #tpu.memory_space<hbm>>) target_semaphore(%run_scoped3A : memref<!tpu.dma_semaphore, #tpu.memory_space<semaphore_mem>>)
      %dma_wait3A_271 = arith.constant 0 : i32
      %dma_wait3A_272 = tpu.memref_slice %arg5[%add3A, %dma_wait3A_271] : memref<32x16384xf32, #tpu.memory_space<hbm>> -> memref<1x16384xf32, #tpu.memory_space<hbm>>
      %dma_wait3A_273 = tpu.memref_squeeze %dma_wait3A_272 : memref<1x16384xf32, #tpu.memory_space<hbm>> -> memref<16384xf32, #tpu.memory_space<hbm>>
      %dma_wait3A_274 = arith.constant 0 : i32
      %dma_wait3A_275 = tpu.memref_slice %arg5[%add3A, %dma_wait3A_274] : memref<32x16384xf32, #tpu.memory_space<hbm>> -> memref<1x16384xf32, #tpu.memory_space<hbm>>
      %dma_wait3A_276 = tpu.memref_squeeze %dma_wait3A_275 : memref<1x16384xf32, #tpu.memory_space<hbm>> -> memref<16384xf32, #tpu.memory_space<hbm>>
      tpu.wait_dma2 semaphore(%run_scoped3A : memref<!tpu.dma_semaphore, #tpu.memory_space<semaphore_mem>>) src(%arg7 : memref<16384xf32, #tpu.memory_space<vmem>>) dst(%dma_wait3A_276 : memref<16384xf32, #tpu.memory_space<hbm>>)
      tpu.yield
    }) : () -> ()
    return
  }
}

module attributes {stable_mosaic.version = 14 : i64} {
  func.func @_finish_body(%arg0: memref<5xf32, #tpu.memory_space<smem>>, %arg1: memref<32x128x128xi32, #tpu.memory_space<vmem>>, %arg2: memref<32x128x128xf32, #tpu.memory_space<vmem>>, %arg3: memref<1x1xf32, #tpu.memory_space<vmem>>) attributes {dimension_semantics = [], scalar_prefetch = 0 : i64, scratch_operands = 0 : i64, tpu.core_type = #tpu.core_type<tc>} {
    %get3A = arith.constant 0 : index
    %get3A_0 = arith.constant 0 : index
    %get3A_1 = arith.constant 0 : index
    %get3A_2 = vector.load %arg1[%get3A, %get3A_0, %get3A_1] : memref<32x128x128xi32, #tpu.memory_space<vmem>>, vector<32x128x128xi32>
    %convert_element_type3A = arith.sitofp %get3A_2 : vector<32x128x128xi32> to vector<32x128x128xf32>
    %reduce_sum3A = arith.constant dense<0.000000e+00> : vector<128x128xf32>
    %reduce_sum3A_3 = vector.multi_reduction <add>, %convert_element_type3A, %reduce_sum3A [0] : vector<32x128x128xf32> to vector<128x128xf32>
    %get3A_4 = arith.constant 0 : index
    %get3A_5 = arith.constant 0 : index
    %get3A_6 = arith.constant 0 : index
    %get3A_7 = vector.load %arg2[%get3A_4, %get3A_5, %get3A_6] : memref<32x128x128xf32, #tpu.memory_space<vmem>>, vector<32x128x128xf32>
    %reduce_sum3A_8 = arith.constant dense<0.000000e+00> : vector<128x128xf32>
    %reduce_sum3A_9 = vector.multi_reduction <add>, %get3A_7, %reduce_sum3A_8 [0] : vector<32x128x128xf32> to vector<128x128xf32>
    %iota3A = tpu.iota {dimensions = array<i32: 1>} : vector<128x128xi32>
    %iota3A_10 = tpu.iota {dimensions = array<i32: 0>} : vector<128x128xi32>
    %lt3A = arith.cmpi slt, %iota3A, %iota3A_10 : vector<128x128xi32>
    %convert_element_type3A_11 = arith.extui %lt3A : vector<128x128xi1> to vector<128x128xi32>
    %convert_element_type3A_12 = arith.sitofp %convert_element_type3A_11 : vector<128x128xi32> to vector<128x128xf32>
    %iota3A_13 = tpu.iota {dimensions = array<i32: 0>} : vector<128x128xi32>
    %iota3A_14 = tpu.iota {dimensions = array<i32: 1>} : vector<128x128xi32>
    %le3A = arith.cmpi sle, %iota3A_13, %iota3A_14 : vector<128x128xi32>
    %convert_element_type3A_15 = arith.extui %le3A : vector<128x128xi1> to vector<128x128xi32>
    %convert_element_type3A_16 = arith.sitofp %convert_element_type3A_15 : vector<128x128xi32> to vector<128x128xf32>
    %dot_general3A = arith.constant dense<0.000000e+00> : vector<128x128xf32>
    %dot_general3A_17 = tpu.matmul %convert_element_type3A_12, %reduce_sum3A_3, %dot_general3A {dimension_numbers = #tpu.dot_dimension_numbers<[1], [0], [0], [1], [0, 0, 1, 1], [], []>, transpose_lhs_hint = false} : vector<128x128xf32>, vector<128x128xf32>, vector<128x128xf32> -> vector<128x128xf32>
    %reduce_sum3A_18 = arith.constant dense<0.000000e+00> : vector<128xf32>
    %reduce_sum3A_19 = vector.multi_reduction <add>, %dot_general3A_17, %reduce_sum3A_18 [1] : vector<128x128xf32> to vector<128xf32>
    %broadcast_in_dim3A = vector.shape_cast %reduce_sum3A_19 : vector<128xf32> to vector<128x1xf32>
    %dot_general3A_20 = arith.constant dense<0.000000e+00> : vector<128x128xf32>
    %dot_general3A_21 = tpu.matmul %reduce_sum3A_3, %convert_element_type3A_16, %dot_general3A_20 {dimension_numbers = #tpu.dot_dimension_numbers<[1], [0], [0], [1], [0, 0, 1, 1], [], []>, transpose_lhs_hint = false} : vector<128x128xf32>, vector<128x128xf32>, vector<128x128xf32> -> vector<128x128xf32>
    %add3A = vector.broadcast %broadcast_in_dim3A : vector<128x1xf32> to vector<128x128xf32>
    %add3A_22 = arith.addf %add3A, %dot_general3A_21 : vector<128x128xf32>
    %iota3A_23 = tpu.iota {dimensions = array<i32: 0>} : vector<128x128xi32>
    %mul3A = arith.constant 128 : i32
    %mul3A_24 = vector.broadcast %mul3A : i32 to vector<128x128xi32>
    %mul3A_25 = arith.muli %iota3A_23, %mul3A_24 : vector<128x128xi32>
    %iota3A_26 = tpu.iota {dimensions = array<i32: 1>} : vector<128x128xi32>
    %add3A_27 = arith.addi %mul3A_25, %iota3A_26 : vector<128x128xi32>
    %convert_element_type3A_28 = arith.sitofp %add3A_27 : vector<128x128xi32> to vector<128x128xf32>
    %le3A_29 = arith.constant 0x49CCCCD0 : f32
    %le3A_30 = vector.broadcast %le3A_29 : f32 to vector<128x128xf32>
    %le3A_31 = arith.cmpf ole, %add3A_22, %le3A_30 : vector<128x128xf32>
    %jit3A = arith.constant 1.000000e+00 : f32
    %jit3A_32 = arith.constant 0.000000e+00 : f32
    %broadcast_in_dim3A_33 = vector.broadcast %jit3A : f32 to vector<128x128xf32>
    %broadcast_in_dim3A_34 = vector.broadcast %jit3A_32 : f32 to vector<128x128xf32>
    %select_n3A = arith.select %le3A_31, %broadcast_in_dim3A_33, %broadcast_in_dim3A_34 : vector<128x128xi1>, vector<128x128xf32>
    %reduce_sum3A_35 = vector.shape_cast %select_n3A : vector<128x128xf32> to vector<1x128x128xf32>
    %reduce_sum3A_36 = arith.constant dense<0.000000e+00> : vector<1xf32>
    %reduce_sum3A_37 = vector.multi_reduction <add>, %reduce_sum3A_35, %reduce_sum3A_36 [1, 2] : vector<1x128x128xf32> to vector<1xf32>
    %reduce_sum3A_38 = vector.shape_cast %reduce_sum3A_37 : vector<1xf32> to vector<1x1x1xf32>
    %reduce_sum3A_39 = vector.extract %reduce_sum3A_38[0, 0, 0] : f32 from vector<1x1x1xf32>
    %lt3A_40 = vector.broadcast %reduce_sum3A_39 : f32 to vector<128x128xf32>
    %lt3A_41 = arith.cmpf olt, %convert_element_type3A_28, %lt3A_40 : vector<128x128xf32>
    %eq3A = vector.broadcast %reduce_sum3A_39 : f32 to vector<128x128xf32>
    %eq3A_42 = arith.cmpf oeq, %convert_element_type3A_28, %eq3A : vector<128x128xf32>
    %jit3A_43 = arith.constant 0.000000e+00 : f32
    %broadcast_in_dim3A_44 = vector.broadcast %jit3A_43 : f32 to vector<128x128xf32>
    %select_n3A_45 = arith.select %lt3A_41, %reduce_sum3A_3, %broadcast_in_dim3A_44 : vector<128x128xi1>, vector<128x128xf32>
    %reduce_sum3A_46 = vector.shape_cast %select_n3A_45 : vector<128x128xf32> to vector<1x128x128xf32>
    %reduce_sum3A_47 = arith.constant dense<0.000000e+00> : vector<1xf32>
    %reduce_sum3A_48 = vector.multi_reduction <add>, %reduce_sum3A_46, %reduce_sum3A_47 [1, 2] : vector<1x128x128xf32> to vector<1xf32>
    %reduce_sum3A_49 = vector.shape_cast %reduce_sum3A_48 : vector<1xf32> to vector<1x1x1xf32>
    %reduce_sum3A_50 = vector.extract %reduce_sum3A_49[0, 0, 0] : f32 from vector<1x1x1xf32>
    %jit3A_51 = arith.constant 0.000000e+00 : f32
    %broadcast_in_dim3A_52 = vector.broadcast %jit3A_51 : f32 to vector<128x128xf32>
    %select_n3A_53 = arith.select %lt3A_41, %reduce_sum3A_9, %broadcast_in_dim3A_52 : vector<128x128xi1>, vector<128x128xf32>
    %reduce_sum3A_54 = vector.shape_cast %select_n3A_53 : vector<128x128xf32> to vector<1x128x128xf32>
    %reduce_sum3A_55 = arith.constant dense<0.000000e+00> : vector<1xf32>
    %reduce_sum3A_56 = vector.multi_reduction <add>, %reduce_sum3A_54, %reduce_sum3A_55 [1, 2] : vector<1x128x128xf32> to vector<1xf32>
    %reduce_sum3A_57 = vector.shape_cast %reduce_sum3A_56 : vector<1xf32> to vector<1x1x1xf32>
    %reduce_sum3A_58 = vector.extract %reduce_sum3A_57[0, 0, 0] : f32 from vector<1x1x1xf32>
    %jit3A_59 = arith.constant 0.000000e+00 : f32
    %broadcast_in_dim3A_60 = vector.broadcast %jit3A_59 : f32 to vector<128x128xf32>
    %select_n3A_61 = arith.select %eq3A_42, %reduce_sum3A_3, %broadcast_in_dim3A_60 : vector<128x128xi1>, vector<128x128xf32>
    %reduce_sum3A_62 = vector.shape_cast %select_n3A_61 : vector<128x128xf32> to vector<1x128x128xf32>
    %reduce_sum3A_63 = arith.constant dense<0.000000e+00> : vector<1xf32>
    %reduce_sum3A_64 = vector.multi_reduction <add>, %reduce_sum3A_62, %reduce_sum3A_63 [1, 2] : vector<1x128x128xf32> to vector<1xf32>
    %reduce_sum3A_65 = vector.shape_cast %reduce_sum3A_64 : vector<1xf32> to vector<1x1x1xf32>
    %reduce_sum3A_66 = vector.extract %reduce_sum3A_65[0, 0, 0] : f32 from vector<1x1x1xf32>
    %jit3A_67 = arith.constant 0.000000e+00 : f32
    %broadcast_in_dim3A_68 = vector.broadcast %jit3A_67 : f32 to vector<128x128xf32>
    %select_n3A_69 = arith.select %eq3A_42, %reduce_sum3A_9, %broadcast_in_dim3A_68 : vector<128x128xi1>, vector<128x128xf32>
    %reduce_sum3A_70 = vector.shape_cast %select_n3A_69 : vector<128x128xf32> to vector<1x128x128xf32>
    %reduce_sum3A_71 = arith.constant dense<0.000000e+00> : vector<1xf32>
    %reduce_sum3A_72 = vector.multi_reduction <add>, %reduce_sum3A_70, %reduce_sum3A_71 [1, 2] : vector<1x128x128xf32> to vector<1xf32>
    %reduce_sum3A_73 = vector.shape_cast %reduce_sum3A_72 : vector<1xf32> to vector<1x1x1xf32>
    %reduce_sum3A_74 = vector.extract %reduce_sum3A_73[0, 0, 0] : f32 from vector<1x1x1xf32>
    %sub3A = arith.constant 0x49CCCCD0 : f32
    %sub3A_75 = arith.subf %sub3A, %reduce_sum3A_50 : f32
    %mul3A_76 = arith.mulf %reduce_sum3A_74, %sub3A_75 : f32
    %max3A = arith.constant 1.000000e+00 : f32
    %max3A_77 = arith.maximumf %reduce_sum3A_66, %max3A : f32
    %div3A = arith.divf %mul3A_76, %max3A_77 : f32
    %add3A_78 = arith.addf %reduce_sum3A_58, %div3A : f32
    %le3A_79 = arith.constant 0x4A4CCCCC : f32
    %le3A_80 = vector.broadcast %le3A_79 : f32 to vector<128x128xf32>
    %le3A_81 = arith.cmpf ole, %add3A_22, %le3A_80 : vector<128x128xf32>
    %jit3A_82 = arith.constant 1.000000e+00 : f32
    %jit3A_83 = arith.constant 0.000000e+00 : f32
    %broadcast_in_dim3A_84 = vector.broadcast %jit3A_82 : f32 to vector<128x128xf32>
    %broadcast_in_dim3A_85 = vector.broadcast %jit3A_83 : f32 to vector<128x128xf32>
    %select_n3A_86 = arith.select %le3A_81, %broadcast_in_dim3A_84, %broadcast_in_dim3A_85 : vector<128x128xi1>, vector<128x128xf32>
    %reduce_sum3A_87 = vector.shape_cast %select_n3A_86 : vector<128x128xf32> to vector<1x128x128xf32>
    %reduce_sum3A_88 = arith.constant dense<0.000000e+00> : vector<1xf32>
    %reduce_sum3A_89 = vector.multi_reduction <add>, %reduce_sum3A_87, %reduce_sum3A_88 [1, 2] : vector<1x128x128xf32> to vector<1xf32>
    %reduce_sum3A_90 = vector.shape_cast %reduce_sum3A_89 : vector<1xf32> to vector<1x1x1xf32>
    %reduce_sum3A_91 = vector.extract %reduce_sum3A_90[0, 0, 0] : f32 from vector<1x1x1xf32>
    %lt3A_92 = vector.broadcast %reduce_sum3A_91 : f32 to vector<128x128xf32>
    %lt3A_93 = arith.cmpf olt, %convert_element_type3A_28, %lt3A_92 : vector<128x128xf32>
    %eq3A_94 = vector.broadcast %reduce_sum3A_91 : f32 to vector<128x128xf32>
    %eq3A_95 = arith.cmpf oeq, %convert_element_type3A_28, %eq3A_94 : vector<128x128xf32>
    %jit3A_96 = arith.constant 0.000000e+00 : f32
    %broadcast_in_dim3A_97 = vector.broadcast %jit3A_96 : f32 to vector<128x128xf32>
    %select_n3A_98 = arith.select %lt3A_93, %reduce_sum3A_3, %broadcast_in_dim3A_97 : vector<128x128xi1>, vector<128x128xf32>
    %reduce_sum3A_99 = vector.shape_cast %select_n3A_98 : vector<128x128xf32> to vector<1x128x128xf32>
    %reduce_sum3A_100 = arith.constant dense<0.000000e+00> : vector<1xf32>
    %reduce_sum3A_101 = vector.multi_reduction <add>, %reduce_sum3A_99, %reduce_sum3A_100 [1, 2] : vector<1x128x128xf32> to vector<1xf32>
    %reduce_sum3A_102 = vector.shape_cast %reduce_sum3A_101 : vector<1xf32> to vector<1x1x1xf32>
    %reduce_sum3A_103 = vector.extract %reduce_sum3A_102[0, 0, 0] : f32 from vector<1x1x1xf32>
    %jit3A_104 = arith.constant 0.000000e+00 : f32
    %broadcast_in_dim3A_105 = vector.broadcast %jit3A_104 : f32 to vector<128x128xf32>
    %select_n3A_106 = arith.select %lt3A_93, %reduce_sum3A_9, %broadcast_in_dim3A_105 : vector<128x128xi1>, vector<128x128xf32>
    %reduce_sum3A_107 = vector.shape_cast %select_n3A_106 : vector<128x128xf32> to vector<1x128x128xf32>
    %reduce_sum3A_108 = arith.constant dense<0.000000e+00> : vector<1xf32>
    %reduce_sum3A_109 = vector.multi_reduction <add>, %reduce_sum3A_107, %reduce_sum3A_108 [1, 2] : vector<1x128x128xf32> to vector<1xf32>
    %reduce_sum3A_110 = vector.shape_cast %reduce_sum3A_109 : vector<1xf32> to vector<1x1x1xf32>
    %reduce_sum3A_111 = vector.extract %reduce_sum3A_110[0, 0, 0] : f32 from vector<1x1x1xf32>
    %jit3A_112 = arith.constant 0.000000e+00 : f32
    %broadcast_in_dim3A_113 = vector.broadcast %jit3A_112 : f32 to vector<128x128xf32>
    %select_n3A_114 = arith.select %eq3A_95, %reduce_sum3A_3, %broadcast_in_dim3A_113 : vector<128x128xi1>, vector<128x128xf32>
    %reduce_sum3A_115 = vector.shape_cast %select_n3A_114 : vector<128x128xf32> to vector<1x128x128xf32>
    %reduce_sum3A_116 = arith.constant dense<0.000000e+00> : vector<1xf32>
    %reduce_sum3A_117 = vector.multi_reduction <add>, %reduce_sum3A_115, %reduce_sum3A_116 [1, 2] : vector<1x128x128xf32> to vector<1xf32>
    %reduce_sum3A_118 = vector.shape_cast %reduce_sum3A_117 : vector<1xf32> to vector<1x1x1xf32>
    %reduce_sum3A_119 = vector.extract %reduce_sum3A_118[0, 0, 0] : f32 from vector<1x1x1xf32>
    %jit3A_120 = arith.constant 0.000000e+00 : f32
    %broadcast_in_dim3A_121 = vector.broadcast %jit3A_120 : f32 to vector<128x128xf32>
    %select_n3A_122 = arith.select %eq3A_95, %reduce_sum3A_9, %broadcast_in_dim3A_121 : vector<128x128xi1>, vector<128x128xf32>
    %reduce_sum3A_123 = vector.shape_cast %select_n3A_122 : vector<128x128xf32> to vector<1x128x128xf32>
    %reduce_sum3A_124 = arith.constant dense<0.000000e+00> : vector<1xf32>
    %reduce_sum3A_125 = vector.multi_reduction <add>, %reduce_sum3A_123, %reduce_sum3A_124 [1, 2] : vector<1x128x128xf32> to vector<1xf32>
    %reduce_sum3A_126 = vector.shape_cast %reduce_sum3A_125 : vector<1xf32> to vector<1x1x1xf32>
    %reduce_sum3A_127 = vector.extract %reduce_sum3A_126[0, 0, 0] : f32 from vector<1x1x1xf32>
    %sub3A_128 = arith.constant 0x4A4CCCCC : f32
    %sub3A_129 = arith.subf %sub3A_128, %reduce_sum3A_103 : f32
    %mul3A_130 = arith.mulf %reduce_sum3A_127, %sub3A_129 : f32
    %max3A_131 = arith.constant 1.000000e+00 : f32
    %max3A_132 = arith.maximumf %reduce_sum3A_119, %max3A_131 : f32
    %div3A_133 = arith.divf %mul3A_130, %max3A_132 : f32
    %add3A_134 = arith.addf %reduce_sum3A_111, %div3A_133 : f32
    %le3A_135 = arith.constant 0x4A99999A : f32
    %le3A_136 = vector.broadcast %le3A_135 : f32 to vector<128x128xf32>
    %le3A_137 = arith.cmpf ole, %add3A_22, %le3A_136 : vector<128x128xf32>
    %jit3A_138 = arith.constant 1.000000e+00 : f32
    %jit3A_139 = arith.constant 0.000000e+00 : f32
    %broadcast_in_dim3A_140 = vector.broadcast %jit3A_138 : f32 to vector<128x128xf32>
    %broadcast_in_dim3A_141 = vector.broadcast %jit3A_139 : f32 to vector<128x128xf32>
    %select_n3A_142 = arith.select %le3A_137, %broadcast_in_dim3A_140, %broadcast_in_dim3A_141 : vector<128x128xi1>, vector<128x128xf32>
    %reduce_sum3A_143 = vector.shape_cast %select_n3A_142 : vector<128x128xf32> to vector<1x128x128xf32>
    %reduce_sum3A_144 = arith.constant dense<0.000000e+00> : vector<1xf32>
    %reduce_sum3A_145 = vector.multi_reduction <add>, %reduce_sum3A_143, %reduce_sum3A_144 [1, 2] : vector<1x128x128xf32> to vector<1xf32>
    %reduce_sum3A_146 = vector.shape_cast %reduce_sum3A_145 : vector<1xf32> to vector<1x1x1xf32>
    %reduce_sum3A_147 = vector.extract %reduce_sum3A_146[0, 0, 0] : f32 from vector<1x1x1xf32>
    %lt3A_148 = vector.broadcast %reduce_sum3A_147 : f32 to vector<128x128xf32>
    %lt3A_149 = arith.cmpf olt, %convert_element_type3A_28, %lt3A_148 : vector<128x128xf32>
    %eq3A_150 = vector.broadcast %reduce_sum3A_147 : f32 to vector<128x128xf32>
    %eq3A_151 = arith.cmpf oeq, %convert_element_type3A_28, %eq3A_150 : vector<128x128xf32>
    %jit3A_152 = arith.constant 0.000000e+00 : f32
    %broadcast_in_dim3A_153 = vector.broadcast %jit3A_152 : f32 to vector<128x128xf32>
    %select_n3A_154 = arith.select %lt3A_149, %reduce_sum3A_3, %broadcast_in_dim3A_153 : vector<128x128xi1>, vector<128x128xf32>
    %reduce_sum3A_155 = vector.shape_cast %select_n3A_154 : vector<128x128xf32> to vector<1x128x128xf32>
    %reduce_sum3A_156 = arith.constant dense<0.000000e+00> : vector<1xf32>
    %reduce_sum3A_157 = vector.multi_reduction <add>, %reduce_sum3A_155, %reduce_sum3A_156 [1, 2] : vector<1x128x128xf32> to vector<1xf32>
    %reduce_sum3A_158 = vector.shape_cast %reduce_sum3A_157 : vector<1xf32> to vector<1x1x1xf32>
    %reduce_sum3A_159 = vector.extract %reduce_sum3A_158[0, 0, 0] : f32 from vector<1x1x1xf32>
    %jit3A_160 = arith.constant 0.000000e+00 : f32
    %broadcast_in_dim3A_161 = vector.broadcast %jit3A_160 : f32 to vector<128x128xf32>
    %select_n3A_162 = arith.select %lt3A_149, %reduce_sum3A_9, %broadcast_in_dim3A_161 : vector<128x128xi1>, vector<128x128xf32>
    %reduce_sum3A_163 = vector.shape_cast %select_n3A_162 : vector<128x128xf32> to vector<1x128x128xf32>
    %reduce_sum3A_164 = arith.constant dense<0.000000e+00> : vector<1xf32>
    %reduce_sum3A_165 = vector.multi_reduction <add>, %reduce_sum3A_163, %reduce_sum3A_164 [1, 2] : vector<1x128x128xf32> to vector<1xf32>
    %reduce_sum3A_166 = vector.shape_cast %reduce_sum3A_165 : vector<1xf32> to vector<1x1x1xf32>
    %reduce_sum3A_167 = vector.extract %reduce_sum3A_166[0, 0, 0] : f32 from vector<1x1x1xf32>
    %jit3A_168 = arith.constant 0.000000e+00 : f32
    %broadcast_in_dim3A_169 = vector.broadcast %jit3A_168 : f32 to vector<128x128xf32>
    %select_n3A_170 = arith.select %eq3A_151, %reduce_sum3A_3, %broadcast_in_dim3A_169 : vector<128x128xi1>, vector<128x128xf32>
    %reduce_sum3A_171 = vector.shape_cast %select_n3A_170 : vector<128x128xf32> to vector<1x128x128xf32>
    %reduce_sum3A_172 = arith.constant dense<0.000000e+00> : vector<1xf32>
    %reduce_sum3A_173 = vector.multi_reduction <add>, %reduce_sum3A_171, %reduce_sum3A_172 [1, 2] : vector<1x128x128xf32> to vector<1xf32>
    %reduce_sum3A_174 = vector.shape_cast %reduce_sum3A_173 : vector<1xf32> to vector<1x1x1xf32>
    %reduce_sum3A_175 = vector.extract %reduce_sum3A_174[0, 0, 0] : f32 from vector<1x1x1xf32>
    %jit3A_176 = arith.constant 0.000000e+00 : f32
    %broadcast_in_dim3A_177 = vector.broadcast %jit3A_176 : f32 to vector<128x128xf32>
    %select_n3A_178 = arith.select %eq3A_151, %reduce_sum3A_9, %broadcast_in_dim3A_177 : vector<128x128xi1>, vector<128x128xf32>
    %reduce_sum3A_179 = vector.shape_cast %select_n3A_178 : vector<128x128xf32> to vector<1x128x128xf32>
    %reduce_sum3A_180 = arith.constant dense<0.000000e+00> : vector<1xf32>
    %reduce_sum3A_181 = vector.multi_reduction <add>, %reduce_sum3A_179, %reduce_sum3A_180 [1, 2] : vector<1x128x128xf32> to vector<1xf32>
    %reduce_sum3A_182 = vector.shape_cast %reduce_sum3A_181 : vector<1xf32> to vector<1x1x1xf32>
    %reduce_sum3A_183 = vector.extract %reduce_sum3A_182[0, 0, 0] : f32 from vector<1x1x1xf32>
    %sub3A_184 = arith.constant 0x4A99999A : f32
    %sub3A_185 = arith.subf %sub3A_184, %reduce_sum3A_159 : f32
    %mul3A_186 = arith.mulf %reduce_sum3A_183, %sub3A_185 : f32
    %max3A_187 = arith.constant 1.000000e+00 : f32
    %max3A_188 = arith.maximumf %reduce_sum3A_175, %max3A_187 : f32
    %div3A_189 = arith.divf %mul3A_186, %max3A_188 : f32
    %add3A_190 = arith.addf %reduce_sum3A_167, %div3A_189 : f32
    %le3A_191 = arith.constant 0x4ACCCCCC : f32
    %le3A_192 = vector.broadcast %le3A_191 : f32 to vector<128x128xf32>
    %le3A_193 = arith.cmpf ole, %add3A_22, %le3A_192 : vector<128x128xf32>
    %jit3A_194 = arith.constant 1.000000e+00 : f32
    %jit3A_195 = arith.constant 0.000000e+00 : f32
    %broadcast_in_dim3A_196 = vector.broadcast %jit3A_194 : f32 to vector<128x128xf32>
    %broadcast_in_dim3A_197 = vector.broadcast %jit3A_195 : f32 to vector<128x128xf32>
    %select_n3A_198 = arith.select %le3A_193, %broadcast_in_dim3A_196, %broadcast_in_dim3A_197 : vector<128x128xi1>, vector<128x128xf32>
    %reduce_sum3A_199 = vector.shape_cast %select_n3A_198 : vector<128x128xf32> to vector<1x128x128xf32>
    %reduce_sum3A_200 = arith.constant dense<0.000000e+00> : vector<1xf32>
    %reduce_sum3A_201 = vector.multi_reduction <add>, %reduce_sum3A_199, %reduce_sum3A_200 [1, 2] : vector<1x128x128xf32> to vector<1xf32>
    %reduce_sum3A_202 = vector.shape_cast %reduce_sum3A_201 : vector<1xf32> to vector<1x1x1xf32>
    %reduce_sum3A_203 = vector.extract %reduce_sum3A_202[0, 0, 0] : f32 from vector<1x1x1xf32>
    %lt3A_204 = vector.broadcast %reduce_sum3A_203 : f32 to vector<128x128xf32>
    %lt3A_205 = arith.cmpf olt, %convert_element_type3A_28, %lt3A_204 : vector<128x128xf32>
    %eq3A_206 = vector.broadcast %reduce_sum3A_203 : f32 to vector<128x128xf32>
    %eq3A_207 = arith.cmpf oeq, %convert_element_type3A_28, %eq3A_206 : vector<128x128xf32>
    %jit3A_208 = arith.constant 0.000000e+00 : f32
    %broadcast_in_dim3A_209 = vector.broadcast %jit3A_208 : f32 to vector<128x128xf32>
    %select_n3A_210 = arith.select %lt3A_205, %reduce_sum3A_3, %broadcast_in_dim3A_209 : vector<128x128xi1>, vector<128x128xf32>
    %reduce_sum3A_211 = vector.shape_cast %select_n3A_210 : vector<128x128xf32> to vector<1x128x128xf32>
    %reduce_sum3A_212 = arith.constant dense<0.000000e+00> : vector<1xf32>
    %reduce_sum3A_213 = vector.multi_reduction <add>, %reduce_sum3A_211, %reduce_sum3A_212 [1, 2] : vector<1x128x128xf32> to vector<1xf32>
    %reduce_sum3A_214 = vector.shape_cast %reduce_sum3A_213 : vector<1xf32> to vector<1x1x1xf32>
    %reduce_sum3A_215 = vector.extract %reduce_sum3A_214[0, 0, 0] : f32 from vector<1x1x1xf32>
    %jit3A_216 = arith.constant 0.000000e+00 : f32
    %broadcast_in_dim3A_217 = vector.broadcast %jit3A_216 : f32 to vector<128x128xf32>
    %select_n3A_218 = arith.select %lt3A_205, %reduce_sum3A_9, %broadcast_in_dim3A_217 : vector<128x128xi1>, vector<128x128xf32>
    %reduce_sum3A_219 = vector.shape_cast %select_n3A_218 : vector<128x128xf32> to vector<1x128x128xf32>
    %reduce_sum3A_220 = arith.constant dense<0.000000e+00> : vector<1xf32>
    %reduce_sum3A_221 = vector.multi_reduction <add>, %reduce_sum3A_219, %reduce_sum3A_220 [1, 2] : vector<1x128x128xf32> to vector<1xf32>
    %reduce_sum3A_222 = vector.shape_cast %reduce_sum3A_221 : vector<1xf32> to vector<1x1x1xf32>
    %reduce_sum3A_223 = vector.extract %reduce_sum3A_222[0, 0, 0] : f32 from vector<1x1x1xf32>
    %jit3A_224 = arith.constant 0.000000e+00 : f32
    %broadcast_in_dim3A_225 = vector.broadcast %jit3A_224 : f32 to vector<128x128xf32>
    %select_n3A_226 = arith.select %eq3A_207, %reduce_sum3A_3, %broadcast_in_dim3A_225 : vector<128x128xi1>, vector<128x128xf32>
    %reduce_sum3A_227 = vector.shape_cast %select_n3A_226 : vector<128x128xf32> to vector<1x128x128xf32>
    %reduce_sum3A_228 = arith.constant dense<0.000000e+00> : vector<1xf32>
    %reduce_sum3A_229 = vector.multi_reduction <add>, %reduce_sum3A_227, %reduce_sum3A_228 [1, 2] : vector<1x128x128xf32> to vector<1xf32>
    %reduce_sum3A_230 = vector.shape_cast %reduce_sum3A_229 : vector<1xf32> to vector<1x1x1xf32>
    %reduce_sum3A_231 = vector.extract %reduce_sum3A_230[0, 0, 0] : f32 from vector<1x1x1xf32>
    %jit3A_232 = arith.constant 0.000000e+00 : f32
    %broadcast_in_dim3A_233 = vector.broadcast %jit3A_232 : f32 to vector<128x128xf32>
    %select_n3A_234 = arith.select %eq3A_207, %reduce_sum3A_9, %broadcast_in_dim3A_233 : vector<128x128xi1>, vector<128x128xf32>
    %reduce_sum3A_235 = vector.shape_cast %select_n3A_234 : vector<128x128xf32> to vector<1x128x128xf32>
    %reduce_sum3A_236 = arith.constant dense<0.000000e+00> : vector<1xf32>
    %reduce_sum3A_237 = vector.multi_reduction <add>, %reduce_sum3A_235, %reduce_sum3A_236 [1, 2] : vector<1x128x128xf32> to vector<1xf32>
    %reduce_sum3A_238 = vector.shape_cast %reduce_sum3A_237 : vector<1xf32> to vector<1x1x1xf32>
    %reduce_sum3A_239 = vector.extract %reduce_sum3A_238[0, 0, 0] : f32 from vector<1x1x1xf32>
    %sub3A_240 = arith.constant 0x4ACCCCCC : f32
    %sub3A_241 = arith.subf %sub3A_240, %reduce_sum3A_215 : f32
    %mul3A_242 = arith.mulf %reduce_sum3A_239, %sub3A_241 : f32
    %max3A_243 = arith.constant 1.000000e+00 : f32
    %max3A_244 = arith.maximumf %reduce_sum3A_231, %max3A_243 : f32
    %div3A_245 = arith.divf %mul3A_242, %max3A_244 : f32
    %add3A_246 = arith.addf %reduce_sum3A_223, %div3A_245 : f32
    %le3A_247 = arith.constant 0x4AFFFFFE : f32
    %le3A_248 = vector.broadcast %le3A_247 : f32 to vector<128x128xf32>
    %le3A_249 = arith.cmpf ole, %add3A_22, %le3A_248 : vector<128x128xf32>
    %jit3A_250 = arith.constant 1.000000e+00 : f32
    %jit3A_251 = arith.constant 0.000000e+00 : f32
    %broadcast_in_dim3A_252 = vector.broadcast %jit3A_250 : f32 to vector<128x128xf32>
    %broadcast_in_dim3A_253 = vector.broadcast %jit3A_251 : f32 to vector<128x128xf32>
    %select_n3A_254 = arith.select %le3A_249, %broadcast_in_dim3A_252, %broadcast_in_dim3A_253 : vector<128x128xi1>, vector<128x128xf32>
    %reduce_sum3A_255 = vector.shape_cast %select_n3A_254 : vector<128x128xf32> to vector<1x128x128xf32>
    %reduce_sum3A_256 = arith.constant dense<0.000000e+00> : vector<1xf32>
    %reduce_sum3A_257 = vector.multi_reduction <add>, %reduce_sum3A_255, %reduce_sum3A_256 [1, 2] : vector<1x128x128xf32> to vector<1xf32>
    %reduce_sum3A_258 = vector.shape_cast %reduce_sum3A_257 : vector<1xf32> to vector<1x1x1xf32>
    %reduce_sum3A_259 = vector.extract %reduce_sum3A_258[0, 0, 0] : f32 from vector<1x1x1xf32>
    %eq3A_260 = vector.broadcast %reduce_sum3A_259 : f32 to vector<128x128xf32>
    %eq3A_261 = arith.cmpf oeq, %convert_element_type3A_28, %eq3A_260 : vector<128x128xf32>
    %jit3A_262 = arith.constant 0.000000e+00 : f32
    %broadcast_in_dim3A_263 = vector.broadcast %jit3A_262 : f32 to vector<128x128xf32>
    %select_n3A_264 = arith.select %eq3A_261, %reduce_sum3A_3, %broadcast_in_dim3A_263 : vector<128x128xi1>, vector<128x128xf32>
    %reduce_sum3A_265 = vector.shape_cast %select_n3A_264 : vector<128x128xf32> to vector<1x128x128xf32>
    %reduce_sum3A_266 = arith.constant dense<0.000000e+00> : vector<1xf32>
    %reduce_sum3A_267 = vector.multi_reduction <add>, %reduce_sum3A_265, %reduce_sum3A_266 [1, 2] : vector<1x128x128xf32> to vector<1xf32>
    %reduce_sum3A_268 = vector.shape_cast %reduce_sum3A_267 : vector<1xf32> to vector<1x1x1xf32>
    %reduce_sum3A_269 = vector.extract %reduce_sum3A_268[0, 0, 0] : f32 from vector<1x1x1xf32>
    %jit3A_270 = arith.constant 0.000000e+00 : f32
    %broadcast_in_dim3A_271 = vector.broadcast %jit3A_270 : f32 to vector<128x128xf32>
    %select_n3A_272 = arith.select %eq3A_261, %reduce_sum3A_9, %broadcast_in_dim3A_271 : vector<128x128xi1>, vector<128x128xf32>
    %reduce_sum3A_273 = vector.shape_cast %select_n3A_272 : vector<128x128xf32> to vector<1x128x128xf32>
    %reduce_sum3A_274 = arith.constant dense<0.000000e+00> : vector<1xf32>
    %reduce_sum3A_275 = vector.multi_reduction <add>, %reduce_sum3A_273, %reduce_sum3A_274 [1, 2] : vector<1x128x128xf32> to vector<1xf32>
    %reduce_sum3A_276 = vector.shape_cast %reduce_sum3A_275 : vector<1xf32> to vector<1x1x1xf32>
    %reduce_sum3A_277 = vector.extract %reduce_sum3A_276[0, 0, 0] : f32 from vector<1x1x1xf32>
    %max3A_278 = arith.constant 1.000000e+00 : f32
    %max3A_279 = arith.maximumf %reduce_sum3A_269, %max3A_278 : f32
    %div3A_280 = arith.divf %reduce_sum3A_277, %max3A_279 : f32
    %reduce_sum3A_281 = vector.shape_cast %reduce_sum3A_9 : vector<128x128xf32> to vector<1x128x128xf32>
    %reduce_sum3A_282 = arith.constant dense<0.000000e+00> : vector<1xf32>
    %reduce_sum3A_283 = vector.multi_reduction <add>, %reduce_sum3A_281, %reduce_sum3A_282 [1, 2] : vector<1x128x128xf32> to vector<1xf32>
    %reduce_sum3A_284 = vector.shape_cast %reduce_sum3A_283 : vector<1xf32> to vector<1x1x1xf32>
    %reduce_sum3A_285 = vector.extract %reduce_sum3A_284[0, 0, 0] : f32 from vector<1x1x1xf32>
    %sub3A_286 = arith.subf %add3A_134, %add3A_78 : f32
    %sub3A_287 = arith.subf %add3A_190, %add3A_134 : f32
    %sub3A_288 = arith.subf %add3A_246, %add3A_190 : f32
    %sub3A_289 = arith.subf %reduce_sum3A_285, %add3A_246 : f32
    %sub3A_290 = arith.subf %sub3A_289, %div3A_280 : f32
    %get3A_291 = arith.constant 0 : index
    %get3A_292 = memref.load %arg0[%get3A_291] : memref<5xf32, #tpu.memory_space<smem>>
    %div3A_293 = arith.constant 0x49CCCCD0 : f32
    %div3A_294 = arith.divf %add3A_78, %div3A_293 : f32
    %mul3A_295 = arith.mulf %get3A_292, %div3A_294 : f32
    %add3A_296 = arith.constant 0.000000e+00 : f32
    %add3A_297 = arith.addf %add3A_296, %mul3A_295 : f32
    %get3A_298 = arith.constant 1 : index
    %get3A_299 = memref.load %arg0[%get3A_298] : memref<5xf32, #tpu.memory_space<smem>>
    %div3A_300 = arith.constant 0x49CCCCC8 : f32
    %div3A_301 = arith.divf %sub3A_286, %div3A_300 : f32
    %mul3A_302 = arith.mulf %get3A_299, %div3A_301 : f32
    %add3A_303 = arith.addf %add3A_297, %mul3A_302 : f32
    %get3A_304 = arith.constant 2 : index
    %get3A_305 = memref.load %arg0[%get3A_304] : memref<5xf32, #tpu.memory_space<smem>>
    %div3A_306 = arith.constant 0x49CCCCD0 : f32
    %div3A_307 = arith.divf %sub3A_287, %div3A_306 : f32
    %mul3A_308 = arith.mulf %get3A_305, %div3A_307 : f32
    %add3A_309 = arith.addf %add3A_303, %mul3A_308 : f32
    %get3A_310 = arith.constant 3 : index
    %get3A_311 = memref.load %arg0[%get3A_310] : memref<5xf32, #tpu.memory_space<smem>>
    %div3A_312 = arith.constant 0x49CCCCC8 : f32
    %div3A_313 = arith.divf %sub3A_288, %div3A_312 : f32
    %mul3A_314 = arith.mulf %get3A_311, %div3A_313 : f32
    %add3A_315 = arith.addf %add3A_309, %mul3A_314 : f32
    %get3A_316 = arith.constant 4 : index
    %get3A_317 = memref.load %arg0[%get3A_316] : memref<5xf32, #tpu.memory_space<smem>>
    %div3A_318 = arith.constant 0x49CCCCC8 : f32
    %div3A_319 = arith.divf %sub3A_290, %div3A_318 : f32
    %mul3A_320 = arith.mulf %get3A_317, %div3A_319 : f32
    %add3A_321 = arith.addf %add3A_315, %mul3A_320 : f32
    %broadcast_in_dim3A_322 = arith.constant 1.000000e+00 : f32
    %broadcast_in_dim3A_323 = vector.broadcast %broadcast_in_dim3A_322 : f32 to vector<1x1xf32>
    %mul3A_324 = vector.broadcast %add3A_321 : f32 to vector<1x1xf32>
    %mul3A_325 = arith.mulf %broadcast_in_dim3A_323, %mul3A_324 : vector<1x1xf32>
    %swap3A = arith.constant 0 : index
    %swap3A_326 = arith.constant 0 : index
    %swap3A_327 = vector.load %arg3[%swap3A, %swap3A_326] : memref<1x1xf32, #tpu.memory_space<vmem>>, vector<1x1xf32>
    tpu.vector_store %arg3[%swap3A, %swap3A_326], %mul3A_325 {strides = array<i32>} : memref<1x1xf32, #tpu.memory_space<vmem>>, vector<1x1xf32>,
    return
  }
}

</mosaic_0001>

<sc_bundles>
// kernel: kernel.4.cloned.1.call-start
scs
__scs_entry_jumppad:
0x0: {  	(pc) =	sbr.rel $0x88, $3  }
0x1: {  	(tag) =	ssettag $0x0;
	lr =	simm.s32 $0x1  }
0x2: {  	[smem:$0x3F9E] =	sst lr;
	_ =	strace $0xD0000000  }
0x3: {  	_ = 	snop  }
0x4: {  	_ = 	snop  }
0x5: {  	_ = 	snop  }
0x6: {  	_ = 	snop  }
0x7: {  	_ = 	snop  }
__scs_overlays_trampoline_lowered:
0x8: {  	[smem:$0x3FAD] =	sst s0  }
0x9: {  	[smem:$0x3FAE] =	sst s1  }
0xa: {  	[smem:$0x3FAF] =	sst s2  }
0xb: {  	[smem:$0x3FB0] =	sst s3  }
0xc: {  	[smem:$0x3FB1] =	sst s4  }
0xd: {  	[smem:$0x3FB2] =	sst s5  }
0xe: {  	[smem:$0x3FB3] =	sst s6  }
0xf: {  	[smem:$0x3FB4] =	sst s7  }
0x10: {  	[smem:$0x3FB5] =	sst s8  }
0x11: {  	[smem:$0x3FB6] =	sst s9;
	s0 =	simm.s32 @!p0 $0x0  }
0x12: {  	s1 =	sld [smem:$0x3F9C];
	s0 =	simm.s32 @p0 $0x1  }
0x13: {  	[smem:$0x3FB7] =	sst s0;
	s0 =	simm.s32 @!p1 $0x0  }
0x14: {  	s2 =	sld [smem:$0x3F9B];
	s0 =	simm.s32 @p1 $0x1  }
0x15: {  	[smem:$0x3FB8] =	sst s0;
	s0 =	simm.s32 @!p2 $0x0  }
0x16: {  	s3 =	sld [smem:$0x3FDB];
	s0 =	simm.s32 @p2 $0x1  }
0x17: {  	s4 =	simm.s32 $0x1BF5;
	[smem:$0x3FBA] =	sst s0  }
0x18: {  	s0 =	sld [smem:$0x3F9D];
	_ =	swait.ge [sflag:s4], $0x0  }
0x19: {  	s7 =	sld [smem:$0x3F9E]  }
0x1a: {  	s8 =	sadd.s32 $0xFFFFE003, lr  }
0x1b: {  	s9 =	sadd.s32 $0xFFFFFEF7, lr;
	s5 =	simm.s32 $0xFFFFFFFF;
	p2 =	slt.u32 s8, $0xFFFFF086  }
0x1c: {  	p1 =	slt.u32 s9, $0xF7A;
	s5 =	simm.s32 @!p2 $0x0  }
0x1d: {  	s5 =	simm.s32 @p1 $0x1;
	p0 =	seq.s32 s7, s2  }
0x1e: {  	s7 =	smul.u32 @!p0 $0xF7A, s2;
	p2 =	seq.s32 @!p0 s5, $0x0  }
0x1f: {  	s9 =	smul.u32 $0xF7A, s1;
	s8 =	simm.s32 @!p0 $0x1BF5;
	p2 =	por !p2, p0  }
0x20: {  	[sflag:s8] =	ssyncset.s32 @!p0 $0xFFFFF086;
	s6 =	sadd.s32 @!p0 s3, s7;
	s7 =	simm.s32 @!p0 $0x108  }
0x21: {  	s3 =	sadd.s32 s3, s9;
	s6 =	sadd.s32 @!p0 $0x88, s6;
	s7 =	simm.s32 @p2 $0x1082  }
0x22: {  	[simem:s7], [sflag:s8] =	dma.local @!p0 [hbm:s6], $0xF7A  }
0x23: {  	s9 =	sor.u32 $0xD0000000, s2;
	s6 =	simm.s32 $0x108;
	_ =	swait.ge @!p0 [sflag:s8], $0x0  }
0x24: {  	s3 =	sadd.s32 $0x88, s3;
	s6 =	simm.s32 @!p1 $0x1082;
	[sflag:s4] =	ssyncset.s32 $0xFFFFF086  }
0x25: {  	[simem:s6], [sflag:s4] =	dma.local [hbm:s3], $0xF7A  }
0x26: {  	[smem:$0x3F9E] =	sst s1;
	(tag) =	ssettag s2;
	_ =	strace s9  }
0x27: {  	s1 =	sld [smem:$0x3FAE]  }
0x28: {  	s2 =	sld [smem:$0x3FAF]  }
0x29: {  	s4 =	sld [smem:$0x3FB1]  }
0x2a: {  	p0 =	seq.s32 s5, $0x0;
	s5 =	sld [smem:$0x3FB2]  }
0x2b: {  	s6 =	sld [smem:$0x3FB3]  }
0x2c: {  	s7 =	sld [smem:$0x3FB4]  }
0x2d: {  	s3 =	simm.s32 $0x108;
	s8 =	sld [smem:$0x3FB5]  }
0x2e: {  	s3 =	simm.s32 @!p0 $0x1082;
	s9 =	sld [smem:$0x3FB6]  }
0x2f: {  	lr =	sadd.s32 s0, s3;
	s0 =	sld [smem:$0x3FAD]  }
0x30: {  	s3 =	sld [smem:$0x3FB0]  }
0x31: {  	[smem:$0x3FB9] =	sst s10  }
0x32: {  	s10 =	sld [smem:$0x3FB7];
	_ =	sdelay $0x3  }
0x33: {  	p0 =	seq.s32 s10, $0x1;
	s10 =	sld [smem:$0x3FB9];
	_ =	sdelay $0x3  }
0x34: {  	[smem:$0x3FB9] =	sst s10  }
0x35: {  	s10 =	sld [smem:$0x3FB8];
	_ =	sdelay $0x3  }
0x36: {  	p1 =	seq.s32 s10, $0x1;
	s10 =	sld [smem:$0x3FB9];
	_ =	sdelay $0x3  }
0x37: {  	[smem:$0x3FB9] =	sst s10  }
0x38: {  	s10 =	sld [smem:$0x3FBA]  }
0x39: {  	_ = 	snop;
	(pc) =	sbr.ind lr, $3  }
0x3a: {  	_ = 	snop  }
0x3b: {  	_ = 	snop  }
0x3c: {  	p2 =	seq.s32 s10, $0x1;
	s10 =	sld [smem:$0x3FB9]  }
0x3d: {  	_ =	shalt  }
0x3e: {  	_ =	shalt  }
0x3f: {  	_ =	shalt  }
0x40: {  	_ =	shalt  }
0x41: {  	_ =	shalt  }
0x42: {  	_ =	shalt  }
0x43: {  	_ =	shalt  }
0x44: {  	_ =	shalt  }
0x45: {  	_ =	shalt  }
0x46: {  	_ =	shalt  }
0x47: {  	_ =	shalt  }
0x48: {  	_ =	shalt  }
0x49: {  	_ =	shalt  }
0x4a: {  	_ =	shalt  }
0x4b: {  	_ =	shalt  }
0x4c: {  	_ =	shalt  }
0x4d: {  	_ =	shalt  }
0x4e: {  	_ =	shalt  }
0x4f: {  	_ =	shalt  }
0x50: {  	_ =	shalt  }
0x51: {  	_ =	shalt  }
0x52: {  	_ =	shalt  }
0x53: {  	_ =	shalt  }
0x54: {  	_ =	shalt  }
0x55: {  	_ =	shalt  }
0x56: {  	_ =	shalt  }
0x57: {  	_ =	shalt  }
0x58: {  	_ =	shalt  }
0x59: {  	_ =	shalt  }
0x5a: {  	_ =	shalt  }
0x5b: {  	_ =	shalt  }
0x5c: {  	_ =	shalt  }
0x5d: {  	_ =	shalt  }
0x5e: {  	_ =	shalt  }
0x5f: {  	_ =	shalt  }
0x60: {  	_ =	shalt  }
0x61: {  	_ =	shalt  }
0x62: {  	_ =	shalt  }
0x63: {  	_ =	shalt  }
0x64: {  	_ =	shalt  }
0x65: {  	_ =	shalt  }
0x66: {  	_ =	shalt  }
0x67: {  	_ =	shalt  }
0x68: {  	_ =	shalt  }
0x69: {  	_ =	shalt  }
0x6a: {  	_ =	shalt  }
0x6b: {  	_ =	shalt  }
0x6c: {  	_ =	shalt  }
0x6d: {  	_ =	shalt  }
0x6e: {  	_ =	shalt  }
0x6f: {  	_ =	shalt  }
0x70: {  	_ =	shalt  }
0x71: {  	_ =	shalt  }
0x72: {  	_ =	shalt  }
0x73: {  	_ =	shalt  }
0x74: {  	_ =	shalt  }
0x75: {  	_ =	shalt  }
0x76: {  	_ =	shalt  }
0x77: {  	_ =	shalt  }
0x78: {  	_ =	shalt  }
0x79: {  	_ =	shalt  }
0x7a: {  	_ =	shalt  }
0x7b: {  	_ =	shalt  }
0x7c: {  	_ =	shalt  }
0x7d: {  	_ =	shalt  }
0x7e: {  	_ =	shalt  }
0x7f: {  	_ =	shalt  }
0x80: {  	_ =	shalt  }
0x81: {  	_ =	shalt  }
0x82: {  	_ =	shalt  }
0x83: {  	_ =	shalt  }
0x84: {  	_ =	shalt  }
0x85: {  	_ =	shalt  }
0x86: {  	_ =	shalt  }
0x87: {  	_ =	shalt  }
.Lfunc_end0:
.L_simem_size_0:
called_computation_lowered:
.L_overlay_start_0:
0x88: {  	s2 =	sld [smem:$0x3FD9]  }
0x89: {  	s3 =	sld [smem:$0x3FFE];
	_ =	sdelay $0x1  }
0x8a: {  	s1 =	srdreg.scid  }
0x8b: {  	s0 =	sand.u32 $0x1, s1  }
0x8c: {  	s17 =	sshll.u32 s0, $0xA;
	s2 =	sadd.s32 s3, s2  }
0x8d: {  	s2 =	sadd.s32 s2, s17  }
0x8e: {  	[smem:$0x3FC5] =	sst s2  }
0x8f: {  	_ = 	snop  }
0x90: {  	s2 =	sld [smem:$0x3FC9]  }
0x91: {  	s18 =	sld [smem:$0x3FC8];
	(tm) =	ssettm $0x1  }
0x92: {  	s4 =	sld [smem:$0x3FFB];
	_ =	sdelay $0x3  }
0x93: {  	_ =	strace s4  }
0x94: {  	s4 =	sld [smem:$0x3FFC];
	_ =	sdelay $0x3  }
0x95: {  	_ =	strace s4  }
0x96: {  	s4 =	sld [smem:$0x3FFD];
	_ =	sdelay $0x3  }
0x97: {  	_ =	strace s4  }
0x98: {  	_ =	strace $0x8FFFFFFF  }
0x99: {  	s19 =	sld [smem:$0x3FDB];
	_ =	sdelay $0x1  }
0x9a: {  	s5 =	simm.s32 $_scs_section_size  }
0x9b: {  	s6 =	simm.s32 $_size__tile_overlayer_lowered;
	s7 =	simm.s32 $_tile_overlayer_lowered  }
0x9c: {  	s22 =	simm.s32 $0x1BFF;
	s21 =	sshll.u32 s7, $0x1;
	s4 =	sadd.s32 s5, s19  }
0x9d: {  	s8 =	simm.s32 $0x0;
	s20 =	sshll.u32 s6, $0x1;
	s6 =	sadd.s32 s21, s4  }
0x9e: {  	[timem:s8], [sflag:s22] =	dma.local [hbm:s6], s20  }
0x9f: {  	_ =	swait.ge [sflag:s22], s20  }
0xa0: {  	s5 =	ssub.s32 $0x0, s20;
	[sflag:s22] =	ssyncset.done $0x0  }
0xa1: {  	[sflag:s22] =	ssyncadd.s32 s5;
	_ =	sdelay $0x1  }
0xa2: {  	s23 =	simm.s32 $0x1B8B  }
0xa3: {  	_ =	swait.ge [sflag:s23], $0x1  }
0xa4: {  	[sflag:s23] =	ssyncset.done $0x0  }
0xa5: {  	s25 =	simm.s32 $0x1B8E;
	s24 =	sld [smem:$0x3FFE];
	[sflag:s23] =	ssyncadd.s32 $0xFFFFFFFF  }
0xa6: {  	s26 =	simm.s32 $execute0_lowered;
	[smem:$0x3FD2] =	sst s25  }
0xa7: {  	s6 =	sshll.u32 s26, $0x1;
	_ =	strace $0x80000046;
	[dreg:$0x1] =	wrdreg $0xFFFFFFFF  }
0xa8: {  	s28 =	simm.s32 $_size_execute0_lowered;
	s4 =	sadd.s32 s4, s6;
	[dreg:$0x0] =	wrdreg $0x0  }
0xa9: {  	s6 =	sshll.u32 s28, $0x1;
	[dreg:$0x2] =	wrdreg s4  }
0xaa: {  	[dreg:$0x3] =	wrdreg s6  }
0xab: {  	[dreg:$0x4] =	wrdreg $0xC0  }
0xac: {  	_ =	task [dreg:s8], $0x5FFFF  }
0xad: {  	[dreg:$0x1] =	wrdreg $0xFFFFFFFF  }
0xae: {  	[dreg:$0x0] =	wrdreg $0x60  }
0xaf: {  	[dreg:$0x2] =	wrdreg s18  }
0xb0: {  	[dreg:$0x3] =	wrdreg s2  }
0xb1: {  	[dreg:$0x4] =	wrdreg s24  }
0xb2: {  	[dreg:$0x5] =	wrdreg $0x9  }
0xb3: {  	_ =	task.clear_ibuf [dreg:s8], $0x6FFFF;
	_ =	strace $0x90000046  }
0xb4: {  	s29 =	simm.s32 $0x9;
	_ =	strace $0x80000048  }
0xb5: {  	_ =	swait.ge [sflag:s29], $0x1  }
0xb6: {  	[sflag:s29] =	ssyncadd.s32 $0xFFFFFFFF  }
0xb7: {  	_ =	strace $0x90000048  }
0xb8: {  	_ =	sfence  }
0xb9: {  	s30 =	sld [smem:$0x0];
	_ =	sdelay $0x2  }
0xba: {  	s31 =	sshll.u32 s1, $0xD;
	s1 =	sshrl.u32 s1, $0x2  }
0xbb: {  	s3 =	sand.u32 $0x4000, s31;
	s1 =	sadd.s32 s1, s30  }
0xbc: {  	s0 =	sor.u32 s3, s0;
	s1 =	sshll.u32 s1, $0x11  }
0xbd: {  	s0 =	sor.u32 s1, s0  }
0xbe: {  	s0 =	sadd.s32 $0x8F2B, s0  }
0xbf: {  	[sflag:s0] =	ssyncadd.remote.s32 $0x1  }
0xc0: {  	_ =	sfence.sel $0xFFFF  }
0xc1: {  	[dreg:$0x0] =	wrdreg $0xFFFFFFFF;
	(pc) =	sbr.abs _section_cstart, $3  }
0xc2: {  	[dreg:$0x1] =	wrdreg $0xFFFFFFFF  }
0xc3: {  	_ =	task.clear_ibuf [dreg:s8], $0x2FFFF;
	_ =	strace $0x9FFFFFFF  }
0xc4: {  	(tm) =	ssettm $0x7FFFFFFF  }
0xc5: {  	_ =	shalt  }
tec
execute0_lowered:
.L_overlay_start_1:
0x0: {  	(tag) =	ssettag $0x1  }
0x1: {  	s2 =	rddreg [dreg:$0x0]  }
0x2: {  	s0 =	srdreg.scid;
	s3 =	rddreg [dreg:$0x1]  }
0x3: {  	s6 =	stileid.u32;
	s5 =	rddreg [dreg:$0x2];
	s1 =	simm.s32 $0x0  }
0x4: {  	s0 =	sand.u32 $0x1, s0;
	s4 =	sshll.u32 s6, $0x1;
	[smem:$0x7FF] =	sst s1  }
0x5: {  	s6 =	sshll.u32 s6, $0xC;
	s4 =	sor.u32 s0, s4;
	s0 =	ssub.s32 $0x2, s0  }
0x6: {  	s7 =	sshll.u32 s4, $0x4;
	s4 =	sshll.u32 s4, $0xF;
	s11 =	sshrl.u32 s0, $0x1  }
0x7: {  	s6 =	sor.u32 s6, s7;
	s8 =	sor.u32 $0x800, s4;
	s14 =	sor.u32 $0x1000, s4  }
0x8: {  	s15 =	sor.u32 $0x1800, s4;
	s19 =	sor.u32 $0x2000, s4;
	s12 =	sadd.s32 s2, s8  }
0x9: {  	s20 =	sor.u32 $0x2800, s4;
	s13 =	sadd.s32 s3, s8;
	[dreg:$0x4] =	wrdreg s12  }
0xa: {  	s24 =	sor.u32 $0x3000, s4;
	s16 =	sadd.s32 s2, s14;
	[dreg:$0x5] =	wrdreg s13  }
0xb: {  	s25 =	sor.u32 $0x3800, s4;
	s17 =	sadd.s32 s2, s15;
	[dreg:$0x6] =	wrdreg s16  }
0xc: {  	s10 =	sor.u32 $0x4000, s4;
	s18 =	sadd.s32 s3, s15;
	[dreg:$0x8] =	wrdreg s17  }
0xd: {  	s29 =	sadd.s32 s2, s4;
	s21 =	sadd.s32 s2, s19;
	[dreg:$0x9] =	wrdreg s18  }
0xe: {  	s31 =	sadd.s32 s3, s4;
	s22 =	sadd.s32 s2, s20;
	[dreg:$0xa] =	wrdreg s21  }
0xf: {  	s7 =	simm.s32 $0x8000;
	s23 =	sadd.s32 s3, s20;
	[dreg:$0xc] =	wrdreg s22  }
0x10: {  	s6 =	sand.u32 $0xC070, s6;
	s26 =	sadd.s32 s2, s24;
	[dreg:$0xd] =	wrdreg s23  }
0x11: {  	s8 =	sadd.s32 s2, s25;
	s9 =	sadd.s32 s3, s25;
	[dreg:$0xe] =	wrdreg s26  }
0x12: {  	s15 =	sor.u32 $0x5000, s4;
	s5 =	sadd.s32 s6, s5;
	[dreg:$0x10] =	wrdreg s8  }
0x13: {  	s6 =	ssub.s32 s0, s11;
	s0 =	sadd.s32 s3, s14;
	[dreg:$0x11] =	wrdreg s9  }
0x14: {  	s11 =	sor.u32 $0x4800, s4;
	s12 =	sadd.s32 s2, s10;
	s16 =	sor.u32 $0x5800, s4  }
0x15: {  	s20 =	sadd.s32 s2, s15;
	s21 =	sadd.s32 s3, s15;
	s17 =	sor.u32 $0x6000, s4  }
0x16: {  	s18 =	sor.u32 $0x6800, s4;
	s8 =	simm.s32 $0x10000;
	s9 =	simm.s32 $0xC000  }
0x17: {  	s15 =	simm.s32 $0x4;
	[dreg:$0x7] =	wrdreg s0;
	s0 =	sadd.s32 s3, s19  }
0x18: {  	[dreg:$0x12] =	wrdreg s12;
	s13 =	sadd.s32 s2, s11;
	s14 =	sadd.s32 s3, s11  }
0x19: {  	s22 =	sadd.s32 s2, s16;
	s23 =	sadd.s32 s3, s16;
	s25 =	sadd.s32 s3, s17  }
0x1a: {  	s26 =	sadd.s32 s2, s18;
	s28 =	sadd.s32 s3, s18;
	s19 =	sor.u32 $0x7000, s4  }
0x1b: {  	s4 =	sor.u32 $0x7800, s4;
	s6 =	smax.u32 s6, $0x1;
	[dreg:$0xb] =	wrdreg s0  }
0x1c: {  	s11 =	simm.s32 $0x1;
	s12 =	simm.s32 $0x3;
	[dreg:$0x14] =	wrdreg s13  }
0x1d: {  	s16 =	simm.s32 $0x5;
	s0 =	sadd.s32 s3, s24;
	[dreg:$0x15] =	wrdreg s14  }
0x1e: {  	s24 =	sadd.s32 s2, s17;
	s30 =	sadd.s32 s2, s19;
	s2 =	sadd.s32 s2, s4  }
0x1f: {  	s13 =	simm.s32 $0x4000;
	s14 =	simm.s32 $0x2;
	s17 =	simm.s32 $0x0  }
0x20: {  	[dreg:$0xf] =	wrdreg s0;
	s0 =	sadd.s32 s3, s10;
	s10 =	simm.s32 $0x14000  }
0x21: {  	[dreg:$0x13] =	wrdreg s0;
	s0 =	sadd.s32 s3, s19;
	s3 =	sadd.s32 s3, s4  }
0x22: {  	v0 =	vimm.s32 $0x0;
	v1 =	vimm.f32 $0.0e+00;
	v2 =	vimm.s32 $0x1;
	s4 =	sadd.s32 $0xC00, s5;
	s5 =	sadd.s32 $0x10C00, s5;
	_ =	strace $0x80000047  }
.LBB2_1:
0x23: {  	s18 =	simm.s32 $0x0;
	s19 =	simm.s32 $0x200  }
.LBB2_2:
0x24: {  	p0 =	sne.s32 s19, $0xFE00;
	[tilespmem:s18+$0x4070] =	vst v1  }
0x25: {  	[tilespmem:s18+$0x0] =	vst v0  }
0x26: {  	[tilespmem:s18+$0x4000] =	vst v1  }
0x27: {  	[tilespmem:s18+$0x10] =	vst v0  }
0x28: {  	[tilespmem:s18+$0x4010] =	vst v1  }
0x29: {  	[tilespmem:s18+$0x20] =	vst v0  }
0x2a: {  	[tilespmem:s18+$0x4020] =	vst v1  }
0x2b: {  	[tilespmem:s18+$0x30] =	vst v0  }
0x2c: {  	[tilespmem:s18+$0x4030] =	vst v1  }
0x2d: {  	[tilespmem:s18+$0x40] =	vst v0  }
0x2e: {  	[tilespmem:s18+$0x4040] =	vst v1  }
.Ltmp0:
0x2f: {  	[tilespmem:s18+$0x50] =	vst v0;
	(pc) =	sbr.rel @p0 .LBB2_2-.Ltmp0, $4  }
0x30: {  	[tilespmem:s18+$0x4050] =	vst v1  }
0x31: {  	[tilespmem:s18+$0x60] =	vst v0  }
0x32: {  	[tilespmem:s18+$0x4060] =	vst v1  }
0x33: {  	[tilespmem:s18+$0x70] =	vst v0;
	s18 =	sshra.s32 s19, $0x2;
	s19 =	sadd.s32 $0x200, s19  }
0x34: {  	[tilespmem:s18+$0x4070] =	vst v1  }
0x35: {  	[tilespmem:s18+$0x0] =	vst v0  }
0x36: {  	[tilespmem:s18+$0x4000] =	vst v1  }
0x37: {  	[tilespmem:s18+$0x10] =	vst v0  }
0x38: {  	[tilespmem:s18+$0x4010] =	vst v1  }
0x39: {  	[tilespmem:s18+$0x20] =	vst v0  }
0x3a: {  	[tilespmem:s18+$0x4020] =	vst v1  }
0x3b: {  	[tilespmem:s18+$0x30] =	vst v0  }
0x3c: {  	[tilespmem:s18+$0x4030] =	vst v1  }
0x3d: {  	[tilespmem:s18+$0x40] =	vst v0  }
0x3e: {  	[tilespmem:s18+$0x4040] =	vst v1  }
0x3f: {  	[tilespmem:s18+$0x50] =	vst v0  }
0x40: {  	[tilespmem:s18+$0x4050] =	vst v1  }
0x41: {  	[tilespmem:s18+$0x60] =	vst v0  }
0x42: {  	[tilespmem:s18+$0x4060] =	vst v1  }
0x43: {  	[tilespmem:s18+$0x70] =	vst v0;
	s18 =	simm.s32 $0x0  }
0x44: {  	[tilespmem:s7], [sflag:$0x1] =	stream.linear.gather [hbm4b:s29+s18], $0x4000, $0x38;
	[tilespmem:$0x18000] =	vst v63  }
0x45: {  	_ = 	snop  }
0x46: {  	[tilespmem:s8], [sflag:$0x3] =	stream.linear.gather [hbm4b:s31+s18], $0x4000, $0x38;
	[tilespmem:$0x18000] =	vst v63  }
0x47: {  	s19 =	rddreg [dreg:$0x4]  }
0x48: {  	[tilespmem:s9], [sflag:$0x2] =	stream.linear.gather [hbm4b:s19+s18], $0x4000, $0x38;
	[tilespmem:$0x18000] =	vst v63  }
0x49: {  	s19 =	rddreg [dreg:$0x5]  }
0x4a: {  	[tilespmem:s10], [sflag:$0x4] =	stream.linear.gather [hbm4b:s19+s18], $0x4000, $0x38;
	[tilespmem:$0x18000] =	vst v63  }
0x4b: {  	_ =	swait.ge [sflag:s11], $0x4000  }
0x4c: {  	[sflag:s11] =	ssyncset.done $0x0  }
0x4d: {  	[sflag:s11] =	ssyncadd.s32 $0xFFFFC000  }
0x4e: {  	_ =	swait.ge [sflag:s12], $0x4000  }
0x4f: {  	[sflag:s12] =	ssyncset.done $0x0  }
0x50: {  	s19 =	simm.s32 $0x0;
	[sflag:s12] =	ssyncadd.s32 $0xFFFFC000  }
0x51: {  	v4 =	vld [tilespmem:s19+$0x8020]  }
0x52: {  	v5 =	vld [tilespmem:s19+$0x8030]  }
0x53: {  	v6 =	vld [tilespmem:s19+$0x8010]  }
0x54: {  	v7 =	vld [tilespmem:s19+$0x8000]  }
0x55: {  	v8 =	vld [tilespmem:s19+$0x8040]  }
0x56: {  	v9 =	vld [tilespmem:s19+$0x8050]  }
0x57: {  	v10 =	vld [tilespmem:s19+$0x8060]  }
0x58: {  	v16 =	vld [tilespmem:s19+$0x8070];
	_ =	sdelay $0x1  }
0x59: {  	v3 =	vshra.s32 v4, $0x1F;
	v12 =	vshra.s32 v5, $0x1F  }
0x5a: {  	v11 =	vld [tilespmem:s19+$0x10060];
	v13 =	vshra.s32 v6, $0x1F;
	v15 =	vshra.s32 v7, $0x1F;
	v18 =	vshra.s32 v8, $0x1F  }
0x5b: {  	v14 =	vld [tilespmem:s19+$0x10050];
	v20 =	vshra.s32 v9, $0x1F;
	v63 =	vshra.s32 v10, $0x1F;
	v15 =	vor.u32 $0x80000000, v15  }
0x5c: {  	v17 =	vld [tilespmem:s19+$0x10040];
	v25 =	vshra.s32 v16, $0x1F;
	v13 =	vor.u32 $0x80000000, v13;
	v15 =	vxor.u32 v7, v15  }
0x5d: {  	v19 =	vld [tilespmem:s19+$0x10030];
	v3 =	vor.u32 $0x80000000, v3;
	v13 =	vxor.u32 v6, v13;
	v15 =	vshrl.u32 v15, $0x12  }
0x5e: {  	v21 =	vld [tilespmem:s19+$0x10020];
	v12 =	vor.u32 $0x80000000, v12;
	v3 =	vxor.u32 v4, v3;
	v13 =	vshrl.u32 v13, $0x12  }
0x5f: {  	v22 =	vld [tilespmem:s19+$0x10010];
	v18 =	vor.u32 $0x80000000, v18;
	v12 =	vxor.u32 v5, v12;
	v23 =	vshrl.u32 v3, $0x12  }
0x60: {  	v24 =	vld [tilespmem:s19+$0x10000];
	v20 =	vor.u32 $0x80000000, v20;
	v18 =	vxor.u32 v8, v18;
	v12 =	vshrl.u32 v12, $0x12  }
0x61: {  	v26 =	vld [tilespmem:s19+$0x10070];
	v3 =	vxor.u32 v9, v20;
	v20 =	vor.u32 $0x80000000, v63;
	v18 =	vshrl.u32 v18, $0x12  }
0x62: {  	v25 =	vor.u32 $0x80000000, v25;
	v20 =	vxor.u32 v10, v20;
	v27 =	vshrl.u32 v3, $0x12;
	[tilespmem:v15+s1+$0x0] =	vst.idx.add.s32.msk $0xffff, v2  }
0x63: {  	v3 =	vxor.u32 v16, v25;
	v20 =	vshrl.u32 v20, $0x12;
	[tilespmem:v13+s1+$0x0] =	vst.idx.add.s32.msk $0xffff, v2  }
0x64: {  	v3 =	vshrl.u32 v3, $0x12;
	[tilespmem:v23+s1+$0x0] =	vst.idx.add.s32.msk $0xffff, v2  }
0x65: {  	[tilespmem:v12+s1+$0x0] =	vst.idx.add.s32.msk $0xffff, v2  }
0x66: {  	v7 =	vsub.f32 v24, v7;
	[tilespmem:v18+s1+$0x0] =	vst.idx.add.s32.msk $0xffff, v2  }
0x67: {  	v6 =	vsub.f32 v22, v6;
	[tilespmem:v27+s1+$0x0] =	vst.idx.add.s32.msk $0xffff, v2  }
0x68: {  	v4 =	vsub.f32 v21, v4;
	v7 =	vmul.f32 v7, v7;
	[tilespmem:v20+s1+$0x0] =	vst.idx.add.s32.msk $0xffff, v2  }
0x69: {  	v5 =	vsub.f32 v19, v5;
	v6 =	vmul.f32 v6, v6;
	[tilespmem:v3+s1+$0x0] =	vst.idx.add.s32.msk $0xffff, v2  }
0x6a: {  	v8 =	vsub.f32 v17, v8;
	v4 =	vmul.f32 v4, v4;
	[tilespmem:v15+s13+$0x0] =	vst.idx.add.f32.msk $0xffff, v7  }
0x6b: {  	v5 =	vmul.f32 v5, v5;
	v7 =	vsub.f32 v14, v9;
	[tilespmem:v13+s13+$0x0] =	vst.idx.add.f32.msk $0xffff, v6  }
0x6c: {  	v8 =	vmul.f32 v8, v8;
	v6 =	vsub.f32 v11, v10;
	[tilespmem:v23+s13+$0x0] =	vst.idx.add.f32.msk $0xffff, v4  }
0x6d: {  	v4 =	vmul.f32 v7, v7;
	[tilespmem:v12+s13+$0x0] =	vst.idx.add.f32.msk $0xffff, v5;
	v5 =	vsub.f32 v26, v16  }
0x6e: {  	v6 =	vmul.f32 v6, v6;
	[tilespmem:v18+s13+$0x0] =	vst.idx.add.f32.msk $0xffff, v8  }
0x6f: {  	[tilespmem:v27+s13+$0x0] =	vst.idx.add.f32.msk $0xffff, v4;
	v4 =	vmul.f32 v5, v5  }
0x70: {  	s18 =	simm.s32 $0x200;
	[tilespmem:v20+s13+$0x0] =	vst.idx.add.f32.msk $0xffff, v6  }
.LBB2_4:
0x71: {  	s19 =	sshra.s32 s18, $0x2;
	p0 =	sne.s32 s18, $0xFE00;
	s18 =	sadd.s32 $0x200, s18;
	[tilespmem:v3+s13+$0x0] =	vst.idx.add.f32.msk $0xffff, v4  }
0x72: {  	v3 =	vld [tilespmem:s19+$0x8020]  }
0x73: {  	v4 =	vld [tilespmem:s19+$0x8030]  }
0x74: {  	v5 =	vld [tilespmem:s19+$0x8010]  }
0x75: {  	v6 =	vld [tilespmem:s19+$0x8000]  }
0x76: {  	v7 =	vld [tilespmem:s19+$0x8040]  }
0x77: {  	v8 =	vld [tilespmem:s19+$0x8050];
	v9 =	vshra.s32 v3, $0x1F  }
0x78: {  	v10 =	vld [tilespmem:s19+$0x8060];
	v9 =	vor.u32 $0x80000000, v9;
	v11 =	vshra.s32 v4, $0x1F  }
0x79: {  	v12 =	vld [tilespmem:s19+$0x10060];
	v13 =	vshra.s32 v5, $0x1F;
	v9 =	vxor.u32 v3, v9;
	v11 =	vor.u32 $0x80000000, v11  }
0x7a: {  	v14 =	vld [tilespmem:s19+$0x10050];
	v15 =	vshra.s32 v6, $0x1F;
	v13 =	vor.u32 $0x80000000, v13;
	v11 =	vxor.u32 v4, v11  }
0x7b: {  	v16 =	vld [tilespmem:s19+$0x8070];
	v15 =	vor.u32 $0x80000000, v15;
	v13 =	vxor.u32 v5, v13;
	v17 =	vshra.s32 v7, $0x1F  }
0x7c: {  	v18 =	vld [tilespmem:s19+$0x10040];
	v15 =	vxor.u32 v6, v15;
	v17 =	vor.u32 $0x80000000, v17;
	v19 =	vshra.s32 v8, $0x1F  }
0x7d: {  	v20 =	vld [tilespmem:s19+$0x10030];
	v15 =	vshrl.u32 v15, $0x12;
	v17 =	vxor.u32 v7, v17;
	v19 =	vor.u32 $0x80000000, v19  }
0x7e: {  	v13 =	vshrl.u32 v13, $0x12;
	v22 =	vshra.s32 v10, $0x1F;
	v21 =	vld [tilespmem:s19+$0x10020];
	v19 =	vxor.u32 v8, v19  }
0x7f: {  	v9 =	vshrl.u32 v9, $0x12;
	v23 =	vld [tilespmem:s19+$0x10010];
	v8 =	vsub.f32 v14, v8;
	v14 =	vor.u32 $0x80000000, v22  }
0x80: {  	v11 =	vshrl.u32 v11, $0x12;
	v22 =	vld [tilespmem:s19+$0x10000];
	v14 =	vxor.u32 v10, v14;
	v24 =	vshra.s32 v16, $0x1F  }
0x81: {  	v17 =	vshrl.u32 v17, $0x12;
	v25 =	vld [tilespmem:s19+$0x10070];
	v7 =	vsub.f32 v18, v7;
	v18 =	vor.u32 $0x80000000, v24  }
0x82: {  	v19 =	vshrl.u32 v19, $0x12;
	v4 =	vsub.f32 v20, v4;
	v18 =	vxor.u32 v16, v18;
	[tilespmem:v15+s1+$0x0] =	vst.idx.add.s32.msk $0xffff, v2  }
0x83: {  	v10 =	vsub.f32 v12, v10;
	v12 =	vshrl.u32 v14, $0x12;
	v20 =	vsub.f32 v21, v3;
	[tilespmem:v13+s1+$0x0] =	vst.idx.add.s32.msk $0xffff, v2  }
0x84: {  	v3 =	vshrl.u32 v18, $0x12;
	v5 =	vsub.f32 v23, v5;
	[tilespmem:v9+s1+$0x0] =	vst.idx.add.s32.msk $0xffff, v2  }
0x85: {  	v6 =	vsub.f32 v22, v6;
	[tilespmem:v11+s1+$0x0] =	vst.idx.add.s32.msk $0xffff, v2  }
0x86: {  	v14 =	vsub.f32 v25, v16;
	[tilespmem:v17+s1+$0x0] =	vst.idx.add.s32.msk $0xffff, v2  }
0x87: {  	[tilespmem:v19+s1+$0x0] =	vst.idx.add.s32.msk $0xffff, v2  }
0x88: {  	v6 =	vmul.f32 v6, v6;
	[tilespmem:v12+s1+$0x0] =	vst.idx.add.s32.msk $0xffff, v2  }
0x89: {  	v5 =	vmul.f32 v5, v5;
	[tilespmem:v3+s1+$0x0] =	vst.idx.add.s32.msk $0xffff, v2  }
0x8a: {  	v16 =	vmul.f32 v20, v20;
	[tilespmem:v15+s13+$0x0] =	vst.idx.add.f32.msk $0xffff, v6  }
0x8b: {  	v4 =	vmul.f32 v4, v4;
	[tilespmem:v13+s13+$0x0] =	vst.idx.add.f32.msk $0xffff, v5  }
.Ltmp1:
0x8c: {  	v5 =	vmul.f32 v7, v7;
	[tilespmem:v9+s13+$0x0] =	vst.idx.add.f32.msk $0xffff, v16;
	(pc) =	sbr.rel @p0 .LBB2_4-.Ltmp1, $4  }
0x8d: {  	v6 =	vmul.f32 v8, v8;
	[tilespmem:v11+s13+$0x0] =	vst.idx.add.f32.msk $0xffff, v4  }
0x8e: {  	v7 =	vmul.f32 v10, v10;
	[tilespmem:v17+s13+$0x0] =	vst.idx.add.f32.msk $0xffff, v5  }
0x8f: {  	v4 =	vmul.f32 v14, v14;
	[tilespmem:v19+s13+$0x0] =	vst.idx.add.f32.msk $0xffff, v6  }
0x90: {  	[tilespmem:v12+s13+$0x0] =	vst.idx.add.f32.msk $0xffff, v7  }
0x91: {  	_ =	sdelay $0x3  }
0x92: {  	[tilespmem:v3+s13+$0x0] =	vst.idx.add.f32.msk $0xffff, v4;
	s18 =	simm.s32 $0x0;
	s19 =	rddreg [dreg:$0x6]  }
0x93: {  	[tilespmem:s7], [sflag:$0x1] =	stream.linear.gather [hbm4b:s19+s18], $0x4000, $0x38;
	[tilespmem:$0x18000] =	vst v63  }
0x94: {  	s19 =	rddreg [dreg:$0x7]  }
0x95: {  	[tilespmem:s8], [sflag:$0x3] =	stream.linear.gather [hbm4b:s19+s18], $0x4000, $0x38;
	[tilespmem:$0x18000] =	vst v63  }
0x96: {  	_ =	swait.ge [sflag:s14], $0x4000  }
0x97: {  	[sflag:s14] =	ssyncset.done $0x0  }
0x98: {  	[sflag:s14] =	ssyncadd.s32 $0xFFFFC000  }
0x99: {  	_ =	swait.ge [sflag:s15], $0x4000  }
0x9a: {  	[sflag:s15] =	ssyncset.done $0x0  }
0x9b: {  	s19 =	simm.s32 $0x0;
	[sflag:s15] =	ssyncadd.s32 $0xFFFFC000  }
0x9c: {  	v4 =	vld [tilespmem:s19+$0xC020]  }
0x9d: {  	v5 =	vld [tilespmem:s19+$0xC030]  }
0x9e: {  	v6 =	vld [tilespmem:s19+$0xC010]  }
0x9f: {  	v7 =	vld [tilespmem:s19+$0xC000]  }
0xa0: {  	v8 =	vld [tilespmem:s19+$0xC040]  }
0xa1: {  	v9 =	vld [tilespmem:s19+$0xC050]  }
0xa2: {  	v10 =	vld [tilespmem:s19+$0xC060]  }
0xa3: {  	v16 =	vld [tilespmem:s19+$0xC070];
	_ =	sdelay $0x1  }
0xa4: {  	v3 =	vshra.s32 v4, $0x1F;
	v12 =	vshra.s32 v5, $0x1F  }
0xa5: {  	v11 =	vld [tilespmem:s19+$0x14060];
	v13 =	vshra.s32 v6, $0x1F;
	v15 =	vshra.s32 v7, $0x1F;
	v18 =	vshra.s32 v8, $0x1F  }
0xa6: {  	v14 =	vld [tilespmem:s19+$0x14050];
	v20 =	vshra.s32 v9, $0x1F;
	v63 =	vshra.s32 v10, $0x1F;
	v15 =	vor.u32 $0x80000000, v15  }
0xa7: {  	v17 =	vld [tilespmem:s19+$0x14040];
	v25 =	vshra.s32 v16, $0x1F;
	v13 =	vor.u32 $0x80000000, v13;
	v15 =	vxor.u32 v7, v15  }
0xa8: {  	v19 =	vld [tilespmem:s19+$0x14030];
	v3 =	vor.u32 $0x80000000, v3;
	v13 =	vxor.u32 v6, v13;
	v15 =	vshrl.u32 v15, $0x12  }
0xa9: {  	v21 =	vld [tilespmem:s19+$0x14020];
	v12 =	vor.u32 $0x80000000, v12;
	v3 =	vxor.u32 v4, v3;
	v13 =	vshrl.u32 v13, $0x12  }
0xaa: {  	v22 =	vld [tilespmem:s19+$0x14010];
	v18 =	vor.u32 $0x80000000, v18;
	v12 =	vxor.u32 v5, v12;
	v23 =	vshrl.u32 v3, $0x12  }
0xab: {  	v24 =	vld [tilespmem:s19+$0x14000];
	v20 =	vor.u32 $0x80000000, v20;
	v18 =	vxor.u32 v8, v18;
	v12 =	vshrl.u32 v12, $0x12  }
0xac: {  	v26 =	vld [tilespmem:s19+$0x14070];
	v3 =	vxor.u32 v9, v20;
	v20 =	vor.u32 $0x80000000, v63;
	v18 =	vshrl.u32 v18, $0x12  }
0xad: {  	v25 =	vor.u32 $0x80000000, v25;
	v20 =	vxor.u32 v10, v20;
	v27 =	vshrl.u32 v3, $0x12;
	[tilespmem:v15+s1+$0x0] =	vst.idx.add.s32.msk $0xffff, v2  }
0xae: {  	v3 =	vxor.u32 v16, v25;
	v20 =	vshrl.u32 v20, $0x12;
	[tilespmem:v13+s1+$0x0] =	vst.idx.add.s32.msk $0xffff, v2  }
0xaf: {  	v3 =	vshrl.u32 v3, $0x12;
	[tilespmem:v23+s1+$0x0] =	vst.idx.add.s32.msk $0xffff, v2  }
0xb0: {  	[tilespmem:v12+s1+$0x0] =	vst.idx.add.s32.msk $0xffff, v2  }
0xb1: {  	v7 =	vsub.f32 v24, v7;
	[tilespmem:v18+s1+$0x0] =	vst.idx.add.s32.msk $0xffff, v2  }
0xb2: {  	v6 =	vsub.f32 v22, v6;
	[tilespmem:v27+s1+$0x0] =	vst.idx.add.s32.msk $0xffff, v2  }
0xb3: {  	v4 =	vsub.f32 v21, v4;
	v7 =	vmul.f32 v7, v7;
	[tilespmem:v20+s1+$0x0] =	vst.idx.add.s32.msk $0xffff, v2  }
0xb4: {  	v5 =	vsub.f32 v19, v5;
	v6 =	vmul.f32 v6, v6;
	[tilespmem:v3+s1+$0x0] =	vst.idx.add.s32.msk $0xffff, v2  }
0xb5: {  	v8 =	vsub.f32 v17, v8;
	v4 =	vmul.f32 v4, v4;
	[tilespmem:v15+s13+$0x0] =	vst.idx.add.f32.msk $0xffff, v7  }
0xb6: {  	v5 =	vmul.f32 v5, v5;
	v7 =	vsub.f32 v14, v9;
	[tilespmem:v13+s13+$0x0] =	vst.idx.add.f32.msk $0xffff, v6  }
0xb7: {  	v8 =	vmul.f32 v8, v8;
	v6 =	vsub.f32 v11, v10;
	[tilespmem:v23+s13+$0x0] =	vst.idx.add.f32.msk $0xffff, v4  }
0xb8: {  	v4 =	vmul.f32 v7, v7;
	[tilespmem:v12+s13+$0x0] =	vst.idx.add.f32.msk $0xffff, v5;
	v5 =	vsub.f32 v26, v16  }
0xb9: {  	v6 =	vmul.f32 v6, v6;
	[tilespmem:v18+s13+$0x0] =	vst.idx.add.f32.msk $0xffff, v8  }
0xba: {  	[tilespmem:v27+s13+$0x0] =	vst.idx.add.f32.msk $0xffff, v4;
	v4 =	vmul.f32 v5, v5  }
0xbb: {  	s18 =	simm.s32 $0x200;
	[tilespmem:v20+s13+$0x0] =	vst.idx.add.f32.msk $0xffff, v6  }
.LBB2_6:
0xbc: {  	s19 =	sshra.s32 s18, $0x2;
	p0 =	sne.s32 s18, $0xFE00;
	s18 =	sadd.s32 $0x200, s18;
	[tilespmem:v3+s13+$0x0] =	vst.idx.add.f32.msk $0xffff, v4  }
0xbd: {  	v3 =	vld [tilespmem:s19+$0xC020]  }
0xbe: {  	v4 =	vld [tilespmem:s19+$0xC030]  }
0xbf: {  	v5 =	vld [tilespmem:s19+$0xC010]  }
0xc0: {  	v6 =	vld [tilespmem:s19+$0xC000]  }
0xc1: {  	v7 =	vld [tilespmem:s19+$0xC040]  }
0xc2: {  	v8 =	vld [tilespmem:s19+$0xC050];
	v9 =	vshra.s32 v3, $0x1F  }
0xc3: {  	v10 =	vld [tilespmem:s19+$0xC060];
	v9 =	vor.u32 $0x80000000, v9;
	v11 =	vshra.s32 v4, $0x1F  }
0xc4: {  	v12 =	vld [tilespmem:s19+$0x14060];
	v13 =	vshra.s32 v5, $0x1F;
	v9 =	vxor.u32 v3, v9;
	v11 =	vor.u32 $0x80000000, v11  }
0xc5: {  	v14 =	vld [tilespmem:s19+$0x14050];
	v15 =	vshra.s32 v6, $0x1F;
	v13 =	vor.u32 $0x80000000, v13;
	v11 =	vxor.u32 v4, v11  }
0xc6: {  	v16 =	vld [tilespmem:s19+$0xC070];
	v15 =	vor.u32 $0x80000000, v15;
	v13 =	vxor.u32 v5, v13;
	v17 =	vshra.s32 v7, $0x1F  }
0xc7: {  	v18 =	vld [tilespmem:s19+$0x14040];
	v15 =	vxor.u32 v6, v15;
	v17 =	vor.u32 $0x80000000, v17;
	v19 =	vshra.s32 v8, $0x1F  }
0xc8: {  	v20 =	vld [tilespmem:s19+$0x14030];
	v15 =	vshrl.u32 v15, $0x12;
	v17 =	vxor.u32 v7, v17;
	v19 =	vor.u32 $0x80000000, v19  }
0xc9: {  	v13 =	vshrl.u32 v13, $0x12;
	v22 =	vshra.s32 v10, $0x1F;
	v21 =	vld [tilespmem:s19+$0x14020];
	v19 =	vxor.u32 v8, v19  }
0xca: {  	v9 =	vshrl.u32 v9, $0x12;
	v23 =	vld [tilespmem:s19+$0x14010];
	v8 =	vsub.f32 v14, v8;
	v14 =	vor.u32 $0x80000000, v22  }
0xcb: {  	v11 =	vshrl.u32 v11, $0x12;
	v22 =	vld [tilespmem:s19+$0x14000];
	v14 =	vxor.u32 v10, v14;
	v24 =	vshra.s32 v16, $0x1F  }
0xcc: {  	v17 =	vshrl.u32 v17, $0x12;
	v25 =	vld [tilespmem:s19+$0x14070];
	v7 =	vsub.f32 v18, v7;
	v18 =	vor.u32 $0x80000000, v24  }
0xcd: {  	v19 =	vshrl.u32 v19, $0x12;
	v4 =	vsub.f32 v20, v4;
	v18 =	vxor.u32 v16, v18;
	[tilespmem:v15+s1+$0x0] =	vst.idx.add.s32.msk $0xffff, v2  }
0xce: {  	v10 =	vsub.f32 v12, v10;
	v12 =	vshrl.u32 v14, $0x12;
	v20 =	vsub.f32 v21, v3;
	[tilespmem:v13+s1+$0x0] =	vst.idx.add.s32.msk $0xffff, v2  }
0xcf: {  	v3 =	vshrl.u32 v18, $0x12;
	v5 =	vsub.f32 v23, v5;
	[tilespmem:v9+s1+$0x0] =	vst.idx.add.s32.msk $0xffff, v2  }
0xd0: {  	v6 =	vsub.f32 v22, v6;
	[tilespmem:v11+s1+$0x0] =	vst.idx.add.s32.msk $0xffff, v2  }
0xd1: {  	v14 =	vsub.f32 v25, v16;
	[tilespmem:v17+s1+$0x0] =	vst.idx.add.s32.msk $0xffff, v2  }
0xd2: {  	[tilespmem:v19+s1+$0x0] =	vst.idx.add.s32.msk $0xffff, v2  }
0xd3: {  	v6 =	vmul.f32 v6, v6;
	[tilespmem:v12+s1+$0x0] =	vst.idx.add.s32.msk $0xffff, v2  }
0xd4: {  	v5 =	vmul.f32 v5, v5;
	[tilespmem:v3+s1+$0x0] =	vst.idx.add.s32.msk $0xffff, v2  }
0xd5: {  	v16 =	vmul.f32 v20, v20;
	[tilespmem:v15+s13+$0x0] =	vst.idx.add.f32.msk $0xffff, v6  }
0xd6: {  	v4 =	vmul.f32 v4, v4;
	[tilespmem:v13+s13+$0x0] =	vst.idx.add.f32.msk $0xffff, v5  }
.Ltmp2:
0xd7: {  	v5 =	vmul.f32 v7, v7;
	[tilespmem:v9+s13+$0x0] =	vst.idx.add.f32.msk $0xffff, v16;
	(pc) =	sbr.rel @p0 .LBB2_6-.Ltmp2, $4  }
0xd8: {  	v6 =	vmul.f32 v8, v8;
	[tilespmem:v11+s13+$0x0] =	vst.idx.add.f32.msk $0xffff, v4  }
0xd9: {  	v7 =	vmul.f32 v10, v10;
	[tilespmem:v17+s13+$0x0] =	vst.idx.add.f32.msk $0xffff, v5  }
0xda: {  	v4 =	vmul.f32 v14, v14;
	[tilespmem:v19+s13+$0x0] =	vst.idx.add.f32.msk $0xffff, v6  }
0xdb: {  	[tilespmem:v12+s13+$0x0] =	vst.idx.add.f32.msk $0xffff, v7  }
0xdc: {  	_ =	sdelay $0x3  }
0xdd: {  	[tilespmem:v3+s13+$0x0] =	vst.idx.add.f32.msk $0xffff, v4;
	s18 =	simm.s32 $0x0;
	s19 =	rddreg [dreg:$0x8]  }
0xde: {  	[tilespmem:s9], [sflag:$0x2] =	stream.linear.gather [hbm4b:s19+s18], $0x4000, $0x38;
	[tilespmem:$0x18000] =	vst v63  }
0xdf: {  	s19 =	rddreg [dreg:$0x9]  }
0xe0: {  	[tilespmem:s10], [sflag:$0x4] =	stream.linear.gather [hbm4b:s19+s18], $0x4000, $0x38;
	[tilespmem:$0x18000] =	vst v63  }
0xe1: {  	_ =	swait.ge [sflag:s11], $0x4000  }
0xe2: {  	[sflag:s11] =	ssyncset.done $0x0  }
0xe3: {  	[sflag:s11] =	ssyncadd.s32 $0xFFFFC000  }
0xe4: {  	_ =	swait.ge [sflag:s12], $0x4000  }
0xe5: {  	[sflag:s12] =	ssyncset.done $0x0  }
0xe6: {  	s19 =	simm.s32 $0x0;
	[sflag:s12] =	ssyncadd.s32 $0xFFFFC000  }
0xe7: {  	v4 =	vld [tilespmem:s19+$0x8020]  }
0xe8: {  	v5 =	vld [tilespmem:s19+$0x8030]  }
0xe9: {  	v6 =	vld [tilespmem:s19+$0x8010]  }
0xea: {  	v7 =	vld [tilespmem:s19+$0x8000]  }
0xeb: {  	v8 =	vld [tilespmem:s19+$0x8040]  }
0xec: {  	v9 =	vld [tilespmem:s19+$0x8050]  }
0xed: {  	v10 =	vld [tilespmem:s19+$0x8060]  }
0xee: {  	v16 =	vld [tilespmem:s19+$0x8070];
	_ =	sdelay $0x1  }
0xef: {  	v3 =	vshra.s32 v4, $0x1F;
	v12 =	vshra.s32 v5, $0x1F  }
0xf0: {  	v11 =	vld [tilespmem:s19+$0x10060];
	v13 =	vshra.s32 v6, $0x1F;
	v15 =	vshra.s32 v7, $0x1F;
	v18 =	vshra.s32 v8, $0x1F  }
0xf1: {  	v14 =	vld [tilespmem:s19+$0x10050];
	v20 =	vshra.s32 v9, $0x1F;
	v63 =	vshra.s32 v10, $0x1F;
	v15 =	vor.u32 $0x80000000, v15  }
0xf2: {  	v17 =	vld [tilespmem:s19+$0x10040];
	v25 =	vshra.s32 v16, $0x1F;
	v13 =	vor.u32 $0x80000000, v13;
	v15 =	vxor.u32 v7, v15  }
0xf3: {  	v19 =	vld [tilespmem:s19+$0x10030];
	v3 =	vor.u32 $0x80000000, v3;
	v13 =	vxor.u32 v6, v13;
	v15 =	vshrl.u32 v15, $0x12  }
0xf4: {  	v21 =	vld [tilespmem:s19+$0x10020];
	v12 =	vor.u32 $0x80000000, v12;
	v3 =	vxor.u32 v4, v3;
	v13 =	vshrl.u32 v13, $0x12  }
0xf5: {  	v22 =	vld [tilespmem:s19+$0x10010];
	v18 =	vor.u32 $0x80000000, v18;
	v12 =	vxor.u32 v5, v12;
	v23 =	vshrl.u32 v3, $0x12  }
0xf6: {  	v24 =	vld [tilespmem:s19+$0x10000];
	v20 =	vor.u32 $0x80000000, v20;
	v18 =	vxor.u32 v8, v18;
	v12 =	vshrl.u32 v12, $0x12  }
0xf7: {  	v26 =	vld [tilespmem:s19+$0x10070];
	v3 =	vxor.u32 v9, v20;
	v20 =	vor.u32 $0x80000000, v63;
	v18 =	vshrl.u32 v18, $0x12  }
0xf8: {  	v25 =	vor.u32 $0x80000000, v25;
	v20 =	vxor.u32 v10, v20;
	v27 =	vshrl.u32 v3, $0x12;
	[tilespmem:v15+s1+$0x0] =	vst.idx.add.s32.msk $0xffff, v2  }
0xf9: {  	v3 =	vxor.u32 v16, v25;
	v20 =	vshrl.u32 v20, $0x12;
	[tilespmem:v13+s1+$0x0] =	vst.idx.add.s32.msk $0xffff, v2  }
0xfa: {  	v3 =	vshrl.u32 v3, $0x12;
	[tilespmem:v23+s1+$0x0] =	vst.idx.add.s32.msk $0xffff, v2  }
0xfb: {  	[tilespmem:v12+s1+$0x0] =	vst.idx.add.s32.msk $0xffff, v2  }
0xfc: {  	v7 =	vsub.f32 v24, v7;
	[tilespmem:v18+s1+$0x0] =	vst.idx.add.s32.msk $0xffff, v2  }
0xfd: {  	v6 =	vsub.f32 v22, v6;
	[tilespmem:v27+s1+$0x0] =	vst.idx.add.s32.msk $0xffff, v2  }
0xfe: {  	v4 =	vsub.f32 v21, v4;
	v7 =	vmul.f32 v7, v7;
	[tilespmem:v20+s1+$0x0] =	vst.idx.add.s32.msk $0xffff, v2  }
0xff: {  	v5 =	vsub.f32 v19, v5;
	v6 =	vmul.f32 v6, v6;
	[tilespmem:v3+s1+$0x0] =	vst.idx.add.s32.msk $0xffff, v2  }
0x100: {  	v8 =	vsub.f32 v17, v8;
	v4 =	vmul.f32 v4, v4;
	[tilespmem:v15+s13+$0x0] =	vst.idx.add.f32.msk $0xffff, v7  }
0x101: {  	v5 =	vmul.f32 v5, v5;
	v7 =	vsub.f32 v14, v9;
	[tilespmem:v13+s13+$0x0] =	vst.idx.add.f32.msk $0xffff, v6  }
0x102: {  	v8 =	vmul.f32 v8, v8;
	v6 =	vsub.f32 v11, v10;
	[tilespmem:v23+s13+$0x0] =	vst.idx.add.f32.msk $0xffff, v4  }
0x103: {  	v4 =	vmul.f32 v7, v7;
	[tilespmem:v12+s13+$0x0] =	vst.idx.add.f32.msk $0xffff, v5;
	v5 =	vsub.f32 v26, v16  }
0x104: {  	v6 =	vmul.f32 v6, v6;
	[tilespmem:v18+s13+$0x0] =	vst.idx.add.f32.msk $0xffff, v8  }
0x105: {  	[tilespmem:v27+s13+$0x0] =	vst.idx.add.f32.msk $0xffff, v4;
	v4 =	vmul.f32 v5, v5  }
0x106: {  	s18 =	simm.s32 $0x200;
	[tilespmem:v20+s13+$0x0] =	vst.idx.add.f32.msk $0xffff, v6  }
.LBB2_8:
0x107: {  	s19 =	sshra.s32 s18, $0x2;
	p0 =	sne.s32 s18, $0xFE00;
	s18 =	sadd.s32 $0x200, s18;
	[tilespmem:v3+s13+$0x0] =	vst.idx.add.f32.msk $0xffff, v4  }
0x108: {  	v3 =	vld [tilespmem:s19+$0x8020]  }
0x109: {  	v4 =	vld [tilespmem:s19+$0x8030]  }
0x10a: {  	v5 =	vld [tilespmem:s19+$0x8010]  }
0x10b: {  	v6 =	vld [tilespmem:s19+$0x8000]  }
0x10c: {  	v7 =	vld [tilespmem:s19+$0x8040]  }
0x10d: {  	v8 =	vld [tilespmem:s19+$0x8050];
	v9 =	vshra.s32 v3, $0x1F  }
0x10e: {  	v10 =	vld [tilespmem:s19+$0x8060];
	v9 =	vor.u32 $0x80000000, v9;
	v11 =	vshra.s32 v4, $0x1F  }
0x10f: {  	v12 =	vld [tilespmem:s19+$0x10060];
	v13 =	vshra.s32 v5, $0x1F;
	v9 =	vxor.u32 v3, v9;
	v11 =	vor.u32 $0x80000000, v11  }
0x110: {  	v14 =	vld [tilespmem:s19+$0x10050];
	v15 =	vshra.s32 v6, $0x1F;
	v13 =	vor.u32 $0x80000000, v13;
	v11 =	vxor.u32 v4, v11  }
0x111: {  	v16 =	vld [tilespmem:s19+$0x8070];
	v15 =	vor.u32 $0x80000000, v15;
	v13 =	vxor.u32 v5, v13;
	v17 =	vshra.s32 v7, $0x1F  }
0x112: {  	v18 =	vld [tilespmem:s19+$0x10040];
	v15 =	vxor.u32 v6, v15;
	v17 =	vor.u32 $0x80000000, v17;
	v19 =	vshra.s32 v8, $0x1F  }
0x113: {  	v20 =	vld [tilespmem:s19+$0x10030];
	v15 =	vshrl.u32 v15, $0x12;
	v17 =	vxor.u32 v7, v17;
	v19 =	vor.u32 $0x80000000, v19  }
0x114: {  	v13 =	vshrl.u32 v13, $0x12;
	v22 =	vshra.s32 v10, $0x1F;
	v21 =	vld [tilespmem:s19+$0x10020];
	v19 =	vxor.u32 v8, v19  }
0x115: {  	v9 =	vshrl.u32 v9, $0x12;
	v23 =	vld [tilespmem:s19+$0x10010];
	v8 =	vsub.f32 v14, v8;
	v14 =	vor.u32 $0x80000000, v22  }
0x116: {  	v11 =	vshrl.u32 v11, $0x12;
	v22 =	vld [tilespmem:s19+$0x10000];
	v14 =	vxor.u32 v10, v14;
	v24 =	vshra.s32 v16, $0x1F  }
0x117: {  	v17 =	vshrl.u32 v17, $0x12;
	v25 =	vld [tilespmem:s19+$0x10070];
	v7 =	vsub.f32 v18, v7;
	v18 =	vor.u32 $0x80000000, v24  }
0x118: {  	v19 =	vshrl.u32 v19, $0x12;
	v4 =	vsub.f32 v20, v4;
	v18 =	vxor.u32 v16, v18;
	[tilespmem:v15+s1+$0x0] =	vst.idx.add.s32.msk $0xffff, v2  }
0x119: {  	v10 =	vsub.f32 v12, v10;
	v12 =	vshrl.u32 v14, $0x12;
	v20 =	vsub.f32 v21, v3;
	[tilespmem:v13+s1+$0x0] =	vst.idx.add.s32.msk $0xffff, v2  }
0x11a: {  	v3 =	vshrl.u32 v18, $0x12;
	v5 =	vsub.f32 v23, v5;
	[tilespmem:v9+s1+$0x0] =	vst.idx.add.s32.msk $0xffff, v2  }
0x11b: {  	v6 =	vsub.f32 v22, v6;
	[tilespmem:v11+s1+$0x0] =	vst.idx.add.s32.msk $0xffff, v2  }
0x11c: {  	v14 =	vsub.f32 v25, v16;
	[tilespmem:v17+s1+$0x0] =	vst.idx.add.s32.msk $0xffff, v2  }
0x11d: {  	[tilespmem:v19+s1+$0x0] =	vst.idx.add.s32.msk $0xffff, v2  }
0x11e: {  	v6 =	vmul.f32 v6, v6;
	[tilespmem:v12+s1+$0x0] =	vst.idx.add.s32.msk $0xffff, v2  }
0x11f: {  	v5 =	vmul.f32 v5, v5;
	[tilespmem:v3+s1+$0x0] =	vst.idx.add.s32.msk $0xffff, v2  }
0x120: {  	v16 =	vmul.f32 v20, v20;
	[tilespmem:v15+s13+$0x0] =	vst.idx.add.f32.msk $0xffff, v6  }
0x121: {  	v4 =	vmul.f32 v4, v4;
	[tilespmem:v13+s13+$0x0] =	vst.idx.add.f32.msk $0xffff, v5  }
.Ltmp3:
0x122: {  	v5 =	vmul.f32 v7, v7;
	[tilespmem:v9+s13+$0x0] =	vst.idx.add.f32.msk $0xffff, v16;
	(pc) =	sbr.rel @p0 .LBB2_8-.Ltmp3, $4  }
0x123: {  	v6 =	vmul.f32 v8, v8;
	[tilespmem:v11+s13+$0x0] =	vst.idx.add.f32.msk $0xffff, v4  }
0x124: {  	v7 =	vmul.f32 v10, v10;
	[tilespmem:v17+s13+$0x0] =	vst.idx.add.f32.msk $0xffff, v5  }
0x125: {  	v4 =	vmul.f32 v14, v14;
	[tilespmem:v19+s13+$0x0] =	vst.idx.add.f32.msk $0xffff, v6  }
0x126: {  	[tilespmem:v12+s13+$0x0] =	vst.idx.add.f32.msk $0xffff, v7  }
0x127: {  	_ =	sdelay $0x3  }
0x128: {  	[tilespmem:v3+s13+$0x0] =	vst.idx.add.f32.msk $0xffff, v4;
	s18 =	simm.s32 $0x0;
	s19 =	rddreg [dreg:$0xa]  }
0x129: {  	[tilespmem:s7], [sflag:$0x1] =	stream.linear.gather [hbm4b:s19+s18], $0x4000, $0x38;
	[tilespmem:$0x18000] =	vst v63  }
0x12a: {  	s19 =	rddreg [dreg:$0xb]  }
0x12b: {  	[tilespmem:s8], [sflag:$0x3] =	stream.linear.gather [hbm4b:s19+s18], $0x4000, $0x38;
	[tilespmem:$0x18000] =	vst v63  }
0x12c: {  	_ =	swait.ge [sflag:s14], $0x4000  }
0x12d: {  	[sflag:s14] =	ssyncset.done $0x0  }
0x12e: {  	[sflag:s14] =	ssyncadd.s32 $0xFFFFC000  }
0x12f: {  	_ =	swait.ge [sflag:s15], $0x4000  }
0x130: {  	[sflag:s15] =	ssyncset.done $0x0  }
0x131: {  	s19 =	simm.s32 $0x0;
	[sflag:s15] =	ssyncadd.s32 $0xFFFFC000  }
0x132: {  	v4 =	vld [tilespmem:s19+$0xC020]  }
0x133: {  	v5 =	vld [tilespmem:s19+$0xC030]  }
0x134: {  	v6 =	vld [tilespmem:s19+$0xC010]  }
0x135: {  	v7 =	vld [tilespmem:s19+$0xC000]  }
0x136: {  	v8 =	vld [tilespmem:s19+$0xC040]  }
0x137: {  	v9 =	vld [tilespmem:s19+$0xC050]  }
0x138: {  	v10 =	vld [tilespmem:s19+$0xC060]  }
0x139: {  	v16 =	vld [tilespmem:s19+$0xC070];
	_ =	sdelay $0x1  }
0x13a: {  	v3 =	vshra.s32 v4, $0x1F;
	v12 =	vshra.s32 v5, $0x1F  }
0x13b: {  	v11 =	vld [tilespmem:s19+$0x14060];
	v13 =	vshra.s32 v6, $0x1F;
	v15 =	vshra.s32 v7, $0x1F;
	v18 =	vshra.s32 v8, $0x1F  }
0x13c: {  	v14 =	vld [tilespmem:s19+$0x14050];
	v20 =	vshra.s32 v9, $0x1F;
	v63 =	vshra.s32 v10, $0x1F;
	v15 =	vor.u32 $0x80000000, v15  }
0x13d: {  	v17 =	vld [tilespmem:s19+$0x14040];
	v25 =	vshra.s32 v16, $0x1F;
	v13 =	vor.u32 $0x80000000, v13;
	v15 =	vxor.u32 v7, v15  }
0x13e: {  	v19 =	vld [tilespmem:s19+$0x14030];
	v3 =	vor.u32 $0x80000000, v3;
	v13 =	vxor.u32 v6, v13;
	v15 =	vshrl.u32 v15, $0x12  }
0x13f: {  	v21 =	vld [tilespmem:s19+$0x14020];
	v12 =	vor.u32 $0x80000000, v12;
	v3 =	vxor.u32 v4, v3;
	v13 =	vshrl.u32 v13, $0x12  }
0x140: {  	v22 =	vld [tilespmem:s19+$0x14010];
	v18 =	vor.u32 $0x80000000, v18;
	v12 =	vxor.u32 v5, v12;
	v23 =	vshrl.u32 v3, $0x12  }
0x141: {  	v24 =	vld [tilespmem:s19+$0x14000];
	v20 =	vor.u32 $0x80000000, v20;
	v18 =	vxor.u32 v8, v18;
	v12 =	vshrl.u32 v12, $0x12  }
0x142: {  	v26 =	vld [tilespmem:s19+$0x14070];
	v3 =	vxor.u32 v9, v20;
	v20 =	vor.u32 $0x80000000, v63;
	v18 =	vshrl.u32 v18, $0x12  }
0x143: {  	v25 =	vor.u32 $0x80000000, v25;
	v20 =	vxor.u32 v10, v20;
	v27 =	vshrl.u32 v3, $0x12;
	[tilespmem:v15+s1+$0x0] =	vst.idx.add.s32.msk $0xffff, v2  }
0x144: {  	v3 =	vxor.u32 v16, v25;
	v20 =	vshrl.u32 v20, $0x12;
	[tilespmem:v13+s1+$0x0] =	vst.idx.add.s32.msk $0xffff, v2  }
0x145: {  	v3 =	vshrl.u32 v3, $0x12;
	[tilespmem:v23+s1+$0x0] =	vst.idx.add.s32.msk $0xffff, v2  }
0x146: {  	[tilespmem:v12+s1+$0x0] =	vst.idx.add.s32.msk $0xffff, v2  }
0x147: {  	v7 =	vsub.f32 v24, v7;
	[tilespmem:v18+s1+$0x0] =	vst.idx.add.s32.msk $0xffff, v2  }
0x148: {  	v6 =	vsub.f32 v22, v6;
	[tilespmem:v27+s1+$0x0] =	vst.idx.add.s32.msk $0xffff, v2  }
0x149: {  	v4 =	vsub.f32 v21, v4;
	v7 =	vmul.f32 v7, v7;
	[tilespmem:v20+s1+$0x0] =	vst.idx.add.s32.msk $0xffff, v2  }
0x14a: {  	v5 =	vsub.f32 v19, v5;
	v6 =	vmul.f32 v6, v6;
	[tilespmem:v3+s1+$0x0] =	vst.idx.add.s32.msk $0xffff, v2  }
0x14b: {  	v8 =	vsub.f32 v17, v8;
	v4 =	vmul.f32 v4, v4;
	[tilespmem:v15+s13+$0x0] =	vst.idx.add.f32.msk $0xffff, v7  }
0x14c: {  	v5 =	vmul.f32 v5, v5;
	v7 =	vsub.f32 v14, v9;
	[tilespmem:v13+s13+$0x0] =	vst.idx.add.f32.msk $0xffff, v6  }
0x14d: {  	v8 =	vmul.f32 v8, v8;
	v6 =	vsub.f32 v11, v10;
	[tilespmem:v23+s13+$0x0] =	vst.idx.add.f32.msk $0xffff, v4  }
0x14e: {  	v4 =	vmul.f32 v7, v7;
	[tilespmem:v12+s13+$0x0] =	vst.idx.add.f32.msk $0xffff, v5;
	v5 =	vsub.f32 v26, v16  }
0x14f: {  	v6 =	vmul.f32 v6, v6;
	[tilespmem:v18+s13+$0x0] =	vst.idx.add.f32.msk $0xffff, v8  }
0x150: {  	[tilespmem:v27+s13+$0x0] =	vst.idx.add.f32.msk $0xffff, v4;
	v4 =	vmul.f32 v5, v5  }
0x151: {  	s18 =	simm.s32 $0x200;
	[tilespmem:v20+s13+$0x0] =	vst.idx.add.f32.msk $0xffff, v6  }
.LBB2_10:
0x152: {  	s19 =	sshra.s32 s18, $0x2;
	p0 =	sne.s32 s18, $0xFE00;
	s18 =	sadd.s32 $0x200, s18;
	[tilespmem:v3+s13+$0x0] =	vst.idx.add.f32.msk $0xffff, v4  }
0x153: {  	v3 =	vld [tilespmem:s19+$0xC020]  }
0x154: {  	v4 =	vld [tilespmem:s19+$0xC030]  }
0x155: {  	v5 =	vld [tilespmem:s19+$0xC010]  }
0x156: {  	v6 =	vld [tilespmem:s19+$0xC000]  }
0x157: {  	v7 =	vld [tilespmem:s19+$0xC040]  }
0x158: {  	v8 =	vld [tilespmem:s19+$0xC050];
	v9 =	vshra.s32 v3, $0x1F  }
0x159: {  	v10 =	vld [tilespmem:s19+$0xC060];
	v9 =	vor.u32 $0x80000000, v9;
	v11 =	vshra.s32 v4, $0x1F  }
0x15a: {  	v12 =	vld [tilespmem:s19+$0x14060];
	v13 =	vshra.s32 v5, $0x1F;
	v9 =	vxor.u32 v3, v9;
	v11 =	vor.u32 $0x80000000, v11  }
0x15b: {  	v14 =	vld [tilespmem:s19+$0x14050];
	v15 =	vshra.s32 v6, $0x1F;
	v13 =	vor.u32 $0x80000000, v13;
	v11 =	vxor.u32 v4, v11  }
0x15c: {  	v16 =	vld [tilespmem:s19+$0xC070];
	v15 =	vor.u32 $0x80000000, v15;
	v13 =	vxor.u32 v5, v13;
	v17 =	vshra.s32 v7, $0x1F  }
0x15d: {  	v18 =	vld [tilespmem:s19+$0x14040];
	v15 =	vxor.u32 v6, v15;
	v17 =	vor.u32 $0x80000000, v17;
	v19 =	vshra.s32 v8, $0x1F  }
0x15e: {  	v20 =	vld [tilespmem:s19+$0x14030];
	v15 =	vshrl.u32 v15, $0x12;
	v17 =	vxor.u32 v7, v17;
	v19 =	vor.u32 $0x80000000, v19  }
0x15f: {  	v13 =	vshrl.u32 v13, $0x12;
	v22 =	vshra.s32 v10, $0x1F;
	v21 =	vld [tilespmem:s19+$0x14020];
	v19 =	vxor.u32 v8, v19  }
0x160: {  	v9 =	vshrl.u32 v9, $0x12;
	v23 =	vld [tilespmem:s19+$0x14010];
	v8 =	vsub.f32 v14, v8;
	v14 =	vor.u32 $0x80000000, v22  }
0x161: {  	v11 =	vshrl.u32 v11, $0x12;
	v22 =	vld [tilespmem:s19+$0x14000];
	v14 =	vxor.u32 v10, v14;
	v24 =	vshra.s32 v16, $0x1F  }
0x162: {  	v17 =	vshrl.u32 v17, $0x12;
	v25 =	vld [tilespmem:s19+$0x14070];
	v7 =	vsub.f32 v18, v7;
	v18 =	vor.u32 $0x80000000, v24  }
0x163: {  	v19 =	vshrl.u32 v19, $0x12;
	v4 =	vsub.f32 v20, v4;
	v18 =	vxor.u32 v16, v18;
	[tilespmem:v15+s1+$0x0] =	vst.idx.add.s32.msk $0xffff, v2  }
0x164: {  	v10 =	vsub.f32 v12, v10;
	v12 =	vshrl.u32 v14, $0x12;
	v20 =	vsub.f32 v21, v3;
	[tilespmem:v13+s1+$0x0] =	vst.idx.add.s32.msk $0xffff, v2  }
0x165: {  	v3 =	vshrl.u32 v18, $0x12;
	v5 =	vsub.f32 v23, v5;
	[tilespmem:v9+s1+$0x0] =	vst.idx.add.s32.msk $0xffff, v2  }
0x166: {  	v6 =	vsub.f32 v22, v6;
	[tilespmem:v11+s1+$0x0] =	vst.idx.add.s32.msk $0xffff, v2  }
0x167: {  	v14 =	vsub.f32 v25, v16;
	[tilespmem:v17+s1+$0x0] =	vst.idx.add.s32.msk $0xffff, v2  }
0x168: {  	[tilespmem:v19+s1+$0x0] =	vst.idx.add.s32.msk $0xffff, v2  }
0x169: {  	v6 =	vmul.f32 v6, v6;
	[tilespmem:v12+s1+$0x0] =	vst.idx.add.s32.msk $0xffff, v2  }
0x16a: {  	v5 =	vmul.f32 v5, v5;
	[tilespmem:v3+s1+$0x0] =	vst.idx.add.s32.msk $0xffff, v2  }
0x16b: {  	v16 =	vmul.f32 v20, v20;
	[tilespmem:v15+s13+$0x0] =	vst.idx.add.f32.msk $0xffff, v6  }
0x16c: {  	v4 =	vmul.f32 v4, v4;
	[tilespmem:v13+s13+$0x0] =	vst.idx.add.f32.msk $0xffff, v5  }
.Ltmp4:
0x16d: {  	v5 =	vmul.f32 v7, v7;
	[tilespmem:v9+s13+$0x0] =	vst.idx.add.f32.msk $0xffff, v16;
	(pc) =	sbr.rel @p0 .LBB2_10-.Ltmp4, $4  }
0x16e: {  	v6 =	vmul.f32 v8, v8;
	[tilespmem:v11+s13+$0x0] =	vst.idx.add.f32.msk $0xffff, v4  }
0x16f: {  	v7 =	vmul.f32 v10, v10;
	[tilespmem:v17+s13+$0x0] =	vst.idx.add.f32.msk $0xffff, v5  }
0x170: {  	v4 =	vmul.f32 v14, v14;
	[tilespmem:v19+s13+$0x0] =	vst.idx.add.f32.msk $0xffff, v6  }
0x171: {  	[tilespmem:v12+s13+$0x0] =	vst.idx.add.f32.msk $0xffff, v7  }
0x172: {  	_ =	sdelay $0x3  }
0x173: {  	[tilespmem:v3+s13+$0x0] =	vst.idx.add.f32.msk $0xffff, v4;
	s18 =	simm.s32 $0x0;
	s19 =	rddreg [dreg:$0xc]  }
0x174: {  	[tilespmem:s9], [sflag:$0x2] =	stream.linear.gather [hbm4b:s19+s18], $0x4000, $0x38;
	[tilespmem:$0x18000] =	vst v63  }
0x175: {  	s19 =	rddreg [dreg:$0xd]  }
0x176: {  	[tilespmem:s10], [sflag:$0x4] =	stream.linear.gather [hbm4b:s19+s18], $0x4000, $0x38;
	[tilespmem:$0x18000] =	vst v63  }
0x177: {  	_ =	swait.ge [sflag:s11], $0x4000  }
0x178: {  	[sflag:s11] =	ssyncset.done $0x0  }
0x179: {  	[sflag:s11] =	ssyncadd.s32 $0xFFFFC000  }
0x17a: {  	_ =	swait.ge [sflag:s12], $0x4000  }
0x17b: {  	[sflag:s12] =	ssyncset.done $0x0  }
0x17c: {  	s19 =	simm.s32 $0x0;
	[sflag:s12] =	ssyncadd.s32 $0xFFFFC000  }
0x17d: {  	v4 =	vld [tilespmem:s19+$0x8020]  }
0x17e: {  	v5 =	vld [tilespmem:s19+$0x8030]  }
0x17f: {  	v6 =	vld [tilespmem:s19+$0x8010]  }
0x180: {  	v7 =	vld [tilespmem:s19+$0x8000]  }
0x181: {  	v8 =	vld [tilespmem:s19+$0x8040]  }
0x182: {  	v9 =	vld [tilespmem:s19+$0x8050]  }
0x183: {  	v10 =	vld [tilespmem:s19+$0x8060]  }
0x184: {  	v16 =	vld [tilespmem:s19+$0x8070];
	_ =	sdelay $0x1  }
0x185: {  	v3 =	vshra.s32 v4, $0x1F;
	v12 =	vshra.s32 v5, $0x1F  }
0x186: {  	v11 =	vld [tilespmem:s19+$0x10060];
	v13 =	vshra.s32 v6, $0x1F;
	v15 =	vshra.s32 v7, $0x1F;
	v18 =	vshra.s32 v8, $0x1F  }
0x187: {  	v14 =	vld [tilespmem:s19+$0x10050];
	v20 =	vshra.s32 v9, $0x1F;
	v63 =	vshra.s32 v10, $0x1F;
	v15 =	vor.u32 $0x80000000, v15  }
0x188: {  	v17 =	vld [tilespmem:s19+$0x10040];
	v25 =	vshra.s32 v16, $0x1F;
	v13 =	vor.u32 $0x80000000, v13;
	v15 =	vxor.u32 v7, v15  }
0x189: {  	v19 =	vld [tilespmem:s19+$0x10030];
	v3 =	vor.u32 $0x80000000, v3;
	v13 =	vxor.u32 v6, v13;
	v15 =	vshrl.u32 v15, $0x12  }
0x18a: {  	v21 =	vld [tilespmem:s19+$0x10020];
	v12 =	vor.u32 $0x80000000, v12;
	v3 =	vxor.u32 v4, v3;
	v13 =	vshrl.u32 v13, $0x12  }
0x18b: {  	v22 =	vld [tilespmem:s19+$0x10010];
	v18 =	vor.u32 $0x80000000, v18;
	v12 =	vxor.u32 v5, v12;
	v23 =	vshrl.u32 v3, $0x12  }
0x18c: {  	v24 =	vld [tilespmem:s19+$0x10000];
	v20 =	vor.u32 $0x80000000, v20;
	v18 =	vxor.u32 v8, v18;
	v12 =	vshrl.u32 v12, $0x12  }
0x18d: {  	v26 =	vld [tilespmem:s19+$0x10070];
	v3 =	vxor.u32 v9, v20;
	v20 =	vor.u32 $0x80000000, v63;
	v18 =	vshrl.u32 v18, $0x12  }
0x18e: {  	v25 =	vor.u32 $0x80000000, v25;
	v20 =	vxor.u32 v10, v20;
	v27 =	vshrl.u32 v3, $0x12;
	[tilespmem:v15+s1+$0x0] =	vst.idx.add.s32.msk $0xffff, v2  }
0x18f: {  	v3 =	vxor.u32 v16, v25;
	v20 =	vshrl.u32 v20, $0x12;
	[tilespmem:v13+s1+$0x0] =	vst.idx.add.s32.msk $0xffff, v2  }
0x190: {  	v3 =	vshrl.u32 v3, $0x12;
	[tilespmem:v23+s1+$0x0] =	vst.idx.add.s32.msk $0xffff, v2  }
0x191: {  	[tilespmem:v12+s1+$0x0] =	vst.idx.add.s32.msk $0xffff, v2  }
0x192: {  	v7 =	vsub.f32 v24, v7;
	[tilespmem:v18+s1+$0x0] =	vst.idx.add.s32.msk $0xffff, v2  }
0x193: {  	v6 =	vsub.f32 v22, v6;
	[tilespmem:v27+s1+$0x0] =	vst.idx.add.s32.msk $0xffff, v2  }
0x194: {  	v4 =	vsub.f32 v21, v4;
	v7 =	vmul.f32 v7, v7;
	[tilespmem:v20+s1+$0x0] =	vst.idx.add.s32.msk $0xffff, v2  }
0x195: {  	v5 =	vsub.f32 v19, v5;
	v6 =	vmul.f32 v6, v6;
	[tilespmem:v3+s1+$0x0] =	vst.idx.add.s32.msk $0xffff, v2  }
0x196: {  	v8 =	vsub.f32 v17, v8;
	v4 =	vmul.f32 v4, v4;
	[tilespmem:v15+s13+$0x0] =	vst.idx.add.f32.msk $0xffff, v7  }
0x197: {  	v5 =	vmul.f32 v5, v5;
	v7 =	vsub.f32 v14, v9;
	[tilespmem:v13+s13+$0x0] =	vst.idx.add.f32.msk $0xffff, v6  }
0x198: {  	v8 =	vmul.f32 v8, v8;
	v6 =	vsub.f32 v11, v10;
	[tilespmem:v23+s13+$0x0] =	vst.idx.add.f32.msk $0xffff, v4  }
0x199: {  	v4 =	vmul.f32 v7, v7;
	[tilespmem:v12+s13+$0x0] =	vst.idx.add.f32.msk $0xffff, v5;
	v5 =	vsub.f32 v26, v16  }
0x19a: {  	v6 =	vmul.f32 v6, v6;
	[tilespmem:v18+s13+$0x0] =	vst.idx.add.f32.msk $0xffff, v8  }
0x19b: {  	[tilespmem:v27+s13+$0x0] =	vst.idx.add.f32.msk $0xffff, v4;
	v4 =	vmul.f32 v5, v5  }
0x19c: {  	s18 =	simm.s32 $0x200;
	[tilespmem:v20+s13+$0x0] =	vst.idx.add.f32.msk $0xffff, v6  }
.LBB2_12:
0x19d: {  	s19 =	sshra.s32 s18, $0x2;
	p0 =	sne.s32 s18, $0xFE00;
	s18 =	sadd.s32 $0x200, s18;
	[tilespmem:v3+s13+$0x0] =	vst.idx.add.f32.msk $0xffff, v4  }
0x19e: {  	v3 =	vld [tilespmem:s19+$0x8020]  }
0x19f: {  	v4 =	vld [tilespmem:s19+$0x8030]  }
0x1a0: {  	v5 =	vld [tilespmem:s19+$0x8010]  }
0x1a1: {  	v6 =	vld [tilespmem:s19+$0x8000]  }
0x1a2: {  	v7 =	vld [tilespmem:s19+$0x8040]  }
0x1a3: {  	v8 =	vld [tilespmem:s19+$0x8050];
	v9 =	vshra.s32 v3, $0x1F  }
0x1a4: {  	v10 =	vld [tilespmem:s19+$0x8060];
	v9 =	vor.u32 $0x80000000, v9;
	v11 =	vshra.s32 v4, $0x1F  }
0x1a5: {  	v12 =	vld [tilespmem:s19+$0x10060];
	v13 =	vshra.s32 v5, $0x1F;
	v9 =	vxor.u32 v3, v9;
	v11 =	vor.u32 $0x80000000, v11  }
0x1a6: {  	v14 =	vld [tilespmem:s19+$0x10050];
	v15 =	vshra.s32 v6, $0x1F;
	v13 =	vor.u32 $0x80000000, v13;
	v11 =	vxor.u32 v4, v11  }
0x1a7: {  	v16 =	vld [tilespmem:s19+$0x8070];
	v15 =	vor.u32 $0x80000000, v15;
	v13 =	vxor.u32 v5, v13;
	v17 =	vshra.s32 v7, $0x1F  }
0x1a8: {  	v18 =	vld [tilespmem:s19+$0x10040];
	v15 =	vxor.u32 v6, v15;
	v17 =	vor.u32 $0x80000000, v17;
	v19 =	vshra.s32 v8, $0x1F  }
0x1a9: {  	v20 =	vld [tilespmem:s19+$0x10030];
	v15 =	vshrl.u32 v15, $0x12;
	v17 =	vxor.u32 v7, v17;
	v19 =	vor.u32 $0x80000000, v19  }
0x1aa: {  	v13 =	vshrl.u32 v13, $0x12;
	v22 =	vshra.s32 v10, $0x1F;
	v21 =	vld [tilespmem:s19+$0x10020];
	v19 =	vxor.u32 v8, v19  }
0x1ab: {  	v9 =	vshrl.u32 v9, $0x12;
	v23 =	vld [tilespmem:s19+$0x10010];
	v8 =	vsub.f32 v14, v8;
	v14 =	vor.u32 $0x80000000, v22  }
0x1ac: {  	v11 =	vshrl.u32 v11, $0x12;
	v22 =	vld [tilespmem:s19+$0x10000];
	v14 =	vxor.u32 v10, v14;
	v24 =	vshra.s32 v16, $0x1F  }
0x1ad: {  	v17 =	vshrl.u32 v17, $0x12;
	v25 =	vld [tilespmem:s19+$0x10070];
	v7 =	vsub.f32 v18, v7;
	v18 =	vor.u32 $0x80000000, v24  }
0x1ae: {  	v19 =	vshrl.u32 v19, $0x12;
	v4 =	vsub.f32 v20, v4;
	v18 =	vxor.u32 v16, v18;
	[tilespmem:v15+s1+$0x0] =	vst.idx.add.s32.msk $0xffff, v2  }
0x1af: {  	v10 =	vsub.f32 v12, v10;
	v12 =	vshrl.u32 v14, $0x12;
	v20 =	vsub.f32 v21, v3;
	[tilespmem:v13+s1+$0x0] =	vst.idx.add.s32.msk $0xffff, v2  }
0x1b0: {  	v3 =	vshrl.u32 v18, $0x12;
	v5 =	vsub.f32 v23, v5;
	[tilespmem:v9+s1+$0x0] =	vst.idx.add.s32.msk $0xffff, v2  }
0x1b1: {  	v6 =	vsub.f32 v22, v6;
	[tilespmem:v11+s1+$0x0] =	vst.idx.add.s32.msk $0xffff, v2  }
0x1b2: {  	v14 =	vsub.f32 v25, v16;
	[tilespmem:v17+s1+$0x0] =	vst.idx.add.s32.msk $0xffff, v2  }
0x1b3: {  	[tilespmem:v19+s1+$0x0] =	vst.idx.add.s32.msk $0xffff, v2  }
0x1b4: {  	v6 =	vmul.f32 v6, v6;
	[tilespmem:v12+s1+$0x0] =	vst.idx.add.s32.msk $0xffff, v2  }
0x1b5: {  	v5 =	vmul.f32 v5, v5;
	[tilespmem:v3+s1+$0x0] =	vst.idx.add.s32.msk $0xffff, v2  }
0x1b6: {  	v16 =	vmul.f32 v20, v20;
	[tilespmem:v15+s13+$0x0] =	vst.idx.add.f32.msk $0xffff, v6  }
0x1b7: {  	v4 =	vmul.f32 v4, v4;
	[tilespmem:v13+s13+$0x0] =	vst.idx.add.f32.msk $0xffff, v5  }
.Ltmp5:
0x1b8: {  	v5 =	vmul.f32 v7, v7;
	[tilespmem:v9+s13+$0x0] =	vst.idx.add.f32.msk $0xffff, v16;
	(pc) =	sbr.rel @p0 .LBB2_12-.Ltmp5, $4  }
0x1b9: {  	v6 =	vmul.f32 v8, v8;
	[tilespmem:v11+s13+$0x0] =	vst.idx.add.f32.msk $0xffff, v4  }
0x1ba: {  	v7 =	vmul.f32 v10, v10;
	[tilespmem:v17+s13+$0x0] =	vst.idx.add.f32.msk $0xffff, v5  }
0x1bb: {  	v4 =	vmul.f32 v14, v14;
	[tilespmem:v19+s13+$0x0] =	vst.idx.add.f32.msk $0xffff, v6  }
0x1bc: {  	[tilespmem:v12+s13+$0x0] =	vst.idx.add.f32.msk $0xffff, v7  }
0x1bd: {  	_ =	sdelay $0x3  }
0x1be: {  	[tilespmem:v3+s13+$0x0] =	vst.idx.add.f32.msk $0xffff, v4;
	s18 =	simm.s32 $0x0;
	s19 =	rddreg [dreg:$0xe]  }
0x1bf: {  	[tilespmem:s7], [sflag:$0x1] =	stream.linear.gather [hbm4b:s19+s18], $0x4000, $0x38;
	[tilespmem:$0x18000] =	vst v63  }
0x1c0: {  	s19 =	rddreg [dreg:$0xf]  }
0x1c1: {  	[tilespmem:s8], [sflag:$0x3] =	stream.linear.gather [hbm4b:s19+s18], $0x4000, $0x38;
	[tilespmem:$0x18000] =	vst v63  }
0x1c2: {  	_ =	swait.ge [sflag:s14], $0x4000  }
0x1c3: {  	[sflag:s14] =	ssyncset.done $0x0  }
0x1c4: {  	[sflag:s14] =	ssyncadd.s32 $0xFFFFC000  }
0x1c5: {  	_ =	swait.ge [sflag:s15], $0x4000  }
0x1c6: {  	[sflag:s15] =	ssyncset.done $0x0  }
0x1c7: {  	s19 =	simm.s32 $0x0;
	[sflag:s15] =	ssyncadd.s32 $0xFFFFC000  }
0x1c8: {  	v4 =	vld [tilespmem:s19+$0xC020]  }
0x1c9: {  	v5 =	vld [tilespmem:s19+$0xC030]  }
0x1ca: {  	v6 =	vld [tilespmem:s19+$0xC010]  }
0x1cb: {  	v7 =	vld [tilespmem:s19+$0xC000]  }
0x1cc: {  	v8 =	vld [tilespmem:s19+$0xC040]  }
0x1cd: {  	v9 =	vld [tilespmem:s19+$0xC050]  }
0x1ce: {  	v10 =	vld [tilespmem:s19+$0xC060]  }
0x1cf: {  	v16 =	vld [tilespmem:s19+$0xC070];
	_ =	sdelay $0x1  }
0x1d0: {  	v3 =	vshra.s32 v4, $0x1F;
	v12 =	vshra.s32 v5, $0x1F  }
0x1d1: {  	v11 =	vld [tilespmem:s19+$0x14060];
	v13 =	vshra.s32 v6, $0x1F;
	v15 =	vshra.s32 v7, $0x1F;
	v18 =	vshra.s32 v8, $0x1F  }
0x1d2: {  	v14 =	vld [tilespmem:s19+$0x14050];
	v20 =	vshra.s32 v9, $0x1F;
	v63 =	vshra.s32 v10, $0x1F;
	v15 =	vor.u32 $0x80000000, v15  }
0x1d3: {  	v17 =	vld [tilespmem:s19+$0x14040];
	v25 =	vshra.s32 v16, $0x1F;
	v13 =	vor.u32 $0x80000000, v13;
	v15 =	vxor.u32 v7, v15  }
0x1d4: {  	v19 =	vld [tilespmem:s19+$0x14030];
	v3 =	vor.u32 $0x80000000, v3;
	v13 =	vxor.u32 v6, v13;
	v15 =	vshrl.u32 v15, $0x12  }
0x1d5: {  	v21 =	vld [tilespmem:s19+$0x14020];
	v12 =	vor.u32 $0x80000000, v12;
	v3 =	vxor.u32 v4, v3;
	v13 =	vshrl.u32 v13, $0x12  }
0x1d6: {  	v22 =	vld [tilespmem:s19+$0x14010];
	v18 =	vor.u32 $0x80000000, v18;
	v12 =	vxor.u32 v5, v12;
	v23 =	vshrl.u32 v3, $0x12  }
0x1d7: {  	v24 =	vld [tilespmem:s19+$0x14000];
	v20 =	vor.u32 $0x80000000, v20;
	v18 =	vxor.u32 v8, v18;
	v12 =	vshrl.u32 v12, $0x12  }
0x1d8: {  	v26 =	vld [tilespmem:s19+$0x14070];
	v3 =	vxor.u32 v9, v20;
	v20 =	vor.u32 $0x80000000, v63;
	v18 =	vshrl.u32 v18, $0x12  }
0x1d9: {  	v25 =	vor.u32 $0x80000000, v25;
	v20 =	vxor.u32 v10, v20;
	v27 =	vshrl.u32 v3, $0x12;
	[tilespmem:v15+s1+$0x0] =	vst.idx.add.s32.msk $0xffff, v2  }
0x1da: {  	v3 =	vxor.u32 v16, v25;
	v20 =	vshrl.u32 v20, $0x12;
	[tilespmem:v13+s1+$0x0] =	vst.idx.add.s32.msk $0xffff, v2  }
0x1db: {  	v3 =	vshrl.u32 v3, $0x12;
	[tilespmem:v23+s1+$0x0] =	vst.idx.add.s32.msk $0xffff, v2  }
0x1dc: {  	[tilespmem:v12+s1+$0x0] =	vst.idx.add.s32.msk $0xffff, v2  }
0x1dd: {  	v7 =	vsub.f32 v24, v7;
	[tilespmem:v18+s1+$0x0] =	vst.idx.add.s32.msk $0xffff, v2  }
0x1de: {  	v6 =	vsub.f32 v22, v6;
	[tilespmem:v27+s1+$0x0] =	vst.idx.add.s32.msk $0xffff, v2  }
0x1df: {  	v4 =	vsub.f32 v21, v4;
	v7 =	vmul.f32 v7, v7;
	[tilespmem:v20+s1+$0x0] =	vst.idx.add.s32.msk $0xffff, v2  }
0x1e0: {  	v5 =	vsub.f32 v19, v5;
	v6 =	vmul.f32 v6, v6;
	[tilespmem:v3+s1+$0x0] =	vst.idx.add.s32.msk $0xffff, v2  }
0x1e1: {  	v8 =	vsub.f32 v17, v8;
	v4 =	vmul.f32 v4, v4;
	[tilespmem:v15+s13+$0x0] =	vst.idx.add.f32.msk $0xffff, v7  }
0x1e2: {  	v5 =	vmul.f32 v5, v5;
	v7 =	vsub.f32 v14, v9;
	[tilespmem:v13+s13+$0x0] =	vst.idx.add.f32.msk $0xffff, v6  }
0x1e3: {  	v8 =	vmul.f32 v8, v8;
	v6 =	vsub.f32 v11, v10;
	[tilespmem:v23+s13+$0x0] =	vst.idx.add.f32.msk $0xffff, v4  }
0x1e4: {  	v4 =	vmul.f32 v7, v7;
	[tilespmem:v12+s13+$0x0] =	vst.idx.add.f32.msk $0xffff, v5;
	v5 =	vsub.f32 v26, v16  }
0x1e5: {  	v6 =	vmul.f32 v6, v6;
	[tilespmem:v18+s13+$0x0] =	vst.idx.add.f32.msk $0xffff, v8  }
0x1e6: {  	[tilespmem:v27+s13+$0x0] =	vst.idx.add.f32.msk $0xffff, v4;
	v4 =	vmul.f32 v5, v5  }
0x1e7: {  	s18 =	simm.s32 $0x200;
	[tilespmem:v20+s13+$0x0] =	vst.idx.add.f32.msk $0xffff, v6  }
.LBB2_14:
0x1e8: {  	s19 =	sshra.s32 s18, $0x2;
	p0 =	sne.s32 s18, $0xFE00;
	s18 =	sadd.s32 $0x200, s18;
	[tilespmem:v3+s13+$0x0] =	vst.idx.add.f32.msk $0xffff, v4  }
0x1e9: {  	v3 =	vld [tilespmem:s19+$0xC020]  }
0x1ea: {  	v4 =	vld [tilespmem:s19+$0xC030]  }
0x1eb: {  	v5 =	vld [tilespmem:s19+$0xC010]  }
0x1ec: {  	v6 =	vld [tilespmem:s19+$0xC000]  }
0x1ed: {  	v7 =	vld [tilespmem:s19+$0xC040]  }
0x1ee: {  	v8 =	vld [tilespmem:s19+$0xC050];
	v9 =	vshra.s32 v3, $0x1F  }
0x1ef: {  	v10 =	vld [tilespmem:s19+$0xC060];
	v9 =	vor.u32 $0x80000000, v9;
	v11 =	vshra.s32 v4, $0x1F  }
0x1f0: {  	v12 =	vld [tilespmem:s19+$0x14060];
	v13 =	vshra.s32 v5, $0x1F;
	v9 =	vxor.u32 v3, v9;
	v11 =	vor.u32 $0x80000000, v11  }
0x1f1: {  	v14 =	vld [tilespmem:s19+$0x14050];
	v15 =	vshra.s32 v6, $0x1F;
	v13 =	vor.u32 $0x80000000, v13;
	v11 =	vxor.u32 v4, v11  }
0x1f2: {  	v16 =	vld [tilespmem:s19+$0xC070];
	v15 =	vor.u32 $0x80000000, v15;
	v13 =	vxor.u32 v5, v13;
	v17 =	vshra.s32 v7, $0x1F  }
0x1f3: {  	v18 =	vld [tilespmem:s19+$0x14040];
	v15 =	vxor.u32 v6, v15;
	v17 =	vor.u32 $0x80000000, v17;
	v19 =	vshra.s32 v8, $0x1F  }
0x1f4: {  	v20 =	vld [tilespmem:s19+$0x14030];
	v15 =	vshrl.u32 v15, $0x12;
	v17 =	vxor.u32 v7, v17;
	v19 =	vor.u32 $0x80000000, v19  }
0x1f5: {  	v13 =	vshrl.u32 v13, $0x12;
	v22 =	vshra.s32 v10, $0x1F;
	v21 =	vld [tilespmem:s19+$0x14020];
	v19 =	vxor.u32 v8, v19  }
0x1f6: {  	v9 =	vshrl.u32 v9, $0x12;
	v23 =	vld [tilespmem:s19+$0x14010];
	v8 =	vsub.f32 v14, v8;
	v14 =	vor.u32 $0x80000000, v22  }
0x1f7: {  	v11 =	vshrl.u32 v11, $0x12;
	v22 =	vld [tilespmem:s19+$0x14000];
	v14 =	vxor.u32 v10, v14;
	v24 =	vshra.s32 v16, $0x1F  }
0x1f8: {  	v17 =	vshrl.u32 v17, $0x12;
	v25 =	vld [tilespmem:s19+$0x14070];
	v7 =	vsub.f32 v18, v7;
	v18 =	vor.u32 $0x80000000, v24  }
0x1f9: {  	v19 =	vshrl.u32 v19, $0x12;
	v4 =	vsub.f32 v20, v4;
	v18 =	vxor.u32 v16, v18;
	[tilespmem:v15+s1+$0x0] =	vst.idx.add.s32.msk $0xffff, v2  }
0x1fa: {  	v10 =	vsub.f32 v12, v10;
	v12 =	vshrl.u32 v14, $0x12;
	v20 =	vsub.f32 v21, v3;
	[tilespmem:v13+s1+$0x0] =	vst.idx.add.s32.msk $0xffff, v2  }
0x1fb: {  	v3 =	vshrl.u32 v18, $0x12;
	v5 =	vsub.f32 v23, v5;
	[tilespmem:v9+s1+$0x0] =	vst.idx.add.s32.msk $0xffff, v2  }
0x1fc: {  	v6 =	vsub.f32 v22, v6;
	[tilespmem:v11+s1+$0x0] =	vst.idx.add.s32.msk $0xffff, v2  }
0x1fd: {  	v14 =	vsub.f32 v25, v16;
	[tilespmem:v17+s1+$0x0] =	vst.idx.add.s32.msk $0xffff, v2  }
0x1fe: {  	[tilespmem:v19+s1+$0x0] =	vst.idx.add.s32.msk $0xffff, v2  }
0x1ff: {  	v6 =	vmul.f32 v6, v6;
	[tilespmem:v12+s1+$0x0] =	vst.idx.add.s32.msk $0xffff, v2  }
0x200: {  	v5 =	vmul.f32 v5, v5;
	[tilespmem:v3+s1+$0x0] =	vst.idx.add.s32.msk $0xffff, v2  }
0x201: {  	v16 =	vmul.f32 v20, v20;
	[tilespmem:v15+s13+$0x0] =	vst.idx.add.f32.msk $0xffff, v6  }
0x202: {  	v4 =	vmul.f32 v4, v4;
	[tilespmem:v13+s13+$0x0] =	vst.idx.add.f32.msk $0xffff, v5  }
.Ltmp6:
0x203: {  	v5 =	vmul.f32 v7, v7;
	[tilespmem:v9+s13+$0x0] =	vst.idx.add.f32.msk $0xffff, v16;
	(pc) =	sbr.rel @p0 .LBB2_14-.Ltmp6, $4  }
0x204: {  	v6 =	vmul.f32 v8, v8;
	[tilespmem:v11+s13+$0x0] =	vst.idx.add.f32.msk $0xffff, v4  }
0x205: {  	v7 =	vmul.f32 v10, v10;
	[tilespmem:v17+s13+$0x0] =	vst.idx.add.f32.msk $0xffff, v5  }
0x206: {  	v4 =	vmul.f32 v14, v14;
	[tilespmem:v19+s13+$0x0] =	vst.idx.add.f32.msk $0xffff, v6  }
0x207: {  	[tilespmem:v12+s13+$0x0] =	vst.idx.add.f32.msk $0xffff, v7  }
0x208: {  	_ =	sdelay $0x3  }
0x209: {  	[tilespmem:v3+s13+$0x0] =	vst.idx.add.f32.msk $0xffff, v4;
	s18 =	simm.s32 $0x0;
	s19 =	rddreg [dreg:$0x10]  }
0x20a: {  	[tilespmem:s9], [sflag:$0x2] =	stream.linear.gather [hbm4b:s19+s18], $0x4000, $0x38;
	[tilespmem:$0x18000] =	vst v63  }
0x20b: {  	s19 =	rddreg [dreg:$0x11]  }
0x20c: {  	[tilespmem:s10], [sflag:$0x4] =	stream.linear.gather [hbm4b:s19+s18], $0x4000, $0x38;
	[tilespmem:$0x18000] =	vst v63  }
0x20d: {  	_ =	swait.ge [sflag:s11], $0x4000  }
0x20e: {  	[sflag:s11] =	ssyncset.done $0x0  }
0x20f: {  	[sflag:s11] =	ssyncadd.s32 $0xFFFFC000  }
0x210: {  	_ =	swait.ge [sflag:s12], $0x4000  }
0x211: {  	[sflag:s12] =	ssyncset.done $0x0  }
0x212: {  	s19 =	simm.s32 $0x0;
	[sflag:s12] =	ssyncadd.s32 $0xFFFFC000  }
0x213: {  	v4 =	vld [tilespmem:s19+$0x8020]  }
0x214: {  	v5 =	vld [tilespmem:s19+$0x8030]  }
0x215: {  	v6 =	vld [tilespmem:s19+$0x8010]  }
0x216: {  	v7 =	vld [tilespmem:s19+$0x8000]  }
0x217: {  	v8 =	vld [tilespmem:s19+$0x8040]  }
0x218: {  	v9 =	vld [tilespmem:s19+$0x8050]  }
0x219: {  	v10 =	vld [tilespmem:s19+$0x8060]  }
0x21a: {  	v16 =	vld [tilespmem:s19+$0x8070];
	_ =	sdelay $0x1  }
0x21b: {  	v3 =	vshra.s32 v4, $0x1F;
	v12 =	vshra.s32 v5, $0x1F  }
0x21c: {  	v11 =	vld [tilespmem:s19+$0x10060];
	v13 =	vshra.s32 v6, $0x1F;
	v15 =	vshra.s32 v7, $0x1F;
	v18 =	vshra.s32 v8, $0x1F  }
0x21d: {  	v14 =	vld [tilespmem:s19+$0x10050];
	v20 =	vshra.s32 v9, $0x1F;
	v63 =	vshra.s32 v10, $0x1F;
	v15 =	vor.u32 $0x80000000, v15  }
0x21e: {  	v17 =	vld [tilespmem:s19+$0x10040];
	v25 =	vshra.s32 v16, $0x1F;
	v13 =	vor.u32 $0x80000000, v13;
	v15 =	vxor.u32 v7, v15  }
0x21f: {  	v19 =	vld [tilespmem:s19+$0x10030];
	v3 =	vor.u32 $0x80000000, v3;
	v13 =	vxor.u32 v6, v13;
	v15 =	vshrl.u32 v15, $0x12  }
0x220: {  	v21 =	vld [tilespmem:s19+$0x10020];
	v12 =	vor.u32 $0x80000000, v12;
	v3 =	vxor.u32 v4, v3;
	v13 =	vshrl.u32 v13, $0x12  }
0x221: {  	v22 =	vld [tilespmem:s19+$0x10010];
	v18 =	vor.u32 $0x80000000, v18;
	v12 =	vxor.u32 v5, v12;
	v23 =	vshrl.u32 v3, $0x12  }
0x222: {  	v24 =	vld [tilespmem:s19+$0x10000];
	v20 =	vor.u32 $0x80000000, v20;
	v18 =	vxor.u32 v8, v18;
	v12 =	vshrl.u32 v12, $0x12  }
0x223: {  	v26 =	vld [tilespmem:s19+$0x10070];
	v3 =	vxor.u32 v9, v20;
	v20 =	vor.u32 $0x80000000, v63;
	v18 =	vshrl.u32 v18, $0x12  }
0x224: {  	v25 =	vor.u32 $0x80000000, v25;
	v20 =	vxor.u32 v10, v20;
	v27 =	vshrl.u32 v3, $0x12;
	[tilespmem:v15+s1+$0x0] =	vst.idx.add.s32.msk $0xffff, v2  }
0x225: {  	v3 =	vxor.u32 v16, v25;
	v20 =	vshrl.u32 v20, $0x12;
	[tilespmem:v13+s1+$0x0] =	vst.idx.add.s32.msk $0xffff, v2  }
0x226: {  	v3 =	vshrl.u32 v3, $0x12;
	[tilespmem:v23+s1+$0x0] =	vst.idx.add.s32.msk $0xffff, v2  }
0x227: {  	[tilespmem:v12+s1+$0x0] =	vst.idx.add.s32.msk $0xffff, v2  }
0x228: {  	v7 =	vsub.f32 v24, v7;
	[tilespmem:v18+s1+$0x0] =	vst.idx.add.s32.msk $0xffff, v2  }
0x229: {  	v6 =	vsub.f32 v22, v6;
	[tilespmem:v27+s1+$0x0] =	vst.idx.add.s32.msk $0xffff, v2  }
0x22a: {  	v4 =	vsub.f32 v21, v4;
	v7 =	vmul.f32 v7, v7;
	[tilespmem:v20+s1+$0x0] =	vst.idx.add.s32.msk $0xffff, v2  }
0x22b: {  	v5 =	vsub.f32 v19, v5;
	v6 =	vmul.f32 v6, v6;
	[tilespmem:v3+s1+$0x0] =	vst.idx.add.s32.msk $0xffff, v2  }
0x22c: {  	v8 =	vsub.f32 v17, v8;
	v4 =	vmul.f32 v4, v4;
	[tilespmem:v15+s13+$0x0] =	vst.idx.add.f32.msk $0xffff, v7  }
0x22d: {  	v5 =	vmul.f32 v5, v5;
	v7 =	vsub.f32 v14, v9;
	[tilespmem:v13+s13+$0x0] =	vst.idx.add.f32.msk $0xffff, v6  }
0x22e: {  	v8 =	vmul.f32 v8, v8;
	v6 =	vsub.f32 v11, v10;
	[tilespmem:v23+s13+$0x0] =	vst.idx.add.f32.msk $0xffff, v4  }
0x22f: {  	v4 =	vmul.f32 v7, v7;
	[tilespmem:v12+s13+$0x0] =	vst.idx.add.f32.msk $0xffff, v5;
	v5 =	vsub.f32 v26, v16  }
0x230: {  	v6 =	vmul.f32 v6, v6;
	[tilespmem:v18+s13+$0x0] =	vst.idx.add.f32.msk $0xffff, v8  }
0x231: {  	[tilespmem:v27+s13+$0x0] =	vst.idx.add.f32.msk $0xffff, v4;
	v4 =	vmul.f32 v5, v5  }
0x232: {  	s18 =	simm.s32 $0x200;
	[tilespmem:v20+s13+$0x0] =	vst.idx.add.f32.msk $0xffff, v6  }
.LBB2_16:
0x233: {  	s19 =	sshra.s32 s18, $0x2;
	p0 =	sne.s32 s18, $0xFE00;
	s18 =	sadd.s32 $0x200, s18;
	[tilespmem:v3+s13+$0x0] =	vst.idx.add.f32.msk $0xffff, v4  }
0x234: {  	v3 =	vld [tilespmem:s19+$0x8020]  }
0x235: {  	v4 =	vld [tilespmem:s19+$0x8030]  }
0x236: {  	v5 =	vld [tilespmem:s19+$0x8010]  }
0x237: {  	v6 =	vld [tilespmem:s19+$0x8000]  }
0x238: {  	v7 =	vld [tilespmem:s19+$0x8040]  }
0x239: {  	v8 =	vld [tilespmem:s19+$0x8050];
	v9 =	vshra.s32 v3, $0x1F  }
0x23a: {  	v10 =	vld [tilespmem:s19+$0x8060];
	v9 =	vor.u32 $0x80000000, v9;
	v11 =	vshra.s32 v4, $0x1F  }
0x23b: {  	v12 =	vld [tilespmem:s19+$0x10060];
	v13 =	vshra.s32 v5, $0x1F;
	v9 =	vxor.u32 v3, v9;
	v11 =	vor.u32 $0x80000000, v11  }
0x23c: {  	v14 =	vld [tilespmem:s19+$0x10050];
	v15 =	vshra.s32 v6, $0x1F;
	v13 =	vor.u32 $0x80000000, v13;
	v11 =	vxor.u32 v4, v11  }
0x23d: {  	v16 =	vld [tilespmem:s19+$0x8070];
	v15 =	vor.u32 $0x80000000, v15;
	v13 =	vxor.u32 v5, v13;
	v17 =	vshra.s32 v7, $0x1F  }
0x23e: {  	v18 =	vld [tilespmem:s19+$0x10040];
	v15 =	vxor.u32 v6, v15;
	v17 =	vor.u32 $0x80000000, v17;
	v19 =	vshra.s32 v8, $0x1F  }
0x23f: {  	v20 =	vld [tilespmem:s19+$0x10030];
	v15 =	vshrl.u32 v15, $0x12;
	v17 =	vxor.u32 v7, v17;
	v19 =	vor.u32 $0x80000000, v19  }
0x240: {  	v13 =	vshrl.u32 v13, $0x12;
	v22 =	vshra.s32 v10, $0x1F;
	v21 =	vld [tilespmem:s19+$0x10020];
	v19 =	vxor.u32 v8, v19  }
0x241: {  	v9 =	vshrl.u32 v9, $0x12;
	v23 =	vld [tilespmem:s19+$0x10010];
	v8 =	vsub.f32 v14, v8;
	v14 =	vor.u32 $0x80000000, v22  }
0x242: {  	v11 =	vshrl.u32 v11, $0x12;
	v22 =	vld [tilespmem:s19+$0x10000];
	v14 =	vxor.u32 v10, v14;
	v24 =	vshra.s32 v16, $0x1F  }
0x243: {  	v17 =	vshrl.u32 v17, $0x12;
	v25 =	vld [tilespmem:s19+$0x10070];
	v7 =	vsub.f32 v18, v7;
	v18 =	vor.u32 $0x80000000, v24  }
0x244: {  	v19 =	vshrl.u32 v19, $0x12;
	v4 =	vsub.f32 v20, v4;
	v18 =	vxor.u32 v16, v18;
	[tilespmem:v15+s1+$0x0] =	vst.idx.add.s32.msk $0xffff, v2  }
0x245: {  	v10 =	vsub.f32 v12, v10;
	v12 =	vshrl.u32 v14, $0x12;
	v20 =	vsub.f32 v21, v3;
	[tilespmem:v13+s1+$0x0] =	vst.idx.add.s32.msk $0xffff, v2  }
0x246: {  	v3 =	vshrl.u32 v18, $0x12;
	v5 =	vsub.f32 v23, v5;
	[tilespmem:v9+s1+$0x0] =	vst.idx.add.s32.msk $0xffff, v2  }
0x247: {  	v6 =	vsub.f32 v22, v6;
	[tilespmem:v11+s1+$0x0] =	vst.idx.add.s32.msk $0xffff, v2  }
0x248: {  	v14 =	vsub.f32 v25, v16;
	[tilespmem:v17+s1+$0x0] =	vst.idx.add.s32.msk $0xffff, v2  }
0x249: {  	[tilespmem:v19+s1+$0x0] =	vst.idx.add.s32.msk $0xffff, v2  }
0x24a: {  	v6 =	vmul.f32 v6, v6;
	[tilespmem:v12+s1+$0x0] =	vst.idx.add.s32.msk $0xffff, v2  }
0x24b: {  	v5 =	vmul.f32 v5, v5;
	[tilespmem:v3+s1+$0x0] =	vst.idx.add.s32.msk $0xffff, v2  }
0x24c: {  	v16 =	vmul.f32 v20, v20;
	[tilespmem:v15+s13+$0x0] =	vst.idx.add.f32.msk $0xffff, v6  }
0x24d: {  	v4 =	vmul.f32 v4, v4;
	[tilespmem:v13+s13+$0x0] =	vst.idx.add.f32.msk $0xffff, v5  }
.Ltmp7:
0x24e: {  	v5 =	vmul.f32 v7, v7;
	[tilespmem:v9+s13+$0x0] =	vst.idx.add.f32.msk $0xffff, v16;
	(pc) =	sbr.rel @p0 .LBB2_16-.Ltmp7, $4  }
0x24f: {  	v6 =	vmul.f32 v8, v8;
	[tilespmem:v11+s13+$0x0] =	vst.idx.add.f32.msk $0xffff, v4  }
0x250: {  	v7 =	vmul.f32 v10, v10;
	[tilespmem:v17+s13+$0x0] =	vst.idx.add.f32.msk $0xffff, v5  }
0x251: {  	v4 =	vmul.f32 v14, v14;
	[tilespmem:v19+s13+$0x0] =	vst.idx.add.f32.msk $0xffff, v6  }
0x252: {  	[tilespmem:v12+s13+$0x0] =	vst.idx.add.f32.msk $0xffff, v7  }
0x253: {  	_ =	sdelay $0x3  }
0x254: {  	[tilespmem:v3+s13+$0x0] =	vst.idx.add.f32.msk $0xffff, v4;
	s18 =	simm.s32 $0x0;
	s19 =	rddreg [dreg:$0x12]  }
0x255: {  	[tilespmem:s7], [sflag:$0x1] =	stream.linear.gather [hbm4b:s19+s18], $0x4000, $0x38;
	[tilespmem:$0x18000] =	vst v63  }
0x256: {  	s19 =	rddreg [dreg:$0x13]  }
0x257: {  	[tilespmem:s8], [sflag:$0x3] =	stream.linear.gather [hbm4b:s19+s18], $0x4000, $0x38;
	[tilespmem:$0x18000] =	vst v63  }
0x258: {  	_ =	swait.ge [sflag:s14], $0x4000  }
0x259: {  	[sflag:s14] =	ssyncset.done $0x0  }
0x25a: {  	[sflag:s14] =	ssyncadd.s32 $0xFFFFC000  }
0x25b: {  	_ =	swait.ge [sflag:s15], $0x4000  }
0x25c: {  	[sflag:s15] =	ssyncset.done $0x0  }
0x25d: {  	s19 =	simm.s32 $0x0;
	[sflag:s15] =	ssyncadd.s32 $0xFFFFC000  }
0x25e: {  	v4 =	vld [tilespmem:s19+$0xC020]  }
0x25f: {  	v5 =	vld [tilespmem:s19+$0xC030]  }
0x260: {  	v6 =	vld [tilespmem:s19+$0xC010]  }
0x261: {  	v7 =	vld [tilespmem:s19+$0xC000]  }
0x262: {  	v8 =	vld [tilespmem:s19+$0xC040]  }
0x263: {  	v9 =	vld [tilespmem:s19+$0xC050]  }
0x264: {  	v10 =	vld [tilespmem:s19+$0xC060]  }
0x265: {  	v16 =	vld [tilespmem:s19+$0xC070];
	_ =	sdelay $0x1  }
0x266: {  	v3 =	vshra.s32 v4, $0x1F;
	v12 =	vshra.s32 v5, $0x1F  }
0x267: {  	v11 =	vld [tilespmem:s19+$0x14060];
	v13 =	vshra.s32 v6, $0x1F;
	v15 =	vshra.s32 v7, $0x1F;
	v18 =	vshra.s32 v8, $0x1F  }
0x268: {  	v14 =	vld [tilespmem:s19+$0x14050];
	v20 =	vshra.s32 v9, $0x1F;
	v63 =	vshra.s32 v10, $0x1F;
	v15 =	vor.u32 $0x80000000, v15  }
0x269: {  	v17 =	vld [tilespmem:s19+$0x14040];
	v25 =	vshra.s32 v16, $0x1F;
	v13 =	vor.u32 $0x80000000, v13;
	v15 =	vxor.u32 v7, v15  }
0x26a: {  	v19 =	vld [tilespmem:s19+$0x14030];
	v3 =	vor.u32 $0x80000000, v3;
	v13 =	vxor.u32 v6, v13;
	v15 =	vshrl.u32 v15, $0x12  }
0x26b: {  	v21 =	vld [tilespmem:s19+$0x14020];
	v12 =	vor.u32 $0x80000000, v12;
	v3 =	vxor.u32 v4, v3;
	v13 =	vshrl.u32 v13, $0x12  }
0x26c: {  	v22 =	vld [tilespmem:s19+$0x14010];
	v18 =	vor.u32 $0x80000000, v18;
	v12 =	vxor.u32 v5, v12;
	v23 =	vshrl.u32 v3, $0x12  }
0x26d: {  	v24 =	vld [tilespmem:s19+$0x14000];
	v20 =	vor.u32 $0x80000000, v20;
	v18 =	vxor.u32 v8, v18;
	v12 =	vshrl.u32 v12, $0x12  }
0x26e: {  	v26 =	vld [tilespmem:s19+$0x14070];
	v3 =	vxor.u32 v9, v20;
	v20 =	vor.u32 $0x80000000, v63;
	v18 =	vshrl.u32 v18, $0x12  }
0x26f: {  	v25 =	vor.u32 $0x80000000, v25;
	v20 =	vxor.u32 v10, v20;
	v27 =	vshrl.u32 v3, $0x12;
	[tilespmem:v15+s1+$0x0] =	vst.idx.add.s32.msk $0xffff, v2  }
0x270: {  	v3 =	vxor.u32 v16, v25;
	v20 =	vshrl.u32 v20, $0x12;
	[tilespmem:v13+s1+$0x0] =	vst.idx.add.s32.msk $0xffff, v2  }
0x271: {  	v3 =	vshrl.u32 v3, $0x12;
	[tilespmem:v23+s1+$0x0] =	vst.idx.add.s32.msk $0xffff, v2  }
0x272: {  	[tilespmem:v12+s1+$0x0] =	vst.idx.add.s32.msk $0xffff, v2  }
0x273: {  	v7 =	vsub.f32 v24, v7;
	[tilespmem:v18+s1+$0x0] =	vst.idx.add.s32.msk $0xffff, v2  }
0x274: {  	v6 =	vsub.f32 v22, v6;
	[tilespmem:v27+s1+$0x0] =	vst.idx.add.s32.msk $0xffff, v2  }
0x275: {  	v4 =	vsub.f32 v21, v4;
	v7 =	vmul.f32 v7, v7;
	[tilespmem:v20+s1+$0x0] =	vst.idx.add.s32.msk $0xffff, v2  }
0x276: {  	v5 =	vsub.f32 v19, v5;
	v6 =	vmul.f32 v6, v6;
	[tilespmem:v3+s1+$0x0] =	vst.idx.add.s32.msk $0xffff, v2  }
0x277: {  	v8 =	vsub.f32 v17, v8;
	v4 =	vmul.f32 v4, v4;
	[tilespmem:v15+s13+$0x0] =	vst.idx.add.f32.msk $0xffff, v7  }
0x278: {  	v5 =	vmul.f32 v5, v5;
	v7 =	vsub.f32 v14, v9;
	[tilespmem:v13+s13+$0x0] =	vst.idx.add.f32.msk $0xffff, v6  }
0x279: {  	v8 =	vmul.f32 v8, v8;
	v6 =	vsub.f32 v11, v10;
	[tilespmem:v23+s13+$0x0] =	vst.idx.add.f32.msk $0xffff, v4  }
0x27a: {  	v4 =	vmul.f32 v7, v7;
	[tilespmem:v12+s13+$0x0] =	vst.idx.add.f32.msk $0xffff, v5;
	v5 =	vsub.f32 v26, v16  }
0x27b: {  	v6 =	vmul.f32 v6, v6;
	[tilespmem:v18+s13+$0x0] =	vst.idx.add.f32.msk $0xffff, v8  }
0x27c: {  	[tilespmem:v27+s13+$0x0] =	vst.idx.add.f32.msk $0xffff, v4;
	v4 =	vmul.f32 v5, v5  }
0x27d: {  	s18 =	simm.s32 $0x200;
	[tilespmem:v20+s13+$0x0] =	vst.idx.add.f32.msk $0xffff, v6  }
.LBB2_18:
0x27e: {  	s19 =	sshra.s32 s18, $0x2;
	p0 =	sne.s32 s18, $0xFE00;
	s18 =	sadd.s32 $0x200, s18;
	[tilespmem:v3+s13+$0x0] =	vst.idx.add.f32.msk $0xffff, v4  }
0x27f: {  	v3 =	vld [tilespmem:s19+$0xC020]  }
0x280: {  	v4 =	vld [tilespmem:s19+$0xC030]  }
0x281: {  	v5 =	vld [tilespmem:s19+$0xC010]  }
0x282: {  	v6 =	vld [tilespmem:s19+$0xC000]  }
0x283: {  	v7 =	vld [tilespmem:s19+$0xC040]  }
0x284: {  	v8 =	vld [tilespmem:s19+$0xC050];
	v9 =	vshra.s32 v3, $0x1F  }
0x285: {  	v10 =	vld [tilespmem:s19+$0xC060];
	v9 =	vor.u32 $0x80000000, v9;
	v11 =	vshra.s32 v4, $0x1F  }
0x286: {  	v12 =	vld [tilespmem:s19+$0x14060];
	v13 =	vshra.s32 v5, $0x1F;
	v9 =	vxor.u32 v3, v9;
	v11 =	vor.u32 $0x80000000, v11  }
0x287: {  	v14 =	vld [tilespmem:s19+$0x14050];
	v15 =	vshra.s32 v6, $0x1F;
	v13 =	vor.u32 $0x80000000, v13;
	v11 =	vxor.u32 v4, v11  }
0x288: {  	v16 =	vld [tilespmem:s19+$0xC070];
	v15 =	vor.u32 $0x80000000, v15;
	v13 =	vxor.u32 v5, v13;
	v17 =	vshra.s32 v7, $0x1F  }
0x289: {  	v18 =	vld [tilespmem:s19+$0x14040];
	v15 =	vxor.u32 v6, v15;
	v17 =	vor.u32 $0x80000000, v17;
	v19 =	vshra.s32 v8, $0x1F  }
0x28a: {  	v20 =	vld [tilespmem:s19+$0x14030];
	v15 =	vshrl.u32 v15, $0x12;
	v17 =	vxor.u32 v7, v17;
	v19 =	vor.u32 $0x80000000, v19  }
0x28b: {  	v13 =	vshrl.u32 v13, $0x12;
	v22 =	vshra.s32 v10, $0x1F;
	v21 =	vld [tilespmem:s19+$0x14020];
	v19 =	vxor.u32 v8, v19  }
0x28c: {  	v9 =	vshrl.u32 v9, $0x12;
	v23 =	vld [tilespmem:s19+$0x14010];
	v8 =	vsub.f32 v14, v8;
	v14 =	vor.u32 $0x80000000, v22  }
0x28d: {  	v11 =	vshrl.u32 v11, $0x12;
	v22 =	vld [tilespmem:s19+$0x14000];
	v14 =	vxor.u32 v10, v14;
	v24 =	vshra.s32 v16, $0x1F  }
0x28e: {  	v17 =	vshrl.u32 v17, $0x12;
	v25 =	vld [tilespmem:s19+$0x14070];
	v7 =	vsub.f32 v18, v7;
	v18 =	vor.u32 $0x80000000, v24  }
0x28f: {  	v19 =	vshrl.u32 v19, $0x12;
	v4 =	vsub.f32 v20, v4;
	v18 =	vxor.u32 v16, v18;
	[tilespmem:v15+s1+$0x0] =	vst.idx.add.s32.msk $0xffff, v2  }
0x290: {  	v10 =	vsub.f32 v12, v10;
	v12 =	vshrl.u32 v14, $0x12;
	v20 =	vsub.f32 v21, v3;
	[tilespmem:v13+s1+$0x0] =	vst.idx.add.s32.msk $0xffff, v2  }
0x291: {  	v3 =	vshrl.u32 v18, $0x12;
	v5 =	vsub.f32 v23, v5;
	[tilespmem:v9+s1+$0x0] =	vst.idx.add.s32.msk $0xffff, v2  }
0x292: {  	v6 =	vsub.f32 v22, v6;
	[tilespmem:v11+s1+$0x0] =	vst.idx.add.s32.msk $0xffff, v2  }
0x293: {  	v14 =	vsub.f32 v25, v16;
	[tilespmem:v17+s1+$0x0] =	vst.idx.add.s32.msk $0xffff, v2  }
0x294: {  	[tilespmem:v19+s1+$0x0] =	vst.idx.add.s32.msk $0xffff, v2  }
0x295: {  	v6 =	vmul.f32 v6, v6;
	[tilespmem:v12+s1+$0x0] =	vst.idx.add.s32.msk $0xffff, v2  }
0x296: {  	v5 =	vmul.f32 v5, v5;
	[tilespmem:v3+s1+$0x0] =	vst.idx.add.s32.msk $0xffff, v2  }
0x297: {  	v16 =	vmul.f32 v20, v20;
	[tilespmem:v15+s13+$0x0] =	vst.idx.add.f32.msk $0xffff, v6  }
0x298: {  	v4 =	vmul.f32 v4, v4;
	[tilespmem:v13+s13+$0x0] =	vst.idx.add.f32.msk $0xffff, v5  }
.Ltmp8:
0x299: {  	v5 =	vmul.f32 v7, v7;
	[tilespmem:v9+s13+$0x0] =	vst.idx.add.f32.msk $0xffff, v16;
	(pc) =	sbr.rel @p0 .LBB2_18-.Ltmp8, $4  }
0x29a: {  	v6 =	vmul.f32 v8, v8;
	[tilespmem:v11+s13+$0x0] =	vst.idx.add.f32.msk $0xffff, v4  }
0x29b: {  	v7 =	vmul.f32 v10, v10;
	[tilespmem:v17+s13+$0x0] =	vst.idx.add.f32.msk $0xffff, v5  }
0x29c: {  	v4 =	vmul.f32 v14, v14;
	[tilespmem:v19+s13+$0x0] =	vst.idx.add.f32.msk $0xffff, v6  }
0x29d: {  	[tilespmem:v12+s13+$0x0] =	vst.idx.add.f32.msk $0xffff, v7  }
0x29e: {  	_ =	sdelay $0x3  }
0x29f: {  	[tilespmem:v3+s13+$0x0] =	vst.idx.add.f32.msk $0xffff, v4;
	s18 =	simm.s32 $0x0;
	s19 =	rddreg [dreg:$0x14]  }
0x2a0: {  	[tilespmem:s9], [sflag:$0x2] =	stream.linear.gather [hbm4b:s19+s18], $0x4000, $0x38;
	[tilespmem:$0x18000] =	vst v63  }
0x2a1: {  	s19 =	rddreg [dreg:$0x15]  }
0x2a2: {  	[tilespmem:s10], [sflag:$0x4] =	stream.linear.gather [hbm4b:s19+s18], $0x4000, $0x38;
	[tilespmem:$0x18000] =	vst v63  }
0x2a3: {  	_ =	swait.ge [sflag:s11], $0x4000  }
0x2a4: {  	[sflag:s11] =	ssyncset.done $0x0  }
0x2a5: {  	[sflag:s11] =	ssyncadd.s32 $0xFFFFC000  }
0x2a6: {  	_ =	swait.ge [sflag:s12], $0x4000  }
0x2a7: {  	[sflag:s12] =	ssyncset.done $0x0  }
0x2a8: {  	s19 =	simm.s32 $0x0;
	[sflag:s12] =	ssyncadd.s32 $0xFFFFC000  }
0x2a9: {  	v4 =	vld [tilespmem:s19+$0x8020]  }
0x2aa: {  	v5 =	vld [tilespmem:s19+$0x8030]  }
0x2ab: {  	v6 =	vld [tilespmem:s19+$0x8010]  }
0x2ac: {  	v7 =	vld [tilespmem:s19+$0x8000]  }
0x2ad: {  	v8 =	vld [tilespmem:s19+$0x8040]  }
0x2ae: {  	v9 =	vld [tilespmem:s19+$0x8050]  }
0x2af: {  	v10 =	vld [tilespmem:s19+$0x8060]  }
0x2b0: {  	v16 =	vld [tilespmem:s19+$0x8070];
	_ =	sdelay $0x1  }
0x2b1: {  	v3 =	vshra.s32 v4, $0x1F;
	v12 =	vshra.s32 v5, $0x1F  }
0x2b2: {  	v11 =	vld [tilespmem:s19+$0x10060];
	v13 =	vshra.s32 v6, $0x1F;
	v15 =	vshra.s32 v7, $0x1F;
	v18 =	vshra.s32 v8, $0x1F  }
0x2b3: {  	v14 =	vld [tilespmem:s19+$0x10050];
	v20 =	vshra.s32 v9, $0x1F;
	v63 =	vshra.s32 v10, $0x1F;
	v15 =	vor.u32 $0x80000000, v15  }
0x2b4: {  	v17 =	vld [tilespmem:s19+$0x10040];
	v25 =	vshra.s32 v16, $0x1F;
	v13 =	vor.u32 $0x80000000, v13;
	v15 =	vxor.u32 v7, v15  }
0x2b5: {  	v19 =	vld [tilespmem:s19+$0x10030];
	v3 =	vor.u32 $0x80000000, v3;
	v13 =	vxor.u32 v6, v13;
	v15 =	vshrl.u32 v15, $0x12  }
0x2b6: {  	v21 =	vld [tilespmem:s19+$0x10020];
	v12 =	vor.u32 $0x80000000, v12;
	v3 =	vxor.u32 v4, v3;
	v13 =	vshrl.u32 v13, $0x12  }
0x2b7: {  	v22 =	vld [tilespmem:s19+$0x10010];
	v18 =	vor.u32 $0x80000000, v18;
	v12 =	vxor.u32 v5, v12;
	v23 =	vshrl.u32 v3, $0x12  }
0x2b8: {  	v24 =	vld [tilespmem:s19+$0x10000];
	v20 =	vor.u32 $0x80000000, v20;
	v18 =	vxor.u32 v8, v18;
	v12 =	vshrl.u32 v12, $0x12  }
0x2b9: {  	v26 =	vld [tilespmem:s19+$0x10070];
	v3 =	vxor.u32 v9, v20;
	v20 =	vor.u32 $0x80000000, v63;
	v18 =	vshrl.u32 v18, $0x12  }
0x2ba: {  	v25 =	vor.u32 $0x80000000, v25;
	v20 =	vxor.u32 v10, v20;
	v27 =	vshrl.u32 v3, $0x12;
	[tilespmem:v15+s1+$0x0] =	vst.idx.add.s32.msk $0xffff, v2  }
0x2bb: {  	v3 =	vxor.u32 v16, v25;
	v20 =	vshrl.u32 v20, $0x12;
	[tilespmem:v13+s1+$0x0] =	vst.idx.add.s32.msk $0xffff, v2  }
0x2bc: {  	v3 =	vshrl.u32 v3, $0x12;
	[tilespmem:v23+s1+$0x0] =	vst.idx.add.s32.msk $0xffff, v2  }
0x2bd: {  	[tilespmem:v12+s1+$0x0] =	vst.idx.add.s32.msk $0xffff, v2  }
0x2be: {  	v7 =	vsub.f32 v24, v7;
	[tilespmem:v18+s1+$0x0] =	vst.idx.add.s32.msk $0xffff, v2  }
0x2bf: {  	v6 =	vsub.f32 v22, v6;
	[tilespmem:v27+s1+$0x0] =	vst.idx.add.s32.msk $0xffff, v2  }
0x2c0: {  	v4 =	vsub.f32 v21, v4;
	v7 =	vmul.f32 v7, v7;
	[tilespmem:v20+s1+$0x0] =	vst.idx.add.s32.msk $0xffff, v2  }
0x2c1: {  	v5 =	vsub.f32 v19, v5;
	v6 =	vmul.f32 v6, v6;
	[tilespmem:v3+s1+$0x0] =	vst.idx.add.s32.msk $0xffff, v2  }
0x2c2: {  	v8 =	vsub.f32 v17, v8;
	v4 =	vmul.f32 v4, v4;
	[tilespmem:v15+s13+$0x0] =	vst.idx.add.f32.msk $0xffff, v7  }
0x2c3: {  	v5 =	vmul.f32 v5, v5;
	v7 =	vsub.f32 v14, v9;
	[tilespmem:v13+s13+$0x0] =	vst.idx.add.f32.msk $0xffff, v6  }
0x2c4: {  	v8 =	vmul.f32 v8, v8;
	v6 =	vsub.f32 v11, v10;
	[tilespmem:v23+s13+$0x0] =	vst.idx.add.f32.msk $0xffff, v4  }
0x2c5: {  	v4 =	vmul.f32 v7, v7;
	[tilespmem:v12+s13+$0x0] =	vst.idx.add.f32.msk $0xffff, v5;
	v5 =	vsub.f32 v26, v16  }
0x2c6: {  	v6 =	vmul.f32 v6, v6;
	[tilespmem:v18+s13+$0x0] =	vst.idx.add.f32.msk $0xffff, v8  }
0x2c7: {  	[tilespmem:v27+s13+$0x0] =	vst.idx.add.f32.msk $0xffff, v4;
	v4 =	vmul.f32 v5, v5  }
0x2c8: {  	s18 =	simm.s32 $0x200;
	[tilespmem:v20+s13+$0x0] =	vst.idx.add.f32.msk $0xffff, v6  }
.LBB2_20:
0x2c9: {  	s19 =	sshra.s32 s18, $0x2;
	p0 =	sne.s32 s18, $0xFE00;
	s18 =	sadd.s32 $0x200, s18;
	[tilespmem:v3+s13+$0x0] =	vst.idx.add.f32.msk $0xffff, v4  }
0x2ca: {  	v3 =	vld [tilespmem:s19+$0x8020]  }
0x2cb: {  	v4 =	vld [tilespmem:s19+$0x8030]  }
0x2cc: {  	v5 =	vld [tilespmem:s19+$0x8010]  }
0x2cd: {  	v6 =	vld [tilespmem:s19+$0x8000]  }
0x2ce: {  	v7 =	vld [tilespmem:s19+$0x8040]  }
0x2cf: {  	v8 =	vld [tilespmem:s19+$0x8050];
	v9 =	vshra.s32 v3, $0x1F  }
0x2d0: {  	v10 =	vld [tilespmem:s19+$0x8060];
	v9 =	vor.u32 $0x80000000, v9;
	v11 =	vshra.s32 v4, $0x1F  }
0x2d1: {  	v12 =	vld [tilespmem:s19+$0x10060];
	v13 =	vshra.s32 v5, $0x1F;
	v9 =	vxor.u32 v3, v9;
	v11 =	vor.u32 $0x80000000, v11  }
0x2d2: {  	v14 =	vld [tilespmem:s19+$0x10050];
	v15 =	vshra.s32 v6, $0x1F;
	v13 =	vor.u32 $0x80000000, v13;
	v11 =	vxor.u32 v4, v11  }
0x2d3: {  	v16 =	vld [tilespmem:s19+$0x8070];
	v15 =	vor.u32 $0x80000000, v15;
	v13 =	vxor.u32 v5, v13;
	v17 =	vshra.s32 v7, $0x1F  }
0x2d4: {  	v18 =	vld [tilespmem:s19+$0x10040];
	v15 =	vxor.u32 v6, v15;
	v17 =	vor.u32 $0x80000000, v17;
	v19 =	vshra.s32 v8, $0x1F  }
0x2d5: {  	v20 =	vld [tilespmem:s19+$0x10030];
	v15 =	vshrl.u32 v15, $0x12;
	v17 =	vxor.u32 v7, v17;
	v19 =	vor.u32 $0x80000000, v19  }
0x2d6: {  	v13 =	vshrl.u32 v13, $0x12;
	v22 =	vshra.s32 v10, $0x1F;
	v21 =	vld [tilespmem:s19+$0x10020];
	v19 =	vxor.u32 v8, v19  }
0x2d7: {  	v9 =	vshrl.u32 v9, $0x12;
	v23 =	vld [tilespmem:s19+$0x10010];
	v8 =	vsub.f32 v14, v8;
	v14 =	vor.u32 $0x80000000, v22  }
0x2d8: {  	v11 =	vshrl.u32 v11, $0x12;
	v22 =	vld [tilespmem:s19+$0x10000];
	v14 =	vxor.u32 v10, v14;
	v24 =	vshra.s32 v16, $0x1F  }
0x2d9: {  	v17 =	vshrl.u32 v17, $0x12;
	v25 =	vld [tilespmem:s19+$0x10070];
	v7 =	vsub.f32 v18, v7;
	v18 =	vor.u32 $0x80000000, v24  }
0x2da: {  	v19 =	vshrl.u32 v19, $0x12;
	v4 =	vsub.f32 v20, v4;
	v18 =	vxor.u32 v16, v18;
	[tilespmem:v15+s1+$0x0] =	vst.idx.add.s32.msk $0xffff, v2  }
0x2db: {  	v10 =	vsub.f32 v12, v10;
	v12 =	vshrl.u32 v14, $0x12;
	v20 =	vsub.f32 v21, v3;
	[tilespmem:v13+s1+$0x0] =	vst.idx.add.s32.msk $0xffff, v2  }
0x2dc: {  	v3 =	vshrl.u32 v18, $0x12;
	v5 =	vsub.f32 v23, v5;
	[tilespmem:v9+s1+$0x0] =	vst.idx.add.s32.msk $0xffff, v2  }
0x2dd: {  	v6 =	vsub.f32 v22, v6;
	[tilespmem:v11+s1+$0x0] =	vst.idx.add.s32.msk $0xffff, v2  }
0x2de: {  	v14 =	vsub.f32 v25, v16;
	[tilespmem:v17+s1+$0x0] =	vst.idx.add.s32.msk $0xffff, v2  }
0x2df: {  	[tilespmem:v19+s1+$0x0] =	vst.idx.add.s32.msk $0xffff, v2  }
0x2e0: {  	v6 =	vmul.f32 v6, v6;
	[tilespmem:v12+s1+$0x0] =	vst.idx.add.s32.msk $0xffff, v2  }
0x2e1: {  	v5 =	vmul.f32 v5, v5;
	[tilespmem:v3+s1+$0x0] =	vst.idx.add.s32.msk $0xffff, v2  }
0x2e2: {  	v16 =	vmul.f32 v20, v20;
	[tilespmem:v15+s13+$0x0] =	vst.idx.add.f32.msk $0xffff, v6  }
0x2e3: {  	v4 =	vmul.f32 v4, v4;
	[tilespmem:v13+s13+$0x0] =	vst.idx.add.f32.msk $0xffff, v5  }
.Ltmp9:
0x2e4: {  	v5 =	vmul.f32 v7, v7;
	[tilespmem:v9+s13+$0x0] =	vst.idx.add.f32.msk $0xffff, v16;
	(pc) =	sbr.rel @p0 .LBB2_20-.Ltmp9, $4  }
0x2e5: {  	v6 =	vmul.f32 v8, v8;
	[tilespmem:v11+s13+$0x0] =	vst.idx.add.f32.msk $0xffff, v4  }
0x2e6: {  	v7 =	vmul.f32 v10, v10;
	[tilespmem:v17+s13+$0x0] =	vst.idx.add.f32.msk $0xffff, v5  }
0x2e7: {  	v4 =	vmul.f32 v14, v14;
	[tilespmem:v19+s13+$0x0] =	vst.idx.add.f32.msk $0xffff, v6  }
0x2e8: {  	[tilespmem:v12+s13+$0x0] =	vst.idx.add.f32.msk $0xffff, v7  }
0x2e9: {  	_ =	sdelay $0x3  }
0x2ea: {  	[tilespmem:v3+s13+$0x0] =	vst.idx.add.f32.msk $0xffff, v4;
	s18 =	simm.s32 $0x0  }
0x2eb: {  	[tilespmem:s7], [sflag:$0x1] =	stream.linear.gather [hbm4b:s20+s18], $0x4000, $0x38;
	[tilespmem:$0x18000] =	vst v63  }
0x2ec: {  	_ = 	snop  }
0x2ed: {  	[tilespmem:s8], [sflag:$0x3] =	stream.linear.gather [hbm4b:s21+s18], $0x4000, $0x38;
	[tilespmem:$0x18000] =	vst v63  }
0x2ee: {  	_ =	swait.ge [sflag:s14], $0x4000  }
0x2ef: {  	[sflag:s14] =	ssyncset.done $0x0  }
0x2f0: {  	[sflag:s14] =	ssyncadd.s32 $0xFFFFC000  }
0x2f1: {  	_ =	swait.ge [sflag:s15], $0x4000  }
0x2f2: {  	[sflag:s15] =	ssyncset.done $0x0  }
0x2f3: {  	s19 =	simm.s32 $0x0;
	[sflag:s15] =	ssyncadd.s32 $0xFFFFC000  }
0x2f4: {  	v4 =	vld [tilespmem:s19+$0xC020]  }
0x2f5: {  	v5 =	vld [tilespmem:s19+$0xC030]  }
0x2f6: {  	v6 =	vld [tilespmem:s19+$0xC010]  }
0x2f7: {  	v7 =	vld [tilespmem:s19+$0xC000]  }
0x2f8: {  	v8 =	vld [tilespmem:s19+$0xC040]  }
0x2f9: {  	v9 =	vld [tilespmem:s19+$0xC050]  }
0x2fa: {  	v10 =	vld [tilespmem:s19+$0xC060]  }
0x2fb: {  	v16 =	vld [tilespmem:s19+$0xC070];
	_ =	sdelay $0x1  }
0x2fc: {  	v3 =	vshra.s32 v4, $0x1F;
	v12 =	vshra.s32 v5, $0x1F  }
0x2fd: {  	v11 =	vld [tilespmem:s19+$0x14060];
	v13 =	vshra.s32 v6, $0x1F;
	v15 =	vshra.s32 v7, $0x1F;
	v18 =	vshra.s32 v8, $0x1F  }
0x2fe: {  	v14 =	vld [tilespmem:s19+$0x14050];
	v20 =	vshra.s32 v9, $0x1F;
	v63 =	vshra.s32 v10, $0x1F;
	v15 =	vor.u32 $0x80000000, v15  }
0x2ff: {  	v17 =	vld [tilespmem:s19+$0x14040];
	v25 =	vshra.s32 v16, $0x1F;
	v13 =	vor.u32 $0x80000000, v13;
	v15 =	vxor.u32 v7, v15  }
0x300: {  	v19 =	vld [tilespmem:s19+$0x14030];
	v3 =	vor.u32 $0x80000000, v3;
	v13 =	vxor.u32 v6, v13;
	v15 =	vshrl.u32 v15, $0x12  }
0x301: {  	v21 =	vld [tilespmem:s19+$0x14020];
	v12 =	vor.u32 $0x80000000, v12;
	v3 =	vxor.u32 v4, v3;
	v13 =	vshrl.u32 v13, $0x12  }
0x302: {  	v22 =	vld [tilespmem:s19+$0x14010];
	v18 =	vor.u32 $0x80000000, v18;
	v12 =	vxor.u32 v5, v12;
	v23 =	vshrl.u32 v3, $0x12  }
0x303: {  	v24 =	vld [tilespmem:s19+$0x14000];
	v20 =	vor.u32 $0x80000000, v20;
	v18 =	vxor.u32 v8, v18;
	v12 =	vshrl.u32 v12, $0x12  }
0x304: {  	v26 =	vld [tilespmem:s19+$0x14070];
	v3 =	vxor.u32 v9, v20;
	v20 =	vor.u32 $0x80000000, v63;
	v18 =	vshrl.u32 v18, $0x12  }
0x305: {  	v25 =	vor.u32 $0x80000000, v25;
	v20 =	vxor.u32 v10, v20;
	v27 =	vshrl.u32 v3, $0x12;
	[tilespmem:v15+s1+$0x0] =	vst.idx.add.s32.msk $0xffff, v2  }
0x306: {  	v3 =	vxor.u32 v16, v25;
	v20 =	vshrl.u32 v20, $0x12;
	[tilespmem:v13+s1+$0x0] =	vst.idx.add.s32.msk $0xffff, v2  }
0x307: {  	v3 =	vshrl.u32 v3, $0x12;
	[tilespmem:v23+s1+$0x0] =	vst.idx.add.s32.msk $0xffff, v2  }
0x308: {  	[tilespmem:v12+s1+$0x0] =	vst.idx.add.s32.msk $0xffff, v2  }
0x309: {  	v7 =	vsub.f32 v24, v7;
	[tilespmem:v18+s1+$0x0] =	vst.idx.add.s32.msk $0xffff, v2  }
0x30a: {  	v6 =	vsub.f32 v22, v6;
	[tilespmem:v27+s1+$0x0] =	vst.idx.add.s32.msk $0xffff, v2  }
0x30b: {  	v4 =	vsub.f32 v21, v4;
	v7 =	vmul.f32 v7, v7;
	[tilespmem:v20+s1+$0x0] =	vst.idx.add.s32.msk $0xffff, v2  }
0x30c: {  	v5 =	vsub.f32 v19, v5;
	v6 =	vmul.f32 v6, v6;
	[tilespmem:v3+s1+$0x0] =	vst.idx.add.s32.msk $0xffff, v2  }
0x30d: {  	v8 =	vsub.f32 v17, v8;
	v4 =	vmul.f32 v4, v4;
	[tilespmem:v15+s13+$0x0] =	vst.idx.add.f32.msk $0xffff, v7  }
0x30e: {  	v5 =	vmul.f32 v5, v5;
	v7 =	vsub.f32 v14, v9;
	[tilespmem:v13+s13+$0x0] =	vst.idx.add.f32.msk $0xffff, v6  }
0x30f: {  	v8 =	vmul.f32 v8, v8;
	v6 =	vsub.f32 v11, v10;
	[tilespmem:v23+s13+$0x0] =	vst.idx.add.f32.msk $0xffff, v4  }
0x310: {  	v4 =	vmul.f32 v7, v7;
	[tilespmem:v12+s13+$0x0] =	vst.idx.add.f32.msk $0xffff, v5;
	v5 =	vsub.f32 v26, v16  }
0x311: {  	v6 =	vmul.f32 v6, v6;
	[tilespmem:v18+s13+$0x0] =	vst.idx.add.f32.msk $0xffff, v8  }
0x312: {  	[tilespmem:v27+s13+$0x0] =	vst.idx.add.f32.msk $0xffff, v4;
	v4 =	vmul.f32 v5, v5  }
0x313: {  	s18 =	simm.s32 $0x200;
	[tilespmem:v20+s13+$0x0] =	vst.idx.add.f32.msk $0xffff, v6  }
.LBB2_22:
0x314: {  	s19 =	sshra.s32 s18, $0x2;
	p0 =	sne.s32 s18, $0xFE00;
	s18 =	sadd.s32 $0x200, s18;
	[tilespmem:v3+s13+$0x0] =	vst.idx.add.f32.msk $0xffff, v4  }
0x315: {  	v3 =	vld [tilespmem:s19+$0xC020]  }
0x316: {  	v4 =	vld [tilespmem:s19+$0xC030]  }
0x317: {  	v5 =	vld [tilespmem:s19+$0xC010]  }
0x318: {  	v6 =	vld [tilespmem:s19+$0xC000]  }
0x319: {  	v7 =	vld [tilespmem:s19+$0xC040]  }
0x31a: {  	v8 =	vld [tilespmem:s19+$0xC050];
	v9 =	vshra.s32 v3, $0x1F  }
0x31b: {  	v10 =	vld [tilespmem:s19+$0xC060];
	v9 =	vor.u32 $0x80000000, v9;
	v11 =	vshra.s32 v4, $0x1F  }
0x31c: {  	v12 =	vld [tilespmem:s19+$0x14060];
	v13 =	vshra.s32 v5, $0x1F;
	v9 =	vxor.u32 v3, v9;
	v11 =	vor.u32 $0x80000000, v11  }
0x31d: {  	v14 =	vld [tilespmem:s19+$0x14050];
	v15 =	vshra.s32 v6, $0x1F;
	v13 =	vor.u32 $0x80000000, v13;
	v11 =	vxor.u32 v4, v11  }
0x31e: {  	v16 =	vld [tilespmem:s19+$0xC070];
	v15 =	vor.u32 $0x80000000, v15;
	v13 =	vxor.u32 v5, v13;
	v17 =	vshra.s32 v7, $0x1F  }
0x31f: {  	v18 =	vld [tilespmem:s19+$0x14040];
	v15 =	vxor.u32 v6, v15;
	v17 =	vor.u32 $0x80000000, v17;
	v19 =	vshra.s32 v8, $0x1F  }
0x320: {  	v20 =	vld [tilespmem:s19+$0x14030];
	v15 =	vshrl.u32 v15, $0x12;
	v17 =	vxor.u32 v7, v17;
	v19 =	vor.u32 $0x80000000, v19  }
0x321: {  	v13 =	vshrl.u32 v13, $0x12;
	v22 =	vshra.s32 v10, $0x1F;
	v21 =	vld [tilespmem:s19+$0x14020];
	v19 =	vxor.u32 v8, v19  }
0x322: {  	v9 =	vshrl.u32 v9, $0x12;
	v23 =	vld [tilespmem:s19+$0x14010];
	v8 =	vsub.f32 v14, v8;
	v14 =	vor.u32 $0x80000000, v22  }
0x323: {  	v11 =	vshrl.u32 v11, $0x12;
	v22 =	vld [tilespmem:s19+$0x14000];
	v14 =	vxor.u32 v10, v14;
	v24 =	vshra.s32 v16, $0x1F  }
0x324: {  	v17 =	vshrl.u32 v17, $0x12;
	v25 =	vld [tilespmem:s19+$0x14070];
	v7 =	vsub.f32 v18, v7;
	v18 =	vor.u32 $0x80000000, v24  }
0x325: {  	v19 =	vshrl.u32 v19, $0x12;
	v4 =	vsub.f32 v20, v4;
	v18 =	vxor.u32 v16, v18;
	[tilespmem:v15+s1+$0x0] =	vst.idx.add.s32.msk $0xffff, v2  }
0x326: {  	v10 =	vsub.f32 v12, v10;
	v12 =	vshrl.u32 v14, $0x12;
	v20 =	vsub.f32 v21, v3;
	[tilespmem:v13+s1+$0x0] =	vst.idx.add.s32.msk $0xffff, v2  }
0x327: {  	v3 =	vshrl.u32 v18, $0x12;
	v5 =	vsub.f32 v23, v5;
	[tilespmem:v9+s1+$0x0] =	vst.idx.add.s32.msk $0xffff, v2  }
0x328: {  	v6 =	vsub.f32 v22, v6;
	[tilespmem:v11+s1+$0x0] =	vst.idx.add.s32.msk $0xffff, v2  }
0x329: {  	v14 =	vsub.f32 v25, v16;
	[tilespmem:v17+s1+$0x0] =	vst.idx.add.s32.msk $0xffff, v2  }
0x32a: {  	[tilespmem:v19+s1+$0x0] =	vst.idx.add.s32.msk $0xffff, v2  }
0x32b: {  	v6 =	vmul.f32 v6, v6;
	[tilespmem:v12+s1+$0x0] =	vst.idx.add.s32.msk $0xffff, v2  }
0x32c: {  	v5 =	vmul.f32 v5, v5;
	[tilespmem:v3+s1+$0x0] =	vst.idx.add.s32.msk $0xffff, v2  }
0x32d: {  	v16 =	vmul.f32 v20, v20;
	[tilespmem:v15+s13+$0x0] =	vst.idx.add.f32.msk $0xffff, v6  }
0x32e: {  	v4 =	vmul.f32 v4, v4;
	[tilespmem:v13+s13+$0x0] =	vst.idx.add.f32.msk $0xffff, v5  }
.Ltmp10:
0x32f: {  	v5 =	vmul.f32 v7, v7;
	[tilespmem:v9+s13+$0x0] =	vst.idx.add.f32.msk $0xffff, v16;
	(pc) =	sbr.rel @p0 .LBB2_22-.Ltmp10, $4  }
0x330: {  	v6 =	vmul.f32 v8, v8;
	[tilespmem:v11+s13+$0x0] =	vst.idx.add.f32.msk $0xffff, v4  }
0x331: {  	v7 =	vmul.f32 v10, v10;
	[tilespmem:v17+s13+$0x0] =	vst.idx.add.f32.msk $0xffff, v5  }
0x332: {  	v4 =	vmul.f32 v14, v14;
	[tilespmem:v19+s13+$0x0] =	vst.idx.add.f32.msk $0xffff, v6  }
0x333: {  	[tilespmem:v12+s13+$0x0] =	vst.idx.add.f32.msk $0xffff, v7  }
0x334: {  	_ =	sdelay $0x3  }
0x335: {  	[tilespmem:v3+s13+$0x0] =	vst.idx.add.f32.msk $0xffff, v4;
	s18 =	simm.s32 $0x0  }
0x336: {  	[tilespmem:s9], [sflag:$0x2] =	stream.linear.gather [hbm4b:s22+s18], $0x4000, $0x38;
	[tilespmem:$0x18000] =	vst v63  }
0x337: {  	_ = 	snop  }
0x338: {  	[tilespmem:s10], [sflag:$0x4] =	stream.linear.gather [hbm4b:s23+s18], $0x4000, $0x38;
	[tilespmem:$0x18000] =	vst v63  }
0x339: {  	_ =	swait.ge [sflag:s11], $0x4000  }
0x33a: {  	[sflag:s11] =	ssyncset.done $0x0  }
0x33b: {  	[sflag:s11] =	ssyncadd.s32 $0xFFFFC000  }
0x33c: {  	_ =	swait.ge [sflag:s12], $0x4000  }
0x33d: {  	[sflag:s12] =	ssyncset.done $0x0  }
0x33e: {  	s19 =	simm.s32 $0x0;
	[sflag:s12] =	ssyncadd.s32 $0xFFFFC000  }
0x33f: {  	v4 =	vld [tilespmem:s19+$0x8020]  }
0x340: {  	v5 =	vld [tilespmem:s19+$0x8030]  }
0x341: {  	v6 =	vld [tilespmem:s19+$0x8010]  }
0x342: {  	v7 =	vld [tilespmem:s19+$0x8000]  }
0x343: {  	v8 =	vld [tilespmem:s19+$0x8040]  }
0x344: {  	v9 =	vld [tilespmem:s19+$0x8050]  }
0x345: {  	v10 =	vld [tilespmem:s19+$0x8060]  }
0x346: {  	v16 =	vld [tilespmem:s19+$0x8070];
	_ =	sdelay $0x1  }
0x347: {  	v3 =	vshra.s32 v4, $0x1F;
	v12 =	vshra.s32 v5, $0x1F  }
0x348: {  	v11 =	vld [tilespmem:s19+$0x10060];
	v13 =	vshra.s32 v6, $0x1F;
	v15 =	vshra.s32 v7, $0x1F;
	v18 =	vshra.s32 v8, $0x1F  }
0x349: {  	v14 =	vld [tilespmem:s19+$0x10050];
	v20 =	vshra.s32 v9, $0x1F;
	v63 =	vshra.s32 v10, $0x1F;
	v15 =	vor.u32 $0x80000000, v15  }
0x34a: {  	v17 =	vld [tilespmem:s19+$0x10040];
	v25 =	vshra.s32 v16, $0x1F;
	v13 =	vor.u32 $0x80000000, v13;
	v15 =	vxor.u32 v7, v15  }
0x34b: {  	v19 =	vld [tilespmem:s19+$0x10030];
	v3 =	vor.u32 $0x80000000, v3;
	v13 =	vxor.u32 v6, v13;
	v15 =	vshrl.u32 v15, $0x12  }
0x34c: {  	v21 =	vld [tilespmem:s19+$0x10020];
	v12 =	vor.u32 $0x80000000, v12;
	v3 =	vxor.u32 v4, v3;
	v13 =	vshrl.u32 v13, $0x12  }
0x34d: {  	v22 =	vld [tilespmem:s19+$0x10010];
	v18 =	vor.u32 $0x80000000, v18;
	v12 =	vxor.u32 v5, v12;
	v23 =	vshrl.u32 v3, $0x12  }
0x34e: {  	v24 =	vld [tilespmem:s19+$0x10000];
	v20 =	vor.u32 $0x80000000, v20;
	v18 =	vxor.u32 v8, v18;
	v12 =	vshrl.u32 v12, $0x12  }
0x34f: {  	v26 =	vld [tilespmem:s19+$0x10070];
	v3 =	vxor.u32 v9, v20;
	v20 =	vor.u32 $0x80000000, v63;
	v18 =	vshrl.u32 v18, $0x12  }
0x350: {  	v25 =	vor.u32 $0x80000000, v25;
	v20 =	vxor.u32 v10, v20;
	v27 =	vshrl.u32 v3, $0x12;
	[tilespmem:v15+s1+$0x0] =	vst.idx.add.s32.msk $0xffff, v2  }
0x351: {  	v3 =	vxor.u32 v16, v25;
	v20 =	vshrl.u32 v20, $0x12;
	[tilespmem:v13+s1+$0x0] =	vst.idx.add.s32.msk $0xffff, v2  }
0x352: {  	v3 =	vshrl.u32 v3, $0x12;
	[tilespmem:v23+s1+$0x0] =	vst.idx.add.s32.msk $0xffff, v2  }
0x353: {  	[tilespmem:v12+s1+$0x0] =	vst.idx.add.s32.msk $0xffff, v2  }
0x354: {  	v7 =	vsub.f32 v24, v7;
	[tilespmem:v18+s1+$0x0] =	vst.idx.add.s32.msk $0xffff, v2  }
0x355: {  	v6 =	vsub.f32 v22, v6;
	[tilespmem:v27+s1+$0x0] =	vst.idx.add.s32.msk $0xffff, v2  }
0x356: {  	v4 =	vsub.f32 v21, v4;
	v7 =	vmul.f32 v7, v7;
	[tilespmem:v20+s1+$0x0] =	vst.idx.add.s32.msk $0xffff, v2  }
0x357: {  	v5 =	vsub.f32 v19, v5;
	v6 =	vmul.f32 v6, v6;
	[tilespmem:v3+s1+$0x0] =	vst.idx.add.s32.msk $0xffff, v2  }
0x358: {  	v8 =	vsub.f32 v17, v8;
	v4 =	vmul.f32 v4, v4;
	[tilespmem:v15+s13+$0x0] =	vst.idx.add.f32.msk $0xffff, v7  }
0x359: {  	v5 =	vmul.f32 v5, v5;
	v7 =	vsub.f32 v14, v9;
	[tilespmem:v13+s13+$0x0] =	vst.idx.add.f32.msk $0xffff, v6  }
0x35a: {  	v8 =	vmul.f32 v8, v8;
	v6 =	vsub.f32 v11, v10;
	[tilespmem:v23+s13+$0x0] =	vst.idx.add.f32.msk $0xffff, v4  }
0x35b: {  	v4 =	vmul.f32 v7, v7;
	[tilespmem:v12+s13+$0x0] =	vst.idx.add.f32.msk $0xffff, v5;
	v5 =	vsub.f32 v26, v16  }
0x35c: {  	v6 =	vmul.f32 v6, v6;
	[tilespmem:v18+s13+$0x0] =	vst.idx.add.f32.msk $0xffff, v8  }
0x35d: {  	[tilespmem:v27+s13+$0x0] =	vst.idx.add.f32.msk $0xffff, v4;
	v4 =	vmul.f32 v5, v5  }
0x35e: {  	s18 =	simm.s32 $0x200;
	[tilespmem:v20+s13+$0x0] =	vst.idx.add.f32.msk $0xffff, v6  }
.LBB2_24:
0x35f: {  	s19 =	sshra.s32 s18, $0x2;
	p0 =	sne.s32 s18, $0xFE00;
	s18 =	sadd.s32 $0x200, s18;
	[tilespmem:v3+s13+$0x0] =	vst.idx.add.f32.msk $0xffff, v4  }
0x360: {  	v3 =	vld [tilespmem:s19+$0x8020]  }
0x361: {  	v4 =	vld [tilespmem:s19+$0x8030]  }
0x362: {  	v5 =	vld [tilespmem:s19+$0x8010]  }
0x363: {  	v6 =	vld [tilespmem:s19+$0x8000]  }
0x364: {  	v7 =	vld [tilespmem:s19+$0x8040]  }
0x365: {  	v8 =	vld [tilespmem:s19+$0x8050];
	v9 =	vshra.s32 v3, $0x1F  }
0x366: {  	v10 =	vld [tilespmem:s19+$0x8060];
	v9 =	vor.u32 $0x80000000, v9;
	v11 =	vshra.s32 v4, $0x1F  }
0x367: {  	v12 =	vld [tilespmem:s19+$0x10060];
	v13 =	vshra.s32 v5, $0x1F;
	v9 =	vxor.u32 v3, v9;
	v11 =	vor.u32 $0x80000000, v11  }
0x368: {  	v14 =	vld [tilespmem:s19+$0x10050];
	v15 =	vshra.s32 v6, $0x1F;
	v13 =	vor.u32 $0x80000000, v13;
	v11 =	vxor.u32 v4, v11  }
0x369: {  	v16 =	vld [tilespmem:s19+$0x8070];
	v15 =	vor.u32 $0x80000000, v15;
	v13 =	vxor.u32 v5, v13;
	v17 =	vshra.s32 v7, $0x1F  }
0x36a: {  	v18 =	vld [tilespmem:s19+$0x10040];
	v15 =	vxor.u32 v6, v15;
	v17 =	vor.u32 $0x80000000, v17;
	v19 =	vshra.s32 v8, $0x1F  }
0x36b: {  	v20 =	vld [tilespmem:s19+$0x10030];
	v15 =	vshrl.u32 v15, $0x12;
	v17 =	vxor.u32 v7, v17;
	v19 =	vor.u32 $0x80000000, v19  }
0x36c: {  	v13 =	vshrl.u32 v13, $0x12;
	v22 =	vshra.s32 v10, $0x1F;
	v21 =	vld [tilespmem:s19+$0x10020];
	v19 =	vxor.u32 v8, v19  }
0x36d: {  	v9 =	vshrl.u32 v9, $0x12;
	v23 =	vld [tilespmem:s19+$0x10010];
	v8 =	vsub.f32 v14, v8;
	v14 =	vor.u32 $0x80000000, v22  }
0x36e: {  	v11 =	vshrl.u32 v11, $0x12;
	v22 =	vld [tilespmem:s19+$0x10000];
	v14 =	vxor.u32 v10, v14;
	v24 =	vshra.s32 v16, $0x1F  }
0x36f: {  	v17 =	vshrl.u32 v17, $0x12;
	v25 =	vld [tilespmem:s19+$0x10070];
	v7 =	vsub.f32 v18, v7;
	v18 =	vor.u32 $0x80000000, v24  }
0x370: {  	v19 =	vshrl.u32 v19, $0x12;
	v4 =	vsub.f32 v20, v4;
	v18 =	vxor.u32 v16, v18;
	[tilespmem:v15+s1+$0x0] =	vst.idx.add.s32.msk $0xffff, v2  }
0x371: {  	v10 =	vsub.f32 v12, v10;
	v12 =	vshrl.u32 v14, $0x12;
	v20 =	vsub.f32 v21, v3;
	[tilespmem:v13+s1+$0x0] =	vst.idx.add.s32.msk $0xffff, v2  }
0x372: {  	v3 =	vshrl.u32 v18, $0x12;
	v5 =	vsub.f32 v23, v5;
	[tilespmem:v9+s1+$0x0] =	vst.idx.add.s32.msk $0xffff, v2  }
0x373: {  	v6 =	vsub.f32 v22, v6;
	[tilespmem:v11+s1+$0x0] =	vst.idx.add.s32.msk $0xffff, v2  }
0x374: {  	v14 =	vsub.f32 v25, v16;
	[tilespmem:v17+s1+$0x0] =	vst.idx.add.s32.msk $0xffff, v2  }
0x375: {  	[tilespmem:v19+s1+$0x0] =	vst.idx.add.s32.msk $0xffff, v2  }
0x376: {  	v6 =	vmul.f32 v6, v6;
	[tilespmem:v12+s1+$0x0] =	vst.idx.add.s32.msk $0xffff, v2  }
0x377: {  	v5 =	vmul.f32 v5, v5;
	[tilespmem:v3+s1+$0x0] =	vst.idx.add.s32.msk $0xffff, v2  }
0x378: {  	v16 =	vmul.f32 v20, v20;
	[tilespmem:v15+s13+$0x0] =	vst.idx.add.f32.msk $0xffff, v6  }
0x379: {  	v4 =	vmul.f32 v4, v4;
	[tilespmem:v13+s13+$0x0] =	vst.idx.add.f32.msk $0xffff, v5  }
.Ltmp11:
0x37a: {  	v5 =	vmul.f32 v7, v7;
	[tilespmem:v9+s13+$0x0] =	vst.idx.add.f32.msk $0xffff, v16;
	(pc) =	sbr.rel @p0 .LBB2_24-.Ltmp11, $4  }
0x37b: {  	v6 =	vmul.f32 v8, v8;
	[tilespmem:v11+s13+$0x0] =	vst.idx.add.f32.msk $0xffff, v4  }
0x37c: {  	v7 =	vmul.f32 v10, v10;
	[tilespmem:v17+s13+$0x0] =	vst.idx.add.f32.msk $0xffff, v5  }
0x37d: {  	v4 =	vmul.f32 v14, v14;
	[tilespmem:v19+s13+$0x0] =	vst.idx.add.f32.msk $0xffff, v6  }
0x37e: {  	[tilespmem:v12+s13+$0x0] =	vst.idx.add.f32.msk $0xffff, v7  }
0x37f: {  	_ =	sdelay $0x3  }
0x380: {  	[tilespmem:v3+s13+$0x0] =	vst.idx.add.f32.msk $0xffff, v4;
	s18 =	simm.s32 $0x0  }
0x381: {  	[tilespmem:s7], [sflag:$0x1] =	stream.linear.gather [hbm4b:s24+s18], $0x4000, $0x38;
	[tilespmem:$0x18000] =	vst v63  }
0x382: {  	_ = 	snop  }
0x383: {  	[tilespmem:s8], [sflag:$0x3] =	stream.linear.gather [hbm4b:s25+s18], $0x4000, $0x38;
	[tilespmem:$0x18000] =	vst v63  }
0x384: {  	_ =	swait.ge [sflag:s14], $0x4000  }
0x385: {  	[sflag:s14] =	ssyncset.done $0x0  }
0x386: {  	[sflag:s14] =	ssyncadd.s32 $0xFFFFC000  }
0x387: {  	_ =	swait.ge [sflag:s15], $0x4000  }
0x388: {  	[sflag:s15] =	ssyncset.done $0x0  }
0x389: {  	s19 =	simm.s32 $0x0;
	[sflag:s15] =	ssyncadd.s32 $0xFFFFC000  }
0x38a: {  	v4 =	vld [tilespmem:s19+$0xC020]  }
0x38b: {  	v5 =	vld [tilespmem:s19+$0xC030]  }
0x38c: {  	v6 =	vld [tilespmem:s19+$0xC010]  }
0x38d: {  	v7 =	vld [tilespmem:s19+$0xC000]  }
0x38e: {  	v8 =	vld [tilespmem:s19+$0xC040]  }
0x38f: {  	v9 =	vld [tilespmem:s19+$0xC050]  }
0x390: {  	v10 =	vld [tilespmem:s19+$0xC060]  }
0x391: {  	v16 =	vld [tilespmem:s19+$0xC070];
	_ =	sdelay $0x1  }
0x392: {  	v3 =	vshra.s32 v4, $0x1F;
	v12 =	vshra.s32 v5, $0x1F  }
0x393: {  	v11 =	vld [tilespmem:s19+$0x14060];
	v13 =	vshra.s32 v6, $0x1F;
	v15 =	vshra.s32 v7, $0x1F;
	v18 =	vshra.s32 v8, $0x1F  }
0x394: {  	v14 =	vld [tilespmem:s19+$0x14050];
	v20 =	vshra.s32 v9, $0x1F;
	v63 =	vshra.s32 v10, $0x1F;
	v15 =	vor.u32 $0x80000000, v15  }
0x395: {  	v17 =	vld [tilespmem:s19+$0x14040];
	v25 =	vshra.s32 v16, $0x1F;
	v13 =	vor.u32 $0x80000000, v13;
	v15 =	vxor.u32 v7, v15  }
0x396: {  	v19 =	vld [tilespmem:s19+$0x14030];
	v3 =	vor.u32 $0x80000000, v3;
	v13 =	vxor.u32 v6, v13;
	v15 =	vshrl.u32 v15, $0x12  }
0x397: {  	v21 =	vld [tilespmem:s19+$0x14020];
	v12 =	vor.u32 $0x80000000, v12;
	v3 =	vxor.u32 v4, v3;
	v13 =	vshrl.u32 v13, $0x12  }
0x398: {  	v22 =	vld [tilespmem:s19+$0x14010];
	v18 =	vor.u32 $0x80000000, v18;
	v12 =	vxor.u32 v5, v12;
	v23 =	vshrl.u32 v3, $0x12  }
0x399: {  	v24 =	vld [tilespmem:s19+$0x14000];
	v20 =	vor.u32 $0x80000000, v20;
	v18 =	vxor.u32 v8, v18;
	v12 =	vshrl.u32 v12, $0x12  }
0x39a: {  	v26 =	vld [tilespmem:s19+$0x14070];
	v3 =	vxor.u32 v9, v20;
	v20 =	vor.u32 $0x80000000, v63;
	v18 =	vshrl.u32 v18, $0x12  }
0x39b: {  	v25 =	vor.u32 $0x80000000, v25;
	v20 =	vxor.u32 v10, v20;
	v27 =	vshrl.u32 v3, $0x12;
	[tilespmem:v15+s1+$0x0] =	vst.idx.add.s32.msk $0xffff, v2  }
0x39c: {  	v3 =	vxor.u32 v16, v25;
	v20 =	vshrl.u32 v20, $0x12;
	[tilespmem:v13+s1+$0x0] =	vst.idx.add.s32.msk $0xffff, v2  }
0x39d: {  	v3 =	vshrl.u32 v3, $0x12;
	[tilespmem:v23+s1+$0x0] =	vst.idx.add.s32.msk $0xffff, v2  }
0x39e: {  	[tilespmem:v12+s1+$0x0] =	vst.idx.add.s32.msk $0xffff, v2  }
0x39f: {  	v7 =	vsub.f32 v24, v7;
	[tilespmem:v18+s1+$0x0] =	vst.idx.add.s32.msk $0xffff, v2  }
0x3a0: {  	v6 =	vsub.f32 v22, v6;
	[tilespmem:v27+s1+$0x0] =	vst.idx.add.s32.msk $0xffff, v2  }
0x3a1: {  	v4 =	vsub.f32 v21, v4;
	v7 =	vmul.f32 v7, v7;
	[tilespmem:v20+s1+$0x0] =	vst.idx.add.s32.msk $0xffff, v2  }
0x3a2: {  	v5 =	vsub.f32 v19, v5;
	v6 =	vmul.f32 v6, v6;
	[tilespmem:v3+s1+$0x0] =	vst.idx.add.s32.msk $0xffff, v2  }
0x3a3: {  	v8 =	vsub.f32 v17, v8;
	v4 =	vmul.f32 v4, v4;
	[tilespmem:v15+s13+$0x0] =	vst.idx.add.f32.msk $0xffff, v7  }
0x3a4: {  	v5 =	vmul.f32 v5, v5;
	v7 =	vsub.f32 v14, v9;
	[tilespmem:v13+s13+$0x0] =	vst.idx.add.f32.msk $0xffff, v6  }
0x3a5: {  	v8 =	vmul.f32 v8, v8;
	v6 =	vsub.f32 v11, v10;
	[tilespmem:v23+s13+$0x0] =	vst.idx.add.f32.msk $0xffff, v4  }
0x3a6: {  	v4 =	vmul.f32 v7, v7;
	[tilespmem:v12+s13+$0x0] =	vst.idx.add.f32.msk $0xffff, v5;
	v5 =	vsub.f32 v26, v16  }
0x3a7: {  	v6 =	vmul.f32 v6, v6;
	[tilespmem:v18+s13+$0x0] =	vst.idx.add.f32.msk $0xffff, v8  }
0x3a8: {  	[tilespmem:v27+s13+$0x0] =	vst.idx.add.f32.msk $0xffff, v4;
	v4 =	vmul.f32 v5, v5  }
0x3a9: {  	s18 =	simm.s32 $0x200;
	[tilespmem:v20+s13+$0x0] =	vst.idx.add.f32.msk $0xffff, v6  }
.LBB2_26:
0x3aa: {  	s19 =	sshra.s32 s18, $0x2;
	p0 =	sne.s32 s18, $0xFE00;
	s18 =	sadd.s32 $0x200, s18;
	[tilespmem:v3+s13+$0x0] =	vst.idx.add.f32.msk $0xffff, v4  }
0x3ab: {  	v3 =	vld [tilespmem:s19+$0xC020]  }
0x3ac: {  	v4 =	vld [tilespmem:s19+$0xC030]  }
0x3ad: {  	v5 =	vld [tilespmem:s19+$0xC010]  }
0x3ae: {  	v6 =	vld [tilespmem:s19+$0xC000]  }
0x3af: {  	v7 =	vld [tilespmem:s19+$0xC040]  }
0x3b0: {  	v8 =	vld [tilespmem:s19+$0xC050];
	v9 =	vshra.s32 v3, $0x1F  }
0x3b1: {  	v10 =	vld [tilespmem:s19+$0xC060];
	v9 =	vor.u32 $0x80000000, v9;
	v11 =	vshra.s32 v4, $0x1F  }
0x3b2: {  	v12 =	vld [tilespmem:s19+$0x14060];
	v13 =	vshra.s32 v5, $0x1F;
	v9 =	vxor.u32 v3, v9;
	v11 =	vor.u32 $0x80000000, v11  }
0x3b3: {  	v14 =	vld [tilespmem:s19+$0x14050];
	v15 =	vshra.s32 v6, $0x1F;
	v13 =	vor.u32 $0x80000000, v13;
	v11 =	vxor.u32 v4, v11  }
0x3b4: {  	v16 =	vld [tilespmem:s19+$0xC070];
	v15 =	vor.u32 $0x80000000, v15;
	v13 =	vxor.u32 v5, v13;
	v17 =	vshra.s32 v7, $0x1F  }
0x3b5: {  	v18 =	vld [tilespmem:s19+$0x14040];
	v15 =	vxor.u32 v6, v15;
	v17 =	vor.u32 $0x80000000, v17;
	v19 =	vshra.s32 v8, $0x1F  }
0x3b6: {  	v20 =	vld [tilespmem:s19+$0x14030];
	v15 =	vshrl.u32 v15, $0x12;
	v17 =	vxor.u32 v7, v17;
	v19 =	vor.u32 $0x80000000, v19  }
0x3b7: {  	v13 =	vshrl.u32 v13, $0x12;
	v22 =	vshra.s32 v10, $0x1F;
	v21 =	vld [tilespmem:s19+$0x14020];
	v19 =	vxor.u32 v8, v19  }
0x3b8: {  	v9 =	vshrl.u32 v9, $0x12;
	v23 =	vld [tilespmem:s19+$0x14010];
	v8 =	vsub.f32 v14, v8;
	v14 =	vor.u32 $0x80000000, v22  }
0x3b9: {  	v11 =	vshrl.u32 v11, $0x12;
	v22 =	vld [tilespmem:s19+$0x14000];
	v14 =	vxor.u32 v10, v14;
	v24 =	vshra.s32 v16, $0x1F  }
0x3ba: {  	v17 =	vshrl.u32 v17, $0x12;
	v25 =	vld [tilespmem:s19+$0x14070];
	v7 =	vsub.f32 v18, v7;
	v18 =	vor.u32 $0x80000000, v24  }
0x3bb: {  	v19 =	vshrl.u32 v19, $0x12;
	v4 =	vsub.f32 v20, v4;
	v18 =	vxor.u32 v16, v18;
	[tilespmem:v15+s1+$0x0] =	vst.idx.add.s32.msk $0xffff, v2  }
0x3bc: {  	v10 =	vsub.f32 v12, v10;
	v12 =	vshrl.u32 v14, $0x12;
	v20 =	vsub.f32 v21, v3;
	[tilespmem:v13+s1+$0x0] =	vst.idx.add.s32.msk $0xffff, v2  }
0x3bd: {  	v3 =	vshrl.u32 v18, $0x12;
	v5 =	vsub.f32 v23, v5;
	[tilespmem:v9+s1+$0x0] =	vst.idx.add.s32.msk $0xffff, v2  }
0x3be: {  	v6 =	vsub.f32 v22, v6;
	[tilespmem:v11+s1+$0x0] =	vst.idx.add.s32.msk $0xffff, v2  }
0x3bf: {  	v14 =	vsub.f32 v25, v16;
	[tilespmem:v17+s1+$0x0] =	vst.idx.add.s32.msk $0xffff, v2  }
0x3c0: {  	[tilespmem:v19+s1+$0x0] =	vst.idx.add.s32.msk $0xffff, v2  }
0x3c1: {  	v6 =	vmul.f32 v6, v6;
	[tilespmem:v12+s1+$0x0] =	vst.idx.add.s32.msk $0xffff, v2  }
0x3c2: {  	v5 =	vmul.f32 v5, v5;
	[tilespmem:v3+s1+$0x0] =	vst.idx.add.s32.msk $0xffff, v2  }
0x3c3: {  	v16 =	vmul.f32 v20, v20;
	[tilespmem:v15+s13+$0x0] =	vst.idx.add.f32.msk $0xffff, v6  }
0x3c4: {  	v4 =	vmul.f32 v4, v4;
	[tilespmem:v13+s13+$0x0] =	vst.idx.add.f32.msk $0xffff, v5  }
.Ltmp12:
0x3c5: {  	v5 =	vmul.f32 v7, v7;
	[tilespmem:v9+s13+$0x0] =	vst.idx.add.f32.msk $0xffff, v16;
	(pc) =	sbr.rel @p0 .LBB2_26-.Ltmp12, $4  }
0x3c6: {  	v6 =	vmul.f32 v8, v8;
	[tilespmem:v11+s13+$0x0] =	vst.idx.add.f32.msk $0xffff, v4  }
0x3c7: {  	v7 =	vmul.f32 v10, v10;
	[tilespmem:v17+s13+$0x0] =	vst.idx.add.f32.msk $0xffff, v5  }
0x3c8: {  	v4 =	vmul.f32 v14, v14;
	[tilespmem:v19+s13+$0x0] =	vst.idx.add.f32.msk $0xffff, v6  }
0x3c9: {  	[tilespmem:v12+s13+$0x0] =	vst.idx.add.f32.msk $0xffff, v7  }
0x3ca: {  	_ =	sdelay $0x3  }
0x3cb: {  	[tilespmem:v3+s13+$0x0] =	vst.idx.add.f32.msk $0xffff, v4;
	s18 =	simm.s32 $0x0  }
0x3cc: {  	[tilespmem:s9], [sflag:$0x2] =	stream.linear.gather [hbm4b:s26+s18], $0x4000, $0x38;
	[tilespmem:$0x18000] =	vst v63  }
0x3cd: {  	_ = 	snop  }
0x3ce: {  	[tilespmem:s10], [sflag:$0x4] =	stream.linear.gather [hbm4b:s28+s18], $0x4000, $0x38;
	[tilespmem:$0x18000] =	vst v63  }
0x3cf: {  	_ =	swait.ge [sflag:s11], $0x4000  }
0x3d0: {  	[sflag:s11] =	ssyncset.done $0x0  }
0x3d1: {  	[sflag:s11] =	ssyncadd.s32 $0xFFFFC000  }
0x3d2: {  	_ =	swait.ge [sflag:s12], $0x4000  }
0x3d3: {  	[sflag:s12] =	ssyncset.done $0x0  }
0x3d4: {  	s19 =	simm.s32 $0x0;
	[sflag:s12] =	ssyncadd.s32 $0xFFFFC000  }
0x3d5: {  	v4 =	vld [tilespmem:s19+$0x8020]  }
0x3d6: {  	v5 =	vld [tilespmem:s19+$0x8030]  }
0x3d7: {  	v6 =	vld [tilespmem:s19+$0x8010]  }
0x3d8: {  	v7 =	vld [tilespmem:s19+$0x8000]  }
0x3d9: {  	v8 =	vld [tilespmem:s19+$0x8040]  }
0x3da: {  	v9 =	vld [tilespmem:s19+$0x8050]  }
0x3db: {  	v10 =	vld [tilespmem:s19+$0x8060]  }
0x3dc: {  	v16 =	vld [tilespmem:s19+$0x8070];
	_ =	sdelay $0x1  }
0x3dd: {  	v3 =	vshra.s32 v4, $0x1F;
	v12 =	vshra.s32 v5, $0x1F  }
0x3de: {  	v11 =	vld [tilespmem:s19+$0x10060];
	v13 =	vshra.s32 v6, $0x1F;
	v15 =	vshra.s32 v7, $0x1F;
	v18 =	vshra.s32 v8, $0x1F  }
0x3df: {  	v14 =	vld [tilespmem:s19+$0x10050];
	v20 =	vshra.s32 v9, $0x1F;
	v63 =	vshra.s32 v10, $0x1F;
	v15 =	vor.u32 $0x80000000, v15  }
0x3e0: {  	v17 =	vld [tilespmem:s19+$0x10040];
	v25 =	vshra.s32 v16, $0x1F;
	v13 =	vor.u32 $0x80000000, v13;
	v15 =	vxor.u32 v7, v15  }
0x3e1: {  	v19 =	vld [tilespmem:s19+$0x10030];
	v3 =	vor.u32 $0x80000000, v3;
	v13 =	vxor.u32 v6, v13;
	v15 =	vshrl.u32 v15, $0x12  }
0x3e2: {  	v21 =	vld [tilespmem:s19+$0x10020];
	v12 =	vor.u32 $0x80000000, v12;
	v3 =	vxor.u32 v4, v3;
	v13 =	vshrl.u32 v13, $0x12  }
0x3e3: {  	v22 =	vld [tilespmem:s19+$0x10010];
	v18 =	vor.u32 $0x80000000, v18;
	v12 =	vxor.u32 v5, v12;
	v23 =	vshrl.u32 v3, $0x12  }
0x3e4: {  	v24 =	vld [tilespmem:s19+$0x10000];
	v20 =	vor.u32 $0x80000000, v20;
	v18 =	vxor.u32 v8, v18;
	v12 =	vshrl.u32 v12, $0x12  }
0x3e5: {  	v26 =	vld [tilespmem:s19+$0x10070];
	v3 =	vxor.u32 v9, v20;
	v20 =	vor.u32 $0x80000000, v63;
	v18 =	vshrl.u32 v18, $0x12  }
0x3e6: {  	v25 =	vor.u32 $0x80000000, v25;
	v20 =	vxor.u32 v10, v20;
	v27 =	vshrl.u32 v3, $0x12;
	[tilespmem:v15+s1+$0x0] =	vst.idx.add.s32.msk $0xffff, v2  }
0x3e7: {  	v3 =	vxor.u32 v16, v25;
	v20 =	vshrl.u32 v20, $0x12;
	[tilespmem:v13+s1+$0x0] =	vst.idx.add.s32.msk $0xffff, v2  }
0x3e8: {  	v3 =	vshrl.u32 v3, $0x12;
	[tilespmem:v23+s1+$0x0] =	vst.idx.add.s32.msk $0xffff, v2  }
0x3e9: {  	[tilespmem:v12+s1+$0x0] =	vst.idx.add.s32.msk $0xffff, v2  }
0x3ea: {  	v7 =	vsub.f32 v24, v7;
	[tilespmem:v18+s1+$0x0] =	vst.idx.add.s32.msk $0xffff, v2  }
0x3eb: {  	v6 =	vsub.f32 v22, v6;
	[tilespmem:v27+s1+$0x0] =	vst.idx.add.s32.msk $0xffff, v2  }
0x3ec: {  	v4 =	vsub.f32 v21, v4;
	v7 =	vmul.f32 v7, v7;
	[tilespmem:v20+s1+$0x0] =	vst.idx.add.s32.msk $0xffff, v2  }
0x3ed: {  	v5 =	vsub.f32 v19, v5;
	v6 =	vmul.f32 v6, v6;
	[tilespmem:v3+s1+$0x0] =	vst.idx.add.s32.msk $0xffff, v2  }
0x3ee: {  	v8 =	vsub.f32 v17, v8;
	v4 =	vmul.f32 v4, v4;
	[tilespmem:v15+s13+$0x0] =	vst.idx.add.f32.msk $0xffff, v7  }
0x3ef: {  	v5 =	vmul.f32 v5, v5;
	v7 =	vsub.f32 v14, v9;
	[tilespmem:v13+s13+$0x0] =	vst.idx.add.f32.msk $0xffff, v6  }
0x3f0: {  	v8 =	vmul.f32 v8, v8;
	v6 =	vsub.f32 v11, v10;
	[tilespmem:v23+s13+$0x0] =	vst.idx.add.f32.msk $0xffff, v4  }
0x3f1: {  	v4 =	vmul.f32 v7, v7;
	[tilespmem:v12+s13+$0x0] =	vst.idx.add.f32.msk $0xffff, v5;
	v5 =	vsub.f32 v26, v16  }
0x3f2: {  	v6 =	vmul.f32 v6, v6;
	[tilespmem:v18+s13+$0x0] =	vst.idx.add.f32.msk $0xffff, v8  }
0x3f3: {  	[tilespmem:v27+s13+$0x0] =	vst.idx.add.f32.msk $0xffff, v4;
	v4 =	vmul.f32 v5, v5  }
0x3f4: {  	s18 =	simm.s32 $0x200;
	[tilespmem:v20+s13+$0x0] =	vst.idx.add.f32.msk $0xffff, v6  }
.LBB2_28:
0x3f5: {  	s19 =	sshra.s32 s18, $0x2;
	p0 =	sne.s32 s18, $0xFE00;
	s18 =	sadd.s32 $0x200, s18;
	[tilespmem:v3+s13+$0x0] =	vst.idx.add.f32.msk $0xffff, v4  }
0x3f6: {  	v3 =	vld [tilespmem:s19+$0x8020]  }
0x3f7: {  	v4 =	vld [tilespmem:s19+$0x8030]  }
0x3f8: {  	v5 =	vld [tilespmem:s19+$0x8010]  }
0x3f9: {  	v6 =	vld [tilespmem:s19+$0x8000]  }
0x3fa: {  	v7 =	vld [tilespmem:s19+$0x8040]  }
0x3fb: {  	v8 =	vld [tilespmem:s19+$0x8050];
	v9 =	vshra.s32 v3, $0x1F  }
0x3fc: {  	v10 =	vld [tilespmem:s19+$0x8060];
	v9 =	vor.u32 $0x80000000, v9;
	v11 =	vshra.s32 v4, $0x1F  }
0x3fd: {  	v12 =	vld [tilespmem:s19+$0x10060];
	v13 =	vshra.s32 v5, $0x1F;
	v9 =	vxor.u32 v3, v9;
	v11 =	vor.u32 $0x80000000, v11  }
0x3fe: {  	v14 =	vld [tilespmem:s19+$0x10050];
	v15 =	vshra.s32 v6, $0x1F;
	v13 =	vor.u32 $0x80000000, v13;
	v11 =	vxor.u32 v4, v11  }
0x3ff: {  	v16 =	vld [tilespmem:s19+$0x8070];
	v15 =	vor.u32 $0x80000000, v15;
	v13 =	vxor.u32 v5, v13;
	v17 =	vshra.s32 v7, $0x1F  }
0x400: {  	v18 =	vld [tilespmem:s19+$0x10040];
	v15 =	vxor.u32 v6, v15;
	v17 =	vor.u32 $0x80000000, v17;
	v19 =	vshra.s32 v8, $0x1F  }
0x401: {  	v20 =	vld [tilespmem:s19+$0x10030];
	v15 =	vshrl.u32 v15, $0x12;
	v17 =	vxor.u32 v7, v17;
	v19 =	vor.u32 $0x80000000, v19  }
0x402: {  	v13 =	vshrl.u32 v13, $0x12;
	v22 =	vshra.s32 v10, $0x1F;
	v21 =	vld [tilespmem:s19+$0x10020];
	v19 =	vxor.u32 v8, v19  }
0x403: {  	v9 =	vshrl.u32 v9, $0x12;
	v23 =	vld [tilespmem:s19+$0x10010];
	v8 =	vsub.f32 v14, v8;
	v14 =	vor.u32 $0x80000000, v22  }
0x404: {  	v11 =	vshrl.u32 v11, $0x12;
	v22 =	vld [tilespmem:s19+$0x10000];
	v14 =	vxor.u32 v10, v14;
	v24 =	vshra.s32 v16, $0x1F  }
0x405: {  	v17 =	vshrl.u32 v17, $0x12;
	v25 =	vld [tilespmem:s19+$0x10070];
	v7 =	vsub.f32 v18, v7;
	v18 =	vor.u32 $0x80000000, v24  }
0x406: {  	v19 =	vshrl.u32 v19, $0x12;
	v4 =	vsub.f32 v20, v4;
	v18 =	vxor.u32 v16, v18;
	[tilespmem:v15+s1+$0x0] =	vst.idx.add.s32.msk $0xffff, v2  }
0x407: {  	v10 =	vsub.f32 v12, v10;
	v12 =	vshrl.u32 v14, $0x12;
	v20 =	vsub.f32 v21, v3;
	[tilespmem:v13+s1+$0x0] =	vst.idx.add.s32.msk $0xffff, v2  }
0x408: {  	v3 =	vshrl.u32 v18, $0x12;
	v5 =	vsub.f32 v23, v5;
	[tilespmem:v9+s1+$0x0] =	vst.idx.add.s32.msk $0xffff, v2  }
0x409: {  	v6 =	vsub.f32 v22, v6;
	[tilespmem:v11+s1+$0x0] =	vst.idx.add.s32.msk $0xffff, v2  }
0x40a: {  	v14 =	vsub.f32 v25, v16;
	[tilespmem:v17+s1+$0x0] =	vst.idx.add.s32.msk $0xffff, v2  }
0x40b: {  	[tilespmem:v19+s1+$0x0] =	vst.idx.add.s32.msk $0xffff, v2  }
0x40c: {  	v6 =	vmul.f32 v6, v6;
	[tilespmem:v12+s1+$0x0] =	vst.idx.add.s32.msk $0xffff, v2  }
0x40d: {  	v5 =	vmul.f32 v5, v5;
	[tilespmem:v3+s1+$0x0] =	vst.idx.add.s32.msk $0xffff, v2  }
0x40e: {  	v16 =	vmul.f32 v20, v20;
	[tilespmem:v15+s13+$0x0] =	vst.idx.add.f32.msk $0xffff, v6  }
0x40f: {  	v4 =	vmul.f32 v4, v4;
	[tilespmem:v13+s13+$0x0] =	vst.idx.add.f32.msk $0xffff, v5  }
.Ltmp13:
0x410: {  	v5 =	vmul.f32 v7, v7;
	[tilespmem:v9+s13+$0x0] =	vst.idx.add.f32.msk $0xffff, v16;
	(pc) =	sbr.rel @p0 .LBB2_28-.Ltmp13, $4  }
0x411: {  	v6 =	vmul.f32 v8, v8;
	[tilespmem:v11+s13+$0x0] =	vst.idx.add.f32.msk $0xffff, v4  }
0x412: {  	v7 =	vmul.f32 v10, v10;
	[tilespmem:v17+s13+$0x0] =	vst.idx.add.f32.msk $0xffff, v5  }
0x413: {  	v4 =	vmul.f32 v14, v14;
	[tilespmem:v19+s13+$0x0] =	vst.idx.add.f32.msk $0xffff, v6  }
0x414: {  	[tilespmem:v12+s13+$0x0] =	vst.idx.add.f32.msk $0xffff, v7  }
0x415: {  	_ =	sdelay $0x3  }
0x416: {  	[tilespmem:v3+s13+$0x0] =	vst.idx.add.f32.msk $0xffff, v4;
	s18 =	simm.s32 $0x0  }
0x417: {  	[tilespmem:s7], [sflag:$0x1] =	stream.linear.gather [hbm4b:s30+s18], $0x4000, $0x38;
	[tilespmem:$0x18000] =	vst v63  }
0x418: {  	_ = 	snop  }
0x419: {  	[tilespmem:s8], [sflag:$0x3] =	stream.linear.gather [hbm4b:s0+s18], $0x4000, $0x38;
	[tilespmem:$0x18000] =	vst v63  }
0x41a: {  	_ =	swait.ge [sflag:s14], $0x4000  }
0x41b: {  	[sflag:s14] =	ssyncset.done $0x0  }
0x41c: {  	[sflag:s14] =	ssyncadd.s32 $0xFFFFC000  }
0x41d: {  	_ =	swait.ge [sflag:s15], $0x4000  }
0x41e: {  	[sflag:s15] =	ssyncset.done $0x0  }
0x41f: {  	s19 =	simm.s32 $0x0;
	[sflag:s15] =	ssyncadd.s32 $0xFFFFC000  }
0x420: {  	v4 =	vld [tilespmem:s19+$0xC020]  }
0x421: {  	v5 =	vld [tilespmem:s19+$0xC030]  }
0x422: {  	v6 =	vld [tilespmem:s19+$0xC010]  }
0x423: {  	v7 =	vld [tilespmem:s19+$0xC000]  }
0x424: {  	v8 =	vld [tilespmem:s19+$0xC040]  }
0x425: {  	v9 =	vld [tilespmem:s19+$0xC050]  }
0x426: {  	v10 =	vld [tilespmem:s19+$0xC060]  }
0x427: {  	v16 =	vld [tilespmem:s19+$0xC070];
	_ =	sdelay $0x1  }
0x428: {  	v3 =	vshra.s32 v4, $0x1F;
	v12 =	vshra.s32 v5, $0x1F  }
0x429: {  	v11 =	vld [tilespmem:s19+$0x14060];
	v13 =	vshra.s32 v6, $0x1F;
	v15 =	vshra.s32 v7, $0x1F;
	v18 =	vshra.s32 v8, $0x1F  }
0x42a: {  	v14 =	vld [tilespmem:s19+$0x14050];
	v20 =	vshra.s32 v9, $0x1F;
	v63 =	vshra.s32 v10, $0x1F;
	v15 =	vor.u32 $0x80000000, v15  }
0x42b: {  	v17 =	vld [tilespmem:s19+$0x14040];
	v25 =	vshra.s32 v16, $0x1F;
	v13 =	vor.u32 $0x80000000, v13;
	v15 =	vxor.u32 v7, v15  }
0x42c: {  	v19 =	vld [tilespmem:s19+$0x14030];
	v3 =	vor.u32 $0x80000000, v3;
	v13 =	vxor.u32 v6, v13;
	v15 =	vshrl.u32 v15, $0x12  }
0x42d: {  	v21 =	vld [tilespmem:s19+$0x14020];
	v12 =	vor.u32 $0x80000000, v12;
	v3 =	vxor.u32 v4, v3;
	v13 =	vshrl.u32 v13, $0x12  }
0x42e: {  	v22 =	vld [tilespmem:s19+$0x14010];
	v18 =	vor.u32 $0x80000000, v18;
	v12 =	vxor.u32 v5, v12;
	v23 =	vshrl.u32 v3, $0x12  }
0x42f: {  	v24 =	vld [tilespmem:s19+$0x14000];
	v20 =	vor.u32 $0x80000000, v20;
	v18 =	vxor.u32 v8, v18;
	v12 =	vshrl.u32 v12, $0x12  }
0x430: {  	v26 =	vld [tilespmem:s19+$0x14070];
	v3 =	vxor.u32 v9, v20;
	v20 =	vor.u32 $0x80000000, v63;
	v18 =	vshrl.u32 v18, $0x12  }
0x431: {  	v25 =	vor.u32 $0x80000000, v25;
	v20 =	vxor.u32 v10, v20;
	v27 =	vshrl.u32 v3, $0x12;
	[tilespmem:v15+s1+$0x0] =	vst.idx.add.s32.msk $0xffff, v2  }
0x432: {  	v3 =	vxor.u32 v16, v25;
	v20 =	vshrl.u32 v20, $0x12;
	[tilespmem:v13+s1+$0x0] =	vst.idx.add.s32.msk $0xffff, v2  }
0x433: {  	v3 =	vshrl.u32 v3, $0x12;
	[tilespmem:v23+s1+$0x0] =	vst.idx.add.s32.msk $0xffff, v2  }
0x434: {  	[tilespmem:v12+s1+$0x0] =	vst.idx.add.s32.msk $0xffff, v2  }
0x435: {  	v7 =	vsub.f32 v24, v7;
	[tilespmem:v18+s1+$0x0] =	vst.idx.add.s32.msk $0xffff, v2  }
0x436: {  	v6 =	vsub.f32 v22, v6;
	[tilespmem:v27+s1+$0x0] =	vst.idx.add.s32.msk $0xffff, v2  }
0x437: {  	v4 =	vsub.f32 v21, v4;
	v7 =	vmul.f32 v7, v7;
	[tilespmem:v20+s1+$0x0] =	vst.idx.add.s32.msk $0xffff, v2  }
0x438: {  	v5 =	vsub.f32 v19, v5;
	v6 =	vmul.f32 v6, v6;
	[tilespmem:v3+s1+$0x0] =	vst.idx.add.s32.msk $0xffff, v2  }
0x439: {  	v8 =	vsub.f32 v17, v8;
	v4 =	vmul.f32 v4, v4;
	[tilespmem:v15+s13+$0x0] =	vst.idx.add.f32.msk $0xffff, v7  }
0x43a: {  	v5 =	vmul.f32 v5, v5;
	v7 =	vsub.f32 v14, v9;
	[tilespmem:v13+s13+$0x0] =	vst.idx.add.f32.msk $0xffff, v6  }
0x43b: {  	v8 =	vmul.f32 v8, v8;
	v6 =	vsub.f32 v11, v10;
	[tilespmem:v23+s13+$0x0] =	vst.idx.add.f32.msk $0xffff, v4  }
0x43c: {  	v4 =	vmul.f32 v7, v7;
	[tilespmem:v12+s13+$0x0] =	vst.idx.add.f32.msk $0xffff, v5;
	v5 =	vsub.f32 v26, v16  }
0x43d: {  	v6 =	vmul.f32 v6, v6;
	[tilespmem:v18+s13+$0x0] =	vst.idx.add.f32.msk $0xffff, v8  }
0x43e: {  	[tilespmem:v27+s13+$0x0] =	vst.idx.add.f32.msk $0xffff, v4;
	v4 =	vmul.f32 v5, v5  }
0x43f: {  	s18 =	simm.s32 $0x200;
	[tilespmem:v20+s13+$0x0] =	vst.idx.add.f32.msk $0xffff, v6  }
.LBB2_30:
0x440: {  	s19 =	sshra.s32 s18, $0x2;
	p0 =	sne.s32 s18, $0xFE00;
	s18 =	sadd.s32 $0x200, s18;
	[tilespmem:v3+s13+$0x0] =	vst.idx.add.f32.msk $0xffff, v4  }
0x441: {  	v3 =	vld [tilespmem:s19+$0xC020]  }
0x442: {  	v4 =	vld [tilespmem:s19+$0xC030]  }
0x443: {  	v5 =	vld [tilespmem:s19+$0xC010]  }
0x444: {  	v6 =	vld [tilespmem:s19+$0xC000]  }
0x445: {  	v7 =	vld [tilespmem:s19+$0xC040]  }
0x446: {  	v8 =	vld [tilespmem:s19+$0xC050];
	v9 =	vshra.s32 v3, $0x1F  }
0x447: {  	v10 =	vld [tilespmem:s19+$0xC060];
	v9 =	vor.u32 $0x80000000, v9;
	v11 =	vshra.s32 v4, $0x1F  }
0x448: {  	v12 =	vld [tilespmem:s19+$0x14060];
	v13 =	vshra.s32 v5, $0x1F;
	v9 =	vxor.u32 v3, v9;
	v11 =	vor.u32 $0x80000000, v11  }
0x449: {  	v14 =	vld [tilespmem:s19+$0x14050];
	v15 =	vshra.s32 v6, $0x1F;
	v13 =	vor.u32 $0x80000000, v13;
	v11 =	vxor.u32 v4, v11  }
0x44a: {  	v16 =	vld [tilespmem:s19+$0xC070];
	v15 =	vor.u32 $0x80000000, v15;
	v13 =	vxor.u32 v5, v13;
	v17 =	vshra.s32 v7, $0x1F  }
0x44b: {  	v18 =	vld [tilespmem:s19+$0x14040];
	v15 =	vxor.u32 v6, v15;
	v17 =	vor.u32 $0x80000000, v17;
	v19 =	vshra.s32 v8, $0x1F  }
0x44c: {  	v20 =	vld [tilespmem:s19+$0x14030];
	v15 =	vshrl.u32 v15, $0x12;
	v17 =	vxor.u32 v7, v17;
	v19 =	vor.u32 $0x80000000, v19  }
0x44d: {  	v13 =	vshrl.u32 v13, $0x12;
	v22 =	vshra.s32 v10, $0x1F;
	v21 =	vld [tilespmem:s19+$0x14020];
	v19 =	vxor.u32 v8, v19  }
0x44e: {  	v9 =	vshrl.u32 v9, $0x12;
	v23 =	vld [tilespmem:s19+$0x14010];
	v8 =	vsub.f32 v14, v8;
	v14 =	vor.u32 $0x80000000, v22  }
0x44f: {  	v11 =	vshrl.u32 v11, $0x12;
	v22 =	vld [tilespmem:s19+$0x14000];
	v14 =	vxor.u32 v10, v14;
	v24 =	vshra.s32 v16, $0x1F  }
0x450: {  	v17 =	vshrl.u32 v17, $0x12;
	v25 =	vld [tilespmem:s19+$0x14070];
	v7 =	vsub.f32 v18, v7;
	v18 =	vor.u32 $0x80000000, v24  }
0x451: {  	v19 =	vshrl.u32 v19, $0x12;
	v4 =	vsub.f32 v20, v4;
	v18 =	vxor.u32 v16, v18;
	[tilespmem:v15+s1+$0x0] =	vst.idx.add.s32.msk $0xffff, v2  }
0x452: {  	v10 =	vsub.f32 v12, v10;
	v12 =	vshrl.u32 v14, $0x12;
	v20 =	vsub.f32 v21, v3;
	[tilespmem:v13+s1+$0x0] =	vst.idx.add.s32.msk $0xffff, v2  }
0x453: {  	v3 =	vshrl.u32 v18, $0x12;
	v5 =	vsub.f32 v23, v5;
	[tilespmem:v9+s1+$0x0] =	vst.idx.add.s32.msk $0xffff, v2  }
0x454: {  	v6 =	vsub.f32 v22, v6;
	[tilespmem:v11+s1+$0x0] =	vst.idx.add.s32.msk $0xffff, v2  }
0x455: {  	v14 =	vsub.f32 v25, v16;
	[tilespmem:v17+s1+$0x0] =	vst.idx.add.s32.msk $0xffff, v2  }
0x456: {  	[tilespmem:v19+s1+$0x0] =	vst.idx.add.s32.msk $0xffff, v2  }
0x457: {  	v6 =	vmul.f32 v6, v6;
	[tilespmem:v12+s1+$0x0] =	vst.idx.add.s32.msk $0xffff, v2  }
0x458: {  	v5 =	vmul.f32 v5, v5;
	[tilespmem:v3+s1+$0x0] =	vst.idx.add.s32.msk $0xffff, v2  }
0x459: {  	v16 =	vmul.f32 v20, v20;
	[tilespmem:v15+s13+$0x0] =	vst.idx.add.f32.msk $0xffff, v6  }
0x45a: {  	v4 =	vmul.f32 v4, v4;
	[tilespmem:v13+s13+$0x0] =	vst.idx.add.f32.msk $0xffff, v5  }
.Ltmp14:
0x45b: {  	v5 =	vmul.f32 v7, v7;
	[tilespmem:v9+s13+$0x0] =	vst.idx.add.f32.msk $0xffff, v16;
	(pc) =	sbr.rel @p0 .LBB2_30-.Ltmp14, $4  }
0x45c: {  	v6 =	vmul.f32 v8, v8;
	[tilespmem:v11+s13+$0x0] =	vst.idx.add.f32.msk $0xffff, v4  }
0x45d: {  	v7 =	vmul.f32 v10, v10;
	[tilespmem:v17+s13+$0x0] =	vst.idx.add.f32.msk $0xffff, v5  }
0x45e: {  	v4 =	vmul.f32 v14, v14;
	[tilespmem:v19+s13+$0x0] =	vst.idx.add.f32.msk $0xffff, v6  }
0x45f: {  	[tilespmem:v12+s13+$0x0] =	vst.idx.add.f32.msk $0xffff, v7  }
0x460: {  	_ =	sdelay $0x3  }
0x461: {  	[tilespmem:v3+s13+$0x0] =	vst.idx.add.f32.msk $0xffff, v4;
	s18 =	simm.s32 $0x0  }
0x462: {  	[tilespmem:s9], [sflag:$0x2] =	stream.linear.gather [hbm4b:s2+s18], $0x4000, $0x38;
	[tilespmem:$0x18000] =	vst v63  }
0x463: {  	_ = 	snop  }
0x464: {  	[tilespmem:s10], [sflag:$0x4] =	stream.linear.gather [hbm4b:s3+s18], $0x4000, $0x38;
	[tilespmem:$0x18000] =	vst v63  }
0x465: {  	_ =	swait.ge [sflag:s11], $0x4000  }
0x466: {  	[sflag:s11] =	ssyncset.done $0x0  }
0x467: {  	[sflag:s11] =	ssyncadd.s32 $0xFFFFC000  }
0x468: {  	_ =	swait.ge [sflag:s12], $0x4000  }
0x469: {  	[sflag:s12] =	ssyncset.done $0x0  }
0x46a: {  	s19 =	simm.s32 $0x0;
	[sflag:s12] =	ssyncadd.s32 $0xFFFFC000  }
0x46b: {  	v4 =	vld [tilespmem:s19+$0x8020]  }
0x46c: {  	v5 =	vld [tilespmem:s19+$0x8030]  }
0x46d: {  	v6 =	vld [tilespmem:s19+$0x8010]  }
0x46e: {  	v7 =	vld [tilespmem:s19+$0x8000]  }
0x46f: {  	v8 =	vld [tilespmem:s19+$0x8040]  }
0x470: {  	v9 =	vld [tilespmem:s19+$0x8050]  }
0x471: {  	v10 =	vld [tilespmem:s19+$0x8060]  }
0x472: {  	v16 =	vld [tilespmem:s19+$0x8070];
	_ =	sdelay $0x1  }
0x473: {  	v3 =	vshra.s32 v4, $0x1F;
	v12 =	vshra.s32 v5, $0x1F  }
0x474: {  	v11 =	vld [tilespmem:s19+$0x10060];
	v13 =	vshra.s32 v6, $0x1F;
	v15 =	vshra.s32 v7, $0x1F;
	v18 =	vshra.s32 v8, $0x1F  }
0x475: {  	v14 =	vld [tilespmem:s19+$0x10050];
	v20 =	vshra.s32 v9, $0x1F;
	v63 =	vshra.s32 v10, $0x1F;
	v15 =	vor.u32 $0x80000000, v15  }
0x476: {  	v17 =	vld [tilespmem:s19+$0x10040];
	v25 =	vshra.s32 v16, $0x1F;
	v13 =	vor.u32 $0x80000000, v13;
	v15 =	vxor.u32 v7, v15  }
0x477: {  	v19 =	vld [tilespmem:s19+$0x10030];
	v3 =	vor.u32 $0x80000000, v3;
	v13 =	vxor.u32 v6, v13;
	v15 =	vshrl.u32 v15, $0x12  }
0x478: {  	v21 =	vld [tilespmem:s19+$0x10020];
	v12 =	vor.u32 $0x80000000, v12;
	v3 =	vxor.u32 v4, v3;
	v13 =	vshrl.u32 v13, $0x12  }
0x479: {  	v22 =	vld [tilespmem:s19+$0x10010];
	v18 =	vor.u32 $0x80000000, v18;
	v12 =	vxor.u32 v5, v12;
	v23 =	vshrl.u32 v3, $0x12  }
0x47a: {  	v24 =	vld [tilespmem:s19+$0x10000];
	v20 =	vor.u32 $0x80000000, v20;
	v18 =	vxor.u32 v8, v18;
	v12 =	vshrl.u32 v12, $0x12  }
0x47b: {  	v26 =	vld [tilespmem:s19+$0x10070];
	v3 =	vxor.u32 v9, v20;
	v20 =	vor.u32 $0x80000000, v63;
	v18 =	vshrl.u32 v18, $0x12  }
0x47c: {  	v25 =	vor.u32 $0x80000000, v25;
	v20 =	vxor.u32 v10, v20;
	v27 =	vshrl.u32 v3, $0x12;
	[tilespmem:v15+s1+$0x0] =	vst.idx.add.s32.msk $0xffff, v2  }
0x47d: {  	v3 =	vxor.u32 v16, v25;
	v20 =	vshrl.u32 v20, $0x12;
	[tilespmem:v13+s1+$0x0] =	vst.idx.add.s32.msk $0xffff, v2  }
0x47e: {  	v3 =	vshrl.u32 v3, $0x12;
	[tilespmem:v23+s1+$0x0] =	vst.idx.add.s32.msk $0xffff, v2  }
0x47f: {  	[tilespmem:v12+s1+$0x0] =	vst.idx.add.s32.msk $0xffff, v2  }
0x480: {  	v7 =	vsub.f32 v24, v7;
	[tilespmem:v18+s1+$0x0] =	vst.idx.add.s32.msk $0xffff, v2  }
0x481: {  	v6 =	vsub.f32 v22, v6;
	[tilespmem:v27+s1+$0x0] =	vst.idx.add.s32.msk $0xffff, v2  }
0x482: {  	v4 =	vsub.f32 v21, v4;
	v7 =	vmul.f32 v7, v7;
	[tilespmem:v20+s1+$0x0] =	vst.idx.add.s32.msk $0xffff, v2  }
0x483: {  	v5 =	vsub.f32 v19, v5;
	v6 =	vmul.f32 v6, v6;
	[tilespmem:v3+s1+$0x0] =	vst.idx.add.s32.msk $0xffff, v2  }
0x484: {  	v8 =	vsub.f32 v17, v8;
	v4 =	vmul.f32 v4, v4;
	[tilespmem:v15+s13+$0x0] =	vst.idx.add.f32.msk $0xffff, v7  }
0x485: {  	v5 =	vmul.f32 v5, v5;
	v7 =	vsub.f32 v14, v9;
	[tilespmem:v13+s13+$0x0] =	vst.idx.add.f32.msk $0xffff, v6  }
0x486: {  	v8 =	vmul.f32 v8, v8;
	v6 =	vsub.f32 v11, v10;
	[tilespmem:v23+s13+$0x0] =	vst.idx.add.f32.msk $0xffff, v4  }
0x487: {  	v4 =	vmul.f32 v7, v7;
	[tilespmem:v12+s13+$0x0] =	vst.idx.add.f32.msk $0xffff, v5;
	v5 =	vsub.f32 v26, v16  }
0x488: {  	v6 =	vmul.f32 v6, v6;
	[tilespmem:v18+s13+$0x0] =	vst.idx.add.f32.msk $0xffff, v8  }
0x489: {  	[tilespmem:v27+s13+$0x0] =	vst.idx.add.f32.msk $0xffff, v4;
	v4 =	vmul.f32 v5, v5  }
0x48a: {  	s18 =	simm.s32 $0x200;
	[tilespmem:v20+s13+$0x0] =	vst.idx.add.f32.msk $0xffff, v6  }
.LBB2_32:
0x48b: {  	s19 =	sshra.s32 s18, $0x2;
	p0 =	sne.s32 s18, $0xFE00;
	s18 =	sadd.s32 $0x200, s18;
	[tilespmem:v3+s13+$0x0] =	vst.idx.add.f32.msk $0xffff, v4  }
0x48c: {  	v3 =	vld [tilespmem:s19+$0x8020]  }
0x48d: {  	v4 =	vld [tilespmem:s19+$0x8030]  }
0x48e: {  	v5 =	vld [tilespmem:s19+$0x8010]  }
0x48f: {  	v6 =	vld [tilespmem:s19+$0x8000]  }
0x490: {  	v7 =	vld [tilespmem:s19+$0x8040]  }
0x491: {  	v8 =	vld [tilespmem:s19+$0x8050];
	v9 =	vshra.s32 v3, $0x1F  }
0x492: {  	v10 =	vld [tilespmem:s19+$0x8060];
	v9 =	vor.u32 $0x80000000, v9;
	v11 =	vshra.s32 v4, $0x1F  }
0x493: {  	v12 =	vld [tilespmem:s19+$0x10060];
	v13 =	vshra.s32 v5, $0x1F;
	v9 =	vxor.u32 v3, v9;
	v11 =	vor.u32 $0x80000000, v11  }
0x494: {  	v14 =	vld [tilespmem:s19+$0x10050];
	v15 =	vshra.s32 v6, $0x1F;
	v13 =	vor.u32 $0x80000000, v13;
	v11 =	vxor.u32 v4, v11  }
0x495: {  	v16 =	vld [tilespmem:s19+$0x8070];
	v15 =	vor.u32 $0x80000000, v15;
	v13 =	vxor.u32 v5, v13;
	v17 =	vshra.s32 v7, $0x1F  }
0x496: {  	v18 =	vld [tilespmem:s19+$0x10040];
	v15 =	vxor.u32 v6, v15;
	v17 =	vor.u32 $0x80000000, v17;
	v19 =	vshra.s32 v8, $0x1F  }
0x497: {  	v20 =	vld [tilespmem:s19+$0x10030];
	v15 =	vshrl.u32 v15, $0x12;
	v17 =	vxor.u32 v7, v17;
	v19 =	vor.u32 $0x80000000, v19  }
0x498: {  	v13 =	vshrl.u32 v13, $0x12;
	v22 =	vshra.s32 v10, $0x1F;
	v21 =	vld [tilespmem:s19+$0x10020];
	v19 =	vxor.u32 v8, v19  }
0x499: {  	v9 =	vshrl.u32 v9, $0x12;
	v23 =	vld [tilespmem:s19+$0x10010];
	v8 =	vsub.f32 v14, v8;
	v14 =	vor.u32 $0x80000000, v22  }
0x49a: {  	v11 =	vshrl.u32 v11, $0x12;
	v22 =	vld [tilespmem:s19+$0x10000];
	v14 =	vxor.u32 v10, v14;
	v24 =	vshra.s32 v16, $0x1F  }
0x49b: {  	v17 =	vshrl.u32 v17, $0x12;
	v25 =	vld [tilespmem:s19+$0x10070];
	v7 =	vsub.f32 v18, v7;
	v18 =	vor.u32 $0x80000000, v24  }
0x49c: {  	v19 =	vshrl.u32 v19, $0x12;
	v4 =	vsub.f32 v20, v4;
	v18 =	vxor.u32 v16, v18;
	[tilespmem:v15+s1+$0x0] =	vst.idx.add.s32.msk $0xffff, v2  }
0x49d: {  	v10 =	vsub.f32 v12, v10;
	v12 =	vshrl.u32 v14, $0x12;
	v20 =	vsub.f32 v21, v3;
	[tilespmem:v13+s1+$0x0] =	vst.idx.add.s32.msk $0xffff, v2  }
0x49e: {  	v3 =	vshrl.u32 v18, $0x12;
	v5 =	vsub.f32 v23, v5;
	[tilespmem:v9+s1+$0x0] =	vst.idx.add.s32.msk $0xffff, v2  }
0x49f: {  	v6 =	vsub.f32 v22, v6;
	[tilespmem:v11+s1+$0x0] =	vst.idx.add.s32.msk $0xffff, v2  }
0x4a0: {  	v14 =	vsub.f32 v25, v16;
	[tilespmem:v17+s1+$0x0] =	vst.idx.add.s32.msk $0xffff, v2  }
0x4a1: {  	[tilespmem:v19+s1+$0x0] =	vst.idx.add.s32.msk $0xffff, v2  }
0x4a2: {  	v6 =	vmul.f32 v6, v6;
	[tilespmem:v12+s1+$0x0] =	vst.idx.add.s32.msk $0xffff, v2  }
0x4a3: {  	v5 =	vmul.f32 v5, v5;
	[tilespmem:v3+s1+$0x0] =	vst.idx.add.s32.msk $0xffff, v2  }
0x4a4: {  	v16 =	vmul.f32 v20, v20;
	[tilespmem:v15+s13+$0x0] =	vst.idx.add.f32.msk $0xffff, v6  }
0x4a5: {  	v4 =	vmul.f32 v4, v4;
	[tilespmem:v13+s13+$0x0] =	vst.idx.add.f32.msk $0xffff, v5  }
.Ltmp15:
0x4a6: {  	v5 =	vmul.f32 v7, v7;
	[tilespmem:v9+s13+$0x0] =	vst.idx.add.f32.msk $0xffff, v16;
	(pc) =	sbr.rel @p0 .LBB2_32-.Ltmp15, $4  }
0x4a7: {  	v6 =	vmul.f32 v8, v8;
	[tilespmem:v11+s13+$0x0] =	vst.idx.add.f32.msk $0xffff, v4  }
0x4a8: {  	v7 =	vmul.f32 v10, v10;
	[tilespmem:v17+s13+$0x0] =	vst.idx.add.f32.msk $0xffff, v5  }
0x4a9: {  	v4 =	vmul.f32 v14, v14;
	[tilespmem:v19+s13+$0x0] =	vst.idx.add.f32.msk $0xffff, v6  }
0x4aa: {  	[tilespmem:v12+s13+$0x0] =	vst.idx.add.f32.msk $0xffff, v7  }
0x4ab: {  	_ =	sdelay $0x3  }
0x4ac: {  	[tilespmem:v3+s13+$0x0] =	vst.idx.add.f32.msk $0xffff, v4  }
0x4ad: {  	_ =	swait.ge [sflag:s14], $0x4000  }
0x4ae: {  	[sflag:s14] =	ssyncset.done $0x0  }
0x4af: {  	[sflag:s14] =	ssyncadd.s32 $0xFFFFC000  }
0x4b0: {  	_ =	swait.ge [sflag:s15], $0x4000  }
0x4b1: {  	[sflag:s15] =	ssyncset.done $0x0  }
0x4b2: {  	s18 =	simm.s32 $0x0;
	[sflag:s15] =	ssyncadd.s32 $0xFFFFC000  }
0x4b3: {  	v4 =	vld [tilespmem:s18+$0xC020]  }
0x4b4: {  	v5 =	vld [tilespmem:s18+$0xC030]  }
0x4b5: {  	v6 =	vld [tilespmem:s18+$0xC010]  }
0x4b6: {  	v7 =	vld [tilespmem:s18+$0xC000]  }
0x4b7: {  	v8 =	vld [tilespmem:s18+$0xC040]  }
0x4b8: {  	v9 =	vld [tilespmem:s18+$0xC050]  }
0x4b9: {  	v10 =	vld [tilespmem:s18+$0xC060]  }
0x4ba: {  	v16 =	vld [tilespmem:s18+$0xC070];
	_ =	sdelay $0x1  }
0x4bb: {  	v3 =	vshra.s32 v4, $0x1F;
	v12 =	vshra.s32 v5, $0x1F  }
0x4bc: {  	v11 =	vld [tilespmem:s18+$0x14060];
	v13 =	vshra.s32 v6, $0x1F;
	v15 =	vshra.s32 v7, $0x1F;
	v18 =	vshra.s32 v8, $0x1F  }
0x4bd: {  	v14 =	vld [tilespmem:s18+$0x14050];
	v20 =	vshra.s32 v9, $0x1F;
	v63 =	vshra.s32 v10, $0x1F;
	v15 =	vor.u32 $0x80000000, v15  }
0x4be: {  	v17 =	vld [tilespmem:s18+$0x14040];
	v25 =	vshra.s32 v16, $0x1F;
	v13 =	vor.u32 $0x80000000, v13;
	v15 =	vxor.u32 v7, v15  }
0x4bf: {  	v19 =	vld [tilespmem:s18+$0x14030];
	v3 =	vor.u32 $0x80000000, v3;
	v13 =	vxor.u32 v6, v13;
	v15 =	vshrl.u32 v15, $0x12  }
0x4c0: {  	v21 =	vld [tilespmem:s18+$0x14020];
	v12 =	vor.u32 $0x80000000, v12;
	v3 =	vxor.u32 v4, v3;
	v13 =	vshrl.u32 v13, $0x12  }
0x4c1: {  	v22 =	vld [tilespmem:s18+$0x14010];
	v18 =	vor.u32 $0x80000000, v18;
	v12 =	vxor.u32 v5, v12;
	v23 =	vshrl.u32 v3, $0x12  }
0x4c2: {  	v24 =	vld [tilespmem:s18+$0x14000];
	v20 =	vor.u32 $0x80000000, v20;
	v18 =	vxor.u32 v8, v18;
	v12 =	vshrl.u32 v12, $0x12  }
0x4c3: {  	v26 =	vld [tilespmem:s18+$0x14070];
	v3 =	vxor.u32 v9, v20;
	v20 =	vor.u32 $0x80000000, v63;
	v18 =	vshrl.u32 v18, $0x12  }
0x4c4: {  	v25 =	vor.u32 $0x80000000, v25;
	v20 =	vxor.u32 v10, v20;
	v27 =	vshrl.u32 v3, $0x12;
	[tilespmem:v15+s1+$0x0] =	vst.idx.add.s32.msk $0xffff, v2  }
0x4c5: {  	v3 =	vxor.u32 v16, v25;
	v20 =	vshrl.u32 v20, $0x12;
	[tilespmem:v13+s1+$0x0] =	vst.idx.add.s32.msk $0xffff, v2  }
0x4c6: {  	v3 =	vshrl.u32 v3, $0x12;
	[tilespmem:v23+s1+$0x0] =	vst.idx.add.s32.msk $0xffff, v2  }
0x4c7: {  	[tilespmem:v12+s1+$0x0] =	vst.idx.add.s32.msk $0xffff, v2  }
0x4c8: {  	v7 =	vsub.f32 v24, v7;
	[tilespmem:v18+s1+$0x0] =	vst.idx.add.s32.msk $0xffff, v2  }
0x4c9: {  	v6 =	vsub.f32 v22, v6;
	[tilespmem:v27+s1+$0x0] =	vst.idx.add.s32.msk $0xffff, v2  }
0x4ca: {  	v4 =	vsub.f32 v21, v4;
	v7 =	vmul.f32 v7, v7;
	[tilespmem:v20+s1+$0x0] =	vst.idx.add.s32.msk $0xffff, v2  }
0x4cb: {  	v5 =	vsub.f32 v19, v5;
	v6 =	vmul.f32 v6, v6;
	[tilespmem:v3+s1+$0x0] =	vst.idx.add.s32.msk $0xffff, v2  }
0x4cc: {  	v8 =	vsub.f32 v17, v8;
	v4 =	vmul.f32 v4, v4;
	[tilespmem:v15+s13+$0x0] =	vst.idx.add.f32.msk $0xffff, v7  }
0x4cd: {  	v5 =	vmul.f32 v5, v5;
	v7 =	vsub.f32 v14, v9;
	[tilespmem:v13+s13+$0x0] =	vst.idx.add.f32.msk $0xffff, v6  }
0x4ce: {  	v8 =	vmul.f32 v8, v8;
	v6 =	vsub.f32 v11, v10;
	[tilespmem:v23+s13+$0x0] =	vst.idx.add.f32.msk $0xffff, v4  }
0x4cf: {  	v4 =	vmul.f32 v7, v7;
	[tilespmem:v12+s13+$0x0] =	vst.idx.add.f32.msk $0xffff, v5;
	v5 =	vsub.f32 v26, v16  }
0x4d0: {  	v6 =	vmul.f32 v6, v6;
	[tilespmem:v18+s13+$0x0] =	vst.idx.add.f32.msk $0xffff, v8  }
0x4d1: {  	[tilespmem:v27+s13+$0x0] =	vst.idx.add.f32.msk $0xffff, v4;
	v4 =	vmul.f32 v5, v5  }
0x4d2: {  	s18 =	simm.s32 $0x200;
	[tilespmem:v20+s13+$0x0] =	vst.idx.add.f32.msk $0xffff, v6  }
.LBB2_34:
0x4d3: {  	s19 =	sshra.s32 s18, $0x2;
	p0 =	sne.s32 s18, $0xFE00;
	s18 =	sadd.s32 $0x200, s18;
	[tilespmem:v3+s13+$0x0] =	vst.idx.add.f32.msk $0xffff, v4  }
0x4d4: {  	v3 =	vld [tilespmem:s19+$0xC020]  }
0x4d5: {  	v4 =	vld [tilespmem:s19+$0xC030]  }
0x4d6: {  	v5 =	vld [tilespmem:s19+$0xC010]  }
0x4d7: {  	v6 =	vld [tilespmem:s19+$0xC000]  }
0x4d8: {  	v7 =	vld [tilespmem:s19+$0xC040]  }
0x4d9: {  	v8 =	vld [tilespmem:s19+$0xC050];
	v9 =	vshra.s32 v3, $0x1F  }
0x4da: {  	v10 =	vld [tilespmem:s19+$0xC060];
	v9 =	vor.u32 $0x80000000, v9;
	v11 =	vshra.s32 v4, $0x1F  }
0x4db: {  	v12 =	vld [tilespmem:s19+$0x14060];
	v13 =	vshra.s32 v5, $0x1F;
	v9 =	vxor.u32 v3, v9;
	v11 =	vor.u32 $0x80000000, v11  }
0x4dc: {  	v14 =	vld [tilespmem:s19+$0x14050];
	v15 =	vshra.s32 v6, $0x1F;
	v13 =	vor.u32 $0x80000000, v13;
	v11 =	vxor.u32 v4, v11  }
0x4dd: {  	v16 =	vld [tilespmem:s19+$0xC070];
	v15 =	vor.u32 $0x80000000, v15;
	v13 =	vxor.u32 v5, v13;
	v17 =	vshra.s32 v7, $0x1F  }
0x4de: {  	v18 =	vld [tilespmem:s19+$0x14040];
	v15 =	vxor.u32 v6, v15;
	v17 =	vor.u32 $0x80000000, v17;
	v19 =	vshra.s32 v8, $0x1F  }
0x4df: {  	v20 =	vld [tilespmem:s19+$0x14030];
	v15 =	vshrl.u32 v15, $0x12;
	v17 =	vxor.u32 v7, v17;
	v19 =	vor.u32 $0x80000000, v19  }
0x4e0: {  	v13 =	vshrl.u32 v13, $0x12;
	v22 =	vshra.s32 v10, $0x1F;
	v21 =	vld [tilespmem:s19+$0x14020];
	v19 =	vxor.u32 v8, v19  }
0x4e1: {  	v9 =	vshrl.u32 v9, $0x12;
	v23 =	vld [tilespmem:s19+$0x14010];
	v8 =	vsub.f32 v14, v8;
	v14 =	vor.u32 $0x80000000, v22  }
0x4e2: {  	v11 =	vshrl.u32 v11, $0x12;
	v22 =	vld [tilespmem:s19+$0x14000];
	v14 =	vxor.u32 v10, v14;
	v24 =	vshra.s32 v16, $0x1F  }
0x4e3: {  	v17 =	vshrl.u32 v17, $0x12;
	v25 =	vld [tilespmem:s19+$0x14070];
	v7 =	vsub.f32 v18, v7;
	v18 =	vor.u32 $0x80000000, v24  }
0x4e4: {  	v19 =	vshrl.u32 v19, $0x12;
	v4 =	vsub.f32 v20, v4;
	v18 =	vxor.u32 v16, v18;
	[tilespmem:v15+s1+$0x0] =	vst.idx.add.s32.msk $0xffff, v2  }
0x4e5: {  	v10 =	vsub.f32 v12, v10;
	v12 =	vshrl.u32 v14, $0x12;
	v20 =	vsub.f32 v21, v3;
	[tilespmem:v13+s1+$0x0] =	vst.idx.add.s32.msk $0xffff, v2  }
0x4e6: {  	v3 =	vshrl.u32 v18, $0x12;
	v5 =	vsub.f32 v23, v5;
	[tilespmem:v9+s1+$0x0] =	vst.idx.add.s32.msk $0xffff, v2  }
0x4e7: {  	v6 =	vsub.f32 v22, v6;
	[tilespmem:v11+s1+$0x0] =	vst.idx.add.s32.msk $0xffff, v2  }
0x4e8: {  	v14 =	vsub.f32 v25, v16;
	[tilespmem:v17+s1+$0x0] =	vst.idx.add.s32.msk $0xffff, v2  }
0x4e9: {  	[tilespmem:v19+s1+$0x0] =	vst.idx.add.s32.msk $0xffff, v2  }
0x4ea: {  	v6 =	vmul.f32 v6, v6;
	[tilespmem:v12+s1+$0x0] =	vst.idx.add.s32.msk $0xffff, v2  }
0x4eb: {  	v5 =	vmul.f32 v5, v5;
	[tilespmem:v3+s1+$0x0] =	vst.idx.add.s32.msk $0xffff, v2  }
0x4ec: {  	v16 =	vmul.f32 v20, v20;
	[tilespmem:v15+s13+$0x0] =	vst.idx.add.f32.msk $0xffff, v6  }
0x4ed: {  	v4 =	vmul.f32 v4, v4;
	[tilespmem:v13+s13+$0x0] =	vst.idx.add.f32.msk $0xffff, v5  }
.Ltmp16:
0x4ee: {  	v5 =	vmul.f32 v7, v7;
	[tilespmem:v9+s13+$0x0] =	vst.idx.add.f32.msk $0xffff, v16;
	(pc) =	sbr.rel @p0 .LBB2_34-.Ltmp16, $4  }
0x4ef: {  	v6 =	vmul.f32 v8, v8;
	[tilespmem:v11+s13+$0x0] =	vst.idx.add.f32.msk $0xffff, v4  }
0x4f0: {  	v7 =	vmul.f32 v10, v10;
	[tilespmem:v17+s13+$0x0] =	vst.idx.add.f32.msk $0xffff, v5  }
0x4f1: {  	v4 =	vmul.f32 v14, v14;
	[tilespmem:v19+s13+$0x0] =	vst.idx.add.f32.msk $0xffff, v6  }
0x4f2: {  	[tilespmem:v12+s13+$0x0] =	vst.idx.add.f32.msk $0xffff, v7  }
0x4f3: {  	_ =	sdelay $0x3  }
0x4f4: {  	[tilespmem:v3+s13+$0x0] =	vst.idx.add.f32.msk $0xffff, v4;
	s18 =	simm.s32 $0x80;
	s19 =	simm.s32 $0x400  }
0x4f5: {  	[hbm4b:s4+s18] =	stream.strided.scatter [tilespmem:s1], [sflag:$0x5], $0x4000, s19, s18, $0x38;
	[tilespmem:$0x18000] =	vst v63  }
0x4f6: {  	s17 =	sadd.s32 $0x1, s17;
	_ =	swait.ge [sflag:s16], $0x4000  }
0x4f7: {  	p0 =	sne.s32 s17, s6;
	[sflag:s16] =	ssyncset.done $0x0  }
.Ltmp17:
0x4f8: {  	[sflag:s16] =	ssyncadd.s32 $0xFFFFC000;
	(pc) =	sbr.rel @p0 .LBB2_1-.Ltmp17, $4  }
0x4f9: {  	[hbm4b:s5+s18] =	stream.strided.scatter [tilespmem:s13], [sflag:$0x5], $0x4000, s19, s18, $0x38;
	[tilespmem:$0x18000] =	vst v63  }
0x4fa: {  	_ =	swait.ge [sflag:s16], $0x4000  }
0x4fb: {  	[sflag:s16] =	ssyncset.done $0x0  }
0x4fc: {  	[sflag:s16] =	ssyncadd.s32 $0xFFFFC000  }
0x4fd: {  	_ =	sfence.sel $0x180000  }
0x4fe: {  	[bflag:$0x0] =	sbarrier.arrive $0xFFFF  }
0x4ff: {  	_ =	strace $0x90000047  }
0x500: {  	s0 =	stileid.u32;
	[bflag:$0x2] =	sbarrier.arrive $0xFFFF  }
0x501: {  	p0 =	sne.s32 s0, $0x0;
	s0 =	rddreg [dreg:$0x3]  }
0x502: {  	s0 =	sadd.s32 @!p0 $0x100000, s0  }
0x503: {  	[sflag:s0] =	ssyncadd.tile.s32 @!p0 $0x1;
	_ =	shalt  }
.Lfunc_end2:
_tile_overlayer_lowered:
.L_overlay_start_2:
0x504: {  	(tag) =	ssettag $0x2  }
0x505: {  	s0 =	rddreg [dreg:$0x0];
	s2 =	stileid.u32  }
0x506: {  	s1 =	rddreg [dreg:$0x1];
	p0 =	sne.s32 s2, $0x0  }
0x507: {  	s3 =	rddreg [dreg:$0x2];
	[bflag:$0x3] =	sbarrier.arrive $0xFFFF;
	s2 =	simm.s32 @!p0 $0x1C05  }
0x508: {  	[timem:s3], [sflag:s2] =	dma.local @!p0 [hbm:s0], s1  }
0x509: {  	s0 =	simm.s32 @!p0 $0x5  }
0x50a: {  	_ =	swait.ge @!p0 [sflag:s0], s1  }
0x50b: {  	s1 =	ssub.s32 @!p0 $0x0, s1;
	[sflag:s0] =	ssyncset.done @!p0 $0x0  }
0x50c: {  	[sflag:s0] =	ssyncadd.s32 @!p0 s1  }
0x50d: {  	[bflag:$0x3] =	sbarrier.arrive $0xFFFF  }
0x50e: {  	_ =	shalt  }

</sc_bundles>
